<compile_context>
chip_gen: v7x
topology: tpu7x:2x2x1
jax: 0.10.2.dev20260603
libtpu: 0.0.44.dev20260713+nightly
codegen_flags: <defaults>
</compile_context>

<pallas_src>
import functools
import math

import jax
import jax.numpy as jnp
from jax import lax
from jax.experimental import pallas as pl
from jax.experimental.pallas import tpu as pltpu
from jax.experimental.pallas import tpu_sc as plsc

D_MODEL = 128
N_I = 4096
N_J = 50
NUM_ROWS_OUT = N_I * N_J
_SCALE = math.sqrt(float(D_MODEL))

_NC = 2
_NS = 16
_NW = _NC * _NS
_IBLK = N_I // _NW
_NBUF = 3
_AHEAD = 2
_NGRP = 16
_ROW_UNROLL = 4
_LANES_PER_ROW = D_MODEL // 16


@functools.partial(
    pl.kernel,
    out_type=jax.ShapeDtypeStruct((NUM_ROWS_OUT, D_MODEL), jnp.float32),
    mesh=plsc.VectorSubcoreMesh(core_axis_name="c", subcore_axis_name="s"),
    scratch_types=[
        pltpu.VMEM((N_J, _IBLK), jnp.int32),
        pltpu.VMEM((_IBLK, D_MODEL), jnp.float32),
        pltpu.VMEM((_IBLK, D_MODEL), jnp.float32),
        pltpu.VMEM((_IBLK, D_MODEL), jnp.float32),
        pltpu.SemaphoreType.DMA((_NBUF,)),
        pltpu.SemaphoreType.DMA((_NBUF,)),
    ],
)
def _gather_scale(xt_hbm, table_hbm, out_hbm, idx_v, b0, b1, b2, gsem, ssem):
    wid = lax.axis_index("s") * _NC + lax.axis_index("c")
    i0 = wid * _IBLK
    pltpu.sync_copy(xt_hbm.at[:, pl.ds(i0, _IBLK)], idx_v)

    bufs = (b0, b1, b2)

    def start_gather(j, b):
        pltpu.make_async_copy(
            table_hbm.at[idx_v.at[j]], bufs[b], gsem.at[b]
        ).start()

    def wait_gather(b):
        pltpu.make_async_copy(
            table_hbm.at[idx_v.at[0]], bufs[b], gsem.at[b]
        ).wait()

    def start_scatter(j, b):
        pltpu.make_async_copy(
            bufs[b], out_hbm.at[pl.ds(j * N_I + i0, _IBLK)], ssem.at[b]
        ).start()

    def wait_scatter(b):
        pltpu.make_async_copy(
            bufs[b], out_hbm.at[pl.ds(i0, _IBLK)], ssem.at[b]
        ).wait()

    def scale_buf(buf):
        def row_body(r, _):
            r0 = r * _ROW_UNROLL
            for dj in range(_ROW_UNROLL):
                for k in range(_LANES_PER_ROW):
                    sl = (r0 + dj, pl.ds(k * 16, 16))
                    buf[sl] = buf[sl] * _SCALE
            return _

        lax.fori_loop(0, _IBLK // _ROW_UNROLL, row_body, None)

    def chunk_step(j, b, *, first=False, last=False):
        if not first:
            wait_scatter((b + _NBUF - 1) % _NBUF)
        if not last:
            start_gather(j + _AHEAD, (b + _AHEAD) % _NBUF)
        wait_gather(b)
        scale_buf(bufs[b])
        start_scatter(j, b)

    for b in range(_AHEAD):
        start_gather(b, b)
    chunk_step(0, 0, first=True)
    for b in range(1, _NBUF):
        chunk_step(b, b)

    @pl.loop(1, _NGRP)
    def _middle(g):
        j0 = g * _NBUF
        for b in range(_NBUF):
            chunk_step(j0 + b, b)

    for j in range(_NGRP * _NBUF, N_J):
        chunk_step(j, j % _NBUF, last=True)
    wait_scatter((N_J - 1) % _NBUF)


def kernel(x, table):
    xt = x.T.astype(jnp.int32)
    out_t = _gather_scale(xt, table)
    return out_t.reshape(N_J, N_I, D_MODEL).transpose(1, 0, 2)

# --- scband reference (transcript-rebuilt; emitter-appended) ---
"""Pipeline reference for scband-label-embedding-37812892074482 (READ-ONLY COPY).

The authoritative reference and input builder live on the scoring server;
editing this copy changes nothing except your own understanding.
"""

import jax, jax.numpy as jnp
import numpy as np
import math

D_MODEL = 128
NUM_LABELS = 100000

def setup_inputs(seed: int = 0) -> dict:
    key = jax.random.key(seed)
    k1, k2 = jax.random.split(key)
    x = jax.random.randint(k1, (4096, 50), 0, NUM_LABELS, dtype=jnp.int64 if jax.config.jax_enable_x64 else jnp.int32)
    table = jax.random.normal(k2, (NUM_LABELS, D_MODEL), dtype=jnp.float32)
    return {"x": x, "table": table}

def reference(x, table):
    embedded = jnp.take(table, x, axis=0)
    return embedded * math.sqrt(D_MODEL)

if __name__ == "__main__":
    import jax
    _d = setup_inputs()
    print(jax.jit(kernel)(*tuple(_d.values())))

</pallas_src>

<mosaic_0001>
#map = affine_map<(d0, d1) -> (0, 0)>
module attributes {stable_mosaic.version = 14 : i64} {
  func.func @_gather_scale(%arg0: i32, %arg1: i32, %arg2: memref<50x4096xi32, #tpu.memory_space<hbm>>, %arg3: memref<100000x128xf32, #tpu.memory_space<hbm>>, %arg4: memref<204800x128xf32, #tpu.memory_space<hbm>>, %arg5: memref<50x128xi32, #tpu.memory_space<vmem>>, %arg6: memref<128x128xf32, #tpu.memory_space<vmem>>, %arg7: memref<128x128xf32, #tpu.memory_space<vmem>>, %arg8: memref<128x128xf32, #tpu.memory_space<vmem>>, %arg9: memref<3x!tpu.dma_semaphore, #tpu.memory_space<semaphore_mem>>, %arg10: memref<3x!tpu.dma_semaphore, #tpu.memory_space<semaphore_mem>>) attributes {dimension_semantics = [#tpu.dimension_semantics<core_parallel>, #tpu.dimension_semantics<subcore_parallel>], iteration_bounds = array<i64: 2, 16>, scalar_prefetch = 0 : i64, scratch_operands = 6 : i64, tpu.core_type = #tpu.core_type<sc_vector_subcore>, window_params = [{transform_indices = #map}, {transform_indices = #map}, {transform_indices = #map}]} {
    %mul3A = arith.constant 2 : i32
    %mul3A_0 = arith.muli %arg1, %mul3A : i32
    %add3A = arith.addi %mul3A_0, %arg0 : i32
    %mul3A_1 = arith.constant 128 : i32
    %mul3A_2 = arith.muli %add3A, %mul3A_1 : i32
    "tpu.region"() ({
      %run_scoped3A = tpu.sem_alloc : memref<!tpu.dma_semaphore, #tpu.memory_space<semaphore_mem>>
      %dma_start3A_210 = arith.constant 0 : i32
      %dma_start3A_211 = tpu.memref_slice %arg2[%dma_start3A_210, %mul3A_2] : memref<50x4096xi32, #tpu.memory_space<hbm>> -> memref<50x128xi32, #tpu.memory_space<hbm>>
      %dma_start3A_212 = arith.constant 0 : i32
      %dma_start3A_213 = tpu.memref_slice %arg2[%dma_start3A_212, %mul3A_2] : memref<50x4096xi32, #tpu.memory_space<hbm>> -> memref<50x128xi32, #tpu.memory_space<hbm>>
      tpu.enqueue_dma source(%dma_start3A_213 : memref<50x128xi32, #tpu.memory_space<hbm>>) target(%arg5 : memref<50x128xi32, #tpu.memory_space<vmem>>) target_semaphore(%run_scoped3A : memref<!tpu.dma_semaphore, #tpu.memory_space<semaphore_mem>>)
      %dma_wait3A_214 = arith.constant 0 : i32
      %dma_wait3A_215 = tpu.memref_slice %arg2[%dma_wait3A_214, %mul3A_2] : memref<50x4096xi32, #tpu.memory_space<hbm>> -> memref<50x128xi32, #tpu.memory_space<hbm>>
      %dma_wait3A_216 = arith.constant 0 : i32
      %dma_wait3A_217 = tpu.memref_slice %arg2[%dma_wait3A_216, %mul3A_2] : memref<50x4096xi32, #tpu.memory_space<hbm>> -> memref<50x128xi32, #tpu.memory_space<hbm>>
      tpu.wait_dma2 semaphore(%run_scoped3A : memref<!tpu.dma_semaphore, #tpu.memory_space<semaphore_mem>>) src(%dma_wait3A_217 : memref<50x128xi32, #tpu.memory_space<hbm>>) dst(%arg5 : memref<50x128xi32, #tpu.memory_space<vmem>>)
      tpu.yield
    }) : () -> ()
    %dma_start3A = arith.constant 0 : i32
    %dma_start3A_3 = arith.constant 0 : i32
    %dma_start3A_4 = arith.constant 0 : i32
    %dma_start3A_5 = tpu.memref_slice %arg5[%dma_start3A, %dma_start3A_4] : memref<50x128xi32, #tpu.memory_space<vmem>> -> memref<1x128xi32, #tpu.memory_space<vmem>>
    %dma_start3A_6 = tpu.memref_squeeze %dma_start3A_5 : memref<1x128xi32, #tpu.memory_space<vmem>> -> memref<128xi32, #tpu.memory_space<vmem>>
    %dma_start3A_7 = arith.constant 0 : i32
    %dma_start3A_8 = arith.constant 0 : i32
    %dma_start3A_9 = tpu.memref_slice %arg3[%dma_start3A_7, %dma_start3A_8] : memref<100000x128xf32, #tpu.memory_space<hbm>> -> memref<100000x128xf32, #tpu.memory_space<hbm>>
    %dma_start3A_10 = tpu.memref_slice %arg9[%dma_start3A_3] : memref<3x!tpu.dma_semaphore, #tpu.memory_space<semaphore_mem>> -> memref<1x!tpu.dma_semaphore, #tpu.memory_space<semaphore_mem>>
    %dma_start3A_11 = tpu.memref_squeeze %dma_start3A_10 : memref<1x!tpu.dma_semaphore, #tpu.memory_space<semaphore_mem>> -> memref<!tpu.dma_semaphore, #tpu.memory_space<semaphore_mem>>
    tpu.enqueue_indirect_dma source(%dma_start3A_9 : memref<100000x128xf32, #tpu.memory_space<hbm>>) target(%arg6 : memref<128x128xf32, #tpu.memory_space<vmem>>) offsets(%dma_start3A_6 : memref<128xi32, #tpu.memory_space<vmem>>) semaphore(%dma_start3A_11 : memref<!tpu.dma_semaphore, #tpu.memory_space<semaphore_mem>>)
    %dma_start3A_12 = arith.constant 1 : i32
    %dma_start3A_13 = arith.constant 1 : i32
    %dma_start3A_14 = arith.constant 0 : i32
    %dma_start3A_15 = tpu.memref_slice %arg5[%dma_start3A_12, %dma_start3A_14] : memref<50x128xi32, #tpu.memory_space<vmem>> -> memref<1x128xi32, #tpu.memory_space<vmem>>
    %dma_start3A_16 = tpu.memref_squeeze %dma_start3A_15 : memref<1x128xi32, #tpu.memory_space<vmem>> -> memref<128xi32, #tpu.memory_space<vmem>>
    %dma_start3A_17 = arith.constant 0 : i32
    %dma_start3A_18 = arith.constant 0 : i32
    %dma_start3A_19 = tpu.memref_slice %arg3[%dma_start3A_17, %dma_start3A_18] : memref<100000x128xf32, #tpu.memory_space<hbm>> -> memref<100000x128xf32, #tpu.memory_space<hbm>>
    %dma_start3A_20 = tpu.memref_slice %arg9[%dma_start3A_13] : memref<3x!tpu.dma_semaphore, #tpu.memory_space<semaphore_mem>> -> memref<1x!tpu.dma_semaphore, #tpu.memory_space<semaphore_mem>>
    %dma_start3A_21 = tpu.memref_squeeze %dma_start3A_20 : memref<1x!tpu.dma_semaphore, #tpu.memory_space<semaphore_mem>> -> memref<!tpu.dma_semaphore, #tpu.memory_space<semaphore_mem>>
    tpu.enqueue_indirect_dma source(%dma_start3A_19 : memref<100000x128xf32, #tpu.memory_space<hbm>>) target(%arg7 : memref<128x128xf32, #tpu.memory_space<vmem>>) offsets(%dma_start3A_16 : memref<128xi32, #tpu.memory_space<vmem>>) semaphore(%dma_start3A_21 : memref<!tpu.dma_semaphore, #tpu.memory_space<semaphore_mem>>)
    %dma_start3A_22 = arith.constant 2 : i32
    %dma_start3A_23 = arith.constant 2 : i32
    %dma_start3A_24 = arith.constant 0 : i32
    %dma_start3A_25 = tpu.memref_slice %arg5[%dma_start3A_22, %dma_start3A_24] : memref<50x128xi32, #tpu.memory_space<vmem>> -> memref<1x128xi32, #tpu.memory_space<vmem>>
    %dma_start3A_26 = tpu.memref_squeeze %dma_start3A_25 : memref<1x128xi32, #tpu.memory_space<vmem>> -> memref<128xi32, #tpu.memory_space<vmem>>
    %dma_start3A_27 = arith.constant 0 : i32
    %dma_start3A_28 = arith.constant 0 : i32
    %dma_start3A_29 = tpu.memref_slice %arg3[%dma_start3A_27, %dma_start3A_28] : memref<100000x128xf32, #tpu.memory_space<hbm>> -> memref<100000x128xf32, #tpu.memory_space<hbm>>
    %dma_start3A_30 = tpu.memref_slice %arg9[%dma_start3A_23] : memref<3x!tpu.dma_semaphore, #tpu.memory_space<semaphore_mem>> -> memref<1x!tpu.dma_semaphore, #tpu.memory_space<semaphore_mem>>
    %dma_start3A_31 = tpu.memref_squeeze %dma_start3A_30 : memref<1x!tpu.dma_semaphore, #tpu.memory_space<semaphore_mem>> -> memref<!tpu.dma_semaphore, #tpu.memory_space<semaphore_mem>>
    tpu.enqueue_indirect_dma source(%dma_start3A_29 : memref<100000x128xf32, #tpu.memory_space<hbm>>) target(%arg8 : memref<128x128xf32, #tpu.memory_space<vmem>>) offsets(%dma_start3A_26 : memref<128xi32, #tpu.memory_space<vmem>>) semaphore(%dma_start3A_31 : memref<!tpu.dma_semaphore, #tpu.memory_space<semaphore_mem>>)
    %dma_wait3A = arith.constant 0 : i32
    %dma_wait3A_32 = arith.constant 0 : i32
    %dma_wait3A_33 = arith.constant 0 : i32
    %dma_wait3A_34 = tpu.memref_slice %arg5[%dma_wait3A, %dma_wait3A_33] : memref<50x128xi32, #tpu.memory_space<vmem>> -> memref<1x128xi32, #tpu.memory_space<vmem>>
    %dma_wait3A_35 = tpu.memref_squeeze %dma_wait3A_34 : memref<1x128xi32, #tpu.memory_space<vmem>> -> memref<128xi32, #tpu.memory_space<vmem>>
    %dma_wait3A_36 = arith.constant 0 : i32
    %dma_wait3A_37 = arith.constant 0 : i32
    %dma_wait3A_38 = tpu.memref_slice %arg3[%dma_wait3A_36, %dma_wait3A_37] : memref<100000x128xf32, #tpu.memory_space<hbm>> -> memref<100000x128xf32, #tpu.memory_space<hbm>>
    %dma_wait3A_39 = tpu.memref_slice %arg9[%dma_wait3A_32] : memref<3x!tpu.dma_semaphore, #tpu.memory_space<semaphore_mem>> -> memref<1x!tpu.dma_semaphore, #tpu.memory_space<semaphore_mem>>
    %dma_wait3A_40 = tpu.memref_squeeze %dma_wait3A_39 : memref<1x!tpu.dma_semaphore, #tpu.memory_space<semaphore_mem>> -> memref<!tpu.dma_semaphore, #tpu.memory_space<semaphore_mem>>
    tpu.wait_indirect_dma semaphore(%dma_wait3A_40 : memref<!tpu.dma_semaphore, #tpu.memory_space<semaphore_mem>>) src(%dma_wait3A_38 : memref<100000x128xf32, #tpu.memory_space<hbm>>) dst(%arg6 : memref<128x128xf32, #tpu.memory_space<vmem>>)
    %scan3A = arith.constant 0 : i32
    %scan3A_41 = arith.constant 32 : i32
    %scan3A_42 = arith.addi %scan3A, %scan3A_41 : i32
    %scan3A_43 = arith.constant 1 : i32
    scf.for %scan3A_210 = %scan3A to %scan3A_42 step %scan3A_43  : i32 {
      %mul3A_211 = arith.constant 4 : i32
      %mul3A_212 = arith.muli %scan3A_210, %mul3A_211 : i32
      %add3A_213 = arith.constant 0 : i32
      %add3A_214 = arith.addi %mul3A_212, %add3A_213 : i32
      %get3A = arith.index_cast %add3A_214 : i32 to index
      %get3A_215 = arith.constant 0 : index
      %get3A_216 = tpu.vector_load %arg6[%get3A, %get3A_215] {strides = array<i32>} : memref<128x128xf32, #tpu.memory_space<vmem>>, vector<1x16xf32>,
      %get3A_217 = vector.shape_cast %get3A_216 : vector<1x16xf32> to vector<16xf32>
      %mul3A_218 = arith.constant 11.3137083 : f32
      %mul3A_219 = vector.broadcast %mul3A_218 : f32 to vector<16xf32>
      %mul3A_220 = arith.mulf %get3A_217, %mul3A_219 : vector<16xf32>
      %swap3A = arith.index_cast %add3A_214 : i32 to index
      %swap3A_221 = arith.constant 0 : index
      %swap3A_222 = tpu.vector_load %arg6[%swap3A, %swap3A_221] {strides = array<i32>} : memref<128x128xf32, #tpu.memory_space<vmem>>, vector<1x16xf32>,
      %swap3A_223 = vector.shape_cast %swap3A_222 : vector<1x16xf32> to vector<16xf32>
      %swap3A_224 = vector.shape_cast %mul3A_220 : vector<16xf32> to vector<1x16xf32>
      tpu.vector_store %arg6[%swap3A, %swap3A_221], %swap3A_224 {strides = array<i32>} : memref<128x128xf32, #tpu.memory_space<vmem>>, vector<1x16xf32>,
      %add3A_225 = arith.constant 0 : i32
      %add3A_226 = arith.addi %mul3A_212, %add3A_225 : i32
      %get3A_227 = arith.index_cast %add3A_226 : i32 to index
      %get3A_228 = arith.constant 16 : index
      %get3A_229 = tpu.vector_load %arg6[%get3A_227, %get3A_228] {strides = array<i32>} : memref<128x128xf32, #tpu.memory_space<vmem>>, vector<1x16xf32>,
      %get3A_230 = vector.shape_cast %get3A_229 : vector<1x16xf32> to vector<16xf32>
      %mul3A_231 = arith.constant 11.3137083 : f32
      %mul3A_232 = vector.broadcast %mul3A_231 : f32 to vector<16xf32>
      %mul3A_233 = arith.mulf %get3A_230, %mul3A_232 : vector<16xf32>
      %swap3A_234 = arith.index_cast %add3A_226 : i32 to index
      %swap3A_235 = arith.constant 16 : index
      %swap3A_236 = tpu.vector_load %arg6[%swap3A_234, %swap3A_235] {strides = array<i32>} : memref<128x128xf32, #tpu.memory_space<vmem>>, vector<1x16xf32>,
      %swap3A_237 = vector.shape_cast %swap3A_236 : vector<1x16xf32> to vector<16xf32>
      %swap3A_238 = vector.shape_cast %mul3A_233 : vector<16xf32> to vector<1x16xf32>
      tpu.vector_store %arg6[%swap3A_234, %swap3A_235], %swap3A_238 {strides = array<i32>} : memref<128x128xf32, #tpu.memory_space<vmem>>, vector<1x16xf32>,
      %add3A_239 = arith.constant 0 : i32
      %add3A_240 = arith.addi %mul3A_212, %add3A_239 : i32
      %get3A_241 = arith.index_cast %add3A_240 : i32 to index
      %get3A_242 = arith.constant 32 : index
      %get3A_243 = tpu.vector_load %arg6[%get3A_241, %get3A_242] {strides = array<i32>} : memref<128x128xf32, #tpu.memory_space<vmem>>, vector<1x16xf32>,
      %get3A_244 = vector.shape_cast %get3A_243 : vector<1x16xf32> to vector<16xf32>
      %mul3A_245 = arith.constant 11.3137083 : f32
      %mul3A_246 = vector.broadcast %mul3A_245 : f32 to vector<16xf32>
      %mul3A_247 = arith.mulf %get3A_244, %mul3A_246 : vector<16xf32>
      %swap3A_248 = arith.index_cast %add3A_240 : i32 to index
      %swap3A_249 = arith.constant 32 : index
      %swap3A_250 = tpu.vector_load %arg6[%swap3A_248, %swap3A_249] {strides = array<i32>} : memref<128x128xf32, #tpu.memory_space<vmem>>, vector<1x16xf32>,
      %swap3A_251 = vector.shape_cast %swap3A_250 : vector<1x16xf32> to vector<16xf32>
      %swap3A_252 = vector.shape_cast %mul3A_247 : vector<16xf32> to vector<1x16xf32>
      tpu.vector_store %arg6[%swap3A_248, %swap3A_249], %swap3A_252 {strides = array<i32>} : memref<128x128xf32, #tpu.memory_space<vmem>>, vector<1x16xf32>,
      %add3A_253 = arith.constant 0 : i32
      %add3A_254 = arith.addi %mul3A_212, %add3A_253 : i32
      %get3A_255 = arith.index_cast %add3A_254 : i32 to index
      %get3A_256 = arith.constant 48 : index
      %get3A_257 = tpu.vector_load %arg6[%get3A_255, %get3A_256] {strides = array<i32>} : memref<128x128xf32, #tpu.memory_space<vmem>>, vector<1x16xf32>,
      %get3A_258 = vector.shape_cast %get3A_257 : vector<1x16xf32> to vector<16xf32>
      %mul3A_259 = arith.constant 11.3137083 : f32
      %mul3A_260 = vector.broadcast %mul3A_259 : f32 to vector<16xf32>
      %mul3A_261 = arith.mulf %get3A_258, %mul3A_260 : vector<16xf32>
      %swap3A_262 = arith.index_cast %add3A_254 : i32 to index
      %swap3A_263 = arith.constant 48 : index
      %swap3A_264 = tpu.vector_load %arg6[%swap3A_262, %swap3A_263] {strides = array<i32>} : memref<128x128xf32, #tpu.memory_space<vmem>>, vector<1x16xf32>,
      %swap3A_265 = vector.shape_cast %swap3A_264 : vector<1x16xf32> to vector<16xf32>
      %swap3A_266 = vector.shape_cast %mul3A_261 : vector<16xf32> to vector<1x16xf32>
      tpu.vector_store %arg6[%swap3A_262, %swap3A_263], %swap3A_266 {strides = array<i32>} : memref<128x128xf32, #tpu.memory_space<vmem>>, vector<1x16xf32>,
      %add3A_267 = arith.constant 0 : i32
      %add3A_268 = arith.addi %mul3A_212, %add3A_267 : i32
      %get3A_269 = arith.index_cast %add3A_268 : i32 to index
      %get3A_270 = arith.constant 64 : index
      %get3A_271 = tpu.vector_load %arg6[%get3A_269, %get3A_270] {strides = array<i32>} : memref<128x128xf32, #tpu.memory_space<vmem>>, vector<1x16xf32>,
      %get3A_272 = vector.shape_cast %get3A_271 : vector<1x16xf32> to vector<16xf32>
      %mul3A_273 = arith.constant 11.3137083 : f32
      %mul3A_274 = vector.broadcast %mul3A_273 : f32 to vector<16xf32>
      %mul3A_275 = arith.mulf %get3A_272, %mul3A_274 : vector<16xf32>
      %swap3A_276 = arith.index_cast %add3A_268 : i32 to index
      %swap3A_277 = arith.constant 64 : index
      %swap3A_278 = tpu.vector_load %arg6[%swap3A_276, %swap3A_277] {strides = array<i32>} : memref<128x128xf32, #tpu.memory_space<vmem>>, vector<1x16xf32>,
      %swap3A_279 = vector.shape_cast %swap3A_278 : vector<1x16xf32> to vector<16xf32>
      %swap3A_280 = vector.shape_cast %mul3A_275 : vector<16xf32> to vector<1x16xf32>
      tpu.vector_store %arg6[%swap3A_276, %swap3A_277], %swap3A_280 {strides = array<i32>} : memref<128x128xf32, #tpu.memory_space<vmem>>, vector<1x16xf32>,
      %add3A_281 = arith.constant 0 : i32
      %add3A_282 = arith.addi %mul3A_212, %add3A_281 : i32
      %get3A_283 = arith.index_cast %add3A_282 : i32 to index
      %get3A_284 = arith.constant 80 : index
      %get3A_285 = tpu.vector_load %arg6[%get3A_283, %get3A_284] {strides = array<i32>} : memref<128x128xf32, #tpu.memory_space<vmem>>, vector<1x16xf32>,
      %get3A_286 = vector.shape_cast %get3A_285 : vector<1x16xf32> to vector<16xf32>
      %mul3A_287 = arith.constant 11.3137083 : f32
      %mul3A_288 = vector.broadcast %mul3A_287 : f32 to vector<16xf32>
      %mul3A_289 = arith.mulf %get3A_286, %mul3A_288 : vector<16xf32>
      %swap3A_290 = arith.index_cast %add3A_282 : i32 to index
      %swap3A_291 = arith.constant 80 : index
      %swap3A_292 = tpu.vector_load %arg6[%swap3A_290, %swap3A_291] {strides = array<i32>} : memref<128x128xf32, #tpu.memory_space<vmem>>, vector<1x16xf32>,
      %swap3A_293 = vector.shape_cast %swap3A_292 : vector<1x16xf32> to vector<16xf32>
      %swap3A_294 = vector.shape_cast %mul3A_289 : vector<16xf32> to vector<1x16xf32>
      tpu.vector_store %arg6[%swap3A_290, %swap3A_291], %swap3A_294 {strides = array<i32>} : memref<128x128xf32, #tpu.memory_space<vmem>>, vector<1x16xf32>,
      %add3A_295 = arith.constant 0 : i32
      %add3A_296 = arith.addi %mul3A_212, %add3A_295 : i32
      %get3A_297 = arith.index_cast %add3A_296 : i32 to index
      %get3A_298 = arith.constant 96 : index
      %get3A_299 = tpu.vector_load %arg6[%get3A_297, %get3A_298] {strides = array<i32>} : memref<128x128xf32, #tpu.memory_space<vmem>>, vector<1x16xf32>,
      %get3A_300 = vector.shape_cast %get3A_299 : vector<1x16xf32> to vector<16xf32>
      %mul3A_301 = arith.constant 11.3137083 : f32
      %mul3A_302 = vector.broadcast %mul3A_301 : f32 to vector<16xf32>
      %mul3A_303 = arith.mulf %get3A_300, %mul3A_302 : vector<16xf32>
      %swap3A_304 = arith.index_cast %add3A_296 : i32 to index
      %swap3A_305 = arith.constant 96 : index
      %swap3A_306 = tpu.vector_load %arg6[%swap3A_304, %swap3A_305] {strides = array<i32>} : memref<128x128xf32, #tpu.memory_space<vmem>>, vector<1x16xf32>,
      %swap3A_307 = vector.shape_cast %swap3A_306 : vector<1x16xf32> to vector<16xf32>
      %swap3A_308 = vector.shape_cast %mul3A_303 : vector<16xf32> to vector<1x16xf32>
      tpu.vector_store %arg6[%swap3A_304, %swap3A_305], %swap3A_308 {strides = array<i32>} : memref<128x128xf32, #tpu.memory_space<vmem>>, vector<1x16xf32>,
      %add3A_309 = arith.constant 0 : i32
      %add3A_310 = arith.addi %mul3A_212, %add3A_309 : i32
      %get3A_311 = arith.index_cast %add3A_310 : i32 to index
      %get3A_312 = arith.constant 112 : index
      %get3A_313 = tpu.vector_load %arg6[%get3A_311, %get3A_312] {strides = array<i32>} : memref<128x128xf32, #tpu.memory_space<vmem>>, vector<1x16xf32>,
      %get3A_314 = vector.shape_cast %get3A_313 : vector<1x16xf32> to vector<16xf32>
      %mul3A_315 = arith.constant 11.3137083 : f32
      %mul3A_316 = vector.broadcast %mul3A_315 : f32 to vector<16xf32>
      %mul3A_317 = arith.mulf %get3A_314, %mul3A_316 : vector<16xf32>
      %swap3A_318 = arith.index_cast %add3A_310 : i32 to index
      %swap3A_319 = arith.constant 112 : index
      %swap3A_320 = tpu.vector_load %arg6[%swap3A_318, %swap3A_319] {strides = array<i32>} : memref<128x128xf32, #tpu.memory_space<vmem>>, vector<1x16xf32>,
      %swap3A_321 = vector.shape_cast %swap3A_320 : vector<1x16xf32> to vector<16xf32>
      %swap3A_322 = vector.shape_cast %mul3A_317 : vector<16xf32> to vector<1x16xf32>
      tpu.vector_store %arg6[%swap3A_318, %swap3A_319], %swap3A_322 {strides = array<i32>} : memref<128x128xf32, #tpu.memory_space<vmem>>, vector<1x16xf32>,
      %add3A_323 = arith.constant 1 : i32
      %add3A_324 = arith.addi %mul3A_212, %add3A_323 : i32
      %get3A_325 = arith.index_cast %add3A_324 : i32 to index
      %get3A_326 = arith.constant 0 : index
      %get3A_327 = tpu.vector_load %arg6[%get3A_325, %get3A_326] {strides = array<i32>} : memref<128x128xf32, #tpu.memory_space<vmem>>, vector<1x16xf32>,
      %get3A_328 = vector.shape_cast %get3A_327 : vector<1x16xf32> to vector<16xf32>
      %mul3A_329 = arith.constant 11.3137083 : f32
      %mul3A_330 = vector.broadcast %mul3A_329 : f32 to vector<16xf32>
      %mul3A_331 = arith.mulf %get3A_328, %mul3A_330 : vector<16xf32>
      %swap3A_332 = arith.index_cast %add3A_324 : i32 to index
      %swap3A_333 = arith.constant 0 : index
      %swap3A_334 = tpu.vector_load %arg6[%swap3A_332, %swap3A_333] {strides = array<i32>} : memref<128x128xf32, #tpu.memory_space<vmem>>, vector<1x16xf32>,
      %swap3A_335 = vector.shape_cast %swap3A_334 : vector<1x16xf32> to vector<16xf32>
      %swap3A_336 = vector.shape_cast %mul3A_331 : vector<16xf32> to vector<1x16xf32>
      tpu.vector_store %arg6[%swap3A_332, %swap3A_333], %swap3A_336 {strides = array<i32>} : memref<128x128xf32, #tpu.memory_space<vmem>>, vector<1x16xf32>,
      %add3A_337 = arith.constant 1 : i32
      %add3A_338 = arith.addi %mul3A_212, %add3A_337 : i32
      %get3A_339 = arith.index_cast %add3A_338 : i32 to index
      %get3A_340 = arith.constant 16 : index
      %get3A_341 = tpu.vector_load %arg6[%get3A_339, %get3A_340] {strides = array<i32>} : memref<128x128xf32, #tpu.memory_space<vmem>>, vector<1x16xf32>,
      %get3A_342 = vector.shape_cast %get3A_341 : vector<1x16xf32> to vector<16xf32>
      %mul3A_343 = arith.constant 11.3137083 : f32
      %mul3A_344 = vector.broadcast %mul3A_343 : f32 to vector<16xf32>
      %mul3A_345 = arith.mulf %get3A_342, %mul3A_344 : vector<16xf32>
      %swap3A_346 = arith.index_cast %add3A_338 : i32 to index
      %swap3A_347 = arith.constant 16 : index
      %swap3A_348 = tpu.vector_load %arg6[%swap3A_346, %swap3A_347] {strides = array<i32>} : memref<128x128xf32, #tpu.memory_space<vmem>>, vector<1x16xf32>,
      %swap3A_349 = vector.shape_cast %swap3A_348 : vector<1x16xf32> to vector<16xf32>
      %swap3A_350 = vector.shape_cast %mul3A_345 : vector<16xf32> to vector<1x16xf32>
      tpu.vector_store %arg6[%swap3A_346, %swap3A_347], %swap3A_350 {strides = array<i32>} : memref<128x128xf32, #tpu.memory_space<vmem>>, vector<1x16xf32>,
      %add3A_351 = arith.constant 1 : i32
      %add3A_352 = arith.addi %mul3A_212, %add3A_351 : i32
      %get3A_353 = arith.index_cast %add3A_352 : i32 to index
      %get3A_354 = arith.constant 32 : index
      %get3A_355 = tpu.vector_load %arg6[%get3A_353, %get3A_354] {strides = array<i32>} : memref<128x128xf32, #tpu.memory_space<vmem>>, vector<1x16xf32>,
      %get3A_356 = vector.shape_cast %get3A_355 : vector<1x16xf32> to vector<16xf32>
      %mul3A_357 = arith.constant 11.3137083 : f32
      %mul3A_358 = vector.broadcast %mul3A_357 : f32 to vector<16xf32>
      %mul3A_359 = arith.mulf %get3A_356, %mul3A_358 : vector<16xf32>
      %swap3A_360 = arith.index_cast %add3A_352 : i32 to index
      %swap3A_361 = arith.constant 32 : index
      %swap3A_362 = tpu.vector_load %arg6[%swap3A_360, %swap3A_361] {strides = array<i32>} : memref<128x128xf32, #tpu.memory_space<vmem>>, vector<1x16xf32>,
      %swap3A_363 = vector.shape_cast %swap3A_362 : vector<1x16xf32> to vector<16xf32>
      %swap3A_364 = vector.shape_cast %mul3A_359 : vector<16xf32> to vector<1x16xf32>
      tpu.vector_store %arg6[%swap3A_360, %swap3A_361], %swap3A_364 {strides = array<i32>} : memref<128x128xf32, #tpu.memory_space<vmem>>, vector<1x16xf32>,
      %add3A_365 = arith.constant 1 : i32
      %add3A_366 = arith.addi %mul3A_212, %add3A_365 : i32
      %get3A_367 = arith.index_cast %add3A_366 : i32 to index
      %get3A_368 = arith.constant 48 : index
      %get3A_369 = tpu.vector_load %arg6[%get3A_367, %get3A_368] {strides = array<i32>} : memref<128x128xf32, #tpu.memory_space<vmem>>, vector<1x16xf32>,
      %get3A_370 = vector.shape_cast %get3A_369 : vector<1x16xf32> to vector<16xf32>
      %mul3A_371 = arith.constant 11.3137083 : f32
      %mul3A_372 = vector.broadcast %mul3A_371 : f32 to vector<16xf32>
      %mul3A_373 = arith.mulf %get3A_370, %mul3A_372 : vector<16xf32>
      %swap3A_374 = arith.index_cast %add3A_366 : i32 to index
      %swap3A_375 = arith.constant 48 : index
      %swap3A_376 = tpu.vector_load %arg6[%swap3A_374, %swap3A_375] {strides = array<i32>} : memref<128x128xf32, #tpu.memory_space<vmem>>, vector<1x16xf32>,
      %swap3A_377 = vector.shape_cast %swap3A_376 : vector<1x16xf32> to vector<16xf32>
      %swap3A_378 = vector.shape_cast %mul3A_373 : vector<16xf32> to vector<1x16xf32>
      tpu.vector_store %arg6[%swap3A_374, %swap3A_375], %swap3A_378 {strides = array<i32>} : memref<128x128xf32, #tpu.memory_space<vmem>>, vector<1x16xf32>,
      %add3A_379 = arith.constant 1 : i32
      %add3A_380 = arith.addi %mul3A_212, %add3A_379 : i32
      %get3A_381 = arith.index_cast %add3A_380 : i32 to index
      %get3A_382 = arith.constant 64 : index
      %get3A_383 = tpu.vector_load %arg6[%get3A_381, %get3A_382] {strides = array<i32>} : memref<128x128xf32, #tpu.memory_space<vmem>>, vector<1x16xf32>,
      %get3A_384 = vector.shape_cast %get3A_383 : vector<1x16xf32> to vector<16xf32>
      %mul3A_385 = arith.constant 11.3137083 : f32
      %mul3A_386 = vector.broadcast %mul3A_385 : f32 to vector<16xf32>
      %mul3A_387 = arith.mulf %get3A_384, %mul3A_386 : vector<16xf32>
      %swap3A_388 = arith.index_cast %add3A_380 : i32 to index
      %swap3A_389 = arith.constant 64 : index
      %swap3A_390 = tpu.vector_load %arg6[%swap3A_388, %swap3A_389] {strides = array<i32>} : memref<128x128xf32, #tpu.memory_space<vmem>>, vector<1x16xf32>,
      %swap3A_391 = vector.shape_cast %swap3A_390 : vector<1x16xf32> to vector<16xf32>
      %swap3A_392 = vector.shape_cast %mul3A_387 : vector<16xf32> to vector<1x16xf32>
      tpu.vector_store %arg6[%swap3A_388, %swap3A_389], %swap3A_392 {strides = array<i32>} : memref<128x128xf32, #tpu.memory_space<vmem>>, vector<1x16xf32>,
      %add3A_393 = arith.constant 1 : i32
      %add3A_394 = arith.addi %mul3A_212, %add3A_393 : i32
      %get3A_395 = arith.index_cast %add3A_394 : i32 to index
      %get3A_396 = arith.constant 80 : index
      %get3A_397 = tpu.vector_load %arg6[%get3A_395, %get3A_396] {strides = array<i32>} : memref<128x128xf32, #tpu.memory_space<vmem>>, vector<1x16xf32>,
      %get3A_398 = vector.shape_cast %get3A_397 : vector<1x16xf32> to vector<16xf32>
      %mul3A_399 = arith.constant 11.3137083 : f32
      %mul3A_400 = vector.broadcast %mul3A_399 : f32 to vector<16xf32>
      %mul3A_401 = arith.mulf %get3A_398, %mul3A_400 : vector<16xf32>
      %swap3A_402 = arith.index_cast %add3A_394 : i32 to index
      %swap3A_403 = arith.constant 80 : index
      %swap3A_404 = tpu.vector_load %arg6[%swap3A_402, %swap3A_403] {strides = array<i32>} : memref<128x128xf32, #tpu.memory_space<vmem>>, vector<1x16xf32>,
      %swap3A_405 = vector.shape_cast %swap3A_404 : vector<1x16xf32> to vector<16xf32>
      %swap3A_406 = vector.shape_cast %mul3A_401 : vector<16xf32> to vector<1x16xf32>
      tpu.vector_store %arg6[%swap3A_402, %swap3A_403], %swap3A_406 {strides = array<i32>} : memref<128x128xf32, #tpu.memory_space<vmem>>, vector<1x16xf32>,
      %add3A_407 = arith.constant 1 : i32
      %add3A_408 = arith.addi %mul3A_212, %add3A_407 : i32
      %get3A_409 = arith.index_cast %add3A_408 : i32 to index
      %get3A_410 = arith.constant 96 : index
      %get3A_411 = tpu.vector_load %arg6[%get3A_409, %get3A_410] {strides = array<i32>} : memref<128x128xf32, #tpu.memory_space<vmem>>, vector<1x16xf32>,
      %get3A_412 = vector.shape_cast %get3A_411 : vector<1x16xf32> to vector<16xf32>
      %mul3A_413 = arith.constant 11.3137083 : f32
      %mul3A_414 = vector.broadcast %mul3A_413 : f32 to vector<16xf32>
      %mul3A_415 = arith.mulf %get3A_412, %mul3A_414 : vector<16xf32>
      %swap3A_416 = arith.index_cast %add3A_408 : i32 to index
      %swap3A_417 = arith.constant 96 : index
      %swap3A_418 = tpu.vector_load %arg6[%swap3A_416, %swap3A_417] {strides = array<i32>} : memref<128x128xf32, #tpu.memory_space<vmem>>, vector<1x16xf32>,
      %swap3A_419 = vector.shape_cast %swap3A_418 : vector<1x16xf32> to vector<16xf32>
      %swap3A_420 = vector.shape_cast %mul3A_415 : vector<16xf32> to vector<1x16xf32>
      tpu.vector_store %arg6[%swap3A_416, %swap3A_417], %swap3A_420 {strides = array<i32>} : memref<128x128xf32, #tpu.memory_space<vmem>>, vector<1x16xf32>,
      %add3A_421 = arith.constant 1 : i32
      %add3A_422 = arith.addi %mul3A_212, %add3A_421 : i32
      %get3A_423 = arith.index_cast %add3A_422 : i32 to index
      %get3A_424 = arith.constant 112 : index
      %get3A_425 = tpu.vector_load %arg6[%get3A_423, %get3A_424] {strides = array<i32>} : memref<128x128xf32, #tpu.memory_space<vmem>>, vector<1x16xf32>,
      %get3A_426 = vector.shape_cast %get3A_425 : vector<1x16xf32> to vector<16xf32>
      %mul3A_427 = arith.constant 11.3137083 : f32
      %mul3A_428 = vector.broadcast %mul3A_427 : f32 to vector<16xf32>
      %mul3A_429 = arith.mulf %get3A_426, %mul3A_428 : vector<16xf32>
      %swap3A_430 = arith.index_cast %add3A_422 : i32 to index
      %swap3A_431 = arith.constant 112 : index
      %swap3A_432 = tpu.vector_load %arg6[%swap3A_430, %swap3A_431] {strides = array<i32>} : memref<128x128xf32, #tpu.memory_space<vmem>>, vector<1x16xf32>,
      %swap3A_433 = vector.shape_cast %swap3A_432 : vector<1x16xf32> to vector<16xf32>
      %swap3A_434 = vector.shape_cast %mul3A_429 : vector<16xf32> to vector<1x16xf32>
      tpu.vector_store %arg6[%swap3A_430, %swap3A_431], %swap3A_434 {strides = array<i32>} : memref<128x128xf32, #tpu.memory_space<vmem>>, vector<1x16xf32>,
      %add3A_435 = arith.constant 2 : i32
      %add3A_436 = arith.addi %mul3A_212, %add3A_435 : i32
      %get3A_437 = arith.index_cast %add3A_436 : i32 to index
      %get3A_438 = arith.constant 0 : index
      %get3A_439 = tpu.vector_load %arg6[%get3A_437, %get3A_438] {strides = array<i32>} : memref<128x128xf32, #tpu.memory_space<vmem>>, vector<1x16xf32>,
      %get3A_440 = vector.shape_cast %get3A_439 : vector<1x16xf32> to vector<16xf32>
      %mul3A_441 = arith.constant 11.3137083 : f32
      %mul3A_442 = vector.broadcast %mul3A_441 : f32 to vector<16xf32>
      %mul3A_443 = arith.mulf %get3A_440, %mul3A_442 : vector<16xf32>
      %swap3A_444 = arith.index_cast %add3A_436 : i32 to index
      %swap3A_445 = arith.constant 0 : index
      %swap3A_446 = tpu.vector_load %arg6[%swap3A_444, %swap3A_445] {strides = array<i32>} : memref<128x128xf32, #tpu.memory_space<vmem>>, vector<1x16xf32>,
      %swap3A_447 = vector.shape_cast %swap3A_446 : vector<1x16xf32> to vector<16xf32>
      %swap3A_448 = vector.shape_cast %mul3A_443 : vector<16xf32> to vector<1x16xf32>
      tpu.vector_store %arg6[%swap3A_444, %swap3A_445], %swap3A_448 {strides = array<i32>} : memref<128x128xf32, #tpu.memory_space<vmem>>, vector<1x16xf32>,
      %add3A_449 = arith.constant 2 : i32
      %add3A_450 = arith.addi %mul3A_212, %add3A_449 : i32
      %get3A_451 = arith.index_cast %add3A_450 : i32 to index
      %get3A_452 = arith.constant 16 : index
      %get3A_453 = tpu.vector_load %arg6[%get3A_451, %get3A_452] {strides = array<i32>} : memref<128x128xf32, #tpu.memory_space<vmem>>, vector<1x16xf32>,
      %get3A_454 = vector.shape_cast %get3A_453 : vector<1x16xf32> to vector<16xf32>
      %mul3A_455 = arith.constant 11.3137083 : f32
      %mul3A_456 = vector.broadcast %mul3A_455 : f32 to vector<16xf32>
      %mul3A_457 = arith.mulf %get3A_454, %mul3A_456 : vector<16xf32>
      %swap3A_458 = arith.index_cast %add3A_450 : i32 to index
      %swap3A_459 = arith.constant 16 : index
      %swap3A_460 = tpu.vector_load %arg6[%swap3A_458, %swap3A_459] {strides = array<i32>} : memref<128x128xf32, #tpu.memory_space<vmem>>, vector<1x16xf32>,
      %swap3A_461 = vector.shape_cast %swap3A_460 : vector<1x16xf32> to vector<16xf32>
      %swap3A_462 = vector.shape_cast %mul3A_457 : vector<16xf32> to vector<1x16xf32>
      tpu.vector_store %arg6[%swap3A_458, %swap3A_459], %swap3A_462 {strides = array<i32>} : memref<128x128xf32, #tpu.memory_space<vmem>>, vector<1x16xf32>,
      %add3A_463 = arith.constant 2 : i32
      %add3A_464 = arith.addi %mul3A_212, %add3A_463 : i32
      %get3A_465 = arith.index_cast %add3A_464 : i32 to index
      %get3A_466 = arith.constant 32 : index
      %get3A_467 = tpu.vector_load %arg6[%get3A_465, %get3A_466] {strides = array<i32>} : memref<128x128xf32, #tpu.memory_space<vmem>>, vector<1x16xf32>,
      %get3A_468 = vector.shape_cast %get3A_467 : vector<1x16xf32> to vector<16xf32>
      %mul3A_469 = arith.constant 11.3137083 : f32
      %mul3A_470 = vector.broadcast %mul3A_469 : f32 to vector<16xf32>
      %mul3A_471 = arith.mulf %get3A_468, %mul3A_470 : vector<16xf32>
      %swap3A_472 = arith.index_cast %add3A_464 : i32 to index
      %swap3A_473 = arith.constant 32 : index
      %swap3A_474 = tpu.vector_load %arg6[%swap3A_472, %swap3A_473] {strides = array<i32>} : memref<128x128xf32, #tpu.memory_space<vmem>>, vector<1x16xf32>,
      %swap3A_475 = vector.shape_cast %swap3A_474 : vector<1x16xf32> to vector<16xf32>
      %swap3A_476 = vector.shape_cast %mul3A_471 : vector<16xf32> to vector<1x16xf32>
      tpu.vector_store %arg6[%swap3A_472, %swap3A_473], %swap3A_476 {strides = array<i32>} : memref<128x128xf32, #tpu.memory_space<vmem>>, vector<1x16xf32>,
      %add3A_477 = arith.constant 2 : i32
      %add3A_478 = arith.addi %mul3A_212, %add3A_477 : i32
      %get3A_479 = arith.index_cast %add3A_478 : i32 to index
      %get3A_480 = arith.constant 48 : index
      %get3A_481 = tpu.vector_load %arg6[%get3A_479, %get3A_480] {strides = array<i32>} : memref<128x128xf32, #tpu.memory_space<vmem>>, vector<1x16xf32>,
      %get3A_482 = vector.shape_cast %get3A_481 : vector<1x16xf32> to vector<16xf32>
      %mul3A_483 = arith.constant 11.3137083 : f32
      %mul3A_484 = vector.broadcast %mul3A_483 : f32 to vector<16xf32>
      %mul3A_485 = arith.mulf %get3A_482, %mul3A_484 : vector<16xf32>
      %swap3A_486 = arith.index_cast %add3A_478 : i32 to index
      %swap3A_487 = arith.constant 48 : index
      %swap3A_488 = tpu.vector_load %arg6[%swap3A_486, %swap3A_487] {strides = array<i32>} : memref<128x128xf32, #tpu.memory_space<vmem>>, vector<1x16xf32>,
      %swap3A_489 = vector.shape_cast %swap3A_488 : vector<1x16xf32> to vector<16xf32>
      %swap3A_490 = vector.shape_cast %mul3A_485 : vector<16xf32> to vector<1x16xf32>
      tpu.vector_store %arg6[%swap3A_486, %swap3A_487], %swap3A_490 {strides = array<i32>} : memref<128x128xf32, #tpu.memory_space<vmem>>, vector<1x16xf32>,
      %add3A_491 = arith.constant 2 : i32
      %add3A_492 = arith.addi %mul3A_212, %add3A_491 : i32
      %get3A_493 = arith.index_cast %add3A_492 : i32 to index
      %get3A_494 = arith.constant 64 : index
      %get3A_495 = tpu.vector_load %arg6[%get3A_493, %get3A_494] {strides = array<i32>} : memref<128x128xf32, #tpu.memory_space<vmem>>, vector<1x16xf32>,
      %get3A_496 = vector.shape_cast %get3A_495 : vector<1x16xf32> to vector<16xf32>
      %mul3A_497 = arith.constant 11.3137083 : f32
      %mul3A_498 = vector.broadcast %mul3A_497 : f32 to vector<16xf32>
      %mul3A_499 = arith.mulf %get3A_496, %mul3A_498 : vector<16xf32>
      %swap3A_500 = arith.index_cast %add3A_492 : i32 to index
      %swap3A_501 = arith.constant 64 : index
      %swap3A_502 = tpu.vector_load %arg6[%swap3A_500, %swap3A_501] {strides = array<i32>} : memref<128x128xf32, #tpu.memory_space<vmem>>, vector<1x16xf32>,
      %swap3A_503 = vector.shape_cast %swap3A_502 : vector<1x16xf32> to vector<16xf32>
      %swap3A_504 = vector.shape_cast %mul3A_499 : vector<16xf32> to vector<1x16xf32>
      tpu.vector_store %arg6[%swap3A_500, %swap3A_501], %swap3A_504 {strides = array<i32>} : memref<128x128xf32, #tpu.memory_space<vmem>>, vector<1x16xf32>,
      %add3A_505 = arith.constant 2 : i32
      %add3A_506 = arith.addi %mul3A_212, %add3A_505 : i32
      %get3A_507 = arith.index_cast %add3A_506 : i32 to index
      %get3A_508 = arith.constant 80 : index
      %get3A_509 = tpu.vector_load %arg6[%get3A_507, %get3A_508] {strides = array<i32>} : memref<128x128xf32, #tpu.memory_space<vmem>>, vector<1x16xf32>,
      %get3A_510 = vector.shape_cast %get3A_509 : vector<1x16xf32> to vector<16xf32>
      %mul3A_511 = arith.constant 11.3137083 : f32
      %mul3A_512 = vector.broadcast %mul3A_511 : f32 to vector<16xf32>
      %mul3A_513 = arith.mulf %get3A_510, %mul3A_512 : vector<16xf32>
      %swap3A_514 = arith.index_cast %add3A_506 : i32 to index
      %swap3A_515 = arith.constant 80 : index
      %swap3A_516 = tpu.vector_load %arg6[%swap3A_514, %swap3A_515] {strides = array<i32>} : memref<128x128xf32, #tpu.memory_space<vmem>>, vector<1x16xf32>,
      %swap3A_517 = vector.shape_cast %swap3A_516 : vector<1x16xf32> to vector<16xf32>
      %swap3A_518 = vector.shape_cast %mul3A_513 : vector<16xf32> to vector<1x16xf32>
      tpu.vector_store %arg6[%swap3A_514, %swap3A_515], %swap3A_518 {strides = array<i32>} : memref<128x128xf32, #tpu.memory_space<vmem>>, vector<1x16xf32>,
      %add3A_519 = arith.constant 2 : i32
      %add3A_520 = arith.addi %mul3A_212, %add3A_519 : i32
      %get3A_521 = arith.index_cast %add3A_520 : i32 to index
      %get3A_522 = arith.constant 96 : index
      %get3A_523 = tpu.vector_load %arg6[%get3A_521, %get3A_522] {strides = array<i32>} : memref<128x128xf32, #tpu.memory_space<vmem>>, vector<1x16xf32>,
      %get3A_524 = vector.shape_cast %get3A_523 : vector<1x16xf32> to vector<16xf32>
      %mul3A_525 = arith.constant 11.3137083 : f32
      %mul3A_526 = vector.broadcast %mul3A_525 : f32 to vector<16xf32>
      %mul3A_527 = arith.mulf %get3A_524, %mul3A_526 : vector<16xf32>
      %swap3A_528 = arith.index_cast %add3A_520 : i32 to index
      %swap3A_529 = arith.constant 96 : index
      %swap3A_530 = tpu.vector_load %arg6[%swap3A_528, %swap3A_529] {strides = array<i32>} : memref<128x128xf32, #tpu.memory_space<vmem>>, vector<1x16xf32>,
      %swap3A_531 = vector.shape_cast %swap3A_530 : vector<1x16xf32> to vector<16xf32>
      %swap3A_532 = vector.shape_cast %mul3A_527 : vector<16xf32> to vector<1x16xf32>
      tpu.vector_store %arg6[%swap3A_528, %swap3A_529], %swap3A_532 {strides = array<i32>} : memref<128x128xf32, #tpu.memory_space<vmem>>, vector<1x16xf32>,
      %add3A_533 = arith.constant 2 : i32
      %add3A_534 = arith.addi %mul3A_212, %add3A_533 : i32
      %get3A_535 = arith.index_cast %add3A_534 : i32 to index
      %get3A_536 = arith.constant 112 : index
      %get3A_537 = tpu.vector_load %arg6[%get3A_535, %get3A_536] {strides = array<i32>} : memref<128x128xf32, #tpu.memory_space<vmem>>, vector<1x16xf32>,
      %get3A_538 = vector.shape_cast %get3A_537 : vector<1x16xf32> to vector<16xf32>
      %mul3A_539 = arith.constant 11.3137083 : f32
      %mul3A_540 = vector.broadcast %mul3A_539 : f32 to vector<16xf32>
      %mul3A_541 = arith.mulf %get3A_538, %mul3A_540 : vector<16xf32>
      %swap3A_542 = arith.index_cast %add3A_534 : i32 to index
      %swap3A_543 = arith.constant 112 : index
      %swap3A_544 = tpu.vector_load %arg6[%swap3A_542, %swap3A_543] {strides = array<i32>} : memref<128x128xf32, #tpu.memory_space<vmem>>, vector<1x16xf32>,
      %swap3A_545 = vector.shape_cast %swap3A_544 : vector<1x16xf32> to vector<16xf32>
      %swap3A_546 = vector.shape_cast %mul3A_541 : vector<16xf32> to vector<1x16xf32>
      tpu.vector_store %arg6[%swap3A_542, %swap3A_543], %swap3A_546 {strides = array<i32>} : memref<128x128xf32, #tpu.memory_space<vmem>>, vector<1x16xf32>,
      %add3A_547 = arith.constant 3 : i32
      %add3A_548 = arith.addi %mul3A_212, %add3A_547 : i32
      %get3A_549 = arith.index_cast %add3A_548 : i32 to index
      %get3A_550 = arith.constant 0 : index
      %get3A_551 = tpu.vector_load %arg6[%get3A_549, %get3A_550] {strides = array<i32>} : memref<128x128xf32, #tpu.memory_space<vmem>>, vector<1x16xf32>,
      %get3A_552 = vector.shape_cast %get3A_551 : vector<1x16xf32> to vector<16xf32>
      %mul3A_553 = arith.constant 11.3137083 : f32
      %mul3A_554 = vector.broadcast %mul3A_553 : f32 to vector<16xf32>
      %mul3A_555 = arith.mulf %get3A_552, %mul3A_554 : vector<16xf32>
      %swap3A_556 = arith.index_cast %add3A_548 : i32 to index
      %swap3A_557 = arith.constant 0 : index
      %swap3A_558 = tpu.vector_load %arg6[%swap3A_556, %swap3A_557] {strides = array<i32>} : memref<128x128xf32, #tpu.memory_space<vmem>>, vector<1x16xf32>,
      %swap3A_559 = vector.shape_cast %swap3A_558 : vector<1x16xf32> to vector<16xf32>
      %swap3A_560 = vector.shape_cast %mul3A_555 : vector<16xf32> to vector<1x16xf32>
      tpu.vector_store %arg6[%swap3A_556, %swap3A_557], %swap3A_560 {strides = array<i32>} : memref<128x128xf32, #tpu.memory_space<vmem>>, vector<1x16xf32>,
      %add3A_561 = arith.constant 3 : i32
      %add3A_562 = arith.addi %mul3A_212, %add3A_561 : i32
      %get3A_563 = arith.index_cast %add3A_562 : i32 to index
      %get3A_564 = arith.constant 16 : index
      %get3A_565 = tpu.vector_load %arg6[%get3A_563, %get3A_564] {strides = array<i32>} : memref<128x128xf32, #tpu.memory_space<vmem>>, vector<1x16xf32>,
      %get3A_566 = vector.shape_cast %get3A_565 : vector<1x16xf32> to vector<16xf32>
      %mul3A_567 = arith.constant 11.3137083 : f32
      %mul3A_568 = vector.broadcast %mul3A_567 : f32 to vector<16xf32>
      %mul3A_569 = arith.mulf %get3A_566, %mul3A_568 : vector<16xf32>
      %swap3A_570 = arith.index_cast %add3A_562 : i32 to index
      %swap3A_571 = arith.constant 16 : index
      %swap3A_572 = tpu.vector_load %arg6[%swap3A_570, %swap3A_571] {strides = array<i32>} : memref<128x128xf32, #tpu.memory_space<vmem>>, vector<1x16xf32>,
      %swap3A_573 = vector.shape_cast %swap3A_572 : vector<1x16xf32> to vector<16xf32>
      %swap3A_574 = vector.shape_cast %mul3A_569 : vector<16xf32> to vector<1x16xf32>
      tpu.vector_store %arg6[%swap3A_570, %swap3A_571], %swap3A_574 {strides = array<i32>} : memref<128x128xf32, #tpu.memory_space<vmem>>, vector<1x16xf32>,
      %add3A_575 = arith.constant 3 : i32
      %add3A_576 = arith.addi %mul3A_212, %add3A_575 : i32
      %get3A_577 = arith.index_cast %add3A_576 : i32 to index
      %get3A_578 = arith.constant 32 : index
      %get3A_579 = tpu.vector_load %arg6[%get3A_577, %get3A_578] {strides = array<i32>} : memref<128x128xf32, #tpu.memory_space<vmem>>, vector<1x16xf32>,
      %get3A_580 = vector.shape_cast %get3A_579 : vector<1x16xf32> to vector<16xf32>
      %mul3A_581 = arith.constant 11.3137083 : f32
      %mul3A_582 = vector.broadcast %mul3A_581 : f32 to vector<16xf32>
      %mul3A_583 = arith.mulf %get3A_580, %mul3A_582 : vector<16xf32>
      %swap3A_584 = arith.index_cast %add3A_576 : i32 to index
      %swap3A_585 = arith.constant 32 : index
      %swap3A_586 = tpu.vector_load %arg6[%swap3A_584, %swap3A_585] {strides = array<i32>} : memref<128x128xf32, #tpu.memory_space<vmem>>, vector<1x16xf32>,
      %swap3A_587 = vector.shape_cast %swap3A_586 : vector<1x16xf32> to vector<16xf32>
      %swap3A_588 = vector.shape_cast %mul3A_583 : vector<16xf32> to vector<1x16xf32>
      tpu.vector_store %arg6[%swap3A_584, %swap3A_585], %swap3A_588 {strides = array<i32>} : memref<128x128xf32, #tpu.memory_space<vmem>>, vector<1x16xf32>,
      %add3A_589 = arith.constant 3 : i32
      %add3A_590 = arith.addi %mul3A_212, %add3A_589 : i32
      %get3A_591 = arith.index_cast %add3A_590 : i32 to index
      %get3A_592 = arith.constant 48 : index
      %get3A_593 = tpu.vector_load %arg6[%get3A_591, %get3A_592] {strides = array<i32>} : memref<128x128xf32, #tpu.memory_space<vmem>>, vector<1x16xf32>,
      %get3A_594 = vector.shape_cast %get3A_593 : vector<1x16xf32> to vector<16xf32>
      %mul3A_595 = arith.constant 11.3137083 : f32
      %mul3A_596 = vector.broadcast %mul3A_595 : f32 to vector<16xf32>
      %mul3A_597 = arith.mulf %get3A_594, %mul3A_596 : vector<16xf32>
      %swap3A_598 = arith.index_cast %add3A_590 : i32 to index
      %swap3A_599 = arith.constant 48 : index
      %swap3A_600 = tpu.vector_load %arg6[%swap3A_598, %swap3A_599] {strides = array<i32>} : memref<128x128xf32, #tpu.memory_space<vmem>>, vector<1x16xf32>,
      %swap3A_601 = vector.shape_cast %swap3A_600 : vector<1x16xf32> to vector<16xf32>
      %swap3A_602 = vector.shape_cast %mul3A_597 : vector<16xf32> to vector<1x16xf32>
      tpu.vector_store %arg6[%swap3A_598, %swap3A_599], %swap3A_602 {strides = array<i32>} : memref<128x128xf32, #tpu.memory_space<vmem>>, vector<1x16xf32>,
      %add3A_603 = arith.constant 3 : i32
      %add3A_604 = arith.addi %mul3A_212, %add3A_603 : i32
      %get3A_605 = arith.index_cast %add3A_604 : i32 to index
      %get3A_606 = arith.constant 64 : index
      %get3A_607 = tpu.vector_load %arg6[%get3A_605, %get3A_606] {strides = array<i32>} : memref<128x128xf32, #tpu.memory_space<vmem>>, vector<1x16xf32>,
      %get3A_608 = vector.shape_cast %get3A_607 : vector<1x16xf32> to vector<16xf32>
      %mul3A_609 = arith.constant 11.3137083 : f32
      %mul3A_610 = vector.broadcast %mul3A_609 : f32 to vector<16xf32>
      %mul3A_611 = arith.mulf %get3A_608, %mul3A_610 : vector<16xf32>
      %swap3A_612 = arith.index_cast %add3A_604 : i32 to index
      %swap3A_613 = arith.constant 64 : index
      %swap3A_614 = tpu.vector_load %arg6[%swap3A_612, %swap3A_613] {strides = array<i32>} : memref<128x128xf32, #tpu.memory_space<vmem>>, vector<1x16xf32>,
      %swap3A_615 = vector.shape_cast %swap3A_614 : vector<1x16xf32> to vector<16xf32>
      %swap3A_616 = vector.shape_cast %mul3A_611 : vector<16xf32> to vector<1x16xf32>
      tpu.vector_store %arg6[%swap3A_612, %swap3A_613], %swap3A_616 {strides = array<i32>} : memref<128x128xf32, #tpu.memory_space<vmem>>, vector<1x16xf32>,
      %add3A_617 = arith.constant 3 : i32
      %add3A_618 = arith.addi %mul3A_212, %add3A_617 : i32
      %get3A_619 = arith.index_cast %add3A_618 : i32 to index
      %get3A_620 = arith.constant 80 : index
      %get3A_621 = tpu.vector_load %arg6[%get3A_619, %get3A_620] {strides = array<i32>} : memref<128x128xf32, #tpu.memory_space<vmem>>, vector<1x16xf32>,
      %get3A_622 = vector.shape_cast %get3A_621 : vector<1x16xf32> to vector<16xf32>
      %mul3A_623 = arith.constant 11.3137083 : f32
      %mul3A_624 = vector.broadcast %mul3A_623 : f32 to vector<16xf32>
      %mul3A_625 = arith.mulf %get3A_622, %mul3A_624 : vector<16xf32>
      %swap3A_626 = arith.index_cast %add3A_618 : i32 to index
      %swap3A_627 = arith.constant 80 : index
      %swap3A_628 = tpu.vector_load %arg6[%swap3A_626, %swap3A_627] {strides = array<i32>} : memref<128x128xf32, #tpu.memory_space<vmem>>, vector<1x16xf32>,
      %swap3A_629 = vector.shape_cast %swap3A_628 : vector<1x16xf32> to vector<16xf32>
      %swap3A_630 = vector.shape_cast %mul3A_625 : vector<16xf32> to vector<1x16xf32>
      tpu.vector_store %arg6[%swap3A_626, %swap3A_627], %swap3A_630 {strides = array<i32>} : memref<128x128xf32, #tpu.memory_space<vmem>>, vector<1x16xf32>,
      %add3A_631 = arith.constant 3 : i32
      %add3A_632 = arith.addi %mul3A_212, %add3A_631 : i32
      %get3A_633 = arith.index_cast %add3A_632 : i32 to index
      %get3A_634 = arith.constant 96 : index
      %get3A_635 = tpu.vector_load %arg6[%get3A_633, %get3A_634] {strides = array<i32>} : memref<128x128xf32, #tpu.memory_space<vmem>>, vector<1x16xf32>,
      %get3A_636 = vector.shape_cast %get3A_635 : vector<1x16xf32> to vector<16xf32>
      %mul3A_637 = arith.constant 11.3137083 : f32
      %mul3A_638 = vector.broadcast %mul3A_637 : f32 to vector<16xf32>
      %mul3A_639 = arith.mulf %get3A_636, %mul3A_638 : vector<16xf32>
      %swap3A_640 = arith.index_cast %add3A_632 : i32 to index
      %swap3A_641 = arith.constant 96 : index
      %swap3A_642 = tpu.vector_load %arg6[%swap3A_640, %swap3A_641] {strides = array<i32>} : memref<128x128xf32, #tpu.memory_space<vmem>>, vector<1x16xf32>,
      %swap3A_643 = vector.shape_cast %swap3A_642 : vector<1x16xf32> to vector<16xf32>
      %swap3A_644 = vector.shape_cast %mul3A_639 : vector<16xf32> to vector<1x16xf32>
      tpu.vector_store %arg6[%swap3A_640, %swap3A_641], %swap3A_644 {strides = array<i32>} : memref<128x128xf32, #tpu.memory_space<vmem>>, vector<1x16xf32>,
      %add3A_645 = arith.constant 3 : i32
      %add3A_646 = arith.addi %mul3A_212, %add3A_645 : i32
      %get3A_647 = arith.index_cast %add3A_646 : i32 to index
      %get3A_648 = arith.constant 112 : index
      %get3A_649 = tpu.vector_load %arg6[%get3A_647, %get3A_648] {strides = array<i32>} : memref<128x128xf32, #tpu.memory_space<vmem>>, vector<1x16xf32>,
      %get3A_650 = vector.shape_cast %get3A_649 : vector<1x16xf32> to vector<16xf32>
      %mul3A_651 = arith.constant 11.3137083 : f32
      %mul3A_652 = vector.broadcast %mul3A_651 : f32 to vector<16xf32>
      %mul3A_653 = arith.mulf %get3A_650, %mul3A_652 : vector<16xf32>
      %swap3A_654 = arith.index_cast %add3A_646 : i32 to index
      %swap3A_655 = arith.constant 112 : index
      %swap3A_656 = tpu.vector_load %arg6[%swap3A_654, %swap3A_655] {strides = array<i32>} : memref<128x128xf32, #tpu.memory_space<vmem>>, vector<1x16xf32>,
      %swap3A_657 = vector.shape_cast %swap3A_656 : vector<1x16xf32> to vector<16xf32>
      %swap3A_658 = vector.shape_cast %mul3A_653 : vector<16xf32> to vector<1x16xf32>
      tpu.vector_store %arg6[%swap3A_654, %swap3A_655], %swap3A_658 {strides = array<i32>} : memref<128x128xf32, #tpu.memory_space<vmem>>, vector<1x16xf32>,
    }
    %scan3A_44 = arith.constant 32 : i32
    %add3A_45 = arith.constant 0 : i32
    %add3A_46 = arith.addi %add3A_45, %mul3A_2 : i32
    %dma_start3A_47 = arith.constant 0 : i32
    %dma_start3A_48 = arith.constant 0 : i32
    %dma_start3A_49 = tpu.memref_slice %arg4[%add3A_46, %dma_start3A_48] : memref<204800x128xf32, #tpu.memory_space<hbm>> -> memref<128x128xf32, #tpu.memory_space<hbm>>
    %dma_start3A_50 = tpu.memref_slice %arg10[%dma_start3A_47] : memref<3x!tpu.dma_semaphore, #tpu.memory_space<semaphore_mem>> -> memref<1x!tpu.dma_semaphore, #tpu.memory_space<semaphore_mem>>
    %dma_start3A_51 = tpu.memref_squeeze %dma_start3A_50 : memref<1x!tpu.dma_semaphore, #tpu.memory_space<semaphore_mem>> -> memref<!tpu.dma_semaphore, #tpu.memory_space<semaphore_mem>>
    %dma_start3A_52 = arith.constant 0 : i32
    %dma_start3A_53 = tpu.memref_slice %arg4[%add3A_46, %dma_start3A_52] : memref<204800x128xf32, #tpu.memory_space<hbm>> -> memref<128x128xf32, #tpu.memory_space<hbm>>
    tpu.enqueue_dma source(%arg6 : memref<128x128xf32, #tpu.memory_space<vmem>>) target(%dma_start3A_53 : memref<128x128xf32, #tpu.memory_space<hbm>>) target_semaphore(%dma_start3A_51 : memref<!tpu.dma_semaphore, #tpu.memory_space<semaphore_mem>>)
    %dma_wait3A_54 = arith.constant 0 : i32
    %dma_wait3A_55 = arith.constant 0 : i32
    %dma_wait3A_56 = tpu.memref_slice %arg4[%mul3A_2, %dma_wait3A_55] : memref<204800x128xf32, #tpu.memory_space<hbm>> -> memref<128x128xf32, #tpu.memory_space<hbm>>
    %dma_wait3A_57 = tpu.memref_slice %arg10[%dma_wait3A_54] : memref<3x!tpu.dma_semaphore, #tpu.memory_space<semaphore_mem>> -> memref<1x!tpu.dma_semaphore, #tpu.memory_space<semaphore_mem>>
    %dma_wait3A_58 = tpu.memref_squeeze %dma_wait3A_57 : memref<1x!tpu.dma_semaphore, #tpu.memory_space<semaphore_mem>> -> memref<!tpu.dma_semaphore, #tpu.memory_space<semaphore_mem>>
    %dma_wait3A_59 = arith.constant 0 : i32
    %dma_wait3A_60 = tpu.memref_slice %arg4[%mul3A_2, %dma_wait3A_59] : memref<204800x128xf32, #tpu.memory_space<hbm>> -> memref<128x128xf32, #tpu.memory_space<hbm>>
    tpu.wait_dma2 semaphore(%dma_wait3A_58 : memref<!tpu.dma_semaphore, #tpu.memory_space<semaphore_mem>>) src(%arg6 : memref<128x128xf32, #tpu.memory_space<vmem>>) dst(%dma_wait3A_60 : memref<128x128xf32, #tpu.memory_space<hbm>>)
    %dma_start3A_61 = arith.constant 3 : i32
    %dma_start3A_62 = arith.constant 0 : i32
    %dma_start3A_63 = arith.constant 0 : i32
    %dma_start3A_64 = tpu.memref_slice %arg5[%dma_start3A_61, %dma_start3A_63] : memref<50x128xi32, #tpu.memory_space<vmem>> -> memref<1x128xi32, #tpu.memory_space<vmem>>
    %dma_start3A_65 = tpu.memref_squeeze %dma_start3A_64 : memref<1x128xi32, #tpu.memory_space<vmem>> -> memref<128xi32, #tpu.memory_space<vmem>>
    %dma_start3A_66 = arith.constant 0 : i32
    %dma_start3A_67 = arith.constant 0 : i32
    %dma_start3A_68 = tpu.memref_slice %arg3[%dma_start3A_66, %dma_start3A_67] : memref<100000x128xf32, #tpu.memory_space<hbm>> -> memref<100000x128xf32, #tpu.memory_space<hbm>>
    %dma_start3A_69 = tpu.memref_slice %arg9[%dma_start3A_62] : memref<3x!tpu.dma_semaphore, #tpu.memory_space<semaphore_mem>> -> memref<1x!tpu.dma_semaphore, #tpu.memory_space<semaphore_mem>>
    %dma_start3A_70 = tpu.memref_squeeze %dma_start3A_69 : memref<1x!tpu.dma_semaphore, #tpu.memory_space<semaphore_mem>> -> memref<!tpu.dma_semaphore, #tpu.memory_space<semaphore_mem>>
    tpu.enqueue_indirect_dma source(%dma_start3A_68 : memref<100000x128xf32, #tpu.memory_space<hbm>>) target(%arg6 : memref<128x128xf32, #tpu.memory_space<vmem>>) offsets(%dma_start3A_65 : memref<128xi32, #tpu.memory_space<vmem>>) semaphore(%dma_start3A_70 : memref<!tpu.dma_semaphore, #tpu.memory_space<semaphore_mem>>)
    %dma_wait3A_71 = arith.constant 0 : i32
    %dma_wait3A_72 = arith.constant 1 : i32
    %dma_wait3A_73 = arith.constant 0 : i32
    %dma_wait3A_74 = tpu.memref_slice %arg5[%dma_wait3A_71, %dma_wait3A_73] : memref<50x128xi32, #tpu.memory_space<vmem>> -> memref<1x128xi32, #tpu.memory_space<vmem>>
    %dma_wait3A_75 = tpu.memref_squeeze %dma_wait3A_74 : memref<1x128xi32, #tpu.memory_space<vmem>> -> memref<128xi32, #tpu.memory_space<vmem>>
    %dma_wait3A_76 = arith.constant 0 : i32
    %dma_wait3A_77 = arith.constant 0 : i32
    %dma_wait3A_78 = tpu.memref_slice %arg3[%dma_wait3A_76, %dma_wait3A_77] : memref<100000x128xf32, #tpu.memory_space<hbm>> -> memref<100000x128xf32, #tpu.memory_space<hbm>>
    %dma_wait3A_79 = tpu.memref_slice %arg9[%dma_wait3A_72] : memref<3x!tpu.dma_semaphore, #tpu.memory_space<semaphore_mem>> -> memref<1x!tpu.dma_semaphore, #tpu.memory_space<semaphore_mem>>
    %dma_wait3A_80 = tpu.memref_squeeze %dma_wait3A_79 : memref<1x!tpu.dma_semaphore, #tpu.memory_space<semaphore_mem>> -> memref<!tpu.dma_semaphore, #tpu.memory_space<semaphore_mem>>
    tpu.wait_indirect_dma semaphore(%dma_wait3A_80 : memref<!tpu.dma_semaphore, #tpu.memory_space<semaphore_mem>>) src(%dma_wait3A_78 : memref<100000x128xf32, #tpu.memory_space<hbm>>) dst(%arg7 : memref<128x128xf32, #tpu.memory_space<vmem>>)
    %scan3A_81 = arith.constant 0 : i32
    %scan3A_82 = arith.constant 32 : i32
    %scan3A_83 = arith.addi %scan3A_81, %scan3A_82 : i32
    %scan3A_84 = arith.constant 1 : i32
    scf.for %scan3A_210 = %scan3A_81 to %scan3A_83 step %scan3A_84  : i32 {
      %mul3A_211 = arith.constant 4 : i32
      %mul3A_212 = arith.muli %scan3A_210, %mul3A_211 : i32
      %add3A_213 = arith.constant 0 : i32
      %add3A_214 = arith.addi %mul3A_212, %add3A_213 : i32
      %get3A = arith.index_cast %add3A_214 : i32 to index
      %get3A_215 = arith.constant 0 : index
      %get3A_216 = tpu.vector_load %arg7[%get3A, %get3A_215] {strides = array<i32>} : memref<128x128xf32, #tpu.memory_space<vmem>>, vector<1x16xf32>,
      %get3A_217 = vector.shape_cast %get3A_216 : vector<1x16xf32> to vector<16xf32>
      %mul3A_218 = arith.constant 11.3137083 : f32
      %mul3A_219 = vector.broadcast %mul3A_218 : f32 to vector<16xf32>
      %mul3A_220 = arith.mulf %get3A_217, %mul3A_219 : vector<16xf32>
      %swap3A = arith.index_cast %add3A_214 : i32 to index
      %swap3A_221 = arith.constant 0 : index
      %swap3A_222 = tpu.vector_load %arg7[%swap3A, %swap3A_221] {strides = array<i32>} : memref<128x128xf32, #tpu.memory_space<vmem>>, vector<1x16xf32>,
      %swap3A_223 = vector.shape_cast %swap3A_222 : vector<1x16xf32> to vector<16xf32>
      %swap3A_224 = vector.shape_cast %mul3A_220 : vector<16xf32> to vector<1x16xf32>
      tpu.vector_store %arg7[%swap3A, %swap3A_221], %swap3A_224 {strides = array<i32>} : memref<128x128xf32, #tpu.memory_space<vmem>>, vector<1x16xf32>,
      %add3A_225 = arith.constant 0 : i32
      %add3A_226 = arith.addi %mul3A_212, %add3A_225 : i32
      %get3A_227 = arith.index_cast %add3A_226 : i32 to index
      %get3A_228 = arith.constant 16 : index
      %get3A_229 = tpu.vector_load %arg7[%get3A_227, %get3A_228] {strides = array<i32>} : memref<128x128xf32, #tpu.memory_space<vmem>>, vector<1x16xf32>,
      %get3A_230 = vector.shape_cast %get3A_229 : vector<1x16xf32> to vector<16xf32>
      %mul3A_231 = arith.constant 11.3137083 : f32
      %mul3A_232 = vector.broadcast %mul3A_231 : f32 to vector<16xf32>
      %mul3A_233 = arith.mulf %get3A_230, %mul3A_232 : vector<16xf32>
      %swap3A_234 = arith.index_cast %add3A_226 : i32 to index
      %swap3A_235 = arith.constant 16 : index
      %swap3A_236 = tpu.vector_load %arg7[%swap3A_234, %swap3A_235] {strides = array<i32>} : memref<128x128xf32, #tpu.memory_space<vmem>>, vector<1x16xf32>,
      %swap3A_237 = vector.shape_cast %swap3A_236 : vector<1x16xf32> to vector<16xf32>
      %swap3A_238 = vector.shape_cast %mul3A_233 : vector<16xf32> to vector<1x16xf32>
      tpu.vector_store %arg7[%swap3A_234, %swap3A_235], %swap3A_238 {strides = array<i32>} : memref<128x128xf32, #tpu.memory_space<vmem>>, vector<1x16xf32>,
      %add3A_239 = arith.constant 0 : i32
      %add3A_240 = arith.addi %mul3A_212, %add3A_239 : i32
      %get3A_241 = arith.index_cast %add3A_240 : i32 to index
      %get3A_242 = arith.constant 32 : index
      %get3A_243 = tpu.vector_load %arg7[%get3A_241, %get3A_242] {strides = array<i32>} : memref<128x128xf32, #tpu.memory_space<vmem>>, vector<1x16xf32>,
      %get3A_244 = vector.shape_cast %get3A_243 : vector<1x16xf32> to vector<16xf32>
      %mul3A_245 = arith.constant 11.3137083 : f32
      %mul3A_246 = vector.broadcast %mul3A_245 : f32 to vector<16xf32>
      %mul3A_247 = arith.mulf %get3A_244, %mul3A_246 : vector<16xf32>
      %swap3A_248 = arith.index_cast %add3A_240 : i32 to index
      %swap3A_249 = arith.constant 32 : index
      %swap3A_250 = tpu.vector_load %arg7[%swap3A_248, %swap3A_249] {strides = array<i32>} : memref<128x128xf32, #tpu.memory_space<vmem>>, vector<1x16xf32>,
      %swap3A_251 = vector.shape_cast %swap3A_250 : vector<1x16xf32> to vector<16xf32>
      %swap3A_252 = vector.shape_cast %mul3A_247 : vector<16xf32> to vector<1x16xf32>
      tpu.vector_store %arg7[%swap3A_248, %swap3A_249], %swap3A_252 {strides = array<i32>} : memref<128x128xf32, #tpu.memory_space<vmem>>, vector<1x16xf32>,
      %add3A_253 = arith.constant 0 : i32
      %add3A_254 = arith.addi %mul3A_212, %add3A_253 : i32
      %get3A_255 = arith.index_cast %add3A_254 : i32 to index
      %get3A_256 = arith.constant 48 : index
      %get3A_257 = tpu.vector_load %arg7[%get3A_255, %get3A_256] {strides = array<i32>} : memref<128x128xf32, #tpu.memory_space<vmem>>, vector<1x16xf32>,
      %get3A_258 = vector.shape_cast %get3A_257 : vector<1x16xf32> to vector<16xf32>
      %mul3A_259 = arith.constant 11.3137083 : f32
      %mul3A_260 = vector.broadcast %mul3A_259 : f32 to vector<16xf32>
      %mul3A_261 = arith.mulf %get3A_258, %mul3A_260 : vector<16xf32>
      %swap3A_262 = arith.index_cast %add3A_254 : i32 to index
      %swap3A_263 = arith.constant 48 : index
      %swap3A_264 = tpu.vector_load %arg7[%swap3A_262, %swap3A_263] {strides = array<i32>} : memref<128x128xf32, #tpu.memory_space<vmem>>, vector<1x16xf32>,
      %swap3A_265 = vector.shape_cast %swap3A_264 : vector<1x16xf32> to vector<16xf32>
      %swap3A_266 = vector.shape_cast %mul3A_261 : vector<16xf32> to vector<1x16xf32>
      tpu.vector_store %arg7[%swap3A_262, %swap3A_263], %swap3A_266 {strides = array<i32>} : memref<128x128xf32, #tpu.memory_space<vmem>>, vector<1x16xf32>,
      %add3A_267 = arith.constant 0 : i32
      %add3A_268 = arith.addi %mul3A_212, %add3A_267 : i32
      %get3A_269 = arith.index_cast %add3A_268 : i32 to index
      %get3A_270 = arith.constant 64 : index
      %get3A_271 = tpu.vector_load %arg7[%get3A_269, %get3A_270] {strides = array<i32>} : memref<128x128xf32, #tpu.memory_space<vmem>>, vector<1x16xf32>,
      %get3A_272 = vector.shape_cast %get3A_271 : vector<1x16xf32> to vector<16xf32>
      %mul3A_273 = arith.constant 11.3137083 : f32
      %mul3A_274 = vector.broadcast %mul3A_273 : f32 to vector<16xf32>
      %mul3A_275 = arith.mulf %get3A_272, %mul3A_274 : vector<16xf32>
      %swap3A_276 = arith.index_cast %add3A_268 : i32 to index
      %swap3A_277 = arith.constant 64 : index
      %swap3A_278 = tpu.vector_load %arg7[%swap3A_276, %swap3A_277] {strides = array<i32>} : memref<128x128xf32, #tpu.memory_space<vmem>>, vector<1x16xf32>,
      %swap3A_279 = vector.shape_cast %swap3A_278 : vector<1x16xf32> to vector<16xf32>
      %swap3A_280 = vector.shape_cast %mul3A_275 : vector<16xf32> to vector<1x16xf32>
      tpu.vector_store %arg7[%swap3A_276, %swap3A_277], %swap3A_280 {strides = array<i32>} : memref<128x128xf32, #tpu.memory_space<vmem>>, vector<1x16xf32>,
      %add3A_281 = arith.constant 0 : i32
      %add3A_282 = arith.addi %mul3A_212, %add3A_281 : i32
      %get3A_283 = arith.index_cast %add3A_282 : i32 to index
      %get3A_284 = arith.constant 80 : index
      %get3A_285 = tpu.vector_load %arg7[%get3A_283, %get3A_284] {strides = array<i32>} : memref<128x128xf32, #tpu.memory_space<vmem>>, vector<1x16xf32>,
      %get3A_286 = vector.shape_cast %get3A_285 : vector<1x16xf32> to vector<16xf32>
      %mul3A_287 = arith.constant 11.3137083 : f32
      %mul3A_288 = vector.broadcast %mul3A_287 : f32 to vector<16xf32>
      %mul3A_289 = arith.mulf %get3A_286, %mul3A_288 : vector<16xf32>
      %swap3A_290 = arith.index_cast %add3A_282 : i32 to index
      %swap3A_291 = arith.constant 80 : index
      %swap3A_292 = tpu.vector_load %arg7[%swap3A_290, %swap3A_291] {strides = array<i32>} : memref<128x128xf32, #tpu.memory_space<vmem>>, vector<1x16xf32>,
      %swap3A_293 = vector.shape_cast %swap3A_292 : vector<1x16xf32> to vector<16xf32>
      %swap3A_294 = vector.shape_cast %mul3A_289 : vector<16xf32> to vector<1x16xf32>
      tpu.vector_store %arg7[%swap3A_290, %swap3A_291], %swap3A_294 {strides = array<i32>} : memref<128x128xf32, #tpu.memory_space<vmem>>, vector<1x16xf32>,
      %add3A_295 = arith.constant 0 : i32
      %add3A_296 = arith.addi %mul3A_212, %add3A_295 : i32
      %get3A_297 = arith.index_cast %add3A_296 : i32 to index
      %get3A_298 = arith.constant 96 : index
      %get3A_299 = tpu.vector_load %arg7[%get3A_297, %get3A_298] {strides = array<i32>} : memref<128x128xf32, #tpu.memory_space<vmem>>, vector<1x16xf32>,
      %get3A_300 = vector.shape_cast %get3A_299 : vector<1x16xf32> to vector<16xf32>
      %mul3A_301 = arith.constant 11.3137083 : f32
      %mul3A_302 = vector.broadcast %mul3A_301 : f32 to vector<16xf32>
      %mul3A_303 = arith.mulf %get3A_300, %mul3A_302 : vector<16xf32>
      %swap3A_304 = arith.index_cast %add3A_296 : i32 to index
      %swap3A_305 = arith.constant 96 : index
      %swap3A_306 = tpu.vector_load %arg7[%swap3A_304, %swap3A_305] {strides = array<i32>} : memref<128x128xf32, #tpu.memory_space<vmem>>, vector<1x16xf32>,
      %swap3A_307 = vector.shape_cast %swap3A_306 : vector<1x16xf32> to vector<16xf32>
      %swap3A_308 = vector.shape_cast %mul3A_303 : vector<16xf32> to vector<1x16xf32>
      tpu.vector_store %arg7[%swap3A_304, %swap3A_305], %swap3A_308 {strides = array<i32>} : memref<128x128xf32, #tpu.memory_space<vmem>>, vector<1x16xf32>,
      %add3A_309 = arith.constant 0 : i32
      %add3A_310 = arith.addi %mul3A_212, %add3A_309 : i32
      %get3A_311 = arith.index_cast %add3A_310 : i32 to index
      %get3A_312 = arith.constant 112 : index
      %get3A_313 = tpu.vector_load %arg7[%get3A_311, %get3A_312] {strides = array<i32>} : memref<128x128xf32, #tpu.memory_space<vmem>>, vector<1x16xf32>,
      %get3A_314 = vector.shape_cast %get3A_313 : vector<1x16xf32> to vector<16xf32>
      %mul3A_315 = arith.constant 11.3137083 : f32
      %mul3A_316 = vector.broadcast %mul3A_315 : f32 to vector<16xf32>
      %mul3A_317 = arith.mulf %get3A_314, %mul3A_316 : vector<16xf32>
      %swap3A_318 = arith.index_cast %add3A_310 : i32 to index
      %swap3A_319 = arith.constant 112 : index
      %swap3A_320 = tpu.vector_load %arg7[%swap3A_318, %swap3A_319] {strides = array<i32>} : memref<128x128xf32, #tpu.memory_space<vmem>>, vector<1x16xf32>,
      %swap3A_321 = vector.shape_cast %swap3A_320 : vector<1x16xf32> to vector<16xf32>
      %swap3A_322 = vector.shape_cast %mul3A_317 : vector<16xf32> to vector<1x16xf32>
      tpu.vector_store %arg7[%swap3A_318, %swap3A_319], %swap3A_322 {strides = array<i32>} : memref<128x128xf32, #tpu.memory_space<vmem>>, vector<1x16xf32>,
      %add3A_323 = arith.constant 1 : i32
      %add3A_324 = arith.addi %mul3A_212, %add3A_323 : i32
      %get3A_325 = arith.index_cast %add3A_324 : i32 to index
      %get3A_326 = arith.constant 0 : index
      %get3A_327 = tpu.vector_load %arg7[%get3A_325, %get3A_326] {strides = array<i32>} : memref<128x128xf32, #tpu.memory_space<vmem>>, vector<1x16xf32>,
      %get3A_328 = vector.shape_cast %get3A_327 : vector<1x16xf32> to vector<16xf32>
      %mul3A_329 = arith.constant 11.3137083 : f32
      %mul3A_330 = vector.broadcast %mul3A_329 : f32 to vector<16xf32>
      %mul3A_331 = arith.mulf %get3A_328, %mul3A_330 : vector<16xf32>
      %swap3A_332 = arith.index_cast %add3A_324 : i32 to index
      %swap3A_333 = arith.constant 0 : index
      %swap3A_334 = tpu.vector_load %arg7[%swap3A_332, %swap3A_333] {strides = array<i32>} : memref<128x128xf32, #tpu.memory_space<vmem>>, vector<1x16xf32>,
      %swap3A_335 = vector.shape_cast %swap3A_334 : vector<1x16xf32> to vector<16xf32>
      %swap3A_336 = vector.shape_cast %mul3A_331 : vector<16xf32> to vector<1x16xf32>
      tpu.vector_store %arg7[%swap3A_332, %swap3A_333], %swap3A_336 {strides = array<i32>} : memref<128x128xf32, #tpu.memory_space<vmem>>, vector<1x16xf32>,
      %add3A_337 = arith.constant 1 : i32
      %add3A_338 = arith.addi %mul3A_212, %add3A_337 : i32
      %get3A_339 = arith.index_cast %add3A_338 : i32 to index
      %get3A_340 = arith.constant 16 : index
      %get3A_341 = tpu.vector_load %arg7[%get3A_339, %get3A_340] {strides = array<i32>} : memref<128x128xf32, #tpu.memory_space<vmem>>, vector<1x16xf32>,
      %get3A_342 = vector.shape_cast %get3A_341 : vector<1x16xf32> to vector<16xf32>
      %mul3A_343 = arith.constant 11.3137083 : f32
      %mul3A_344 = vector.broadcast %mul3A_343 : f32 to vector<16xf32>
      %mul3A_345 = arith.mulf %get3A_342, %mul3A_344 : vector<16xf32>
      %swap3A_346 = arith.index_cast %add3A_338 : i32 to index
      %swap3A_347 = arith.constant 16 : index
      %swap3A_348 = tpu.vector_load %arg7[%swap3A_346, %swap3A_347] {strides = array<i32>} : memref<128x128xf32, #tpu.memory_space<vmem>>, vector<1x16xf32>,
      %swap3A_349 = vector.shape_cast %swap3A_348 : vector<1x16xf32> to vector<16xf32>
      %swap3A_350 = vector.shape_cast %mul3A_345 : vector<16xf32> to vector<1x16xf32>
      tpu.vector_store %arg7[%swap3A_346, %swap3A_347], %swap3A_350 {strides = array<i32>} : memref<128x128xf32, #tpu.memory_space<vmem>>, vector<1x16xf32>,
      %add3A_351 = arith.constant 1 : i32
      %add3A_352 = arith.addi %mul3A_212, %add3A_351 : i32
      %get3A_353 = arith.index_cast %add3A_352 : i32 to index
      %get3A_354 = arith.constant 32 : index
      %get3A_355 = tpu.vector_load %arg7[%get3A_353, %get3A_354] {strides = array<i32>} : memref<128x128xf32, #tpu.memory_space<vmem>>, vector<1x16xf32>,
      %get3A_356 = vector.shape_cast %get3A_355 : vector<1x16xf32> to vector<16xf32>
      %mul3A_357 = arith.constant 11.3137083 : f32
      %mul3A_358 = vector.broadcast %mul3A_357 : f32 to vector<16xf32>
      %mul3A_359 = arith.mulf %get3A_356, %mul3A_358 : vector<16xf32>
      %swap3A_360 = arith.index_cast %add3A_352 : i32 to index
      %swap3A_361 = arith.constant 32 : index
      %swap3A_362 = tpu.vector_load %arg7[%swap3A_360, %swap3A_361] {strides = array<i32>} : memref<128x128xf32, #tpu.memory_space<vmem>>, vector<1x16xf32>,
      %swap3A_363 = vector.shape_cast %swap3A_362 : vector<1x16xf32> to vector<16xf32>
      %swap3A_364 = vector.shape_cast %mul3A_359 : vector<16xf32> to vector<1x16xf32>
      tpu.vector_store %arg7[%swap3A_360, %swap3A_361], %swap3A_364 {strides = array<i32>} : memref<128x128xf32, #tpu.memory_space<vmem>>, vector<1x16xf32>,
      %add3A_365 = arith.constant 1 : i32
      %add3A_366 = arith.addi %mul3A_212, %add3A_365 : i32
      %get3A_367 = arith.index_cast %add3A_366 : i32 to index
      %get3A_368 = arith.constant 48 : index
      %get3A_369 = tpu.vector_load %arg7[%get3A_367, %get3A_368] {strides = array<i32>} : memref<128x128xf32, #tpu.memory_space<vmem>>, vector<1x16xf32>,
      %get3A_370 = vector.shape_cast %get3A_369 : vector<1x16xf32> to vector<16xf32>
      %mul3A_371 = arith.constant 11.3137083 : f32
      %mul3A_372 = vector.broadcast %mul3A_371 : f32 to vector<16xf32>
      %mul3A_373 = arith.mulf %get3A_370, %mul3A_372 : vector<16xf32>
      %swap3A_374 = arith.index_cast %add3A_366 : i32 to index
      %swap3A_375 = arith.constant 48 : index
      %swap3A_376 = tpu.vector_load %arg7[%swap3A_374, %swap3A_375] {strides = array<i32>} : memref<128x128xf32, #tpu.memory_space<vmem>>, vector<1x16xf32>,
      %swap3A_377 = vector.shape_cast %swap3A_376 : vector<1x16xf32> to vector<16xf32>
      %swap3A_378 = vector.shape_cast %mul3A_373 : vector<16xf32> to vector<1x16xf32>
      tpu.vector_store %arg7[%swap3A_374, %swap3A_375], %swap3A_378 {strides = array<i32>} : memref<128x128xf32, #tpu.memory_space<vmem>>, vector<1x16xf32>,
      %add3A_379 = arith.constant 1 : i32
      %add3A_380 = arith.addi %mul3A_212, %add3A_379 : i32
      %get3A_381 = arith.index_cast %add3A_380 : i32 to index
      %get3A_382 = arith.constant 64 : index
      %get3A_383 = tpu.vector_load %arg7[%get3A_381, %get3A_382] {strides = array<i32>} : memref<128x128xf32, #tpu.memory_space<vmem>>, vector<1x16xf32>,
      %get3A_384 = vector.shape_cast %get3A_383 : vector<1x16xf32> to vector<16xf32>
      %mul3A_385 = arith.constant 11.3137083 : f32
      %mul3A_386 = vector.broadcast %mul3A_385 : f32 to vector<16xf32>
      %mul3A_387 = arith.mulf %get3A_384, %mul3A_386 : vector<16xf32>
      %swap3A_388 = arith.index_cast %add3A_380 : i32 to index
      %swap3A_389 = arith.constant 64 : index
      %swap3A_390 = tpu.vector_load %arg7[%swap3A_388, %swap3A_389] {strides = array<i32>} : memref<128x128xf32, #tpu.memory_space<vmem>>, vector<1x16xf32>,
      %swap3A_391 = vector.shape_cast %swap3A_390 : vector<1x16xf32> to vector<16xf32>
      %swap3A_392 = vector.shape_cast %mul3A_387 : vector<16xf32> to vector<1x16xf32>
      tpu.vector_store %arg7[%swap3A_388, %swap3A_389], %swap3A_392 {strides = array<i32>} : memref<128x128xf32, #tpu.memory_space<vmem>>, vector<1x16xf32>,
      %add3A_393 = arith.constant 1 : i32
      %add3A_394 = arith.addi %mul3A_212, %add3A_393 : i32
      %get3A_395 = arith.index_cast %add3A_394 : i32 to index
      %get3A_396 = arith.constant 80 : index
      %get3A_397 = tpu.vector_load %arg7[%get3A_395, %get3A_396] {strides = array<i32>} : memref<128x128xf32, #tpu.memory_space<vmem>>, vector<1x16xf32>,
      %get3A_398 = vector.shape_cast %get3A_397 : vector<1x16xf32> to vector<16xf32>
      %mul3A_399 = arith.constant 11.3137083 : f32
      %mul3A_400 = vector.broadcast %mul3A_399 : f32 to vector<16xf32>
      %mul3A_401 = arith.mulf %get3A_398, %mul3A_400 : vector<16xf32>
      %swap3A_402 = arith.index_cast %add3A_394 : i32 to index
      %swap3A_403 = arith.constant 80 : index
      %swap3A_404 = tpu.vector_load %arg7[%swap3A_402, %swap3A_403] {strides = array<i32>} : memref<128x128xf32, #tpu.memory_space<vmem>>, vector<1x16xf32>,
      %swap3A_405 = vector.shape_cast %swap3A_404 : vector<1x16xf32> to vector<16xf32>
      %swap3A_406 = vector.shape_cast %mul3A_401 : vector<16xf32> to vector<1x16xf32>
      tpu.vector_store %arg7[%swap3A_402, %swap3A_403], %swap3A_406 {strides = array<i32>} : memref<128x128xf32, #tpu.memory_space<vmem>>, vector<1x16xf32>,
      %add3A_407 = arith.constant 1 : i32
      %add3A_408 = arith.addi %mul3A_212, %add3A_407 : i32
      %get3A_409 = arith.index_cast %add3A_408 : i32 to index
      %get3A_410 = arith.constant 96 : index
      %get3A_411 = tpu.vector_load %arg7[%get3A_409, %get3A_410] {strides = array<i32>} : memref<128x128xf32, #tpu.memory_space<vmem>>, vector<1x16xf32>,
      %get3A_412 = vector.shape_cast %get3A_411 : vector<1x16xf32> to vector<16xf32>
      %mul3A_413 = arith.constant 11.3137083 : f32
      %mul3A_414 = vector.broadcast %mul3A_413 : f32 to vector<16xf32>
      %mul3A_415 = arith.mulf %get3A_412, %mul3A_414 : vector<16xf32>
      %swap3A_416 = arith.index_cast %add3A_408 : i32 to index
      %swap3A_417 = arith.constant 96 : index
      %swap3A_418 = tpu.vector_load %arg7[%swap3A_416, %swap3A_417] {strides = array<i32>} : memref<128x128xf32, #tpu.memory_space<vmem>>, vector<1x16xf32>,
      %swap3A_419 = vector.shape_cast %swap3A_418 : vector<1x16xf32> to vector<16xf32>
      %swap3A_420 = vector.shape_cast %mul3A_415 : vector<16xf32> to vector<1x16xf32>
      tpu.vector_store %arg7[%swap3A_416, %swap3A_417], %swap3A_420 {strides = array<i32>} : memref<128x128xf32, #tpu.memory_space<vmem>>, vector<1x16xf32>,
      %add3A_421 = arith.constant 1 : i32
      %add3A_422 = arith.addi %mul3A_212, %add3A_421 : i32
      %get3A_423 = arith.index_cast %add3A_422 : i32 to index
      %get3A_424 = arith.constant 112 : index
      %get3A_425 = tpu.vector_load %arg7[%get3A_423, %get3A_424] {strides = array<i32>} : memref<128x128xf32, #tpu.memory_space<vmem>>, vector<1x16xf32>,
      %get3A_426 = vector.shape_cast %get3A_425 : vector<1x16xf32> to vector<16xf32>
      %mul3A_427 = arith.constant 11.3137083 : f32
      %mul3A_428 = vector.broadcast %mul3A_427 : f32 to vector<16xf32>
      %mul3A_429 = arith.mulf %get3A_426, %mul3A_428 : vector<16xf32>
      %swap3A_430 = arith.index_cast %add3A_422 : i32 to index
      %swap3A_431 = arith.constant 112 : index
      %swap3A_432 = tpu.vector_load %arg7[%swap3A_430, %swap3A_431] {strides = array<i32>} : memref<128x128xf32, #tpu.memory_space<vmem>>, vector<1x16xf32>,
      %swap3A_433 = vector.shape_cast %swap3A_432 : vector<1x16xf32> to vector<16xf32>
      %swap3A_434 = vector.shape_cast %mul3A_429 : vector<16xf32> to vector<1x16xf32>
      tpu.vector_store %arg7[%swap3A_430, %swap3A_431], %swap3A_434 {strides = array<i32>} : memref<128x128xf32, #tpu.memory_space<vmem>>, vector<1x16xf32>,
      %add3A_435 = arith.constant 2 : i32
      %add3A_436 = arith.addi %mul3A_212, %add3A_435 : i32
      %get3A_437 = arith.index_cast %add3A_436 : i32 to index
      %get3A_438 = arith.constant 0 : index
      %get3A_439 = tpu.vector_load %arg7[%get3A_437, %get3A_438] {strides = array<i32>} : memref<128x128xf32, #tpu.memory_space<vmem>>, vector<1x16xf32>,
      %get3A_440 = vector.shape_cast %get3A_439 : vector<1x16xf32> to vector<16xf32>
      %mul3A_441 = arith.constant 11.3137083 : f32
      %mul3A_442 = vector.broadcast %mul3A_441 : f32 to vector<16xf32>
      %mul3A_443 = arith.mulf %get3A_440, %mul3A_442 : vector<16xf32>
      %swap3A_444 = arith.index_cast %add3A_436 : i32 to index
      %swap3A_445 = arith.constant 0 : index
      %swap3A_446 = tpu.vector_load %arg7[%swap3A_444, %swap3A_445] {strides = array<i32>} : memref<128x128xf32, #tpu.memory_space<vmem>>, vector<1x16xf32>,
      %swap3A_447 = vector.shape_cast %swap3A_446 : vector<1x16xf32> to vector<16xf32>
      %swap3A_448 = vector.shape_cast %mul3A_443 : vector<16xf32> to vector<1x16xf32>
      tpu.vector_store %arg7[%swap3A_444, %swap3A_445], %swap3A_448 {strides = array<i32>} : memref<128x128xf32, #tpu.memory_space<vmem>>, vector<1x16xf32>,
      %add3A_449 = arith.constant 2 : i32
      %add3A_450 = arith.addi %mul3A_212, %add3A_449 : i32
      %get3A_451 = arith.index_cast %add3A_450 : i32 to index
      %get3A_452 = arith.constant 16 : index
      %get3A_453 = tpu.vector_load %arg7[%get3A_451, %get3A_452] {strides = array<i32>} : memref<128x128xf32, #tpu.memory_space<vmem>>, vector<1x16xf32>,
      %get3A_454 = vector.shape_cast %get3A_453 : vector<1x16xf32> to vector<16xf32>
      %mul3A_455 = arith.constant 11.3137083 : f32
      %mul3A_456 = vector.broadcast %mul3A_455 : f32 to vector<16xf32>
      %mul3A_457 = arith.mulf %get3A_454, %mul3A_456 : vector<16xf32>
      %swap3A_458 = arith.index_cast %add3A_450 : i32 to index
      %swap3A_459 = arith.constant 16 : index
      %swap3A_460 = tpu.vector_load %arg7[%swap3A_458, %swap3A_459] {strides = array<i32>} : memref<128x128xf32, #tpu.memory_space<vmem>>, vector<1x16xf32>,
      %swap3A_461 = vector.shape_cast %swap3A_460 : vector<1x16xf32> to vector<16xf32>
      %swap3A_462 = vector.shape_cast %mul3A_457 : vector<16xf32> to vector<1x16xf32>
      tpu.vector_store %arg7[%swap3A_458, %swap3A_459], %swap3A_462 {strides = array<i32>} : memref<128x128xf32, #tpu.memory_space<vmem>>, vector<1x16xf32>,
      %add3A_463 = arith.constant 2 : i32
      %add3A_464 = arith.addi %mul3A_212, %add3A_463 : i32
      %get3A_465 = arith.index_cast %add3A_464 : i32 to index
      %get3A_466 = arith.constant 32 : index
      %get3A_467 = tpu.vector_load %arg7[%get3A_465, %get3A_466] {strides = array<i32>} : memref<128x128xf32, #tpu.memory_space<vmem>>, vector<1x16xf32>,
      %get3A_468 = vector.shape_cast %get3A_467 : vector<1x16xf32> to vector<16xf32>
      %mul3A_469 = arith.constant 11.3137083 : f32
      %mul3A_470 = vector.broadcast %mul3A_469 : f32 to vector<16xf32>
      %mul3A_471 = arith.mulf %get3A_468, %mul3A_470 : vector<16xf32>
      %swap3A_472 = arith.index_cast %add3A_464 : i32 to index
      %swap3A_473 = arith.constant 32 : index
      %swap3A_474 = tpu.vector_load %arg7[%swap3A_472, %swap3A_473] {strides = array<i32>} : memref<128x128xf32, #tpu.memory_space<vmem>>, vector<1x16xf32>,
      %swap3A_475 = vector.shape_cast %swap3A_474 : vector<1x16xf32> to vector<16xf32>
      %swap3A_476 = vector.shape_cast %mul3A_471 : vector<16xf32> to vector<1x16xf32>
      tpu.vector_store %arg7[%swap3A_472, %swap3A_473], %swap3A_476 {strides = array<i32>} : memref<128x128xf32, #tpu.memory_space<vmem>>, vector<1x16xf32>,
      %add3A_477 = arith.constant 2 : i32
      %add3A_478 = arith.addi %mul3A_212, %add3A_477 : i32
      %get3A_479 = arith.index_cast %add3A_478 : i32 to index
      %get3A_480 = arith.constant 48 : index
      %get3A_481 = tpu.vector_load %arg7[%get3A_479, %get3A_480] {strides = array<i32>} : memref<128x128xf32, #tpu.memory_space<vmem>>, vector<1x16xf32>,
      %get3A_482 = vector.shape_cast %get3A_481 : vector<1x16xf32> to vector<16xf32>
      %mul3A_483 = arith.constant 11.3137083 : f32
      %mul3A_484 = vector.broadcast %mul3A_483 : f32 to vector<16xf32>
      %mul3A_485 = arith.mulf %get3A_482, %mul3A_484 : vector<16xf32>
      %swap3A_486 = arith.index_cast %add3A_478 : i32 to index
      %swap3A_487 = arith.constant 48 : index
      %swap3A_488 = tpu.vector_load %arg7[%swap3A_486, %swap3A_487] {strides = array<i32>} : memref<128x128xf32, #tpu.memory_space<vmem>>, vector<1x16xf32>,
      %swap3A_489 = vector.shape_cast %swap3A_488 : vector<1x16xf32> to vector<16xf32>
      %swap3A_490 = vector.shape_cast %mul3A_485 : vector<16xf32> to vector<1x16xf32>
      tpu.vector_store %arg7[%swap3A_486, %swap3A_487], %swap3A_490 {strides = array<i32>} : memref<128x128xf32, #tpu.memory_space<vmem>>, vector<1x16xf32>,
      %add3A_491 = arith.constant 2 : i32
      %add3A_492 = arith.addi %mul3A_212, %add3A_491 : i32
      %get3A_493 = arith.index_cast %add3A_492 : i32 to index
      %get3A_494 = arith.constant 64 : index
      %get3A_495 = tpu.vector_load %arg7[%get3A_493, %get3A_494] {strides = array<i32>} : memref<128x128xf32, #tpu.memory_space<vmem>>, vector<1x16xf32>,
      %get3A_496 = vector.shape_cast %get3A_495 : vector<1x16xf32> to vector<16xf32>
      %mul3A_497 = arith.constant 11.3137083 : f32
      %mul3A_498 = vector.broadcast %mul3A_497 : f32 to vector<16xf32>
      %mul3A_499 = arith.mulf %get3A_496, %mul3A_498 : vector<16xf32>
      %swap3A_500 = arith.index_cast %add3A_492 : i32 to index
      %swap3A_501 = arith.constant 64 : index
      %swap3A_502 = tpu.vector_load %arg7[%swap3A_500, %swap3A_501] {strides = array<i32>} : memref<128x128xf32, #tpu.memory_space<vmem>>, vector<1x16xf32>,
      %swap3A_503 = vector.shape_cast %swap3A_502 : vector<1x16xf32> to vector<16xf32>
      %swap3A_504 = vector.shape_cast %mul3A_499 : vector<16xf32> to vector<1x16xf32>
      tpu.vector_store %arg7[%swap3A_500, %swap3A_501], %swap3A_504 {strides = array<i32>} : memref<128x128xf32, #tpu.memory_space<vmem>>, vector<1x16xf32>,
      %add3A_505 = arith.constant 2 : i32
      %add3A_506 = arith.addi %mul3A_212, %add3A_505 : i32
      %get3A_507 = arith.index_cast %add3A_506 : i32 to index
      %get3A_508 = arith.constant 80 : index
      %get3A_509 = tpu.vector_load %arg7[%get3A_507, %get3A_508] {strides = array<i32>} : memref<128x128xf32, #tpu.memory_space<vmem>>, vector<1x16xf32>,
      %get3A_510 = vector.shape_cast %get3A_509 : vector<1x16xf32> to vector<16xf32>
      %mul3A_511 = arith.constant 11.3137083 : f32
      %mul3A_512 = vector.broadcast %mul3A_511 : f32 to vector<16xf32>
      %mul3A_513 = arith.mulf %get3A_510, %mul3A_512 : vector<16xf32>
      %swap3A_514 = arith.index_cast %add3A_506 : i32 to index
      %swap3A_515 = arith.constant 80 : index
      %swap3A_516 = tpu.vector_load %arg7[%swap3A_514, %swap3A_515] {strides = array<i32>} : memref<128x128xf32, #tpu.memory_space<vmem>>, vector<1x16xf32>,
      %swap3A_517 = vector.shape_cast %swap3A_516 : vector<1x16xf32> to vector<16xf32>
      %swap3A_518 = vector.shape_cast %mul3A_513 : vector<16xf32> to vector<1x16xf32>
      tpu.vector_store %arg7[%swap3A_514, %swap3A_515], %swap3A_518 {strides = array<i32>} : memref<128x128xf32, #tpu.memory_space<vmem>>, vector<1x16xf32>,
      %add3A_519 = arith.constant 2 : i32
      %add3A_520 = arith.addi %mul3A_212, %add3A_519 : i32
      %get3A_521 = arith.index_cast %add3A_520 : i32 to index
      %get3A_522 = arith.constant 96 : index
      %get3A_523 = tpu.vector_load %arg7[%get3A_521, %get3A_522] {strides = array<i32>} : memref<128x128xf32, #tpu.memory_space<vmem>>, vector<1x16xf32>,
      %get3A_524 = vector.shape_cast %get3A_523 : vector<1x16xf32> to vector<16xf32>
      %mul3A_525 = arith.constant 11.3137083 : f32
      %mul3A_526 = vector.broadcast %mul3A_525 : f32 to vector<16xf32>
      %mul3A_527 = arith.mulf %get3A_524, %mul3A_526 : vector<16xf32>
      %swap3A_528 = arith.index_cast %add3A_520 : i32 to index
      %swap3A_529 = arith.constant 96 : index
      %swap3A_530 = tpu.vector_load %arg7[%swap3A_528, %swap3A_529] {strides = array<i32>} : memref<128x128xf32, #tpu.memory_space<vmem>>, vector<1x16xf32>,
      %swap3A_531 = vector.shape_cast %swap3A_530 : vector<1x16xf32> to vector<16xf32>
      %swap3A_532 = vector.shape_cast %mul3A_527 : vector<16xf32> to vector<1x16xf32>
      tpu.vector_store %arg7[%swap3A_528, %swap3A_529], %swap3A_532 {strides = array<i32>} : memref<128x128xf32, #tpu.memory_space<vmem>>, vector<1x16xf32>,
      %add3A_533 = arith.constant 2 : i32
      %add3A_534 = arith.addi %mul3A_212, %add3A_533 : i32
      %get3A_535 = arith.index_cast %add3A_534 : i32 to index
      %get3A_536 = arith.constant 112 : index
      %get3A_537 = tpu.vector_load %arg7[%get3A_535, %get3A_536] {strides = array<i32>} : memref<128x128xf32, #tpu.memory_space<vmem>>, vector<1x16xf32>,
      %get3A_538 = vector.shape_cast %get3A_537 : vector<1x16xf32> to vector<16xf32>
      %mul3A_539 = arith.constant 11.3137083 : f32
      %mul3A_540 = vector.broadcast %mul3A_539 : f32 to vector<16xf32>
      %mul3A_541 = arith.mulf %get3A_538, %mul3A_540 : vector<16xf32>
      %swap3A_542 = arith.index_cast %add3A_534 : i32 to index
      %swap3A_543 = arith.constant 112 : index
      %swap3A_544 = tpu.vector_load %arg7[%swap3A_542, %swap3A_543] {strides = array<i32>} : memref<128x128xf32, #tpu.memory_space<vmem>>, vector<1x16xf32>,
      %swap3A_545 = vector.shape_cast %swap3A_544 : vector<1x16xf32> to vector<16xf32>
      %swap3A_546 = vector.shape_cast %mul3A_541 : vector<16xf32> to vector<1x16xf32>
      tpu.vector_store %arg7[%swap3A_542, %swap3A_543], %swap3A_546 {strides = array<i32>} : memref<128x128xf32, #tpu.memory_space<vmem>>, vector<1x16xf32>,
      %add3A_547 = arith.constant 3 : i32
      %add3A_548 = arith.addi %mul3A_212, %add3A_547 : i32
      %get3A_549 = arith.index_cast %add3A_548 : i32 to index
      %get3A_550 = arith.constant 0 : index
      %get3A_551 = tpu.vector_load %arg7[%get3A_549, %get3A_550] {strides = array<i32>} : memref<128x128xf32, #tpu.memory_space<vmem>>, vector<1x16xf32>,
      %get3A_552 = vector.shape_cast %get3A_551 : vector<1x16xf32> to vector<16xf32>
      %mul3A_553 = arith.constant 11.3137083 : f32
      %mul3A_554 = vector.broadcast %mul3A_553 : f32 to vector<16xf32>
      %mul3A_555 = arith.mulf %get3A_552, %mul3A_554 : vector<16xf32>
      %swap3A_556 = arith.index_cast %add3A_548 : i32 to index
      %swap3A_557 = arith.constant 0 : index
      %swap3A_558 = tpu.vector_load %arg7[%swap3A_556, %swap3A_557] {strides = array<i32>} : memref<128x128xf32, #tpu.memory_space<vmem>>, vector<1x16xf32>,
      %swap3A_559 = vector.shape_cast %swap3A_558 : vector<1x16xf32> to vector<16xf32>
      %swap3A_560 = vector.shape_cast %mul3A_555 : vector<16xf32> to vector<1x16xf32>
      tpu.vector_store %arg7[%swap3A_556, %swap3A_557], %swap3A_560 {strides = array<i32>} : memref<128x128xf32, #tpu.memory_space<vmem>>, vector<1x16xf32>,
      %add3A_561 = arith.constant 3 : i32
      %add3A_562 = arith.addi %mul3A_212, %add3A_561 : i32
      %get3A_563 = arith.index_cast %add3A_562 : i32 to index
      %get3A_564 = arith.constant 16 : index
      %get3A_565 = tpu.vector_load %arg7[%get3A_563, %get3A_564] {strides = array<i32>} : memref<128x128xf32, #tpu.memory_space<vmem>>, vector<1x16xf32>,
      %get3A_566 = vector.shape_cast %get3A_565 : vector<1x16xf32> to vector<16xf32>
      %mul3A_567 = arith.constant 11.3137083 : f32
      %mul3A_568 = vector.broadcast %mul3A_567 : f32 to vector<16xf32>
      %mul3A_569 = arith.mulf %get3A_566, %mul3A_568 : vector<16xf32>
      %swap3A_570 = arith.index_cast %add3A_562 : i32 to index
      %swap3A_571 = arith.constant 16 : index
      %swap3A_572 = tpu.vector_load %arg7[%swap3A_570, %swap3A_571] {strides = array<i32>} : memref<128x128xf32, #tpu.memory_space<vmem>>, vector<1x16xf32>,
      %swap3A_573 = vector.shape_cast %swap3A_572 : vector<1x16xf32> to vector<16xf32>
      %swap3A_574 = vector.shape_cast %mul3A_569 : vector<16xf32> to vector<1x16xf32>
      tpu.vector_store %arg7[%swap3A_570, %swap3A_571], %swap3A_574 {strides = array<i32>} : memref<128x128xf32, #tpu.memory_space<vmem>>, vector<1x16xf32>,
      %add3A_575 = arith.constant 3 : i32
      %add3A_576 = arith.addi %mul3A_212, %add3A_575 : i32
      %get3A_577 = arith.index_cast %add3A_576 : i32 to index
      %get3A_578 = arith.constant 32 : index
      %get3A_579 = tpu.vector_load %arg7[%get3A_577, %get3A_578] {strides = array<i32>} : memref<128x128xf32, #tpu.memory_space<vmem>>, vector<1x16xf32>,
      %get3A_580 = vector.shape_cast %get3A_579 : vector<1x16xf32> to vector<16xf32>
      %mul3A_581 = arith.constant 11.3137083 : f32
      %mul3A_582 = vector.broadcast %mul3A_581 : f32 to vector<16xf32>
      %mul3A_583 = arith.mulf %get3A_580, %mul3A_582 : vector<16xf32>
      %swap3A_584 = arith.index_cast %add3A_576 : i32 to index
      %swap3A_585 = arith.constant 32 : index
      %swap3A_586 = tpu.vector_load %arg7[%swap3A_584, %swap3A_585] {strides = array<i32>} : memref<128x128xf32, #tpu.memory_space<vmem>>, vector<1x16xf32>,
      %swap3A_587 = vector.shape_cast %swap3A_586 : vector<1x16xf32> to vector<16xf32>
      %swap3A_588 = vector.shape_cast %mul3A_583 : vector<16xf32> to vector<1x16xf32>
      tpu.vector_store %arg7[%swap3A_584, %swap3A_585], %swap3A_588 {strides = array<i32>} : memref<128x128xf32, #tpu.memory_space<vmem>>, vector<1x16xf32>,
      %add3A_589 = arith.constant 3 : i32
      %add3A_590 = arith.addi %mul3A_212, %add3A_589 : i32
      %get3A_591 = arith.index_cast %add3A_590 : i32 to index
      %get3A_592 = arith.constant 48 : index
      %get3A_593 = tpu.vector_load %arg7[%get3A_591, %get3A_592] {strides = array<i32>} : memref<128x128xf32, #tpu.memory_space<vmem>>, vector<1x16xf32>,
      %get3A_594 = vector.shape_cast %get3A_593 : vector<1x16xf32> to vector<16xf32>
      %mul3A_595 = arith.constant 11.3137083 : f32
      %mul3A_596 = vector.broadcast %mul3A_595 : f32 to vector<16xf32>
      %mul3A_597 = arith.mulf %get3A_594, %mul3A_596 : vector<16xf32>
      %swap3A_598 = arith.index_cast %add3A_590 : i32 to index
      %swap3A_599 = arith.constant 48 : index
      %swap3A_600 = tpu.vector_load %arg7[%swap3A_598, %swap3A_599] {strides = array<i32>} : memref<128x128xf32, #tpu.memory_space<vmem>>, vector<1x16xf32>,
      %swap3A_601 = vector.shape_cast %swap3A_600 : vector<1x16xf32> to vector<16xf32>
      %swap3A_602 = vector.shape_cast %mul3A_597 : vector<16xf32> to vector<1x16xf32>
      tpu.vector_store %arg7[%swap3A_598, %swap3A_599], %swap3A_602 {strides = array<i32>} : memref<128x128xf32, #tpu.memory_space<vmem>>, vector<1x16xf32>,
      %add3A_603 = arith.constant 3 : i32
      %add3A_604 = arith.addi %mul3A_212, %add3A_603 : i32
      %get3A_605 = arith.index_cast %add3A_604 : i32 to index
      %get3A_606 = arith.constant 64 : index
      %get3A_607 = tpu.vector_load %arg7[%get3A_605, %get3A_606] {strides = array<i32>} : memref<128x128xf32, #tpu.memory_space<vmem>>, vector<1x16xf32>,
      %get3A_608 = vector.shape_cast %get3A_607 : vector<1x16xf32> to vector<16xf32>
      %mul3A_609 = arith.constant 11.3137083 : f32
      %mul3A_610 = vector.broadcast %mul3A_609 : f32 to vector<16xf32>
      %mul3A_611 = arith.mulf %get3A_608, %mul3A_610 : vector<16xf32>
      %swap3A_612 = arith.index_cast %add3A_604 : i32 to index
      %swap3A_613 = arith.constant 64 : index
      %swap3A_614 = tpu.vector_load %arg7[%swap3A_612, %swap3A_613] {strides = array<i32>} : memref<128x128xf32, #tpu.memory_space<vmem>>, vector<1x16xf32>,
      %swap3A_615 = vector.shape_cast %swap3A_614 : vector<1x16xf32> to vector<16xf32>
      %swap3A_616 = vector.shape_cast %mul3A_611 : vector<16xf32> to vector<1x16xf32>
      tpu.vector_store %arg7[%swap3A_612, %swap3A_613], %swap3A_616 {strides = array<i32>} : memref<128x128xf32, #tpu.memory_space<vmem>>, vector<1x16xf32>,
      %add3A_617 = arith.constant 3 : i32
      %add3A_618 = arith.addi %mul3A_212, %add3A_617 : i32
      %get3A_619 = arith.index_cast %add3A_618 : i32 to index
      %get3A_620 = arith.constant 80 : index
      %get3A_621 = tpu.vector_load %arg7[%get3A_619, %get3A_620] {strides = array<i32>} : memref<128x128xf32, #tpu.memory_space<vmem>>, vector<1x16xf32>,
      %get3A_622 = vector.shape_cast %get3A_621 : vector<1x16xf32> to vector<16xf32>
      %mul3A_623 = arith.constant 11.3137083 : f32
      %mul3A_624 = vector.broadcast %mul3A_623 : f32 to vector<16xf32>
      %mul3A_625 = arith.mulf %get3A_622, %mul3A_624 : vector<16xf32>
      %swap3A_626 = arith.index_cast %add3A_618 : i32 to index
      %swap3A_627 = arith.constant 80 : index
      %swap3A_628 = tpu.vector_load %arg7[%swap3A_626, %swap3A_627] {strides = array<i32>} : memref<128x128xf32, #tpu.memory_space<vmem>>, vector<1x16xf32>,
      %swap3A_629 = vector.shape_cast %swap3A_628 : vector<1x16xf32> to vector<16xf32>
      %swap3A_630 = vector.shape_cast %mul3A_625 : vector<16xf32> to vector<1x16xf32>
      tpu.vector_store %arg7[%swap3A_626, %swap3A_627], %swap3A_630 {strides = array<i32>} : memref<128x128xf32, #tpu.memory_space<vmem>>, vector<1x16xf32>,
      %add3A_631 = arith.constant 3 : i32
      %add3A_632 = arith.addi %mul3A_212, %add3A_631 : i32
      %get3A_633 = arith.index_cast %add3A_632 : i32 to index
      %get3A_634 = arith.constant 96 : index
      %get3A_635 = tpu.vector_load %arg7[%get3A_633, %get3A_634] {strides = array<i32>} : memref<128x128xf32, #tpu.memory_space<vmem>>, vector<1x16xf32>,
      %get3A_636 = vector.shape_cast %get3A_635 : vector<1x16xf32> to vector<16xf32>
      %mul3A_637 = arith.constant 11.3137083 : f32
      %mul3A_638 = vector.broadcast %mul3A_637 : f32 to vector<16xf32>
      %mul3A_639 = arith.mulf %get3A_636, %mul3A_638 : vector<16xf32>
      %swap3A_640 = arith.index_cast %add3A_632 : i32 to index
      %swap3A_641 = arith.constant 96 : index
      %swap3A_642 = tpu.vector_load %arg7[%swap3A_640, %swap3A_641] {strides = array<i32>} : memref<128x128xf32, #tpu.memory_space<vmem>>, vector<1x16xf32>,
      %swap3A_643 = vector.shape_cast %swap3A_642 : vector<1x16xf32> to vector<16xf32>
      %swap3A_644 = vector.shape_cast %mul3A_639 : vector<16xf32> to vector<1x16xf32>
      tpu.vector_store %arg7[%swap3A_640, %swap3A_641], %swap3A_644 {strides = array<i32>} : memref<128x128xf32, #tpu.memory_space<vmem>>, vector<1x16xf32>,
      %add3A_645 = arith.constant 3 : i32
      %add3A_646 = arith.addi %mul3A_212, %add3A_645 : i32
      %get3A_647 = arith.index_cast %add3A_646 : i32 to index
      %get3A_648 = arith.constant 112 : index
      %get3A_649 = tpu.vector_load %arg7[%get3A_647, %get3A_648] {strides = array<i32>} : memref<128x128xf32, #tpu.memory_space<vmem>>, vector<1x16xf32>,
      %get3A_650 = vector.shape_cast %get3A_649 : vector<1x16xf32> to vector<16xf32>
      %mul3A_651 = arith.constant 11.3137083 : f32
      %mul3A_652 = vector.broadcast %mul3A_651 : f32 to vector<16xf32>
      %mul3A_653 = arith.mulf %get3A_650, %mul3A_652 : vector<16xf32>
      %swap3A_654 = arith.index_cast %add3A_646 : i32 to index
      %swap3A_655 = arith.constant 112 : index
      %swap3A_656 = tpu.vector_load %arg7[%swap3A_654, %swap3A_655] {strides = array<i32>} : memref<128x128xf32, #tpu.memory_space<vmem>>, vector<1x16xf32>,
      %swap3A_657 = vector.shape_cast %swap3A_656 : vector<1x16xf32> to vector<16xf32>
      %swap3A_658 = vector.shape_cast %mul3A_653 : vector<16xf32> to vector<1x16xf32>
      tpu.vector_store %arg7[%swap3A_654, %swap3A_655], %swap3A_658 {strides = array<i32>} : memref<128x128xf32, #tpu.memory_space<vmem>>, vector<1x16xf32>,
    }
    %scan3A_85 = arith.constant 32 : i32
    %add3A_86 = arith.constant 4096 : i32
    %add3A_87 = arith.addi %add3A_86, %mul3A_2 : i32
    %dma_start3A_88 = arith.constant 1 : i32
    %dma_start3A_89 = arith.constant 0 : i32
    %dma_start3A_90 = tpu.memref_slice %arg4[%add3A_87, %dma_start3A_89] : memref<204800x128xf32, #tpu.memory_space<hbm>> -> memref<128x128xf32, #tpu.memory_space<hbm>>
    %dma_start3A_91 = tpu.memref_slice %arg10[%dma_start3A_88] : memref<3x!tpu.dma_semaphore, #tpu.memory_space<semaphore_mem>> -> memref<1x!tpu.dma_semaphore, #tpu.memory_space<semaphore_mem>>
    %dma_start3A_92 = tpu.memref_squeeze %dma_start3A_91 : memref<1x!tpu.dma_semaphore, #tpu.memory_space<semaphore_mem>> -> memref<!tpu.dma_semaphore, #tpu.memory_space<semaphore_mem>>
    %dma_start3A_93 = arith.constant 0 : i32
    %dma_start3A_94 = tpu.memref_slice %arg4[%add3A_87, %dma_start3A_93] : memref<204800x128xf32, #tpu.memory_space<hbm>> -> memref<128x128xf32, #tpu.memory_space<hbm>>
    tpu.enqueue_dma source(%arg7 : memref<128x128xf32, #tpu.memory_space<vmem>>) target(%dma_start3A_94 : memref<128x128xf32, #tpu.memory_space<hbm>>) target_semaphore(%dma_start3A_92 : memref<!tpu.dma_semaphore, #tpu.memory_space<semaphore_mem>>)
    %dma_wait3A_95 = arith.constant 1 : i32
    %dma_wait3A_96 = arith.constant 0 : i32
    %dma_wait3A_97 = tpu.memref_slice %arg4[%mul3A_2, %dma_wait3A_96] : memref<204800x128xf32, #tpu.memory_space<hbm>> -> memref<128x128xf32, #tpu.memory_space<hbm>>
    %dma_wait3A_98 = tpu.memref_slice %arg10[%dma_wait3A_95] : memref<3x!tpu.dma_semaphore, #tpu.memory_space<semaphore_mem>> -> memref<1x!tpu.dma_semaphore, #tpu.memory_space<semaphore_mem>>
    %dma_wait3A_99 = tpu.memref_squeeze %dma_wait3A_98 : memref<1x!tpu.dma_semaphore, #tpu.memory_space<semaphore_mem>> -> memref<!tpu.dma_semaphore, #tpu.memory_space<semaphore_mem>>
    %dma_wait3A_100 = arith.constant 0 : i32
    %dma_wait3A_101 = tpu.memref_slice %arg4[%mul3A_2, %dma_wait3A_100] : memref<204800x128xf32, #tpu.memory_space<hbm>> -> memref<128x128xf32, #tpu.memory_space<hbm>>
    tpu.wait_dma2 semaphore(%dma_wait3A_99 : memref<!tpu.dma_semaphore, #tpu.memory_space<semaphore_mem>>) src(%arg7 : memref<128x128xf32, #tpu.memory_space<vmem>>) dst(%dma_wait3A_101 : memref<128x128xf32, #tpu.memory_space<hbm>>)
    %dma_start3A_102 = arith.constant 4 : i32
    %dma_start3A_103 = arith.constant 1 : i32
    %dma_start3A_104 = arith.constant 0 : i32
    %dma_start3A_105 = tpu.memref_slice %arg5[%dma_start3A_102, %dma_start3A_104] : memref<50x128xi32, #tpu.memory_space<vmem>> -> memref<1x128xi32, #tpu.memory_space<vmem>>
    %dma_start3A_106 = tpu.memref_squeeze %dma_start3A_105 : memref<1x128xi32, #tpu.memory_space<vmem>> -> memref<128xi32, #tpu.memory_space<vmem>>
    %dma_start3A_107 = arith.constant 0 : i32
    %dma_start3A_108 = arith.constant 0 : i32
    %dma_start3A_109 = tpu.memref_slice %arg3[%dma_start3A_107, %dma_start3A_108] : memref<100000x128xf32, #tpu.memory_space<hbm>> -> memref<100000x128xf32, #tpu.memory_space<hbm>>
    %dma_start3A_110 = tpu.memref_slice %arg9[%dma_start3A_103] : memref<3x!tpu.dma_semaphore, #tpu.memory_space<semaphore_mem>> -> memref<1x!tpu.dma_semaphore, #tpu.memory_space<semaphore_mem>>
    %dma_start3A_111 = tpu.memref_squeeze %dma_start3A_110 : memref<1x!tpu.dma_semaphore, #tpu.memory_space<semaphore_mem>> -> memref<!tpu.dma_semaphore, #tpu.memory_space<semaphore_mem>>
    tpu.enqueue_indirect_dma source(%dma_start3A_109 : memref<100000x128xf32, #tpu.memory_space<hbm>>) target(%arg7 : memref<128x128xf32, #tpu.memory_space<vmem>>) offsets(%dma_start3A_106 : memref<128xi32, #tpu.memory_space<vmem>>) semaphore(%dma_start3A_111 : memref<!tpu.dma_semaphore, #tpu.memory_space<semaphore_mem>>)
    %dma_wait3A_112 = arith.constant 0 : i32
    %dma_wait3A_113 = arith.constant 2 : i32
    %dma_wait3A_114 = arith.constant 0 : i32
    %dma_wait3A_115 = tpu.memref_slice %arg5[%dma_wait3A_112, %dma_wait3A_114] : memref<50x128xi32, #tpu.memory_space<vmem>> -> memref<1x128xi32, #tpu.memory_space<vmem>>
    %dma_wait3A_116 = tpu.memref_squeeze %dma_wait3A_115 : memref<1x128xi32, #tpu.memory_space<vmem>> -> memref<128xi32, #tpu.memory_space<vmem>>
    %dma_wait3A_117 = arith.constant 0 : i32
    %dma_wait3A_118 = arith.constant 0 : i32
    %dma_wait3A_119 = tpu.memref_slice %arg3[%dma_wait3A_117, %dma_wait3A_118] : memref<100000x128xf32, #tpu.memory_space<hbm>> -> memref<100000x128xf32, #tpu.memory_space<hbm>>
    %dma_wait3A_120 = tpu.memref_slice %arg9[%dma_wait3A_113] : memref<3x!tpu.dma_semaphore, #tpu.memory_space<semaphore_mem>> -> memref<1x!tpu.dma_semaphore, #tpu.memory_space<semaphore_mem>>
    %dma_wait3A_121 = tpu.memref_squeeze %dma_wait3A_120 : memref<1x!tpu.dma_semaphore, #tpu.memory_space<semaphore_mem>> -> memref<!tpu.dma_semaphore, #tpu.memory_space<semaphore_mem>>
    tpu.wait_indirect_dma semaphore(%dma_wait3A_121 : memref<!tpu.dma_semaphore, #tpu.memory_space<semaphore_mem>>) src(%dma_wait3A_119 : memref<100000x128xf32, #tpu.memory_space<hbm>>) dst(%arg8 : memref<128x128xf32, #tpu.memory_space<vmem>>)
    %scan3A_122 = arith.constant 0 : i32
    %scan3A_123 = arith.constant 32 : i32
    %scan3A_124 = arith.addi %scan3A_122, %scan3A_123 : i32
    %scan3A_125 = arith.constant 1 : i32
    scf.for %scan3A_210 = %scan3A_122 to %scan3A_124 step %scan3A_125  : i32 {
      %mul3A_211 = arith.constant 4 : i32
      %mul3A_212 = arith.muli %scan3A_210, %mul3A_211 : i32
      %add3A_213 = arith.constant 0 : i32
      %add3A_214 = arith.addi %mul3A_212, %add3A_213 : i32
      %get3A = arith.index_cast %add3A_214 : i32 to index
      %get3A_215 = arith.constant 0 : index
      %get3A_216 = tpu.vector_load %arg8[%get3A, %get3A_215] {strides = array<i32>} : memref<128x128xf32, #tpu.memory_space<vmem>>, vector<1x16xf32>,
      %get3A_217 = vector.shape_cast %get3A_216 : vector<1x16xf32> to vector<16xf32>
      %mul3A_218 = arith.constant 11.3137083 : f32
      %mul3A_219 = vector.broadcast %mul3A_218 : f32 to vector<16xf32>
      %mul3A_220 = arith.mulf %get3A_217, %mul3A_219 : vector<16xf32>
      %swap3A = arith.index_cast %add3A_214 : i32 to index
      %swap3A_221 = arith.constant 0 : index
      %swap3A_222 = tpu.vector_load %arg8[%swap3A, %swap3A_221] {strides = array<i32>} : memref<128x128xf32, #tpu.memory_space<vmem>>, vector<1x16xf32>,
      %swap3A_223 = vector.shape_cast %swap3A_222 : vector<1x16xf32> to vector<16xf32>
      %swap3A_224 = vector.shape_cast %mul3A_220 : vector<16xf32> to vector<1x16xf32>
      tpu.vector_store %arg8[%swap3A, %swap3A_221], %swap3A_224 {strides = array<i32>} : memref<128x128xf32, #tpu.memory_space<vmem>>, vector<1x16xf32>,
      %add3A_225 = arith.constant 0 : i32
      %add3A_226 = arith.addi %mul3A_212, %add3A_225 : i32
      %get3A_227 = arith.index_cast %add3A_226 : i32 to index
      %get3A_228 = arith.constant 16 : index
      %get3A_229 = tpu.vector_load %arg8[%get3A_227, %get3A_228] {strides = array<i32>} : memref<128x128xf32, #tpu.memory_space<vmem>>, vector<1x16xf32>,
      %get3A_230 = vector.shape_cast %get3A_229 : vector<1x16xf32> to vector<16xf32>
      %mul3A_231 = arith.constant 11.3137083 : f32
      %mul3A_232 = vector.broadcast %mul3A_231 : f32 to vector<16xf32>
      %mul3A_233 = arith.mulf %get3A_230, %mul3A_232 : vector<16xf32>
      %swap3A_234 = arith.index_cast %add3A_226 : i32 to index
      %swap3A_235 = arith.constant 16 : index
      %swap3A_236 = tpu.vector_load %arg8[%swap3A_234, %swap3A_235] {strides = array<i32>} : memref<128x128xf32, #tpu.memory_space<vmem>>, vector<1x16xf32>,
      %swap3A_237 = vector.shape_cast %swap3A_236 : vector<1x16xf32> to vector<16xf32>
      %swap3A_238 = vector.shape_cast %mul3A_233 : vector<16xf32> to vector<1x16xf32>
      tpu.vector_store %arg8[%swap3A_234, %swap3A_235], %swap3A_238 {strides = array<i32>} : memref<128x128xf32, #tpu.memory_space<vmem>>, vector<1x16xf32>,
      %add3A_239 = arith.constant 0 : i32
      %add3A_240 = arith.addi %mul3A_212, %add3A_239 : i32
      %get3A_241 = arith.index_cast %add3A_240 : i32 to index
      %get3A_242 = arith.constant 32 : index
      %get3A_243 = tpu.vector_load %arg8[%get3A_241, %get3A_242] {strides = array<i32>} : memref<128x128xf32, #tpu.memory_space<vmem>>, vector<1x16xf32>,
      %get3A_244 = vector.shape_cast %get3A_243 : vector<1x16xf32> to vector<16xf32>
      %mul3A_245 = arith.constant 11.3137083 : f32
      %mul3A_246 = vector.broadcast %mul3A_245 : f32 to vector<16xf32>
      %mul3A_247 = arith.mulf %get3A_244, %mul3A_246 : vector<16xf32>
      %swap3A_248 = arith.index_cast %add3A_240 : i32 to index
      %swap3A_249 = arith.constant 32 : index
      %swap3A_250 = tpu.vector_load %arg8[%swap3A_248, %swap3A_249] {strides = array<i32>} : memref<128x128xf32, #tpu.memory_space<vmem>>, vector<1x16xf32>,
      %swap3A_251 = vector.shape_cast %swap3A_250 : vector<1x16xf32> to vector<16xf32>
      %swap3A_252 = vector.shape_cast %mul3A_247 : vector<16xf32> to vector<1x16xf32>
      tpu.vector_store %arg8[%swap3A_248, %swap3A_249], %swap3A_252 {strides = array<i32>} : memref<128x128xf32, #tpu.memory_space<vmem>>, vector<1x16xf32>,
      %add3A_253 = arith.constant 0 : i32
      %add3A_254 = arith.addi %mul3A_212, %add3A_253 : i32
      %get3A_255 = arith.index_cast %add3A_254 : i32 to index
      %get3A_256 = arith.constant 48 : index
      %get3A_257 = tpu.vector_load %arg8[%get3A_255, %get3A_256] {strides = array<i32>} : memref<128x128xf32, #tpu.memory_space<vmem>>, vector<1x16xf32>,
      %get3A_258 = vector.shape_cast %get3A_257 : vector<1x16xf32> to vector<16xf32>
      %mul3A_259 = arith.constant 11.3137083 : f32
      %mul3A_260 = vector.broadcast %mul3A_259 : f32 to vector<16xf32>
      %mul3A_261 = arith.mulf %get3A_258, %mul3A_260 : vector<16xf32>
      %swap3A_262 = arith.index_cast %add3A_254 : i32 to index
      %swap3A_263 = arith.constant 48 : index
      %swap3A_264 = tpu.vector_load %arg8[%swap3A_262, %swap3A_263] {strides = array<i32>} : memref<128x128xf32, #tpu.memory_space<vmem>>, vector<1x16xf32>,
      %swap3A_265 = vector.shape_cast %swap3A_264 : vector<1x16xf32> to vector<16xf32>
      %swap3A_266 = vector.shape_cast %mul3A_261 : vector<16xf32> to vector<1x16xf32>
      tpu.vector_store %arg8[%swap3A_262, %swap3A_263], %swap3A_266 {strides = array<i32>} : memref<128x128xf32, #tpu.memory_space<vmem>>, vector<1x16xf32>,
      %add3A_267 = arith.constant 0 : i32
      %add3A_268 = arith.addi %mul3A_212, %add3A_267 : i32
      %get3A_269 = arith.index_cast %add3A_268 : i32 to index
      %get3A_270 = arith.constant 64 : index
      %get3A_271 = tpu.vector_load %arg8[%get3A_269, %get3A_270] {strides = array<i32>} : memref<128x128xf32, #tpu.memory_space<vmem>>, vector<1x16xf32>,
      %get3A_272 = vector.shape_cast %get3A_271 : vector<1x16xf32> to vector<16xf32>
      %mul3A_273 = arith.constant 11.3137083 : f32
      %mul3A_274 = vector.broadcast %mul3A_273 : f32 to vector<16xf32>
      %mul3A_275 = arith.mulf %get3A_272, %mul3A_274 : vector<16xf32>
      %swap3A_276 = arith.index_cast %add3A_268 : i32 to index
      %swap3A_277 = arith.constant 64 : index
      %swap3A_278 = tpu.vector_load %arg8[%swap3A_276, %swap3A_277] {strides = array<i32>} : memref<128x128xf32, #tpu.memory_space<vmem>>, vector<1x16xf32>,
      %swap3A_279 = vector.shape_cast %swap3A_278 : vector<1x16xf32> to vector<16xf32>
      %swap3A_280 = vector.shape_cast %mul3A_275 : vector<16xf32> to vector<1x16xf32>
      tpu.vector_store %arg8[%swap3A_276, %swap3A_277], %swap3A_280 {strides = array<i32>} : memref<128x128xf32, #tpu.memory_space<vmem>>, vector<1x16xf32>,
      %add3A_281 = arith.constant 0 : i32
      %add3A_282 = arith.addi %mul3A_212, %add3A_281 : i32
      %get3A_283 = arith.index_cast %add3A_282 : i32 to index
      %get3A_284 = arith.constant 80 : index
      %get3A_285 = tpu.vector_load %arg8[%get3A_283, %get3A_284] {strides = array<i32>} : memref<128x128xf32, #tpu.memory_space<vmem>>, vector<1x16xf32>,
      %get3A_286 = vector.shape_cast %get3A_285 : vector<1x16xf32> to vector<16xf32>
      %mul3A_287 = arith.constant 11.3137083 : f32
      %mul3A_288 = vector.broadcast %mul3A_287 : f32 to vector<16xf32>
      %mul3A_289 = arith.mulf %get3A_286, %mul3A_288 : vector<16xf32>
      %swap3A_290 = arith.index_cast %add3A_282 : i32 to index
      %swap3A_291 = arith.constant 80 : index
      %swap3A_292 = tpu.vector_load %arg8[%swap3A_290, %swap3A_291] {strides = array<i32>} : memref<128x128xf32, #tpu.memory_space<vmem>>, vector<1x16xf32>,
      %swap3A_293 = vector.shape_cast %swap3A_292 : vector<1x16xf32> to vector<16xf32>
      %swap3A_294 = vector.shape_cast %mul3A_289 : vector<16xf32> to vector<1x16xf32>
      tpu.vector_store %arg8[%swap3A_290, %swap3A_291], %swap3A_294 {strides = array<i32>} : memref<128x128xf32, #tpu.memory_space<vmem>>, vector<1x16xf32>,
      %add3A_295 = arith.constant 0 : i32
      %add3A_296 = arith.addi %mul3A_212, %add3A_295 : i32
      %get3A_297 = arith.index_cast %add3A_296 : i32 to index
      %get3A_298 = arith.constant 96 : index
      %get3A_299 = tpu.vector_load %arg8[%get3A_297, %get3A_298] {strides = array<i32>} : memref<128x128xf32, #tpu.memory_space<vmem>>, vector<1x16xf32>,
      %get3A_300 = vector.shape_cast %get3A_299 : vector<1x16xf32> to vector<16xf32>
      %mul3A_301 = arith.constant 11.3137083 : f32
      %mul3A_302 = vector.broadcast %mul3A_301 : f32 to vector<16xf32>
      %mul3A_303 = arith.mulf %get3A_300, %mul3A_302 : vector<16xf32>
      %swap3A_304 = arith.index_cast %add3A_296 : i32 to index
      %swap3A_305 = arith.constant 96 : index
      %swap3A_306 = tpu.vector_load %arg8[%swap3A_304, %swap3A_305] {strides = array<i32>} : memref<128x128xf32, #tpu.memory_space<vmem>>, vector<1x16xf32>,
      %swap3A_307 = vector.shape_cast %swap3A_306 : vector<1x16xf32> to vector<16xf32>
      %swap3A_308 = vector.shape_cast %mul3A_303 : vector<16xf32> to vector<1x16xf32>
      tpu.vector_store %arg8[%swap3A_304, %swap3A_305], %swap3A_308 {strides = array<i32>} : memref<128x128xf32, #tpu.memory_space<vmem>>, vector<1x16xf32>,
      %add3A_309 = arith.constant 0 : i32
      %add3A_310 = arith.addi %mul3A_212, %add3A_309 : i32
      %get3A_311 = arith.index_cast %add3A_310 : i32 to index
      %get3A_312 = arith.constant 112 : index
      %get3A_313 = tpu.vector_load %arg8[%get3A_311, %get3A_312] {strides = array<i32>} : memref<128x128xf32, #tpu.memory_space<vmem>>, vector<1x16xf32>,
      %get3A_314 = vector.shape_cast %get3A_313 : vector<1x16xf32> to vector<16xf32>
      %mul3A_315 = arith.constant 11.3137083 : f32
      %mul3A_316 = vector.broadcast %mul3A_315 : f32 to vector<16xf32>
      %mul3A_317 = arith.mulf %get3A_314, %mul3A_316 : vector<16xf32>
      %swap3A_318 = arith.index_cast %add3A_310 : i32 to index
      %swap3A_319 = arith.constant 112 : index
      %swap3A_320 = tpu.vector_load %arg8[%swap3A_318, %swap3A_319] {strides = array<i32>} : memref<128x128xf32, #tpu.memory_space<vmem>>, vector<1x16xf32>,
      %swap3A_321 = vector.shape_cast %swap3A_320 : vector<1x16xf32> to vector<16xf32>
      %swap3A_322 = vector.shape_cast %mul3A_317 : vector<16xf32> to vector<1x16xf32>
      tpu.vector_store %arg8[%swap3A_318, %swap3A_319], %swap3A_322 {strides = array<i32>} : memref<128x128xf32, #tpu.memory_space<vmem>>, vector<1x16xf32>,
      %add3A_323 = arith.constant 1 : i32
      %add3A_324 = arith.addi %mul3A_212, %add3A_323 : i32
      %get3A_325 = arith.index_cast %add3A_324 : i32 to index
      %get3A_326 = arith.constant 0 : index
      %get3A_327 = tpu.vector_load %arg8[%get3A_325, %get3A_326] {strides = array<i32>} : memref<128x128xf32, #tpu.memory_space<vmem>>, vector<1x16xf32>,
      %get3A_328 = vector.shape_cast %get3A_327 : vector<1x16xf32> to vector<16xf32>
      %mul3A_329 = arith.constant 11.3137083 : f32
      %mul3A_330 = vector.broadcast %mul3A_329 : f32 to vector<16xf32>
      %mul3A_331 = arith.mulf %get3A_328, %mul3A_330 : vector<16xf32>
      %swap3A_332 = arith.index_cast %add3A_324 : i32 to index
      %swap3A_333 = arith.constant 0 : index
      %swap3A_334 = tpu.vector_load %arg8[%swap3A_332, %swap3A_333] {strides = array<i32>} : memref<128x128xf32, #tpu.memory_space<vmem>>, vector<1x16xf32>,
      %swap3A_335 = vector.shape_cast %swap3A_334 : vector<1x16xf32> to vector<16xf32>
      %swap3A_336 = vector.shape_cast %mul3A_331 : vector<16xf32> to vector<1x16xf32>
      tpu.vector_store %arg8[%swap3A_332, %swap3A_333], %swap3A_336 {strides = array<i32>} : memref<128x128xf32, #tpu.memory_space<vmem>>, vector<1x16xf32>,
      %add3A_337 = arith.constant 1 : i32
      %add3A_338 = arith.addi %mul3A_212, %add3A_337 : i32
      %get3A_339 = arith.index_cast %add3A_338 : i32 to index
      %get3A_340 = arith.constant 16 : index
      %get3A_341 = tpu.vector_load %arg8[%get3A_339, %get3A_340] {strides = array<i32>} : memref<128x128xf32, #tpu.memory_space<vmem>>, vector<1x16xf32>,
      %get3A_342 = vector.shape_cast %get3A_341 : vector<1x16xf32> to vector<16xf32>
      %mul3A_343 = arith.constant 11.3137083 : f32
      %mul3A_344 = vector.broadcast %mul3A_343 : f32 to vector<16xf32>
      %mul3A_345 = arith.mulf %get3A_342, %mul3A_344 : vector<16xf32>
      %swap3A_346 = arith.index_cast %add3A_338 : i32 to index
      %swap3A_347 = arith.constant 16 : index
      %swap3A_348 = tpu.vector_load %arg8[%swap3A_346, %swap3A_347] {strides = array<i32>} : memref<128x128xf32, #tpu.memory_space<vmem>>, vector<1x16xf32>,
      %swap3A_349 = vector.shape_cast %swap3A_348 : vector<1x16xf32> to vector<16xf32>
      %swap3A_350 = vector.shape_cast %mul3A_345 : vector<16xf32> to vector<1x16xf32>
      tpu.vector_store %arg8[%swap3A_346, %swap3A_347], %swap3A_350 {strides = array<i32>} : memref<128x128xf32, #tpu.memory_space<vmem>>, vector<1x16xf32>,
      %add3A_351 = arith.constant 1 : i32
      %add3A_352 = arith.addi %mul3A_212, %add3A_351 : i32
      %get3A_353 = arith.index_cast %add3A_352 : i32 to index
      %get3A_354 = arith.constant 32 : index
      %get3A_355 = tpu.vector_load %arg8[%get3A_353, %get3A_354] {strides = array<i32>} : memref<128x128xf32, #tpu.memory_space<vmem>>, vector<1x16xf32>,
      %get3A_356 = vector.shape_cast %get3A_355 : vector<1x16xf32> to vector<16xf32>
      %mul3A_357 = arith.constant 11.3137083 : f32
      %mul3A_358 = vector.broadcast %mul3A_357 : f32 to vector<16xf32>
      %mul3A_359 = arith.mulf %get3A_356, %mul3A_358 : vector<16xf32>
      %swap3A_360 = arith.index_cast %add3A_352 : i32 to index
      %swap3A_361 = arith.constant 32 : index
      %swap3A_362 = tpu.vector_load %arg8[%swap3A_360, %swap3A_361] {strides = array<i32>} : memref<128x128xf32, #tpu.memory_space<vmem>>, vector<1x16xf32>,
      %swap3A_363 = vector.shape_cast %swap3A_362 : vector<1x16xf32> to vector<16xf32>
      %swap3A_364 = vector.shape_cast %mul3A_359 : vector<16xf32> to vector<1x16xf32>
      tpu.vector_store %arg8[%swap3A_360, %swap3A_361], %swap3A_364 {strides = array<i32>} : memref<128x128xf32, #tpu.memory_space<vmem>>, vector<1x16xf32>,
      %add3A_365 = arith.constant 1 : i32
      %add3A_366 = arith.addi %mul3A_212, %add3A_365 : i32
      %get3A_367 = arith.index_cast %add3A_366 : i32 to index
      %get3A_368 = arith.constant 48 : index
      %get3A_369 = tpu.vector_load %arg8[%get3A_367, %get3A_368] {strides = array<i32>} : memref<128x128xf32, #tpu.memory_space<vmem>>, vector<1x16xf32>,
      %get3A_370 = vector.shape_cast %get3A_369 : vector<1x16xf32> to vector<16xf32>
      %mul3A_371 = arith.constant 11.3137083 : f32
      %mul3A_372 = vector.broadcast %mul3A_371 : f32 to vector<16xf32>
      %mul3A_373 = arith.mulf %get3A_370, %mul3A_372 : vector<16xf32>
      %swap3A_374 = arith.index_cast %add3A_366 : i32 to index
      %swap3A_375 = arith.constant 48 : index
      %swap3A_376 = tpu.vector_load %arg8[%swap3A_374, %swap3A_375] {strides = array<i32>} : memref<128x128xf32, #tpu.memory_space<vmem>>, vector<1x16xf32>,
      %swap3A_377 = vector.shape_cast %swap3A_376 : vector<1x16xf32> to vector<16xf32>
      %swap3A_378 = vector.shape_cast %mul3A_373 : vector<16xf32> to vector<1x16xf32>
      tpu.vector_store %arg8[%swap3A_374, %swap3A_375], %swap3A_378 {strides = array<i32>} : memref<128x128xf32, #tpu.memory_space<vmem>>, vector<1x16xf32>,
      %add3A_379 = arith.constant 1 : i32
      %add3A_380 = arith.addi %mul3A_212, %add3A_379 : i32
      %get3A_381 = arith.index_cast %add3A_380 : i32 to index
      %get3A_382 = arith.constant 64 : index
      %get3A_383 = tpu.vector_load %arg8[%get3A_381, %get3A_382] {strides = array<i32>} : memref<128x128xf32, #tpu.memory_space<vmem>>, vector<1x16xf32>,
      %get3A_384 = vector.shape_cast %get3A_383 : vector<1x16xf32> to vector<16xf32>
      %mul3A_385 = arith.constant 11.3137083 : f32
      %mul3A_386 = vector.broadcast %mul3A_385 : f32 to vector<16xf32>
      %mul3A_387 = arith.mulf %get3A_384, %mul3A_386 : vector<16xf32>
      %swap3A_388 = arith.index_cast %add3A_380 : i32 to index
      %swap3A_389 = arith.constant 64 : index
      %swap3A_390 = tpu.vector_load %arg8[%swap3A_388, %swap3A_389] {strides = array<i32>} : memref<128x128xf32, #tpu.memory_space<vmem>>, vector<1x16xf32>,
      %swap3A_391 = vector.shape_cast %swap3A_390 : vector<1x16xf32> to vector<16xf32>
      %swap3A_392 = vector.shape_cast %mul3A_387 : vector<16xf32> to vector<1x16xf32>
      tpu.vector_store %arg8[%swap3A_388, %swap3A_389], %swap3A_392 {strides = array<i32>} : memref<128x128xf32, #tpu.memory_space<vmem>>, vector<1x16xf32>,
      %add3A_393 = arith.constant 1 : i32
      %add3A_394 = arith.addi %mul3A_212, %add3A_393 : i32
      %get3A_395 = arith.index_cast %add3A_394 : i32 to index
      %get3A_396 = arith.constant 80 : index
      %get3A_397 = tpu.vector_load %arg8[%get3A_395, %get3A_396] {strides = array<i32>} : memref<128x128xf32, #tpu.memory_space<vmem>>, vector<1x16xf32>,
      %get3A_398 = vector.shape_cast %get3A_397 : vector<1x16xf32> to vector<16xf32>
      %mul3A_399 = arith.constant 11.3137083 : f32
      %mul3A_400 = vector.broadcast %mul3A_399 : f32 to vector<16xf32>
      %mul3A_401 = arith.mulf %get3A_398, %mul3A_400 : vector<16xf32>
      %swap3A_402 = arith.index_cast %add3A_394 : i32 to index
      %swap3A_403 = arith.constant 80 : index
      %swap3A_404 = tpu.vector_load %arg8[%swap3A_402, %swap3A_403] {strides = array<i32>} : memref<128x128xf32, #tpu.memory_space<vmem>>, vector<1x16xf32>,
      %swap3A_405 = vector.shape_cast %swap3A_404 : vector<1x16xf32> to vector<16xf32>
      %swap3A_406 = vector.shape_cast %mul3A_401 : vector<16xf32> to vector<1x16xf32>
      tpu.vector_store %arg8[%swap3A_402, %swap3A_403], %swap3A_406 {strides = array<i32>} : memref<128x128xf32, #tpu.memory_space<vmem>>, vector<1x16xf32>,
      %add3A_407 = arith.constant 1 : i32
      %add3A_408 = arith.addi %mul3A_212, %add3A_407 : i32
      %get3A_409 = arith.index_cast %add3A_408 : i32 to index
      %get3A_410 = arith.constant 96 : index
      %get3A_411 = tpu.vector_load %arg8[%get3A_409, %get3A_410] {strides = array<i32>} : memref<128x128xf32, #tpu.memory_space<vmem>>, vector<1x16xf32>,
      %get3A_412 = vector.shape_cast %get3A_411 : vector<1x16xf32> to vector<16xf32>
      %mul3A_413 = arith.constant 11.3137083 : f32
      %mul3A_414 = vector.broadcast %mul3A_413 : f32 to vector<16xf32>
      %mul3A_415 = arith.mulf %get3A_412, %mul3A_414 : vector<16xf32>
      %swap3A_416 = arith.index_cast %add3A_408 : i32 to index
      %swap3A_417 = arith.constant 96 : index
      %swap3A_418 = tpu.vector_load %arg8[%swap3A_416, %swap3A_417] {strides = array<i32>} : memref<128x128xf32, #tpu.memory_space<vmem>>, vector<1x16xf32>,
      %swap3A_419 = vector.shape_cast %swap3A_418 : vector<1x16xf32> to vector<16xf32>
      %swap3A_420 = vector.shape_cast %mul3A_415 : vector<16xf32> to vector<1x16xf32>
      tpu.vector_store %arg8[%swap3A_416, %swap3A_417], %swap3A_420 {strides = array<i32>} : memref<128x128xf32, #tpu.memory_space<vmem>>, vector<1x16xf32>,
      %add3A_421 = arith.constant 1 : i32
      %add3A_422 = arith.addi %mul3A_212, %add3A_421 : i32
      %get3A_423 = arith.index_cast %add3A_422 : i32 to index
      %get3A_424 = arith.constant 112 : index
      %get3A_425 = tpu.vector_load %arg8[%get3A_423, %get3A_424] {strides = array<i32>} : memref<128x128xf32, #tpu.memory_space<vmem>>, vector<1x16xf32>,
      %get3A_426 = vector.shape_cast %get3A_425 : vector<1x16xf32> to vector<16xf32>
      %mul3A_427 = arith.constant 11.3137083 : f32
      %mul3A_428 = vector.broadcast %mul3A_427 : f32 to vector<16xf32>
      %mul3A_429 = arith.mulf %get3A_426, %mul3A_428 : vector<16xf32>
      %swap3A_430 = arith.index_cast %add3A_422 : i32 to index
      %swap3A_431 = arith.constant 112 : index
      %swap3A_432 = tpu.vector_load %arg8[%swap3A_430, %swap3A_431] {strides = array<i32>} : memref<128x128xf32, #tpu.memory_space<vmem>>, vector<1x16xf32>,
      %swap3A_433 = vector.shape_cast %swap3A_432 : vector<1x16xf32> to vector<16xf32>
      %swap3A_434 = vector.shape_cast %mul3A_429 : vector<16xf32> to vector<1x16xf32>
      tpu.vector_store %arg8[%swap3A_430, %swap3A_431], %swap3A_434 {strides = array<i32>} : memref<128x128xf32, #tpu.memory_space<vmem>>, vector<1x16xf32>,
      %add3A_435 = arith.constant 2 : i32
      %add3A_436 = arith.addi %mul3A_212, %add3A_435 : i32
      %get3A_437 = arith.index_cast %add3A_436 : i32 to index
      %get3A_438 = arith.constant 0 : index
      %get3A_439 = tpu.vector_load %arg8[%get3A_437, %get3A_438] {strides = array<i32>} : memref<128x128xf32, #tpu.memory_space<vmem>>, vector<1x16xf32>,
      %get3A_440 = vector.shape_cast %get3A_439 : vector<1x16xf32> to vector<16xf32>
      %mul3A_441 = arith.constant 11.3137083 : f32
      %mul3A_442 = vector.broadcast %mul3A_441 : f32 to vector<16xf32>
      %mul3A_443 = arith.mulf %get3A_440, %mul3A_442 : vector<16xf32>
      %swap3A_444 = arith.index_cast %add3A_436 : i32 to index
      %swap3A_445 = arith.constant 0 : index
      %swap3A_446 = tpu.vector_load %arg8[%swap3A_444, %swap3A_445] {strides = array<i32>} : memref<128x128xf32, #tpu.memory_space<vmem>>, vector<1x16xf32>,
      %swap3A_447 = vector.shape_cast %swap3A_446 : vector<1x16xf32> to vector<16xf32>
      %swap3A_448 = vector.shape_cast %mul3A_443 : vector<16xf32> to vector<1x16xf32>
      tpu.vector_store %arg8[%swap3A_444, %swap3A_445], %swap3A_448 {strides = array<i32>} : memref<128x128xf32, #tpu.memory_space<vmem>>, vector<1x16xf32>,
      %add3A_449 = arith.constant 2 : i32
      %add3A_450 = arith.addi %mul3A_212, %add3A_449 : i32
      %get3A_451 = arith.index_cast %add3A_450 : i32 to index
      %get3A_452 = arith.constant 16 : index
      %get3A_453 = tpu.vector_load %arg8[%get3A_451, %get3A_452] {strides = array<i32>} : memref<128x128xf32, #tpu.memory_space<vmem>>, vector<1x16xf32>,
      %get3A_454 = vector.shape_cast %get3A_453 : vector<1x16xf32> to vector<16xf32>
      %mul3A_455 = arith.constant 11.3137083 : f32
      %mul3A_456 = vector.broadcast %mul3A_455 : f32 to vector<16xf32>
      %mul3A_457 = arith.mulf %get3A_454, %mul3A_456 : vector<16xf32>
      %swap3A_458 = arith.index_cast %add3A_450 : i32 to index
      %swap3A_459 = arith.constant 16 : index
      %swap3A_460 = tpu.vector_load %arg8[%swap3A_458, %swap3A_459] {strides = array<i32>} : memref<128x128xf32, #tpu.memory_space<vmem>>, vector<1x16xf32>,
      %swap3A_461 = vector.shape_cast %swap3A_460 : vector<1x16xf32> to vector<16xf32>
      %swap3A_462 = vector.shape_cast %mul3A_457 : vector<16xf32> to vector<1x16xf32>
      tpu.vector_store %arg8[%swap3A_458, %swap3A_459], %swap3A_462 {strides = array<i32>} : memref<128x128xf32, #tpu.memory_space<vmem>>, vector<1x16xf32>,
      %add3A_463 = arith.constant 2 : i32
      %add3A_464 = arith.addi %mul3A_212, %add3A_463 : i32
      %get3A_465 = arith.index_cast %add3A_464 : i32 to index
      %get3A_466 = arith.constant 32 : index
      %get3A_467 = tpu.vector_load %arg8[%get3A_465, %get3A_466] {strides = array<i32>} : memref<128x128xf32, #tpu.memory_space<vmem>>, vector<1x16xf32>,
      %get3A_468 = vector.shape_cast %get3A_467 : vector<1x16xf32> to vector<16xf32>
      %mul3A_469 = arith.constant 11.3137083 : f32
      %mul3A_470 = vector.broadcast %mul3A_469 : f32 to vector<16xf32>
      %mul3A_471 = arith.mulf %get3A_468, %mul3A_470 : vector<16xf32>
      %swap3A_472 = arith.index_cast %add3A_464 : i32 to index
      %swap3A_473 = arith.constant 32 : index
      %swap3A_474 = tpu.vector_load %arg8[%swap3A_472, %swap3A_473] {strides = array<i32>} : memref<128x128xf32, #tpu.memory_space<vmem>>, vector<1x16xf32>,
      %swap3A_475 = vector.shape_cast %swap3A_474 : vector<1x16xf32> to vector<16xf32>
      %swap3A_476 = vector.shape_cast %mul3A_471 : vector<16xf32> to vector<1x16xf32>
      tpu.vector_store %arg8[%swap3A_472, %swap3A_473], %swap3A_476 {strides = array<i32>} : memref<128x128xf32, #tpu.memory_space<vmem>>, vector<1x16xf32>,
      %add3A_477 = arith.constant 2 : i32
      %add3A_478 = arith.addi %mul3A_212, %add3A_477 : i32
      %get3A_479 = arith.index_cast %add3A_478 : i32 to index
      %get3A_480 = arith.constant 48 : index
      %get3A_481 = tpu.vector_load %arg8[%get3A_479, %get3A_480] {strides = array<i32>} : memref<128x128xf32, #tpu.memory_space<vmem>>, vector<1x16xf32>,
      %get3A_482 = vector.shape_cast %get3A_481 : vector<1x16xf32> to vector<16xf32>
      %mul3A_483 = arith.constant 11.3137083 : f32
      %mul3A_484 = vector.broadcast %mul3A_483 : f32 to vector<16xf32>
      %mul3A_485 = arith.mulf %get3A_482, %mul3A_484 : vector<16xf32>
      %swap3A_486 = arith.index_cast %add3A_478 : i32 to index
      %swap3A_487 = arith.constant 48 : index
      %swap3A_488 = tpu.vector_load %arg8[%swap3A_486, %swap3A_487] {strides = array<i32>} : memref<128x128xf32, #tpu.memory_space<vmem>>, vector<1x16xf32>,
      %swap3A_489 = vector.shape_cast %swap3A_488 : vector<1x16xf32> to vector<16xf32>
      %swap3A_490 = vector.shape_cast %mul3A_485 : vector<16xf32> to vector<1x16xf32>
      tpu.vector_store %arg8[%swap3A_486, %swap3A_487], %swap3A_490 {strides = array<i32>} : memref<128x128xf32, #tpu.memory_space<vmem>>, vector<1x16xf32>,
      %add3A_491 = arith.constant 2 : i32
      %add3A_492 = arith.addi %mul3A_212, %add3A_491 : i32
      %get3A_493 = arith.index_cast %add3A_492 : i32 to index
      %get3A_494 = arith.constant 64 : index
      %get3A_495 = tpu.vector_load %arg8[%get3A_493, %get3A_494] {strides = array<i32>} : memref<128x128xf32, #tpu.memory_space<vmem>>, vector<1x16xf32>,
      %get3A_496 = vector.shape_cast %get3A_495 : vector<1x16xf32> to vector<16xf32>
      %mul3A_497 = arith.constant 11.3137083 : f32
      %mul3A_498 = vector.broadcast %mul3A_497 : f32 to vector<16xf32>
      %mul3A_499 = arith.mulf %get3A_496, %mul3A_498 : vector<16xf32>
      %swap3A_500 = arith.index_cast %add3A_492 : i32 to index
      %swap3A_501 = arith.constant 64 : index
      %swap3A_502 = tpu.vector_load %arg8[%swap3A_500, %swap3A_501] {strides = array<i32>} : memref<128x128xf32, #tpu.memory_space<vmem>>, vector<1x16xf32>,
      %swap3A_503 = vector.shape_cast %swap3A_502 : vector<1x16xf32> to vector<16xf32>
      %swap3A_504 = vector.shape_cast %mul3A_499 : vector<16xf32> to vector<1x16xf32>
      tpu.vector_store %arg8[%swap3A_500, %swap3A_501], %swap3A_504 {strides = array<i32>} : memref<128x128xf32, #tpu.memory_space<vmem>>, vector<1x16xf32>,
      %add3A_505 = arith.constant 2 : i32
      %add3A_506 = arith.addi %mul3A_212, %add3A_505 : i32
      %get3A_507 = arith.index_cast %add3A_506 : i32 to index
      %get3A_508 = arith.constant 80 : index
      %get3A_509 = tpu.vector_load %arg8[%get3A_507, %get3A_508] {strides = array<i32>} : memref<128x128xf32, #tpu.memory_space<vmem>>, vector<1x16xf32>,
      %get3A_510 = vector.shape_cast %get3A_509 : vector<1x16xf32> to vector<16xf32>
      %mul3A_511 = arith.constant 11.3137083 : f32
      %mul3A_512 = vector.broadcast %mul3A_511 : f32 to vector<16xf32>
      %mul3A_513 = arith.mulf %get3A_510, %mul3A_512 : vector<16xf32>
      %swap3A_514 = arith.index_cast %add3A_506 : i32 to index
      %swap3A_515 = arith.constant 80 : index
      %swap3A_516 = tpu.vector_load %arg8[%swap3A_514, %swap3A_515] {strides = array<i32>} : memref<128x128xf32, #tpu.memory_space<vmem>>, vector<1x16xf32>,
      %swap3A_517 = vector.shape_cast %swap3A_516 : vector<1x16xf32> to vector<16xf32>
      %swap3A_518 = vector.shape_cast %mul3A_513 : vector<16xf32> to vector<1x16xf32>
      tpu.vector_store %arg8[%swap3A_514, %swap3A_515], %swap3A_518 {strides = array<i32>} : memref<128x128xf32, #tpu.memory_space<vmem>>, vector<1x16xf32>,
      %add3A_519 = arith.constant 2 : i32
      %add3A_520 = arith.addi %mul3A_212, %add3A_519 : i32
      %get3A_521 = arith.index_cast %add3A_520 : i32 to index
      %get3A_522 = arith.constant 96 : index
      %get3A_523 = tpu.vector_load %arg8[%get3A_521, %get3A_522] {strides = array<i32>} : memref<128x128xf32, #tpu.memory_space<vmem>>, vector<1x16xf32>,
      %get3A_524 = vector.shape_cast %get3A_523 : vector<1x16xf32> to vector<16xf32>
      %mul3A_525 = arith.constant 11.3137083 : f32
      %mul3A_526 = vector.broadcast %mul3A_525 : f32 to vector<16xf32>
      %mul3A_527 = arith.mulf %get3A_524, %mul3A_526 : vector<16xf32>
      %swap3A_528 = arith.index_cast %add3A_520 : i32 to index
      %swap3A_529 = arith.constant 96 : index
      %swap3A_530 = tpu.vector_load %arg8[%swap3A_528, %swap3A_529] {strides = array<i32>} : memref<128x128xf32, #tpu.memory_space<vmem>>, vector<1x16xf32>,
      %swap3A_531 = vector.shape_cast %swap3A_530 : vector<1x16xf32> to vector<16xf32>
      %swap3A_532 = vector.shape_cast %mul3A_527 : vector<16xf32> to vector<1x16xf32>
      tpu.vector_store %arg8[%swap3A_528, %swap3A_529], %swap3A_532 {strides = array<i32>} : memref<128x128xf32, #tpu.memory_space<vmem>>, vector<1x16xf32>,
      %add3A_533 = arith.constant 2 : i32
      %add3A_534 = arith.addi %mul3A_212, %add3A_533 : i32
      %get3A_535 = arith.index_cast %add3A_534 : i32 to index
      %get3A_536 = arith.constant 112 : index
      %get3A_537 = tpu.vector_load %arg8[%get3A_535, %get3A_536] {strides = array<i32>} : memref<128x128xf32, #tpu.memory_space<vmem>>, vector<1x16xf32>,
      %get3A_538 = vector.shape_cast %get3A_537 : vector<1x16xf32> to vector<16xf32>
      %mul3A_539 = arith.constant 11.3137083 : f32
      %mul3A_540 = vector.broadcast %mul3A_539 : f32 to vector<16xf32>
      %mul3A_541 = arith.mulf %get3A_538, %mul3A_540 : vector<16xf32>
      %swap3A_542 = arith.index_cast %add3A_534 : i32 to index
      %swap3A_543 = arith.constant 112 : index
      %swap3A_544 = tpu.vector_load %arg8[%swap3A_542, %swap3A_543] {strides = array<i32>} : memref<128x128xf32, #tpu.memory_space<vmem>>, vector<1x16xf32>,
      %swap3A_545 = vector.shape_cast %swap3A_544 : vector<1x16xf32> to vector<16xf32>
      %swap3A_546 = vector.shape_cast %mul3A_541 : vector<16xf32> to vector<1x16xf32>
      tpu.vector_store %arg8[%swap3A_542, %swap3A_543], %swap3A_546 {strides = array<i32>} : memref<128x128xf32, #tpu.memory_space<vmem>>, vector<1x16xf32>,
      %add3A_547 = arith.constant 3 : i32
      %add3A_548 = arith.addi %mul3A_212, %add3A_547 : i32
      %get3A_549 = arith.index_cast %add3A_548 : i32 to index
      %get3A_550 = arith.constant 0 : index
      %get3A_551 = tpu.vector_load %arg8[%get3A_549, %get3A_550] {strides = array<i32>} : memref<128x128xf32, #tpu.memory_space<vmem>>, vector<1x16xf32>,
      %get3A_552 = vector.shape_cast %get3A_551 : vector<1x16xf32> to vector<16xf32>
      %mul3A_553 = arith.constant 11.3137083 : f32
      %mul3A_554 = vector.broadcast %mul3A_553 : f32 to vector<16xf32>
      %mul3A_555 = arith.mulf %get3A_552, %mul3A_554 : vector<16xf32>
      %swap3A_556 = arith.index_cast %add3A_548 : i32 to index
      %swap3A_557 = arith.constant 0 : index
      %swap3A_558 = tpu.vector_load %arg8[%swap3A_556, %swap3A_557] {strides = array<i32>} : memref<128x128xf32, #tpu.memory_space<vmem>>, vector<1x16xf32>,
      %swap3A_559 = vector.shape_cast %swap3A_558 : vector<1x16xf32> to vector<16xf32>
      %swap3A_560 = vector.shape_cast %mul3A_555 : vector<16xf32> to vector<1x16xf32>
      tpu.vector_store %arg8[%swap3A_556, %swap3A_557], %swap3A_560 {strides = array<i32>} : memref<128x128xf32, #tpu.memory_space<vmem>>, vector<1x16xf32>,
      %add3A_561 = arith.constant 3 : i32
      %add3A_562 = arith.addi %mul3A_212, %add3A_561 : i32
      %get3A_563 = arith.index_cast %add3A_562 : i32 to index
      %get3A_564 = arith.constant 16 : index
      %get3A_565 = tpu.vector_load %arg8[%get3A_563, %get3A_564] {strides = array<i32>} : memref<128x128xf32, #tpu.memory_space<vmem>>, vector<1x16xf32>,
      %get3A_566 = vector.shape_cast %get3A_565 : vector<1x16xf32> to vector<16xf32>
      %mul3A_567 = arith.constant 11.3137083 : f32
      %mul3A_568 = vector.broadcast %mul3A_567 : f32 to vector<16xf32>
      %mul3A_569 = arith.mulf %get3A_566, %mul3A_568 : vector<16xf32>
      %swap3A_570 = arith.index_cast %add3A_562 : i32 to index
      %swap3A_571 = arith.constant 16 : index
      %swap3A_572 = tpu.vector_load %arg8[%swap3A_570, %swap3A_571] {strides = array<i32>} : memref<128x128xf32, #tpu.memory_space<vmem>>, vector<1x16xf32>,
      %swap3A_573 = vector.shape_cast %swap3A_572 : vector<1x16xf32> to vector<16xf32>
      %swap3A_574 = vector.shape_cast %mul3A_569 : vector<16xf32> to vector<1x16xf32>
      tpu.vector_store %arg8[%swap3A_570, %swap3A_571], %swap3A_574 {strides = array<i32>} : memref<128x128xf32, #tpu.memory_space<vmem>>, vector<1x16xf32>,
      %add3A_575 = arith.constant 3 : i32
      %add3A_576 = arith.addi %mul3A_212, %add3A_575 : i32
      %get3A_577 = arith.index_cast %add3A_576 : i32 to index
      %get3A_578 = arith.constant 32 : index
      %get3A_579 = tpu.vector_load %arg8[%get3A_577, %get3A_578] {strides = array<i32>} : memref<128x128xf32, #tpu.memory_space<vmem>>, vector<1x16xf32>,
      %get3A_580 = vector.shape_cast %get3A_579 : vector<1x16xf32> to vector<16xf32>
      %mul3A_581 = arith.constant 11.3137083 : f32
      %mul3A_582 = vector.broadcast %mul3A_581 : f32 to vector<16xf32>
      %mul3A_583 = arith.mulf %get3A_580, %mul3A_582 : vector<16xf32>
      %swap3A_584 = arith.index_cast %add3A_576 : i32 to index
      %swap3A_585 = arith.constant 32 : index
      %swap3A_586 = tpu.vector_load %arg8[%swap3A_584, %swap3A_585] {strides = array<i32>} : memref<128x128xf32, #tpu.memory_space<vmem>>, vector<1x16xf32>,
      %swap3A_587 = vector.shape_cast %swap3A_586 : vector<1x16xf32> to vector<16xf32>
      %swap3A_588 = vector.shape_cast %mul3A_583 : vector<16xf32> to vector<1x16xf32>
      tpu.vector_store %arg8[%swap3A_584, %swap3A_585], %swap3A_588 {strides = array<i32>} : memref<128x128xf32, #tpu.memory_space<vmem>>, vector<1x16xf32>,
      %add3A_589 = arith.constant 3 : i32
      %add3A_590 = arith.addi %mul3A_212, %add3A_589 : i32
      %get3A_591 = arith.index_cast %add3A_590 : i32 to index
      %get3A_592 = arith.constant 48 : index
      %get3A_593 = tpu.vector_load %arg8[%get3A_591, %get3A_592] {strides = array<i32>} : memref<128x128xf32, #tpu.memory_space<vmem>>, vector<1x16xf32>,
      %get3A_594 = vector.shape_cast %get3A_593 : vector<1x16xf32> to vector<16xf32>
      %mul3A_595 = arith.constant 11.3137083 : f32
      %mul3A_596 = vector.broadcast %mul3A_595 : f32 to vector<16xf32>
      %mul3A_597 = arith.mulf %get3A_594, %mul3A_596 : vector<16xf32>
      %swap3A_598 = arith.index_cast %add3A_590 : i32 to index
      %swap3A_599 = arith.constant 48 : index
      %swap3A_600 = tpu.vector_load %arg8[%swap3A_598, %swap3A_599] {strides = array<i32>} : memref<128x128xf32, #tpu.memory_space<vmem>>, vector<1x16xf32>,
      %swap3A_601 = vector.shape_cast %swap3A_600 : vector<1x16xf32> to vector<16xf32>
      %swap3A_602 = vector.shape_cast %mul3A_597 : vector<16xf32> to vector<1x16xf32>
      tpu.vector_store %arg8[%swap3A_598, %swap3A_599], %swap3A_602 {strides = array<i32>} : memref<128x128xf32, #tpu.memory_space<vmem>>, vector<1x16xf32>,
      %add3A_603 = arith.constant 3 : i32
      %add3A_604 = arith.addi %mul3A_212, %add3A_603 : i32
      %get3A_605 = arith.index_cast %add3A_604 : i32 to index
      %get3A_606 = arith.constant 64 : index
      %get3A_607 = tpu.vector_load %arg8[%get3A_605, %get3A_606] {strides = array<i32>} : memref<128x128xf32, #tpu.memory_space<vmem>>, vector<1x16xf32>,
      %get3A_608 = vector.shape_cast %get3A_607 : vector<1x16xf32> to vector<16xf32>
      %mul3A_609 = arith.constant 11.3137083 : f32
      %mul3A_610 = vector.broadcast %mul3A_609 : f32 to vector<16xf32>
      %mul3A_611 = arith.mulf %get3A_608, %mul3A_610 : vector<16xf32>
      %swap3A_612 = arith.index_cast %add3A_604 : i32 to index
      %swap3A_613 = arith.constant 64 : index
      %swap3A_614 = tpu.vector_load %arg8[%swap3A_612, %swap3A_613] {strides = array<i32>} : memref<128x128xf32, #tpu.memory_space<vmem>>, vector<1x16xf32>,
      %swap3A_615 = vector.shape_cast %swap3A_614 : vector<1x16xf32> to vector<16xf32>
      %swap3A_616 = vector.shape_cast %mul3A_611 : vector<16xf32> to vector<1x16xf32>
      tpu.vector_store %arg8[%swap3A_612, %swap3A_613], %swap3A_616 {strides = array<i32>} : memref<128x128xf32, #tpu.memory_space<vmem>>, vector<1x16xf32>,
      %add3A_617 = arith.constant 3 : i32
      %add3A_618 = arith.addi %mul3A_212, %add3A_617 : i32
      %get3A_619 = arith.index_cast %add3A_618 : i32 to index
      %get3A_620 = arith.constant 80 : index
      %get3A_621 = tpu.vector_load %arg8[%get3A_619, %get3A_620] {strides = array<i32>} : memref<128x128xf32, #tpu.memory_space<vmem>>, vector<1x16xf32>,
      %get3A_622 = vector.shape_cast %get3A_621 : vector<1x16xf32> to vector<16xf32>
      %mul3A_623 = arith.constant 11.3137083 : f32
      %mul3A_624 = vector.broadcast %mul3A_623 : f32 to vector<16xf32>
      %mul3A_625 = arith.mulf %get3A_622, %mul3A_624 : vector<16xf32>
      %swap3A_626 = arith.index_cast %add3A_618 : i32 to index
      %swap3A_627 = arith.constant 80 : index
      %swap3A_628 = tpu.vector_load %arg8[%swap3A_626, %swap3A_627] {strides = array<i32>} : memref<128x128xf32, #tpu.memory_space<vmem>>, vector<1x16xf32>,
      %swap3A_629 = vector.shape_cast %swap3A_628 : vector<1x16xf32> to vector<16xf32>
      %swap3A_630 = vector.shape_cast %mul3A_625 : vector<16xf32> to vector<1x16xf32>
      tpu.vector_store %arg8[%swap3A_626, %swap3A_627], %swap3A_630 {strides = array<i32>} : memref<128x128xf32, #tpu.memory_space<vmem>>, vector<1x16xf32>,
      %add3A_631 = arith.constant 3 : i32
      %add3A_632 = arith.addi %mul3A_212, %add3A_631 : i32
      %get3A_633 = arith.index_cast %add3A_632 : i32 to index
      %get3A_634 = arith.constant 96 : index
      %get3A_635 = tpu.vector_load %arg8[%get3A_633, %get3A_634] {strides = array<i32>} : memref<128x128xf32, #tpu.memory_space<vmem>>, vector<1x16xf32>,
      %get3A_636 = vector.shape_cast %get3A_635 : vector<1x16xf32> to vector<16xf32>
      %mul3A_637 = arith.constant 11.3137083 : f32
      %mul3A_638 = vector.broadcast %mul3A_637 : f32 to vector<16xf32>
      %mul3A_639 = arith.mulf %get3A_636, %mul3A_638 : vector<16xf32>
      %swap3A_640 = arith.index_cast %add3A_632 : i32 to index
      %swap3A_641 = arith.constant 96 : index
      %swap3A_642 = tpu.vector_load %arg8[%swap3A_640, %swap3A_641] {strides = array<i32>} : memref<128x128xf32, #tpu.memory_space<vmem>>, vector<1x16xf32>,
      %swap3A_643 = vector.shape_cast %swap3A_642 : vector<1x16xf32> to vector<16xf32>
      %swap3A_644 = vector.shape_cast %mul3A_639 : vector<16xf32> to vector<1x16xf32>
      tpu.vector_store %arg8[%swap3A_640, %swap3A_641], %swap3A_644 {strides = array<i32>} : memref<128x128xf32, #tpu.memory_space<vmem>>, vector<1x16xf32>,
      %add3A_645 = arith.constant 3 : i32
      %add3A_646 = arith.addi %mul3A_212, %add3A_645 : i32
      %get3A_647 = arith.index_cast %add3A_646 : i32 to index
      %get3A_648 = arith.constant 112 : index
      %get3A_649 = tpu.vector_load %arg8[%get3A_647, %get3A_648] {strides = array<i32>} : memref<128x128xf32, #tpu.memory_space<vmem>>, vector<1x16xf32>,
      %get3A_650 = vector.shape_cast %get3A_649 : vector<1x16xf32> to vector<16xf32>
      %mul3A_651 = arith.constant 11.3137083 : f32
      %mul3A_652 = vector.broadcast %mul3A_651 : f32 to vector<16xf32>
      %mul3A_653 = arith.mulf %get3A_650, %mul3A_652 : vector<16xf32>
      %swap3A_654 = arith.index_cast %add3A_646 : i32 to index
      %swap3A_655 = arith.constant 112 : index
      %swap3A_656 = tpu.vector_load %arg8[%swap3A_654, %swap3A_655] {strides = array<i32>} : memref<128x128xf32, #tpu.memory_space<vmem>>, vector<1x16xf32>,
      %swap3A_657 = vector.shape_cast %swap3A_656 : vector<1x16xf32> to vector<16xf32>
      %swap3A_658 = vector.shape_cast %mul3A_653 : vector<16xf32> to vector<1x16xf32>
      tpu.vector_store %arg8[%swap3A_654, %swap3A_655], %swap3A_658 {strides = array<i32>} : memref<128x128xf32, #tpu.memory_space<vmem>>, vector<1x16xf32>,
    }
    %scan3A_126 = arith.constant 32 : i32
    %add3A_127 = arith.constant 8192 : i32
    %add3A_128 = arith.addi %add3A_127, %mul3A_2 : i32
    %dma_start3A_129 = arith.constant 2 : i32
    %dma_start3A_130 = arith.constant 0 : i32
    %dma_start3A_131 = tpu.memref_slice %arg4[%add3A_128, %dma_start3A_130] : memref<204800x128xf32, #tpu.memory_space<hbm>> -> memref<128x128xf32, #tpu.memory_space<hbm>>
    %dma_start3A_132 = tpu.memref_slice %arg10[%dma_start3A_129] : memref<3x!tpu.dma_semaphore, #tpu.memory_space<semaphore_mem>> -> memref<1x!tpu.dma_semaphore, #tpu.memory_space<semaphore_mem>>
    %dma_start3A_133 = tpu.memref_squeeze %dma_start3A_132 : memref<1x!tpu.dma_semaphore, #tpu.memory_space<semaphore_mem>> -> memref<!tpu.dma_semaphore, #tpu.memory_space<semaphore_mem>>
    %dma_start3A_134 = arith.constant 0 : i32
    %dma_start3A_135 = tpu.memref_slice %arg4[%add3A_128, %dma_start3A_134] : memref<204800x128xf32, #tpu.memory_space<hbm>> -> memref<128x128xf32, #tpu.memory_space<hbm>>
    tpu.enqueue_dma source(%arg8 : memref<128x128xf32, #tpu.memory_space<vmem>>) target(%dma_start3A_135 : memref<128x128xf32, #tpu.memory_space<hbm>>) target_semaphore(%dma_start3A_133 : memref<!tpu.dma_semaphore, #tpu.memory_space<semaphore_mem>>)
    %scan3A_136 = arith.constant 0 : i32
    %scan3A_137 = arith.constant 15 : i32
    %scan3A_138 = arith.addi %scan3A_136, %scan3A_137 : i32
    %scan3A_139 = arith.constant 1 : i32
    scf.for %scan3A_210 = %scan3A_136 to %scan3A_138 step %scan3A_139  : i32 {
      %mul3A_211 = arith.constant 1 : i32
      %mul3A_212 = arith.muli %scan3A_210, %mul3A_211 : i32
      %add3A_213 = arith.constant 1 : i32
      %add3A_214 = arith.addi %add3A_213, %mul3A_212 : i32
      %mul3A_215 = arith.constant 3 : i32
      %mul3A_216 = arith.muli %add3A_214, %mul3A_215 : i32
      %add3A_217 = arith.constant 0 : i32
      %add3A_218 = arith.addi %mul3A_216, %add3A_217 : i32
      %dma_wait3A_219 = arith.constant 2 : i32
      %dma_wait3A_220 = arith.constant 0 : i32
      %dma_wait3A_221 = tpu.memref_slice %arg4[%mul3A_2, %dma_wait3A_220] : memref<204800x128xf32, #tpu.memory_space<hbm>> -> memref<128x128xf32, #tpu.memory_space<hbm>>
      %dma_wait3A_222 = tpu.memref_slice %arg10[%dma_wait3A_219] : memref<3x!tpu.dma_semaphore, #tpu.memory_space<semaphore_mem>> -> memref<1x!tpu.dma_semaphore, #tpu.memory_space<semaphore_mem>>
      %dma_wait3A_223 = tpu.memref_squeeze %dma_wait3A_222 : memref<1x!tpu.dma_semaphore, #tpu.memory_space<semaphore_mem>> -> memref<!tpu.dma_semaphore, #tpu.memory_space<semaphore_mem>>
      %dma_wait3A_224 = arith.constant 0 : i32
      %dma_wait3A_225 = tpu.memref_slice %arg4[%mul3A_2, %dma_wait3A_224] : memref<204800x128xf32, #tpu.memory_space<hbm>> -> memref<128x128xf32, #tpu.memory_space<hbm>>
      tpu.wait_dma2 semaphore(%dma_wait3A_223 : memref<!tpu.dma_semaphore, #tpu.memory_space<semaphore_mem>>) src(%arg8 : memref<128x128xf32, #tpu.memory_space<vmem>>) dst(%dma_wait3A_225 : memref<128x128xf32, #tpu.memory_space<hbm>>)
      %add3A_226 = arith.constant 2 : i32
      %add3A_227 = arith.addi %add3A_218, %add3A_226 : i32
      %dma_start3A_228 = arith.constant 2 : i32
      %dma_start3A_229 = arith.constant 0 : i32
      %dma_start3A_230 = tpu.memref_slice %arg5[%add3A_227, %dma_start3A_229] : memref<50x128xi32, #tpu.memory_space<vmem>> -> memref<1x128xi32, #tpu.memory_space<vmem>>
      %dma_start3A_231 = tpu.memref_squeeze %dma_start3A_230 : memref<1x128xi32, #tpu.memory_space<vmem>> -> memref<128xi32, #tpu.memory_space<vmem>>
      %dma_start3A_232 = arith.constant 0 : i32
      %dma_start3A_233 = arith.constant 0 : i32
      %dma_start3A_234 = tpu.memref_slice %arg3[%dma_start3A_232, %dma_start3A_233] : memref<100000x128xf32, #tpu.memory_space<hbm>> -> memref<100000x128xf32, #tpu.memory_space<hbm>>
      %dma_start3A_235 = tpu.memref_slice %arg9[%dma_start3A_228] : memref<3x!tpu.dma_semaphore, #tpu.memory_space<semaphore_mem>> -> memref<1x!tpu.dma_semaphore, #tpu.memory_space<semaphore_mem>>
      %dma_start3A_236 = tpu.memref_squeeze %dma_start3A_235 : memref<1x!tpu.dma_semaphore, #tpu.memory_space<semaphore_mem>> -> memref<!tpu.dma_semaphore, #tpu.memory_space<semaphore_mem>>
      tpu.enqueue_indirect_dma source(%dma_start3A_234 : memref<100000x128xf32, #tpu.memory_space<hbm>>) target(%arg8 : memref<128x128xf32, #tpu.memory_space<vmem>>) offsets(%dma_start3A_231 : memref<128xi32, #tpu.memory_space<vmem>>) semaphore(%dma_start3A_236 : memref<!tpu.dma_semaphore, #tpu.memory_space<semaphore_mem>>)
      %dma_wait3A_237 = arith.constant 0 : i32
      %dma_wait3A_238 = arith.constant 0 : i32
      %dma_wait3A_239 = arith.constant 0 : i32
      %dma_wait3A_240 = tpu.memref_slice %arg5[%dma_wait3A_237, %dma_wait3A_239] : memref<50x128xi32, #tpu.memory_space<vmem>> -> memref<1x128xi32, #tpu.memory_space<vmem>>
      %dma_wait3A_241 = tpu.memref_squeeze %dma_wait3A_240 : memref<1x128xi32, #tpu.memory_space<vmem>> -> memref<128xi32, #tpu.memory_space<vmem>>
      %dma_wait3A_242 = arith.constant 0 : i32
      %dma_wait3A_243 = arith.constant 0 : i32
      %dma_wait3A_244 = tpu.memref_slice %arg3[%dma_wait3A_242, %dma_wait3A_243] : memref<100000x128xf32, #tpu.memory_space<hbm>> -> memref<100000x128xf32, #tpu.memory_space<hbm>>
      %dma_wait3A_245 = tpu.memref_slice %arg9[%dma_wait3A_238] : memref<3x!tpu.dma_semaphore, #tpu.memory_space<semaphore_mem>> -> memref<1x!tpu.dma_semaphore, #tpu.memory_space<semaphore_mem>>
      %dma_wait3A_246 = tpu.memref_squeeze %dma_wait3A_245 : memref<1x!tpu.dma_semaphore, #tpu.memory_space<semaphore_mem>> -> memref<!tpu.dma_semaphore, #tpu.memory_space<semaphore_mem>>
      tpu.wait_indirect_dma semaphore(%dma_wait3A_246 : memref<!tpu.dma_semaphore, #tpu.memory_space<semaphore_mem>>) src(%dma_wait3A_244 : memref<100000x128xf32, #tpu.memory_space<hbm>>) dst(%arg6 : memref<128x128xf32, #tpu.memory_space<vmem>>)
      %scan3A_247 = arith.constant 0 : i32
      %scan3A_248 = arith.constant 32 : i32
      %scan3A_249 = arith.addi %scan3A_247, %scan3A_248 : i32
      %scan3A_250 = arith.constant 1 : i32
      scf.for %scan3A_352 = %scan3A_247 to %scan3A_249 step %scan3A_250  : i32 {
        %mul3A_353 = arith.constant 4 : i32
        %mul3A_354 = arith.muli %scan3A_352, %mul3A_353 : i32
        %add3A_355 = arith.constant 0 : i32
        %add3A_356 = arith.addi %mul3A_354, %add3A_355 : i32
        %get3A = arith.index_cast %add3A_356 : i32 to index
        %get3A_357 = arith.constant 0 : index
        %get3A_358 = tpu.vector_load %arg6[%get3A, %get3A_357] {strides = array<i32>} : memref<128x128xf32, #tpu.memory_space<vmem>>, vector<1x16xf32>,
        %get3A_359 = vector.shape_cast %get3A_358 : vector<1x16xf32> to vector<16xf32>
        %mul3A_360 = arith.constant 11.3137083 : f32
        %mul3A_361 = vector.broadcast %mul3A_360 : f32 to vector<16xf32>
        %mul3A_362 = arith.mulf %get3A_359, %mul3A_361 : vector<16xf32>
        %swap3A = arith.index_cast %add3A_356 : i32 to index
        %swap3A_363 = arith.constant 0 : index
        %swap3A_364 = tpu.vector_load %arg6[%swap3A, %swap3A_363] {strides = array<i32>} : memref<128x128xf32, #tpu.memory_space<vmem>>, vector<1x16xf32>,
        %swap3A_365 = vector.shape_cast %swap3A_364 : vector<1x16xf32> to vector<16xf32>
        %swap3A_366 = vector.shape_cast %mul3A_362 : vector<16xf32> to vector<1x16xf32>
        tpu.vector_store %arg6[%swap3A, %swap3A_363], %swap3A_366 {strides = array<i32>} : memref<128x128xf32, #tpu.memory_space<vmem>>, vector<1x16xf32>,
        %add3A_367 = arith.constant 0 : i32
        %add3A_368 = arith.addi %mul3A_354, %add3A_367 : i32
        %get3A_369 = arith.index_cast %add3A_368 : i32 to index
        %get3A_370 = arith.constant 16 : index
        %get3A_371 = tpu.vector_load %arg6[%get3A_369, %get3A_370] {strides = array<i32>} : memref<128x128xf32, #tpu.memory_space<vmem>>, vector<1x16xf32>,
        %get3A_372 = vector.shape_cast %get3A_371 : vector<1x16xf32> to vector<16xf32>
        %mul3A_373 = arith.constant 11.3137083 : f32
        %mul3A_374 = vector.broadcast %mul3A_373 : f32 to vector<16xf32>
        %mul3A_375 = arith.mulf %get3A_372, %mul3A_374 : vector<16xf32>
        %swap3A_376 = arith.index_cast %add3A_368 : i32 to index
        %swap3A_377 = arith.constant 16 : index
        %swap3A_378 = tpu.vector_load %arg6[%swap3A_376, %swap3A_377] {strides = array<i32>} : memref<128x128xf32, #tpu.memory_space<vmem>>, vector<1x16xf32>,
        %swap3A_379 = vector.shape_cast %swap3A_378 : vector<1x16xf32> to vector<16xf32>
        %swap3A_380 = vector.shape_cast %mul3A_375 : vector<16xf32> to vector<1x16xf32>
        tpu.vector_store %arg6[%swap3A_376, %swap3A_377], %swap3A_380 {strides = array<i32>} : memref<128x128xf32, #tpu.memory_space<vmem>>, vector<1x16xf32>,
        %add3A_381 = arith.constant 0 : i32
        %add3A_382 = arith.addi %mul3A_354, %add3A_381 : i32
        %get3A_383 = arith.index_cast %add3A_382 : i32 to index
        %get3A_384 = arith.constant 32 : index
        %get3A_385 = tpu.vector_load %arg6[%get3A_383, %get3A_384] {strides = array<i32>} : memref<128x128xf32, #tpu.memory_space<vmem>>, vector<1x16xf32>,
        %get3A_386 = vector.shape_cast %get3A_385 : vector<1x16xf32> to vector<16xf32>
        %mul3A_387 = arith.constant 11.3137083 : f32
        %mul3A_388 = vector.broadcast %mul3A_387 : f32 to vector<16xf32>
        %mul3A_389 = arith.mulf %get3A_386, %mul3A_388 : vector<16xf32>
        %swap3A_390 = arith.index_cast %add3A_382 : i32 to index
        %swap3A_391 = arith.constant 32 : index
        %swap3A_392 = tpu.vector_load %arg6[%swap3A_390, %swap3A_391] {strides = array<i32>} : memref<128x128xf32, #tpu.memory_space<vmem>>, vector<1x16xf32>,
        %swap3A_393 = vector.shape_cast %swap3A_392 : vector<1x16xf32> to vector<16xf32>
        %swap3A_394 = vector.shape_cast %mul3A_389 : vector<16xf32> to vector<1x16xf32>
        tpu.vector_store %arg6[%swap3A_390, %swap3A_391], %swap3A_394 {strides = array<i32>} : memref<128x128xf32, #tpu.memory_space<vmem>>, vector<1x16xf32>,
        %add3A_395 = arith.constant 0 : i32
        %add3A_396 = arith.addi %mul3A_354, %add3A_395 : i32
        %get3A_397 = arith.index_cast %add3A_396 : i32 to index
        %get3A_398 = arith.constant 48 : index
        %get3A_399 = tpu.vector_load %arg6[%get3A_397, %get3A_398] {strides = array<i32>} : memref<128x128xf32, #tpu.memory_space<vmem>>, vector<1x16xf32>,
        %get3A_400 = vector.shape_cast %get3A_399 : vector<1x16xf32> to vector<16xf32>
        %mul3A_401 = arith.constant 11.3137083 : f32
        %mul3A_402 = vector.broadcast %mul3A_401 : f32 to vector<16xf32>
        %mul3A_403 = arith.mulf %get3A_400, %mul3A_402 : vector<16xf32>
        %swap3A_404 = arith.index_cast %add3A_396 : i32 to index
        %swap3A_405 = arith.constant 48 : index
        %swap3A_406 = tpu.vector_load %arg6[%swap3A_404, %swap3A_405] {strides = array<i32>} : memref<128x128xf32, #tpu.memory_space<vmem>>, vector<1x16xf32>,
        %swap3A_407 = vector.shape_cast %swap3A_406 : vector<1x16xf32> to vector<16xf32>
        %swap3A_408 = vector.shape_cast %mul3A_403 : vector<16xf32> to vector<1x16xf32>
        tpu.vector_store %arg6[%swap3A_404, %swap3A_405], %swap3A_408 {strides = array<i32>} : memref<128x128xf32, #tpu.memory_space<vmem>>, vector<1x16xf32>,
        %add3A_409 = arith.constant 0 : i32
        %add3A_410 = arith.addi %mul3A_354, %add3A_409 : i32
        %get3A_411 = arith.index_cast %add3A_410 : i32 to index
        %get3A_412 = arith.constant 64 : index
        %get3A_413 = tpu.vector_load %arg6[%get3A_411, %get3A_412] {strides = array<i32>} : memref<128x128xf32, #tpu.memory_space<vmem>>, vector<1x16xf32>,
        %get3A_414 = vector.shape_cast %get3A_413 : vector<1x16xf32> to vector<16xf32>
        %mul3A_415 = arith.constant 11.3137083 : f32
        %mul3A_416 = vector.broadcast %mul3A_415 : f32 to vector<16xf32>
        %mul3A_417 = arith.mulf %get3A_414, %mul3A_416 : vector<16xf32>
        %swap3A_418 = arith.index_cast %add3A_410 : i32 to index
        %swap3A_419 = arith.constant 64 : index
        %swap3A_420 = tpu.vector_load %arg6[%swap3A_418, %swap3A_419] {strides = array<i32>} : memref<128x128xf32, #tpu.memory_space<vmem>>, vector<1x16xf32>,
        %swap3A_421 = vector.shape_cast %swap3A_420 : vector<1x16xf32> to vector<16xf32>
        %swap3A_422 = vector.shape_cast %mul3A_417 : vector<16xf32> to vector<1x16xf32>
        tpu.vector_store %arg6[%swap3A_418, %swap3A_419], %swap3A_422 {strides = array<i32>} : memref<128x128xf32, #tpu.memory_space<vmem>>, vector<1x16xf32>,
        %add3A_423 = arith.constant 0 : i32
        %add3A_424 = arith.addi %mul3A_354, %add3A_423 : i32
        %get3A_425 = arith.index_cast %add3A_424 : i32 to index
        %get3A_426 = arith.constant 80 : index
        %get3A_427 = tpu.vector_load %arg6[%get3A_425, %get3A_426] {strides = array<i32>} : memref<128x128xf32, #tpu.memory_space<vmem>>, vector<1x16xf32>,
        %get3A_428 = vector.shape_cast %get3A_427 : vector<1x16xf32> to vector<16xf32>
        %mul3A_429 = arith.constant 11.3137083 : f32
        %mul3A_430 = vector.broadcast %mul3A_429 : f32 to vector<16xf32>
        %mul3A_431 = arith.mulf %get3A_428, %mul3A_430 : vector<16xf32>
        %swap3A_432 = arith.index_cast %add3A_424 : i32 to index
        %swap3A_433 = arith.constant 80 : index
        %swap3A_434 = tpu.vector_load %arg6[%swap3A_432, %swap3A_433] {strides = array<i32>} : memref<128x128xf32, #tpu.memory_space<vmem>>, vector<1x16xf32>,
        %swap3A_435 = vector.shape_cast %swap3A_434 : vector<1x16xf32> to vector<16xf32>
        %swap3A_436 = vector.shape_cast %mul3A_431 : vector<16xf32> to vector<1x16xf32>
        tpu.vector_store %arg6[%swap3A_432, %swap3A_433], %swap3A_436 {strides = array<i32>} : memref<128x128xf32, #tpu.memory_space<vmem>>, vector<1x16xf32>,
        %add3A_437 = arith.constant 0 : i32
        %add3A_438 = arith.addi %mul3A_354, %add3A_437 : i32
        %get3A_439 = arith.index_cast %add3A_438 : i32 to index
        %get3A_440 = arith.constant 96 : index
        %get3A_441 = tpu.vector_load %arg6[%get3A_439, %get3A_440] {strides = array<i32>} : memref<128x128xf32, #tpu.memory_space<vmem>>, vector<1x16xf32>,
        %get3A_442 = vector.shape_cast %get3A_441 : vector<1x16xf32> to vector<16xf32>
        %mul3A_443 = arith.constant 11.3137083 : f32
        %mul3A_444 = vector.broadcast %mul3A_443 : f32 to vector<16xf32>
        %mul3A_445 = arith.mulf %get3A_442, %mul3A_444 : vector<16xf32>
        %swap3A_446 = arith.index_cast %add3A_438 : i32 to index
        %swap3A_447 = arith.constant 96 : index
        %swap3A_448 = tpu.vector_load %arg6[%swap3A_446, %swap3A_447] {strides = array<i32>} : memref<128x128xf32, #tpu.memory_space<vmem>>, vector<1x16xf32>,
        %swap3A_449 = vector.shape_cast %swap3A_448 : vector<1x16xf32> to vector<16xf32>
        %swap3A_450 = vector.shape_cast %mul3A_445 : vector<16xf32> to vector<1x16xf32>
        tpu.vector_store %arg6[%swap3A_446, %swap3A_447], %swap3A_450 {strides = array<i32>} : memref<128x128xf32, #tpu.memory_space<vmem>>, vector<1x16xf32>,
        %add3A_451 = arith.constant 0 : i32
        %add3A_452 = arith.addi %mul3A_354, %add3A_451 : i32
        %get3A_453 = arith.index_cast %add3A_452 : i32 to index
        %get3A_454 = arith.constant 112 : index
        %get3A_455 = tpu.vector_load %arg6[%get3A_453, %get3A_454] {strides = array<i32>} : memref<128x128xf32, #tpu.memory_space<vmem>>, vector<1x16xf32>,
        %get3A_456 = vector.shape_cast %get3A_455 : vector<1x16xf32> to vector<16xf32>
        %mul3A_457 = arith.constant 11.3137083 : f32
        %mul3A_458 = vector.broadcast %mul3A_457 : f32 to vector<16xf32>
        %mul3A_459 = arith.mulf %get3A_456, %mul3A_458 : vector<16xf32>
        %swap3A_460 = arith.index_cast %add3A_452 : i32 to index
        %swap3A_461 = arith.constant 112 : index
        %swap3A_462 = tpu.vector_load %arg6[%swap3A_460, %swap3A_461] {strides = array<i32>} : memref<128x128xf32, #tpu.memory_space<vmem>>, vector<1x16xf32>,
        %swap3A_463 = vector.shape_cast %swap3A_462 : vector<1x16xf32> to vector<16xf32>
        %swap3A_464 = vector.shape_cast %mul3A_459 : vector<16xf32> to vector<1x16xf32>
        tpu.vector_store %arg6[%swap3A_460, %swap3A_461], %swap3A_464 {strides = array<i32>} : memref<128x128xf32, #tpu.memory_space<vmem>>, vector<1x16xf32>,
        %add3A_465 = arith.constant 1 : i32
        %add3A_466 = arith.addi %mul3A_354, %add3A_465 : i32
        %get3A_467 = arith.index_cast %add3A_466 : i32 to index
        %get3A_468 = arith.constant 0 : index
        %get3A_469 = tpu.vector_load %arg6[%get3A_467, %get3A_468] {strides = array<i32>} : memref<128x128xf32, #tpu.memory_space<vmem>>, vector<1x16xf32>,
        %get3A_470 = vector.shape_cast %get3A_469 : vector<1x16xf32> to vector<16xf32>
        %mul3A_471 = arith.constant 11.3137083 : f32
        %mul3A_472 = vector.broadcast %mul3A_471 : f32 to vector<16xf32>
        %mul3A_473 = arith.mulf %get3A_470, %mul3A_472 : vector<16xf32>
        %swap3A_474 = arith.index_cast %add3A_466 : i32 to index
        %swap3A_475 = arith.constant 0 : index
        %swap3A_476 = tpu.vector_load %arg6[%swap3A_474, %swap3A_475] {strides = array<i32>} : memref<128x128xf32, #tpu.memory_space<vmem>>, vector<1x16xf32>,
        %swap3A_477 = vector.shape_cast %swap3A_476 : vector<1x16xf32> to vector<16xf32>
        %swap3A_478 = vector.shape_cast %mul3A_473 : vector<16xf32> to vector<1x16xf32>
        tpu.vector_store %arg6[%swap3A_474, %swap3A_475], %swap3A_478 {strides = array<i32>} : memref<128x128xf32, #tpu.memory_space<vmem>>, vector<1x16xf32>,
        %add3A_479 = arith.constant 1 : i32
        %add3A_480 = arith.addi %mul3A_354, %add3A_479 : i32
        %get3A_481 = arith.index_cast %add3A_480 : i32 to index
        %get3A_482 = arith.constant 16 : index
        %get3A_483 = tpu.vector_load %arg6[%get3A_481, %get3A_482] {strides = array<i32>} : memref<128x128xf32, #tpu.memory_space<vmem>>, vector<1x16xf32>,
        %get3A_484 = vector.shape_cast %get3A_483 : vector<1x16xf32> to vector<16xf32>
        %mul3A_485 = arith.constant 11.3137083 : f32
        %mul3A_486 = vector.broadcast %mul3A_485 : f32 to vector<16xf32>
        %mul3A_487 = arith.mulf %get3A_484, %mul3A_486 : vector<16xf32>
        %swap3A_488 = arith.index_cast %add3A_480 : i32 to index
        %swap3A_489 = arith.constant 16 : index
        %swap3A_490 = tpu.vector_load %arg6[%swap3A_488, %swap3A_489] {strides = array<i32>} : memref<128x128xf32, #tpu.memory_space<vmem>>, vector<1x16xf32>,
        %swap3A_491 = vector.shape_cast %swap3A_490 : vector<1x16xf32> to vector<16xf32>
        %swap3A_492 = vector.shape_cast %mul3A_487 : vector<16xf32> to vector<1x16xf32>
        tpu.vector_store %arg6[%swap3A_488, %swap3A_489], %swap3A_492 {strides = array<i32>} : memref<128x128xf32, #tpu.memory_space<vmem>>, vector<1x16xf32>,
        %add3A_493 = arith.constant 1 : i32
        %add3A_494 = arith.addi %mul3A_354, %add3A_493 : i32
        %get3A_495 = arith.index_cast %add3A_494 : i32 to index
        %get3A_496 = arith.constant 32 : index
        %get3A_497 = tpu.vector_load %arg6[%get3A_495, %get3A_496] {strides = array<i32>} : memref<128x128xf32, #tpu.memory_space<vmem>>, vector<1x16xf32>,
        %get3A_498 = vector.shape_cast %get3A_497 : vector<1x16xf32> to vector<16xf32>
        %mul3A_499 = arith.constant 11.3137083 : f32
        %mul3A_500 = vector.broadcast %mul3A_499 : f32 to vector<16xf32>
        %mul3A_501 = arith.mulf %get3A_498, %mul3A_500 : vector<16xf32>
        %swap3A_502 = arith.index_cast %add3A_494 : i32 to index
        %swap3A_503 = arith.constant 32 : index
        %swap3A_504 = tpu.vector_load %arg6[%swap3A_502, %swap3A_503] {strides = array<i32>} : memref<128x128xf32, #tpu.memory_space<vmem>>, vector<1x16xf32>,
        %swap3A_505 = vector.shape_cast %swap3A_504 : vector<1x16xf32> to vector<16xf32>
        %swap3A_506 = vector.shape_cast %mul3A_501 : vector<16xf32> to vector<1x16xf32>
        tpu.vector_store %arg6[%swap3A_502, %swap3A_503], %swap3A_506 {strides = array<i32>} : memref<128x128xf32, #tpu.memory_space<vmem>>, vector<1x16xf32>,
        %add3A_507 = arith.constant 1 : i32
        %add3A_508 = arith.addi %mul3A_354, %add3A_507 : i32
        %get3A_509 = arith.index_cast %add3A_508 : i32 to index
        %get3A_510 = arith.constant 48 : index
        %get3A_511 = tpu.vector_load %arg6[%get3A_509, %get3A_510] {strides = array<i32>} : memref<128x128xf32, #tpu.memory_space<vmem>>, vector<1x16xf32>,
        %get3A_512 = vector.shape_cast %get3A_511 : vector<1x16xf32> to vector<16xf32>
        %mul3A_513 = arith.constant 11.3137083 : f32
        %mul3A_514 = vector.broadcast %mul3A_513 : f32 to vector<16xf32>
        %mul3A_515 = arith.mulf %get3A_512, %mul3A_514 : vector<16xf32>
        %swap3A_516 = arith.index_cast %add3A_508 : i32 to index
        %swap3A_517 = arith.constant 48 : index
        %swap3A_518 = tpu.vector_load %arg6[%swap3A_516, %swap3A_517] {strides = array<i32>} : memref<128x128xf32, #tpu.memory_space<vmem>>, vector<1x16xf32>,
        %swap3A_519 = vector.shape_cast %swap3A_518 : vector<1x16xf32> to vector<16xf32>
        %swap3A_520 = vector.shape_cast %mul3A_515 : vector<16xf32> to vector<1x16xf32>
        tpu.vector_store %arg6[%swap3A_516, %swap3A_517], %swap3A_520 {strides = array<i32>} : memref<128x128xf32, #tpu.memory_space<vmem>>, vector<1x16xf32>,
        %add3A_521 = arith.constant 1 : i32
        %add3A_522 = arith.addi %mul3A_354, %add3A_521 : i32
        %get3A_523 = arith.index_cast %add3A_522 : i32 to index
        %get3A_524 = arith.constant 64 : index
        %get3A_525 = tpu.vector_load %arg6[%get3A_523, %get3A_524] {strides = array<i32>} : memref<128x128xf32, #tpu.memory_space<vmem>>, vector<1x16xf32>,
        %get3A_526 = vector.shape_cast %get3A_525 : vector<1x16xf32> to vector<16xf32>
        %mul3A_527 = arith.constant 11.3137083 : f32
        %mul3A_528 = vector.broadcast %mul3A_527 : f32 to vector<16xf32>
        %mul3A_529 = arith.mulf %get3A_526, %mul3A_528 : vector<16xf32>
        %swap3A_530 = arith.index_cast %add3A_522 : i32 to index
        %swap3A_531 = arith.constant 64 : index
        %swap3A_532 = tpu.vector_load %arg6[%swap3A_530, %swap3A_531] {strides = array<i32>} : memref<128x128xf32, #tpu.memory_space<vmem>>, vector<1x16xf32>,
        %swap3A_533 = vector.shape_cast %swap3A_532 : vector<1x16xf32> to vector<16xf32>
        %swap3A_534 = vector.shape_cast %mul3A_529 : vector<16xf32> to vector<1x16xf32>
        tpu.vector_store %arg6[%swap3A_530, %swap3A_531], %swap3A_534 {strides = array<i32>} : memref<128x128xf32, #tpu.memory_space<vmem>>, vector<1x16xf32>,
        %add3A_535 = arith.constant 1 : i32
        %add3A_536 = arith.addi %mul3A_354, %add3A_535 : i32
        %get3A_537 = arith.index_cast %add3A_536 : i32 to index
        %get3A_538 = arith.constant 80 : index
        %get3A_539 = tpu.vector_load %arg6[%get3A_537, %get3A_538] {strides = array<i32>} : memref<128x128xf32, #tpu.memory_space<vmem>>, vector<1x16xf32>,
        %get3A_540 = vector.shape_cast %get3A_539 : vector<1x16xf32> to vector<16xf32>
        %mul3A_541 = arith.constant 11.3137083 : f32
        %mul3A_542 = vector.broadcast %mul3A_541 : f32 to vector<16xf32>
        %mul3A_543 = arith.mulf %get3A_540, %mul3A_542 : vector<16xf32>
        %swap3A_544 = arith.index_cast %add3A_536 : i32 to index
        %swap3A_545 = arith.constant 80 : index
        %swap3A_546 = tpu.vector_load %arg6[%swap3A_544, %swap3A_545] {strides = array<i32>} : memref<128x128xf32, #tpu.memory_space<vmem>>, vector<1x16xf32>,
        %swap3A_547 = vector.shape_cast %swap3A_546 : vector<1x16xf32> to vector<16xf32>
        %swap3A_548 = vector.shape_cast %mul3A_543 : vector<16xf32> to vector<1x16xf32>
        tpu.vector_store %arg6[%swap3A_544, %swap3A_545], %swap3A_548 {strides = array<i32>} : memref<128x128xf32, #tpu.memory_space<vmem>>, vector<1x16xf32>,
        %add3A_549 = arith.constant 1 : i32
        %add3A_550 = arith.addi %mul3A_354, %add3A_549 : i32
        %get3A_551 = arith.index_cast %add3A_550 : i32 to index
        %get3A_552 = arith.constant 96 : index
        %get3A_553 = tpu.vector_load %arg6[%get3A_551, %get3A_552] {strides = array<i32>} : memref<128x128xf32, #tpu.memory_space<vmem>>, vector<1x16xf32>,
        %get3A_554 = vector.shape_cast %get3A_553 : vector<1x16xf32> to vector<16xf32>
        %mul3A_555 = arith.constant 11.3137083 : f32
        %mul3A_556 = vector.broadcast %mul3A_555 : f32 to vector<16xf32>
        %mul3A_557 = arith.mulf %get3A_554, %mul3A_556 : vector<16xf32>
        %swap3A_558 = arith.index_cast %add3A_550 : i32 to index
        %swap3A_559 = arith.constant 96 : index
        %swap3A_560 = tpu.vector_load %arg6[%swap3A_558, %swap3A_559] {strides = array<i32>} : memref<128x128xf32, #tpu.memory_space<vmem>>, vector<1x16xf32>,
        %swap3A_561 = vector.shape_cast %swap3A_560 : vector<1x16xf32> to vector<16xf32>
        %swap3A_562 = vector.shape_cast %mul3A_557 : vector<16xf32> to vector<1x16xf32>
        tpu.vector_store %arg6[%swap3A_558, %swap3A_559], %swap3A_562 {strides = array<i32>} : memref<128x128xf32, #tpu.memory_space<vmem>>, vector<1x16xf32>,
        %add3A_563 = arith.constant 1 : i32
        %add3A_564 = arith.addi %mul3A_354, %add3A_563 : i32
        %get3A_565 = arith.index_cast %add3A_564 : i32 to index
        %get3A_566 = arith.constant 112 : index
        %get3A_567 = tpu.vector_load %arg6[%get3A_565, %get3A_566] {strides = array<i32>} : memref<128x128xf32, #tpu.memory_space<vmem>>, vector<1x16xf32>,
        %get3A_568 = vector.shape_cast %get3A_567 : vector<1x16xf32> to vector<16xf32>
        %mul3A_569 = arith.constant 11.3137083 : f32
        %mul3A_570 = vector.broadcast %mul3A_569 : f32 to vector<16xf32>
        %mul3A_571 = arith.mulf %get3A_568, %mul3A_570 : vector<16xf32>
        %swap3A_572 = arith.index_cast %add3A_564 : i32 to index
        %swap3A_573 = arith.constant 112 : index
        %swap3A_574 = tpu.vector_load %arg6[%swap3A_572, %swap3A_573] {strides = array<i32>} : memref<128x128xf32, #tpu.memory_space<vmem>>, vector<1x16xf32>,
        %swap3A_575 = vector.shape_cast %swap3A_574 : vector<1x16xf32> to vector<16xf32>
        %swap3A_576 = vector.shape_cast %mul3A_571 : vector<16xf32> to vector<1x16xf32>
        tpu.vector_store %arg6[%swap3A_572, %swap3A_573], %swap3A_576 {strides = array<i32>} : memref<128x128xf32, #tpu.memory_space<vmem>>, vector<1x16xf32>,
        %add3A_577 = arith.constant 2 : i32
        %add3A_578 = arith.addi %mul3A_354, %add3A_577 : i32
        %get3A_579 = arith.index_cast %add3A_578 : i32 to index
        %get3A_580 = arith.constant 0 : index
        %get3A_581 = tpu.vector_load %arg6[%get3A_579, %get3A_580] {strides = array<i32>} : memref<128x128xf32, #tpu.memory_space<vmem>>, vector<1x16xf32>,
        %get3A_582 = vector.shape_cast %get3A_581 : vector<1x16xf32> to vector<16xf32>
        %mul3A_583 = arith.constant 11.3137083 : f32
        %mul3A_584 = vector.broadcast %mul3A_583 : f32 to vector<16xf32>
        %mul3A_585 = arith.mulf %get3A_582, %mul3A_584 : vector<16xf32>
        %swap3A_586 = arith.index_cast %add3A_578 : i32 to index
        %swap3A_587 = arith.constant 0 : index
        %swap3A_588 = tpu.vector_load %arg6[%swap3A_586, %swap3A_587] {strides = array<i32>} : memref<128x128xf32, #tpu.memory_space<vmem>>, vector<1x16xf32>,
        %swap3A_589 = vector.shape_cast %swap3A_588 : vector<1x16xf32> to vector<16xf32>
        %swap3A_590 = vector.shape_cast %mul3A_585 : vector<16xf32> to vector<1x16xf32>
        tpu.vector_store %arg6[%swap3A_586, %swap3A_587], %swap3A_590 {strides = array<i32>} : memref<128x128xf32, #tpu.memory_space<vmem>>, vector<1x16xf32>,
        %add3A_591 = arith.constant 2 : i32
        %add3A_592 = arith.addi %mul3A_354, %add3A_591 : i32
        %get3A_593 = arith.index_cast %add3A_592 : i32 to index
        %get3A_594 = arith.constant 16 : index
        %get3A_595 = tpu.vector_load %arg6[%get3A_593, %get3A_594] {strides = array<i32>} : memref<128x128xf32, #tpu.memory_space<vmem>>, vector<1x16xf32>,
        %get3A_596 = vector.shape_cast %get3A_595 : vector<1x16xf32> to vector<16xf32>
        %mul3A_597 = arith.constant 11.3137083 : f32
        %mul3A_598 = vector.broadcast %mul3A_597 : f32 to vector<16xf32>
        %mul3A_599 = arith.mulf %get3A_596, %mul3A_598 : vector<16xf32>
        %swap3A_600 = arith.index_cast %add3A_592 : i32 to index
        %swap3A_601 = arith.constant 16 : index
        %swap3A_602 = tpu.vector_load %arg6[%swap3A_600, %swap3A_601] {strides = array<i32>} : memref<128x128xf32, #tpu.memory_space<vmem>>, vector<1x16xf32>,
        %swap3A_603 = vector.shape_cast %swap3A_602 : vector<1x16xf32> to vector<16xf32>
        %swap3A_604 = vector.shape_cast %mul3A_599 : vector<16xf32> to vector<1x16xf32>
        tpu.vector_store %arg6[%swap3A_600, %swap3A_601], %swap3A_604 {strides = array<i32>} : memref<128x128xf32, #tpu.memory_space<vmem>>, vector<1x16xf32>,
        %add3A_605 = arith.constant 2 : i32
        %add3A_606 = arith.addi %mul3A_354, %add3A_605 : i32
        %get3A_607 = arith.index_cast %add3A_606 : i32 to index
        %get3A_608 = arith.constant 32 : index
        %get3A_609 = tpu.vector_load %arg6[%get3A_607, %get3A_608] {strides = array<i32>} : memref<128x128xf32, #tpu.memory_space<vmem>>, vector<1x16xf32>,
        %get3A_610 = vector.shape_cast %get3A_609 : vector<1x16xf32> to vector<16xf32>
        %mul3A_611 = arith.constant 11.3137083 : f32
        %mul3A_612 = vector.broadcast %mul3A_611 : f32 to vector<16xf32>
        %mul3A_613 = arith.mulf %get3A_610, %mul3A_612 : vector<16xf32>
        %swap3A_614 = arith.index_cast %add3A_606 : i32 to index
        %swap3A_615 = arith.constant 32 : index
        %swap3A_616 = tpu.vector_load %arg6[%swap3A_614, %swap3A_615] {strides = array<i32>} : memref<128x128xf32, #tpu.memory_space<vmem>>, vector<1x16xf32>,
        %swap3A_617 = vector.shape_cast %swap3A_616 : vector<1x16xf32> to vector<16xf32>
        %swap3A_618 = vector.shape_cast %mul3A_613 : vector<16xf32> to vector<1x16xf32>
        tpu.vector_store %arg6[%swap3A_614, %swap3A_615], %swap3A_618 {strides = array<i32>} : memref<128x128xf32, #tpu.memory_space<vmem>>, vector<1x16xf32>,
        %add3A_619 = arith.constant 2 : i32
        %add3A_620 = arith.addi %mul3A_354, %add3A_619 : i32
        %get3A_621 = arith.index_cast %add3A_620 : i32 to index
        %get3A_622 = arith.constant 48 : index
        %get3A_623 = tpu.vector_load %arg6[%get3A_621, %get3A_622] {strides = array<i32>} : memref<128x128xf32, #tpu.memory_space<vmem>>, vector<1x16xf32>,
        %get3A_624 = vector.shape_cast %get3A_623 : vector<1x16xf32> to vector<16xf32>
        %mul3A_625 = arith.constant 11.3137083 : f32
        %mul3A_626 = vector.broadcast %mul3A_625 : f32 to vector<16xf32>
        %mul3A_627 = arith.mulf %get3A_624, %mul3A_626 : vector<16xf32>
        %swap3A_628 = arith.index_cast %add3A_620 : i32 to index
        %swap3A_629 = arith.constant 48 : index
        %swap3A_630 = tpu.vector_load %arg6[%swap3A_628, %swap3A_629] {strides = array<i32>} : memref<128x128xf32, #tpu.memory_space<vmem>>, vector<1x16xf32>,
        %swap3A_631 = vector.shape_cast %swap3A_630 : vector<1x16xf32> to vector<16xf32>
        %swap3A_632 = vector.shape_cast %mul3A_627 : vector<16xf32> to vector<1x16xf32>
        tpu.vector_store %arg6[%swap3A_628, %swap3A_629], %swap3A_632 {strides = array<i32>} : memref<128x128xf32, #tpu.memory_space<vmem>>, vector<1x16xf32>,
        %add3A_633 = arith.constant 2 : i32
        %add3A_634 = arith.addi %mul3A_354, %add3A_633 : i32
        %get3A_635 = arith.index_cast %add3A_634 : i32 to index
        %get3A_636 = arith.constant 64 : index
        %get3A_637 = tpu.vector_load %arg6[%get3A_635, %get3A_636] {strides = array<i32>} : memref<128x128xf32, #tpu.memory_space<vmem>>, vector<1x16xf32>,
        %get3A_638 = vector.shape_cast %get3A_637 : vector<1x16xf32> to vector<16xf32>
        %mul3A_639 = arith.constant 11.3137083 : f32
        %mul3A_640 = vector.broadcast %mul3A_639 : f32 to vector<16xf32>
        %mul3A_641 = arith.mulf %get3A_638, %mul3A_640 : vector<16xf32>
        %swap3A_642 = arith.index_cast %add3A_634 : i32 to index
        %swap3A_643 = arith.constant 64 : index
        %swap3A_644 = tpu.vector_load %arg6[%swap3A_642, %swap3A_643] {strides = array<i32>} : memref<128x128xf32, #tpu.memory_space<vmem>>, vector<1x16xf32>,
        %swap3A_645 = vector.shape_cast %swap3A_644 : vector<1x16xf32> to vector<16xf32>
        %swap3A_646 = vector.shape_cast %mul3A_641 : vector<16xf32> to vector<1x16xf32>
        tpu.vector_store %arg6[%swap3A_642, %swap3A_643], %swap3A_646 {strides = array<i32>} : memref<128x128xf32, #tpu.memory_space<vmem>>, vector<1x16xf32>,
        %add3A_647 = arith.constant 2 : i32
        %add3A_648 = arith.addi %mul3A_354, %add3A_647 : i32
        %get3A_649 = arith.index_cast %add3A_648 : i32 to index
        %get3A_650 = arith.constant 80 : index
        %get3A_651 = tpu.vector_load %arg6[%get3A_649, %get3A_650] {strides = array<i32>} : memref<128x128xf32, #tpu.memory_space<vmem>>, vector<1x16xf32>,
        %get3A_652 = vector.shape_cast %get3A_651 : vector<1x16xf32> to vector<16xf32>
        %mul3A_653 = arith.constant 11.3137083 : f32
        %mul3A_654 = vector.broadcast %mul3A_653 : f32 to vector<16xf32>
        %mul3A_655 = arith.mulf %get3A_652, %mul3A_654 : vector<16xf32>
        %swap3A_656 = arith.index_cast %add3A_648 : i32 to index
        %swap3A_657 = arith.constant 80 : index
        %swap3A_658 = tpu.vector_load %arg6[%swap3A_656, %swap3A_657] {strides = array<i32>} : memref<128x128xf32, #tpu.memory_space<vmem>>, vector<1x16xf32>,
        %swap3A_659 = vector.shape_cast %swap3A_658 : vector<1x16xf32> to vector<16xf32>
        %swap3A_660 = vector.shape_cast %mul3A_655 : vector<16xf32> to vector<1x16xf32>
        tpu.vector_store %arg6[%swap3A_656, %swap3A_657], %swap3A_660 {strides = array<i32>} : memref<128x128xf32, #tpu.memory_space<vmem>>, vector<1x16xf32>,
        %add3A_661 = arith.constant 2 : i32
        %add3A_662 = arith.addi %mul3A_354, %add3A_661 : i32
        %get3A_663 = arith.index_cast %add3A_662 : i32 to index
        %get3A_664 = arith.constant 96 : index
        %get3A_665 = tpu.vector_load %arg6[%get3A_663, %get3A_664] {strides = array<i32>} : memref<128x128xf32, #tpu.memory_space<vmem>>, vector<1x16xf32>,
        %get3A_666 = vector.shape_cast %get3A_665 : vector<1x16xf32> to vector<16xf32>
        %mul3A_667 = arith.constant 11.3137083 : f32
        %mul3A_668 = vector.broadcast %mul3A_667 : f32 to vector<16xf32>
        %mul3A_669 = arith.mulf %get3A_666, %mul3A_668 : vector<16xf32>
        %swap3A_670 = arith.index_cast %add3A_662 : i32 to index
        %swap3A_671 = arith.constant 96 : index
        %swap3A_672 = tpu.vector_load %arg6[%swap3A_670, %swap3A_671] {strides = array<i32>} : memref<128x128xf32, #tpu.memory_space<vmem>>, vector<1x16xf32>,
        %swap3A_673 = vector.shape_cast %swap3A_672 : vector<1x16xf32> to vector<16xf32>
        %swap3A_674 = vector.shape_cast %mul3A_669 : vector<16xf32> to vector<1x16xf32>
        tpu.vector_store %arg6[%swap3A_670, %swap3A_671], %swap3A_674 {strides = array<i32>} : memref<128x128xf32, #tpu.memory_space<vmem>>, vector<1x16xf32>,
        %add3A_675 = arith.constant 2 : i32
        %add3A_676 = arith.addi %mul3A_354, %add3A_675 : i32
        %get3A_677 = arith.index_cast %add3A_676 : i32 to index
        %get3A_678 = arith.constant 112 : index
        %get3A_679 = tpu.vector_load %arg6[%get3A_677, %get3A_678] {strides = array<i32>} : memref<128x128xf32, #tpu.memory_space<vmem>>, vector<1x16xf32>,
        %get3A_680 = vector.shape_cast %get3A_679 : vector<1x16xf32> to vector<16xf32>
        %mul3A_681 = arith.constant 11.3137083 : f32
        %mul3A_682 = vector.broadcast %mul3A_681 : f32 to vector<16xf32>
        %mul3A_683 = arith.mulf %get3A_680, %mul3A_682 : vector<16xf32>
        %swap3A_684 = arith.index_cast %add3A_676 : i32 to index
        %swap3A_685 = arith.constant 112 : index
        %swap3A_686 = tpu.vector_load %arg6[%swap3A_684, %swap3A_685] {strides = array<i32>} : memref<128x128xf32, #tpu.memory_space<vmem>>, vector<1x16xf32>,
        %swap3A_687 = vector.shape_cast %swap3A_686 : vector<1x16xf32> to vector<16xf32>
        %swap3A_688 = vector.shape_cast %mul3A_683 : vector<16xf32> to vector<1x16xf32>
        tpu.vector_store %arg6[%swap3A_684, %swap3A_685], %swap3A_688 {strides = array<i32>} : memref<128x128xf32, #tpu.memory_space<vmem>>, vector<1x16xf32>,
        %add3A_689 = arith.constant 3 : i32
        %add3A_690 = arith.addi %mul3A_354, %add3A_689 : i32
        %get3A_691 = arith.index_cast %add3A_690 : i32 to index
        %get3A_692 = arith.constant 0 : index
        %get3A_693 = tpu.vector_load %arg6[%get3A_691, %get3A_692] {strides = array<i32>} : memref<128x128xf32, #tpu.memory_space<vmem>>, vector<1x16xf32>,
        %get3A_694 = vector.shape_cast %get3A_693 : vector<1x16xf32> to vector<16xf32>
        %mul3A_695 = arith.constant 11.3137083 : f32
        %mul3A_696 = vector.broadcast %mul3A_695 : f32 to vector<16xf32>
        %mul3A_697 = arith.mulf %get3A_694, %mul3A_696 : vector<16xf32>
        %swap3A_698 = arith.index_cast %add3A_690 : i32 to index
        %swap3A_699 = arith.constant 0 : index
        %swap3A_700 = tpu.vector_load %arg6[%swap3A_698, %swap3A_699] {strides = array<i32>} : memref<128x128xf32, #tpu.memory_space<vmem>>, vector<1x16xf32>,
        %swap3A_701 = vector.shape_cast %swap3A_700 : vector<1x16xf32> to vector<16xf32>
        %swap3A_702 = vector.shape_cast %mul3A_697 : vector<16xf32> to vector<1x16xf32>
        tpu.vector_store %arg6[%swap3A_698, %swap3A_699], %swap3A_702 {strides = array<i32>} : memref<128x128xf32, #tpu.memory_space<vmem>>, vector<1x16xf32>,
        %add3A_703 = arith.constant 3 : i32
        %add3A_704 = arith.addi %mul3A_354, %add3A_703 : i32
        %get3A_705 = arith.index_cast %add3A_704 : i32 to index
        %get3A_706 = arith.constant 16 : index
        %get3A_707 = tpu.vector_load %arg6[%get3A_705, %get3A_706] {strides = array<i32>} : memref<128x128xf32, #tpu.memory_space<vmem>>, vector<1x16xf32>,
        %get3A_708 = vector.shape_cast %get3A_707 : vector<1x16xf32> to vector<16xf32>
        %mul3A_709 = arith.constant 11.3137083 : f32
        %mul3A_710 = vector.broadcast %mul3A_709 : f32 to vector<16xf32>
        %mul3A_711 = arith.mulf %get3A_708, %mul3A_710 : vector<16xf32>
        %swap3A_712 = arith.index_cast %add3A_704 : i32 to index
        %swap3A_713 = arith.constant 16 : index
        %swap3A_714 = tpu.vector_load %arg6[%swap3A_712, %swap3A_713] {strides = array<i32>} : memref<128x128xf32, #tpu.memory_space<vmem>>, vector<1x16xf32>,
        %swap3A_715 = vector.shape_cast %swap3A_714 : vector<1x16xf32> to vector<16xf32>
        %swap3A_716 = vector.shape_cast %mul3A_711 : vector<16xf32> to vector<1x16xf32>
        tpu.vector_store %arg6[%swap3A_712, %swap3A_713], %swap3A_716 {strides = array<i32>} : memref<128x128xf32, #tpu.memory_space<vmem>>, vector<1x16xf32>,
        %add3A_717 = arith.constant 3 : i32
        %add3A_718 = arith.addi %mul3A_354, %add3A_717 : i32
        %get3A_719 = arith.index_cast %add3A_718 : i32 to index
        %get3A_720 = arith.constant 32 : index
        %get3A_721 = tpu.vector_load %arg6[%get3A_719, %get3A_720] {strides = array<i32>} : memref<128x128xf32, #tpu.memory_space<vmem>>, vector<1x16xf32>,
        %get3A_722 = vector.shape_cast %get3A_721 : vector<1x16xf32> to vector<16xf32>
        %mul3A_723 = arith.constant 11.3137083 : f32
        %mul3A_724 = vector.broadcast %mul3A_723 : f32 to vector<16xf32>
        %mul3A_725 = arith.mulf %get3A_722, %mul3A_724 : vector<16xf32>
        %swap3A_726 = arith.index_cast %add3A_718 : i32 to index
        %swap3A_727 = arith.constant 32 : index
        %swap3A_728 = tpu.vector_load %arg6[%swap3A_726, %swap3A_727] {strides = array<i32>} : memref<128x128xf32, #tpu.memory_space<vmem>>, vector<1x16xf32>,
        %swap3A_729 = vector.shape_cast %swap3A_728 : vector<1x16xf32> to vector<16xf32>
        %swap3A_730 = vector.shape_cast %mul3A_725 : vector<16xf32> to vector<1x16xf32>
        tpu.vector_store %arg6[%swap3A_726, %swap3A_727], %swap3A_730 {strides = array<i32>} : memref<128x128xf32, #tpu.memory_space<vmem>>, vector<1x16xf32>,
        %add3A_731 = arith.constant 3 : i32
        %add3A_732 = arith.addi %mul3A_354, %add3A_731 : i32
        %get3A_733 = arith.index_cast %add3A_732 : i32 to index
        %get3A_734 = arith.constant 48 : index
        %get3A_735 = tpu.vector_load %arg6[%get3A_733, %get3A_734] {strides = array<i32>} : memref<128x128xf32, #tpu.memory_space<vmem>>, vector<1x16xf32>,
        %get3A_736 = vector.shape_cast %get3A_735 : vector<1x16xf32> to vector<16xf32>
        %mul3A_737 = arith.constant 11.3137083 : f32
        %mul3A_738 = vector.broadcast %mul3A_737 : f32 to vector<16xf32>
        %mul3A_739 = arith.mulf %get3A_736, %mul3A_738 : vector<16xf32>
        %swap3A_740 = arith.index_cast %add3A_732 : i32 to index
        %swap3A_741 = arith.constant 48 : index
        %swap3A_742 = tpu.vector_load %arg6[%swap3A_740, %swap3A_741] {strides = array<i32>} : memref<128x128xf32, #tpu.memory_space<vmem>>, vector<1x16xf32>,
        %swap3A_743 = vector.shape_cast %swap3A_742 : vector<1x16xf32> to vector<16xf32>
        %swap3A_744 = vector.shape_cast %mul3A_739 : vector<16xf32> to vector<1x16xf32>
        tpu.vector_store %arg6[%swap3A_740, %swap3A_741], %swap3A_744 {strides = array<i32>} : memref<128x128xf32, #tpu.memory_space<vmem>>, vector<1x16xf32>,
        %add3A_745 = arith.constant 3 : i32
        %add3A_746 = arith.addi %mul3A_354, %add3A_745 : i32
        %get3A_747 = arith.index_cast %add3A_746 : i32 to index
        %get3A_748 = arith.constant 64 : index
        %get3A_749 = tpu.vector_load %arg6[%get3A_747, %get3A_748] {strides = array<i32>} : memref<128x128xf32, #tpu.memory_space<vmem>>, vector<1x16xf32>,
        %get3A_750 = vector.shape_cast %get3A_749 : vector<1x16xf32> to vector<16xf32>
        %mul3A_751 = arith.constant 11.3137083 : f32
        %mul3A_752 = vector.broadcast %mul3A_751 : f32 to vector<16xf32>
        %mul3A_753 = arith.mulf %get3A_750, %mul3A_752 : vector<16xf32>
        %swap3A_754 = arith.index_cast %add3A_746 : i32 to index
        %swap3A_755 = arith.constant 64 : index
        %swap3A_756 = tpu.vector_load %arg6[%swap3A_754, %swap3A_755] {strides = array<i32>} : memref<128x128xf32, #tpu.memory_space<vmem>>, vector<1x16xf32>,
        %swap3A_757 = vector.shape_cast %swap3A_756 : vector<1x16xf32> to vector<16xf32>
        %swap3A_758 = vector.shape_cast %mul3A_753 : vector<16xf32> to vector<1x16xf32>
        tpu.vector_store %arg6[%swap3A_754, %swap3A_755], %swap3A_758 {strides = array<i32>} : memref<128x128xf32, #tpu.memory_space<vmem>>, vector<1x16xf32>,
        %add3A_759 = arith.constant 3 : i32
        %add3A_760 = arith.addi %mul3A_354, %add3A_759 : i32
        %get3A_761 = arith.index_cast %add3A_760 : i32 to index
        %get3A_762 = arith.constant 80 : index
        %get3A_763 = tpu.vector_load %arg6[%get3A_761, %get3A_762] {strides = array<i32>} : memref<128x128xf32, #tpu.memory_space<vmem>>, vector<1x16xf32>,
        %get3A_764 = vector.shape_cast %get3A_763 : vector<1x16xf32> to vector<16xf32>
        %mul3A_765 = arith.constant 11.3137083 : f32
        %mul3A_766 = vector.broadcast %mul3A_765 : f32 to vector<16xf32>
        %mul3A_767 = arith.mulf %get3A_764, %mul3A_766 : vector<16xf32>
        %swap3A_768 = arith.index_cast %add3A_760 : i32 to index
        %swap3A_769 = arith.constant 80 : index
        %swap3A_770 = tpu.vector_load %arg6[%swap3A_768, %swap3A_769] {strides = array<i32>} : memref<128x128xf32, #tpu.memory_space<vmem>>, vector<1x16xf32>,
        %swap3A_771 = vector.shape_cast %swap3A_770 : vector<1x16xf32> to vector<16xf32>
        %swap3A_772 = vector.shape_cast %mul3A_767 : vector<16xf32> to vector<1x16xf32>
        tpu.vector_store %arg6[%swap3A_768, %swap3A_769], %swap3A_772 {strides = array<i32>} : memref<128x128xf32, #tpu.memory_space<vmem>>, vector<1x16xf32>,
        %add3A_773 = arith.constant 3 : i32
        %add3A_774 = arith.addi %mul3A_354, %add3A_773 : i32
        %get3A_775 = arith.index_cast %add3A_774 : i32 to index
        %get3A_776 = arith.constant 96 : index
        %get3A_777 = tpu.vector_load %arg6[%get3A_775, %get3A_776] {strides = array<i32>} : memref<128x128xf32, #tpu.memory_space<vmem>>, vector<1x16xf32>,
        %get3A_778 = vector.shape_cast %get3A_777 : vector<1x16xf32> to vector<16xf32>
        %mul3A_779 = arith.constant 11.3137083 : f32
        %mul3A_780 = vector.broadcast %mul3A_779 : f32 to vector<16xf32>
        %mul3A_781 = arith.mulf %get3A_778, %mul3A_780 : vector<16xf32>
        %swap3A_782 = arith.index_cast %add3A_774 : i32 to index
        %swap3A_783 = arith.constant 96 : index
        %swap3A_784 = tpu.vector_load %arg6[%swap3A_782, %swap3A_783] {strides = array<i32>} : memref<128x128xf32, #tpu.memory_space<vmem>>, vector<1x16xf32>,
        %swap3A_785 = vector.shape_cast %swap3A_784 : vector<1x16xf32> to vector<16xf32>
        %swap3A_786 = vector.shape_cast %mul3A_781 : vector<16xf32> to vector<1x16xf32>
        tpu.vector_store %arg6[%swap3A_782, %swap3A_783], %swap3A_786 {strides = array<i32>} : memref<128x128xf32, #tpu.memory_space<vmem>>, vector<1x16xf32>,
        %add3A_787 = arith.constant 3 : i32
        %add3A_788 = arith.addi %mul3A_354, %add3A_787 : i32
        %get3A_789 = arith.index_cast %add3A_788 : i32 to index
        %get3A_790 = arith.constant 112 : index
        %get3A_791 = tpu.vector_load %arg6[%get3A_789, %get3A_790] {strides = array<i32>} : memref<128x128xf32, #tpu.memory_space<vmem>>, vector<1x16xf32>,
        %get3A_792 = vector.shape_cast %get3A_791 : vector<1x16xf32> to vector<16xf32>
        %mul3A_793 = arith.constant 11.3137083 : f32
        %mul3A_794 = vector.broadcast %mul3A_793 : f32 to vector<16xf32>
        %mul3A_795 = arith.mulf %get3A_792, %mul3A_794 : vector<16xf32>
        %swap3A_796 = arith.index_cast %add3A_788 : i32 to index
        %swap3A_797 = arith.constant 112 : index
        %swap3A_798 = tpu.vector_load %arg6[%swap3A_796, %swap3A_797] {strides = array<i32>} : memref<128x128xf32, #tpu.memory_space<vmem>>, vector<1x16xf32>,
        %swap3A_799 = vector.shape_cast %swap3A_798 : vector<1x16xf32> to vector<16xf32>
        %swap3A_800 = vector.shape_cast %mul3A_795 : vector<16xf32> to vector<1x16xf32>
        tpu.vector_store %arg6[%swap3A_796, %swap3A_797], %swap3A_800 {strides = array<i32>} : memref<128x128xf32, #tpu.memory_space<vmem>>, vector<1x16xf32>,
      }
      %scan3A_251 = arith.constant 32 : i32
      %mul3A_252 = arith.constant 4096 : i32
      %mul3A_253 = arith.muli %add3A_218, %mul3A_252 : i32
      %add3A_254 = arith.addi %mul3A_253, %mul3A_2 : i32
      %dma_start3A_255 = arith.constant 0 : i32
      %dma_start3A_256 = arith.constant 0 : i32
      %dma_start3A_257 = tpu.memref_slice %arg4[%add3A_254, %dma_start3A_256] : memref<204800x128xf32, #tpu.memory_space<hbm>> -> memref<128x128xf32, #tpu.memory_space<hbm>>
      %dma_start3A_258 = tpu.memref_slice %arg10[%dma_start3A_255] : memref<3x!tpu.dma_semaphore, #tpu.memory_space<semaphore_mem>> -> memref<1x!tpu.dma_semaphore, #tpu.memory_space<semaphore_mem>>
      %dma_start3A_259 = tpu.memref_squeeze %dma_start3A_258 : memref<1x!tpu.dma_semaphore, #tpu.memory_space<semaphore_mem>> -> memref<!tpu.dma_semaphore, #tpu.memory_space<semaphore_mem>>
      %dma_start3A_260 = arith.constant 0 : i32
      %dma_start3A_261 = tpu.memref_slice %arg4[%add3A_254, %dma_start3A_260] : memref<204800x128xf32, #tpu.memory_space<hbm>> -> memref<128x128xf32, #tpu.memory_space<hbm>>
      tpu.enqueue_dma source(%arg6 : memref<128x128xf32, #tpu.memory_space<vmem>>) target(%dma_start3A_261 : memref<128x128xf32, #tpu.memory_space<hbm>>) target_semaphore(%dma_start3A_259 : memref<!tpu.dma_semaphore, #tpu.memory_space<semaphore_mem>>)
      %add3A_262 = arith.constant 1 : i32
      %add3A_263 = arith.addi %mul3A_216, %add3A_262 : i32
      %dma_wait3A_264 = arith.constant 0 : i32
      %dma_wait3A_265 = arith.constant 0 : i32
      %dma_wait3A_266 = tpu.memref_slice %arg4[%mul3A_2, %dma_wait3A_265] : memref<204800x128xf32, #tpu.memory_space<hbm>> -> memref<128x128xf32, #tpu.memory_space<hbm>>
      %dma_wait3A_267 = tpu.memref_slice %arg10[%dma_wait3A_264] : memref<3x!tpu.dma_semaphore, #tpu.memory_space<semaphore_mem>> -> memref<1x!tpu.dma_semaphore, #tpu.memory_space<semaphore_mem>>
      %dma_wait3A_268 = tpu.memref_squeeze %dma_wait3A_267 : memref<1x!tpu.dma_semaphore, #tpu.memory_space<semaphore_mem>> -> memref<!tpu.dma_semaphore, #tpu.memory_space<semaphore_mem>>
      %dma_wait3A_269 = arith.constant 0 : i32
      %dma_wait3A_270 = tpu.memref_slice %arg4[%mul3A_2, %dma_wait3A_269] : memref<204800x128xf32, #tpu.memory_space<hbm>> -> memref<128x128xf32, #tpu.memory_space<hbm>>
      tpu.wait_dma2 semaphore(%dma_wait3A_268 : memref<!tpu.dma_semaphore, #tpu.memory_space<semaphore_mem>>) src(%arg6 : memref<128x128xf32, #tpu.memory_space<vmem>>) dst(%dma_wait3A_270 : memref<128x128xf32, #tpu.memory_space<hbm>>)
      %add3A_271 = arith.constant 2 : i32
      %add3A_272 = arith.addi %add3A_263, %add3A_271 : i32
      %dma_start3A_273 = arith.constant 0 : i32
      %dma_start3A_274 = arith.constant 0 : i32
      %dma_start3A_275 = tpu.memref_slice %arg5[%add3A_272, %dma_start3A_274] : memref<50x128xi32, #tpu.memory_space<vmem>> -> memref<1x128xi32, #tpu.memory_space<vmem>>
      %dma_start3A_276 = tpu.memref_squeeze %dma_start3A_275 : memref<1x128xi32, #tpu.memory_space<vmem>> -> memref<128xi32, #tpu.memory_space<vmem>>
      %dma_start3A_277 = arith.constant 0 : i32
      %dma_start3A_278 = arith.constant 0 : i32
      %dma_start3A_279 = tpu.memref_slice %arg3[%dma_start3A_277, %dma_start3A_278] : memref<100000x128xf32, #tpu.memory_space<hbm>> -> memref<100000x128xf32, #tpu.memory_space<hbm>>
      %dma_start3A_280 = tpu.memref_slice %arg9[%dma_start3A_273] : memref<3x!tpu.dma_semaphore, #tpu.memory_space<semaphore_mem>> -> memref<1x!tpu.dma_semaphore, #tpu.memory_space<semaphore_mem>>
      %dma_start3A_281 = tpu.memref_squeeze %dma_start3A_280 : memref<1x!tpu.dma_semaphore, #tpu.memory_space<semaphore_mem>> -> memref<!tpu.dma_semaphore, #tpu.memory_space<semaphore_mem>>
      tpu.enqueue_indirect_dma source(%dma_start3A_279 : memref<100000x128xf32, #tpu.memory_space<hbm>>) target(%arg6 : memref<128x128xf32, #tpu.memory_space<vmem>>) offsets(%dma_start3A_276 : memref<128xi32, #tpu.memory_space<vmem>>) semaphore(%dma_start3A_281 : memref<!tpu.dma_semaphore, #tpu.memory_space<semaphore_mem>>)
      %dma_wait3A_282 = arith.constant 0 : i32
      %dma_wait3A_283 = arith.constant 1 : i32
      %dma_wait3A_284 = arith.constant 0 : i32
      %dma_wait3A_285 = tpu.memref_slice %arg5[%dma_wait3A_282, %dma_wait3A_284] : memref<50x128xi32, #tpu.memory_space<vmem>> -> memref<1x128xi32, #tpu.memory_space<vmem>>
      %dma_wait3A_286 = tpu.memref_squeeze %dma_wait3A_285 : memref<1x128xi32, #tpu.memory_space<vmem>> -> memref<128xi32, #tpu.memory_space<vmem>>
      %dma_wait3A_287 = arith.constant 0 : i32
      %dma_wait3A_288 = arith.constant 0 : i32
      %dma_wait3A_289 = tpu.memref_slice %arg3[%dma_wait3A_287, %dma_wait3A_288] : memref<100000x128xf32, #tpu.memory_space<hbm>> -> memref<100000x128xf32, #tpu.memory_space<hbm>>
      %dma_wait3A_290 = tpu.memref_slice %arg9[%dma_wait3A_283] : memref<3x!tpu.dma_semaphore, #tpu.memory_space<semaphore_mem>> -> memref<1x!tpu.dma_semaphore, #tpu.memory_space<semaphore_mem>>
      %dma_wait3A_291 = tpu.memref_squeeze %dma_wait3A_290 : memref<1x!tpu.dma_semaphore, #tpu.memory_space<semaphore_mem>> -> memref<!tpu.dma_semaphore, #tpu.memory_space<semaphore_mem>>
      tpu.wait_indirect_dma semaphore(%dma_wait3A_291 : memref<!tpu.dma_semaphore, #tpu.memory_space<semaphore_mem>>) src(%dma_wait3A_289 : memref<100000x128xf32, #tpu.memory_space<hbm>>) dst(%arg7 : memref<128x128xf32, #tpu.memory_space<vmem>>)
      %scan3A_292 = arith.constant 0 : i32
      %scan3A_293 = arith.constant 32 : i32
      %scan3A_294 = arith.addi %scan3A_292, %scan3A_293 : i32
      %scan3A_295 = arith.constant 1 : i32
      scf.for %scan3A_352 = %scan3A_292 to %scan3A_294 step %scan3A_295  : i32 {
        %mul3A_353 = arith.constant 4 : i32
        %mul3A_354 = arith.muli %scan3A_352, %mul3A_353 : i32
        %add3A_355 = arith.constant 0 : i32
        %add3A_356 = arith.addi %mul3A_354, %add3A_355 : i32
        %get3A = arith.index_cast %add3A_356 : i32 to index
        %get3A_357 = arith.constant 0 : index
        %get3A_358 = tpu.vector_load %arg7[%get3A, %get3A_357] {strides = array<i32>} : memref<128x128xf32, #tpu.memory_space<vmem>>, vector<1x16xf32>,
        %get3A_359 = vector.shape_cast %get3A_358 : vector<1x16xf32> to vector<16xf32>
        %mul3A_360 = arith.constant 11.3137083 : f32
        %mul3A_361 = vector.broadcast %mul3A_360 : f32 to vector<16xf32>
        %mul3A_362 = arith.mulf %get3A_359, %mul3A_361 : vector<16xf32>
        %swap3A = arith.index_cast %add3A_356 : i32 to index
        %swap3A_363 = arith.constant 0 : index
        %swap3A_364 = tpu.vector_load %arg7[%swap3A, %swap3A_363] {strides = array<i32>} : memref<128x128xf32, #tpu.memory_space<vmem>>, vector<1x16xf32>,
        %swap3A_365 = vector.shape_cast %swap3A_364 : vector<1x16xf32> to vector<16xf32>
        %swap3A_366 = vector.shape_cast %mul3A_362 : vector<16xf32> to vector<1x16xf32>
        tpu.vector_store %arg7[%swap3A, %swap3A_363], %swap3A_366 {strides = array<i32>} : memref<128x128xf32, #tpu.memory_space<vmem>>, vector<1x16xf32>,
        %add3A_367 = arith.constant 0 : i32
        %add3A_368 = arith.addi %mul3A_354, %add3A_367 : i32
        %get3A_369 = arith.index_cast %add3A_368 : i32 to index
        %get3A_370 = arith.constant 16 : index
        %get3A_371 = tpu.vector_load %arg7[%get3A_369, %get3A_370] {strides = array<i32>} : memref<128x128xf32, #tpu.memory_space<vmem>>, vector<1x16xf32>,
        %get3A_372 = vector.shape_cast %get3A_371 : vector<1x16xf32> to vector<16xf32>
        %mul3A_373 = arith.constant 11.3137083 : f32
        %mul3A_374 = vector.broadcast %mul3A_373 : f32 to vector<16xf32>
        %mul3A_375 = arith.mulf %get3A_372, %mul3A_374 : vector<16xf32>
        %swap3A_376 = arith.index_cast %add3A_368 : i32 to index
        %swap3A_377 = arith.constant 16 : index
        %swap3A_378 = tpu.vector_load %arg7[%swap3A_376, %swap3A_377] {strides = array<i32>} : memref<128x128xf32, #tpu.memory_space<vmem>>, vector<1x16xf32>,
        %swap3A_379 = vector.shape_cast %swap3A_378 : vector<1x16xf32> to vector<16xf32>
        %swap3A_380 = vector.shape_cast %mul3A_375 : vector<16xf32> to vector<1x16xf32>
        tpu.vector_store %arg7[%swap3A_376, %swap3A_377], %swap3A_380 {strides = array<i32>} : memref<128x128xf32, #tpu.memory_space<vmem>>, vector<1x16xf32>,
        %add3A_381 = arith.constant 0 : i32
        %add3A_382 = arith.addi %mul3A_354, %add3A_381 : i32
        %get3A_383 = arith.index_cast %add3A_382 : i32 to index
        %get3A_384 = arith.constant 32 : index
        %get3A_385 = tpu.vector_load %arg7[%get3A_383, %get3A_384] {strides = array<i32>} : memref<128x128xf32, #tpu.memory_space<vmem>>, vector<1x16xf32>,
        %get3A_386 = vector.shape_cast %get3A_385 : vector<1x16xf32> to vector<16xf32>
        %mul3A_387 = arith.constant 11.3137083 : f32
        %mul3A_388 = vector.broadcast %mul3A_387 : f32 to vector<16xf32>
        %mul3A_389 = arith.mulf %get3A_386, %mul3A_388 : vector<16xf32>
        %swap3A_390 = arith.index_cast %add3A_382 : i32 to index
        %swap3A_391 = arith.constant 32 : index
        %swap3A_392 = tpu.vector_load %arg7[%swap3A_390, %swap3A_391] {strides = array<i32>} : memref<128x128xf32, #tpu.memory_space<vmem>>, vector<1x16xf32>,
        %swap3A_393 = vector.shape_cast %swap3A_392 : vector<1x16xf32> to vector<16xf32>
        %swap3A_394 = vector.shape_cast %mul3A_389 : vector<16xf32> to vector<1x16xf32>
        tpu.vector_store %arg7[%swap3A_390, %swap3A_391], %swap3A_394 {strides = array<i32>} : memref<128x128xf32, #tpu.memory_space<vmem>>, vector<1x16xf32>,
        %add3A_395 = arith.constant 0 : i32
        %add3A_396 = arith.addi %mul3A_354, %add3A_395 : i32
        %get3A_397 = arith.index_cast %add3A_396 : i32 to index
        %get3A_398 = arith.constant 48 : index
        %get3A_399 = tpu.vector_load %arg7[%get3A_397, %get3A_398] {strides = array<i32>} : memref<128x128xf32, #tpu.memory_space<vmem>>, vector<1x16xf32>,
        %get3A_400 = vector.shape_cast %get3A_399 : vector<1x16xf32> to vector<16xf32>
        %mul3A_401 = arith.constant 11.3137083 : f32
        %mul3A_402 = vector.broadcast %mul3A_401 : f32 to vector<16xf32>
        %mul3A_403 = arith.mulf %get3A_400, %mul3A_402 : vector<16xf32>
        %swap3A_404 = arith.index_cast %add3A_396 : i32 to index
        %swap3A_405 = arith.constant 48 : index
        %swap3A_406 = tpu.vector_load %arg7[%swap3A_404, %swap3A_405] {strides = array<i32>} : memref<128x128xf32, #tpu.memory_space<vmem>>, vector<1x16xf32>,
        %swap3A_407 = vector.shape_cast %swap3A_406 : vector<1x16xf32> to vector<16xf32>
        %swap3A_408 = vector.shape_cast %mul3A_403 : vector<16xf32> to vector<1x16xf32>
        tpu.vector_store %arg7[%swap3A_404, %swap3A_405], %swap3A_408 {strides = array<i32>} : memref<128x128xf32, #tpu.memory_space<vmem>>, vector<1x16xf32>,
        %add3A_409 = arith.constant 0 : i32
        %add3A_410 = arith.addi %mul3A_354, %add3A_409 : i32
        %get3A_411 = arith.index_cast %add3A_410 : i32 to index
        %get3A_412 = arith.constant 64 : index
        %get3A_413 = tpu.vector_load %arg7[%get3A_411, %get3A_412] {strides = array<i32>} : memref<128x128xf32, #tpu.memory_space<vmem>>, vector<1x16xf32>,
        %get3A_414 = vector.shape_cast %get3A_413 : vector<1x16xf32> to vector<16xf32>
        %mul3A_415 = arith.constant 11.3137083 : f32
        %mul3A_416 = vector.broadcast %mul3A_415 : f32 to vector<16xf32>
        %mul3A_417 = arith.mulf %get3A_414, %mul3A_416 : vector<16xf32>
        %swap3A_418 = arith.index_cast %add3A_410 : i32 to index
        %swap3A_419 = arith.constant 64 : index
        %swap3A_420 = tpu.vector_load %arg7[%swap3A_418, %swap3A_419] {strides = array<i32>} : memref<128x128xf32, #tpu.memory_space<vmem>>, vector<1x16xf32>,
        %swap3A_421 = vector.shape_cast %swap3A_420 : vector<1x16xf32> to vector<16xf32>
        %swap3A_422 = vector.shape_cast %mul3A_417 : vector<16xf32> to vector<1x16xf32>
        tpu.vector_store %arg7[%swap3A_418, %swap3A_419], %swap3A_422 {strides = array<i32>} : memref<128x128xf32, #tpu.memory_space<vmem>>, vector<1x16xf32>,
        %add3A_423 = arith.constant 0 : i32
        %add3A_424 = arith.addi %mul3A_354, %add3A_423 : i32
        %get3A_425 = arith.index_cast %add3A_424 : i32 to index
        %get3A_426 = arith.constant 80 : index
        %get3A_427 = tpu.vector_load %arg7[%get3A_425, %get3A_426] {strides = array<i32>} : memref<128x128xf32, #tpu.memory_space<vmem>>, vector<1x16xf32>,
        %get3A_428 = vector.shape_cast %get3A_427 : vector<1x16xf32> to vector<16xf32>
        %mul3A_429 = arith.constant 11.3137083 : f32
        %mul3A_430 = vector.broadcast %mul3A_429 : f32 to vector<16xf32>
        %mul3A_431 = arith.mulf %get3A_428, %mul3A_430 : vector<16xf32>
        %swap3A_432 = arith.index_cast %add3A_424 : i32 to index
        %swap3A_433 = arith.constant 80 : index
        %swap3A_434 = tpu.vector_load %arg7[%swap3A_432, %swap3A_433] {strides = array<i32>} : memref<128x128xf32, #tpu.memory_space<vmem>>, vector<1x16xf32>,
        %swap3A_435 = vector.shape_cast %swap3A_434 : vector<1x16xf32> to vector<16xf32>
        %swap3A_436 = vector.shape_cast %mul3A_431 : vector<16xf32> to vector<1x16xf32>
        tpu.vector_store %arg7[%swap3A_432, %swap3A_433], %swap3A_436 {strides = array<i32>} : memref<128x128xf32, #tpu.memory_space<vmem>>, vector<1x16xf32>,
        %add3A_437 = arith.constant 0 : i32
        %add3A_438 = arith.addi %mul3A_354, %add3A_437 : i32
        %get3A_439 = arith.index_cast %add3A_438 : i32 to index
        %get3A_440 = arith.constant 96 : index
        %get3A_441 = tpu.vector_load %arg7[%get3A_439, %get3A_440] {strides = array<i32>} : memref<128x128xf32, #tpu.memory_space<vmem>>, vector<1x16xf32>,
        %get3A_442 = vector.shape_cast %get3A_441 : vector<1x16xf32> to vector<16xf32>
        %mul3A_443 = arith.constant 11.3137083 : f32
        %mul3A_444 = vector.broadcast %mul3A_443 : f32 to vector<16xf32>
        %mul3A_445 = arith.mulf %get3A_442, %mul3A_444 : vector<16xf32>
        %swap3A_446 = arith.index_cast %add3A_438 : i32 to index
        %swap3A_447 = arith.constant 96 : index
        %swap3A_448 = tpu.vector_load %arg7[%swap3A_446, %swap3A_447] {strides = array<i32>} : memref<128x128xf32, #tpu.memory_space<vmem>>, vector<1x16xf32>,
        %swap3A_449 = vector.shape_cast %swap3A_448 : vector<1x16xf32> to vector<16xf32>
        %swap3A_450 = vector.shape_cast %mul3A_445 : vector<16xf32> to vector<1x16xf32>
        tpu.vector_store %arg7[%swap3A_446, %swap3A_447], %swap3A_450 {strides = array<i32>} : memref<128x128xf32, #tpu.memory_space<vmem>>, vector<1x16xf32>,
        %add3A_451 = arith.constant 0 : i32
        %add3A_452 = arith.addi %mul3A_354, %add3A_451 : i32
        %get3A_453 = arith.index_cast %add3A_452 : i32 to index
        %get3A_454 = arith.constant 112 : index
        %get3A_455 = tpu.vector_load %arg7[%get3A_453, %get3A_454] {strides = array<i32>} : memref<128x128xf32, #tpu.memory_space<vmem>>, vector<1x16xf32>,
        %get3A_456 = vector.shape_cast %get3A_455 : vector<1x16xf32> to vector<16xf32>
        %mul3A_457 = arith.constant 11.3137083 : f32
        %mul3A_458 = vector.broadcast %mul3A_457 : f32 to vector<16xf32>
        %mul3A_459 = arith.mulf %get3A_456, %mul3A_458 : vector<16xf32>
        %swap3A_460 = arith.index_cast %add3A_452 : i32 to index
        %swap3A_461 = arith.constant 112 : index
        %swap3A_462 = tpu.vector_load %arg7[%swap3A_460, %swap3A_461] {strides = array<i32>} : memref<128x128xf32, #tpu.memory_space<vmem>>, vector<1x16xf32>,
        %swap3A_463 = vector.shape_cast %swap3A_462 : vector<1x16xf32> to vector<16xf32>
        %swap3A_464 = vector.shape_cast %mul3A_459 : vector<16xf32> to vector<1x16xf32>
        tpu.vector_store %arg7[%swap3A_460, %swap3A_461], %swap3A_464 {strides = array<i32>} : memref<128x128xf32, #tpu.memory_space<vmem>>, vector<1x16xf32>,
        %add3A_465 = arith.constant 1 : i32
        %add3A_466 = arith.addi %mul3A_354, %add3A_465 : i32
        %get3A_467 = arith.index_cast %add3A_466 : i32 to index
        %get3A_468 = arith.constant 0 : index
        %get3A_469 = tpu.vector_load %arg7[%get3A_467, %get3A_468] {strides = array<i32>} : memref<128x128xf32, #tpu.memory_space<vmem>>, vector<1x16xf32>,
        %get3A_470 = vector.shape_cast %get3A_469 : vector<1x16xf32> to vector<16xf32>
        %mul3A_471 = arith.constant 11.3137083 : f32
        %mul3A_472 = vector.broadcast %mul3A_471 : f32 to vector<16xf32>
        %mul3A_473 = arith.mulf %get3A_470, %mul3A_472 : vector<16xf32>
        %swap3A_474 = arith.index_cast %add3A_466 : i32 to index
        %swap3A_475 = arith.constant 0 : index
        %swap3A_476 = tpu.vector_load %arg7[%swap3A_474, %swap3A_475] {strides = array<i32>} : memref<128x128xf32, #tpu.memory_space<vmem>>, vector<1x16xf32>,
        %swap3A_477 = vector.shape_cast %swap3A_476 : vector<1x16xf32> to vector<16xf32>
        %swap3A_478 = vector.shape_cast %mul3A_473 : vector<16xf32> to vector<1x16xf32>
        tpu.vector_store %arg7[%swap3A_474, %swap3A_475], %swap3A_478 {strides = array<i32>} : memref<128x128xf32, #tpu.memory_space<vmem>>, vector<1x16xf32>,
        %add3A_479 = arith.constant 1 : i32
        %add3A_480 = arith.addi %mul3A_354, %add3A_479 : i32
        %get3A_481 = arith.index_cast %add3A_480 : i32 to index
        %get3A_482 = arith.constant 16 : index
        %get3A_483 = tpu.vector_load %arg7[%get3A_481, %get3A_482] {strides = array<i32>} : memref<128x128xf32, #tpu.memory_space<vmem>>, vector<1x16xf32>,
        %get3A_484 = vector.shape_cast %get3A_483 : vector<1x16xf32> to vector<16xf32>
        %mul3A_485 = arith.constant 11.3137083 : f32
        %mul3A_486 = vector.broadcast %mul3A_485 : f32 to vector<16xf32>
        %mul3A_487 = arith.mulf %get3A_484, %mul3A_486 : vector<16xf32>
        %swap3A_488 = arith.index_cast %add3A_480 : i32 to index
        %swap3A_489 = arith.constant 16 : index
        %swap3A_490 = tpu.vector_load %arg7[%swap3A_488, %swap3A_489] {strides = array<i32>} : memref<128x128xf32, #tpu.memory_space<vmem>>, vector<1x16xf32>,
        %swap3A_491 = vector.shape_cast %swap3A_490 : vector<1x16xf32> to vector<16xf32>
        %swap3A_492 = vector.shape_cast %mul3A_487 : vector<16xf32> to vector<1x16xf32>
        tpu.vector_store %arg7[%swap3A_488, %swap3A_489], %swap3A_492 {strides = array<i32>} : memref<128x128xf32, #tpu.memory_space<vmem>>, vector<1x16xf32>,
        %add3A_493 = arith.constant 1 : i32
        %add3A_494 = arith.addi %mul3A_354, %add3A_493 : i32
        %get3A_495 = arith.index_cast %add3A_494 : i32 to index
        %get3A_496 = arith.constant 32 : index
        %get3A_497 = tpu.vector_load %arg7[%get3A_495, %get3A_496] {strides = array<i32>} : memref<128x128xf32, #tpu.memory_space<vmem>>, vector<1x16xf32>,
        %get3A_498 = vector.shape_cast %get3A_497 : vector<1x16xf32> to vector<16xf32>
        %mul3A_499 = arith.constant 11.3137083 : f32
        %mul3A_500 = vector.broadcast %mul3A_499 : f32 to vector<16xf32>
        %mul3A_501 = arith.mulf %get3A_498, %mul3A_500 : vector<16xf32>
        %swap3A_502 = arith.index_cast %add3A_494 : i32 to index
        %swap3A_503 = arith.constant 32 : index
        %swap3A_504 = tpu.vector_load %arg7[%swap3A_502, %swap3A_503] {strides = array<i32>} : memref<128x128xf32, #tpu.memory_space<vmem>>, vector<1x16xf32>,
        %swap3A_505 = vector.shape_cast %swap3A_504 : vector<1x16xf32> to vector<16xf32>
        %swap3A_506 = vector.shape_cast %mul3A_501 : vector<16xf32> to vector<1x16xf32>
        tpu.vector_store %arg7[%swap3A_502, %swap3A_503], %swap3A_506 {strides = array<i32>} : memref<128x128xf32, #tpu.memory_space<vmem>>, vector<1x16xf32>,
        %add3A_507 = arith.constant 1 : i32
        %add3A_508 = arith.addi %mul3A_354, %add3A_507 : i32
        %get3A_509 = arith.index_cast %add3A_508 : i32 to index
        %get3A_510 = arith.constant 48 : index
        %get3A_511 = tpu.vector_load %arg7[%get3A_509, %get3A_510] {strides = array<i32>} : memref<128x128xf32, #tpu.memory_space<vmem>>, vector<1x16xf32>,
        %get3A_512 = vector.shape_cast %get3A_511 : vector<1x16xf32> to vector<16xf32>
        %mul3A_513 = arith.constant 11.3137083 : f32
        %mul3A_514 = vector.broadcast %mul3A_513 : f32 to vector<16xf32>
        %mul3A_515 = arith.mulf %get3A_512, %mul3A_514 : vector<16xf32>
        %swap3A_516 = arith.index_cast %add3A_508 : i32 to index
        %swap3A_517 = arith.constant 48 : index
        %swap3A_518 = tpu.vector_load %arg7[%swap3A_516, %swap3A_517] {strides = array<i32>} : memref<128x128xf32, #tpu.memory_space<vmem>>, vector<1x16xf32>,
        %swap3A_519 = vector.shape_cast %swap3A_518 : vector<1x16xf32> to vector<16xf32>
        %swap3A_520 = vector.shape_cast %mul3A_515 : vector<16xf32> to vector<1x16xf32>
        tpu.vector_store %arg7[%swap3A_516, %swap3A_517], %swap3A_520 {strides = array<i32>} : memref<128x128xf32, #tpu.memory_space<vmem>>, vector<1x16xf32>,
        %add3A_521 = arith.constant 1 : i32
        %add3A_522 = arith.addi %mul3A_354, %add3A_521 : i32
        %get3A_523 = arith.index_cast %add3A_522 : i32 to index
        %get3A_524 = arith.constant 64 : index
        %get3A_525 = tpu.vector_load %arg7[%get3A_523, %get3A_524] {strides = array<i32>} : memref<128x128xf32, #tpu.memory_space<vmem>>, vector<1x16xf32>,
        %get3A_526 = vector.shape_cast %get3A_525 : vector<1x16xf32> to vector<16xf32>
        %mul3A_527 = arith.constant 11.3137083 : f32
        %mul3A_528 = vector.broadcast %mul3A_527 : f32 to vector<16xf32>
        %mul3A_529 = arith.mulf %get3A_526, %mul3A_528 : vector<16xf32>
        %swap3A_530 = arith.index_cast %add3A_522 : i32 to index
        %swap3A_531 = arith.constant 64 : index
        %swap3A_532 = tpu.vector_load %arg7[%swap3A_530, %swap3A_531] {strides = array<i32>} : memref<128x128xf32, #tpu.memory_space<vmem>>, vector<1x16xf32>,
        %swap3A_533 = vector.shape_cast %swap3A_532 : vector<1x16xf32> to vector<16xf32>
        %swap3A_534 = vector.shape_cast %mul3A_529 : vector<16xf32> to vector<1x16xf32>
        tpu.vector_store %arg7[%swap3A_530, %swap3A_531], %swap3A_534 {strides = array<i32>} : memref<128x128xf32, #tpu.memory_space<vmem>>, vector<1x16xf32>,
        %add3A_535 = arith.constant 1 : i32
        %add3A_536 = arith.addi %mul3A_354, %add3A_535 : i32
        %get3A_537 = arith.index_cast %add3A_536 : i32 to index
        %get3A_538 = arith.constant 80 : index
        %get3A_539 = tpu.vector_load %arg7[%get3A_537, %get3A_538] {strides = array<i32>} : memref<128x128xf32, #tpu.memory_space<vmem>>, vector<1x16xf32>,
        %get3A_540 = vector.shape_cast %get3A_539 : vector<1x16xf32> to vector<16xf32>
        %mul3A_541 = arith.constant 11.3137083 : f32
        %mul3A_542 = vector.broadcast %mul3A_541 : f32 to vector<16xf32>
        %mul3A_543 = arith.mulf %get3A_540, %mul3A_542 : vector<16xf32>
        %swap3A_544 = arith.index_cast %add3A_536 : i32 to index
        %swap3A_545 = arith.constant 80 : index
        %swap3A_546 = tpu.vector_load %arg7[%swap3A_544, %swap3A_545] {strides = array<i32>} : memref<128x128xf32, #tpu.memory_space<vmem>>, vector<1x16xf32>,
        %swap3A_547 = vector.shape_cast %swap3A_546 : vector<1x16xf32> to vector<16xf32>
        %swap3A_548 = vector.shape_cast %mul3A_543 : vector<16xf32> to vector<1x16xf32>
        tpu.vector_store %arg7[%swap3A_544, %swap3A_545], %swap3A_548 {strides = array<i32>} : memref<128x128xf32, #tpu.memory_space<vmem>>, vector<1x16xf32>,
        %add3A_549 = arith.constant 1 : i32
        %add3A_550 = arith.addi %mul3A_354, %add3A_549 : i32
        %get3A_551 = arith.index_cast %add3A_550 : i32 to index
        %get3A_552 = arith.constant 96 : index
        %get3A_553 = tpu.vector_load %arg7[%get3A_551, %get3A_552] {strides = array<i32>} : memref<128x128xf32, #tpu.memory_space<vmem>>, vector<1x16xf32>,
        %get3A_554 = vector.shape_cast %get3A_553 : vector<1x16xf32> to vector<16xf32>
        %mul3A_555 = arith.constant 11.3137083 : f32
        %mul3A_556 = vector.broadcast %mul3A_555 : f32 to vector<16xf32>
        %mul3A_557 = arith.mulf %get3A_554, %mul3A_556 : vector<16xf32>
        %swap3A_558 = arith.index_cast %add3A_550 : i32 to index
        %swap3A_559 = arith.constant 96 : index
        %swap3A_560 = tpu.vector_load %arg7[%swap3A_558, %swap3A_559] {strides = array<i32>} : memref<128x128xf32, #tpu.memory_space<vmem>>, vector<1x16xf32>,
        %swap3A_561 = vector.shape_cast %swap3A_560 : vector<1x16xf32> to vector<16xf32>
        %swap3A_562 = vector.shape_cast %mul3A_557 : vector<16xf32> to vector<1x16xf32>
        tpu.vector_store %arg7[%swap3A_558, %swap3A_559], %swap3A_562 {strides = array<i32>} : memref<128x128xf32, #tpu.memory_space<vmem>>, vector<1x16xf32>,
        %add3A_563 = arith.constant 1 : i32
        %add3A_564 = arith.addi %mul3A_354, %add3A_563 : i32
        %get3A_565 = arith.index_cast %add3A_564 : i32 to index
        %get3A_566 = arith.constant 112 : index
        %get3A_567 = tpu.vector_load %arg7[%get3A_565, %get3A_566] {strides = array<i32>} : memref<128x128xf32, #tpu.memory_space<vmem>>, vector<1x16xf32>,
        %get3A_568 = vector.shape_cast %get3A_567 : vector<1x16xf32> to vector<16xf32>
        %mul3A_569 = arith.constant 11.3137083 : f32
        %mul3A_570 = vector.broadcast %mul3A_569 : f32 to vector<16xf32>
        %mul3A_571 = arith.mulf %get3A_568, %mul3A_570 : vector<16xf32>
        %swap3A_572 = arith.index_cast %add3A_564 : i32 to index
        %swap3A_573 = arith.constant 112 : index
        %swap3A_574 = tpu.vector_load %arg7[%swap3A_572, %swap3A_573] {strides = array<i32>} : memref<128x128xf32, #tpu.memory_space<vmem>>, vector<1x16xf32>,
        %swap3A_575 = vector.shape_cast %swap3A_574 : vector<1x16xf32> to vector<16xf32>
        %swap3A_576 = vector.shape_cast %mul3A_571 : vector<16xf32> to vector<1x16xf32>
        tpu.vector_store %arg7[%swap3A_572, %swap3A_573], %swap3A_576 {strides = array<i32>} : memref<128x128xf32, #tpu.memory_space<vmem>>, vector<1x16xf32>,
        %add3A_577 = arith.constant 2 : i32
        %add3A_578 = arith.addi %mul3A_354, %add3A_577 : i32
        %get3A_579 = arith.index_cast %add3A_578 : i32 to index
        %get3A_580 = arith.constant 0 : index
        %get3A_581 = tpu.vector_load %arg7[%get3A_579, %get3A_580] {strides = array<i32>} : memref<128x128xf32, #tpu.memory_space<vmem>>, vector<1x16xf32>,
        %get3A_582 = vector.shape_cast %get3A_581 : vector<1x16xf32> to vector<16xf32>
        %mul3A_583 = arith.constant 11.3137083 : f32
        %mul3A_584 = vector.broadcast %mul3A_583 : f32 to vector<16xf32>
        %mul3A_585 = arith.mulf %get3A_582, %mul3A_584 : vector<16xf32>
        %swap3A_586 = arith.index_cast %add3A_578 : i32 to index
        %swap3A_587 = arith.constant 0 : index
        %swap3A_588 = tpu.vector_load %arg7[%swap3A_586, %swap3A_587] {strides = array<i32>} : memref<128x128xf32, #tpu.memory_space<vmem>>, vector<1x16xf32>,
        %swap3A_589 = vector.shape_cast %swap3A_588 : vector<1x16xf32> to vector<16xf32>
        %swap3A_590 = vector.shape_cast %mul3A_585 : vector<16xf32> to vector<1x16xf32>
        tpu.vector_store %arg7[%swap3A_586, %swap3A_587], %swap3A_590 {strides = array<i32>} : memref<128x128xf32, #tpu.memory_space<vmem>>, vector<1x16xf32>,
        %add3A_591 = arith.constant 2 : i32
        %add3A_592 = arith.addi %mul3A_354, %add3A_591 : i32
        %get3A_593 = arith.index_cast %add3A_592 : i32 to index
        %get3A_594 = arith.constant 16 : index
        %get3A_595 = tpu.vector_load %arg7[%get3A_593, %get3A_594] {strides = array<i32>} : memref<128x128xf32, #tpu.memory_space<vmem>>, vector<1x16xf32>,
        %get3A_596 = vector.shape_cast %get3A_595 : vector<1x16xf32> to vector<16xf32>
        %mul3A_597 = arith.constant 11.3137083 : f32
        %mul3A_598 = vector.broadcast %mul3A_597 : f32 to vector<16xf32>
        %mul3A_599 = arith.mulf %get3A_596, %mul3A_598 : vector<16xf32>
        %swap3A_600 = arith.index_cast %add3A_592 : i32 to index
        %swap3A_601 = arith.constant 16 : index
        %swap3A_602 = tpu.vector_load %arg7[%swap3A_600, %swap3A_601] {strides = array<i32>} : memref<128x128xf32, #tpu.memory_space<vmem>>, vector<1x16xf32>,
        %swap3A_603 = vector.shape_cast %swap3A_602 : vector<1x16xf32> to vector<16xf32>
        %swap3A_604 = vector.shape_cast %mul3A_599 : vector<16xf32> to vector<1x16xf32>
        tpu.vector_store %arg7[%swap3A_600, %swap3A_601], %swap3A_604 {strides = array<i32>} : memref<128x128xf32, #tpu.memory_space<vmem>>, vector<1x16xf32>,
        %add3A_605 = arith.constant 2 : i32
        %add3A_606 = arith.addi %mul3A_354, %add3A_605 : i32
        %get3A_607 = arith.index_cast %add3A_606 : i32 to index
        %get3A_608 = arith.constant 32 : index
        %get3A_609 = tpu.vector_load %arg7[%get3A_607, %get3A_608] {strides = array<i32>} : memref<128x128xf32, #tpu.memory_space<vmem>>, vector<1x16xf32>,
        %get3A_610 = vector.shape_cast %get3A_609 : vector<1x16xf32> to vector<16xf32>
        %mul3A_611 = arith.constant 11.3137083 : f32
        %mul3A_612 = vector.broadcast %mul3A_611 : f32 to vector<16xf32>
        %mul3A_613 = arith.mulf %get3A_610, %mul3A_612 : vector<16xf32>
        %swap3A_614 = arith.index_cast %add3A_606 : i32 to index
        %swap3A_615 = arith.constant 32 : index
        %swap3A_616 = tpu.vector_load %arg7[%swap3A_614, %swap3A_615] {strides = array<i32>} : memref<128x128xf32, #tpu.memory_space<vmem>>, vector<1x16xf32>,
        %swap3A_617 = vector.shape_cast %swap3A_616 : vector<1x16xf32> to vector<16xf32>
        %swap3A_618 = vector.shape_cast %mul3A_613 : vector<16xf32> to vector<1x16xf32>
        tpu.vector_store %arg7[%swap3A_614, %swap3A_615], %swap3A_618 {strides = array<i32>} : memref<128x128xf32, #tpu.memory_space<vmem>>, vector<1x16xf32>,
        %add3A_619 = arith.constant 2 : i32
        %add3A_620 = arith.addi %mul3A_354, %add3A_619 : i32
        %get3A_621 = arith.index_cast %add3A_620 : i32 to index
        %get3A_622 = arith.constant 48 : index
        %get3A_623 = tpu.vector_load %arg7[%get3A_621, %get3A_622] {strides = array<i32>} : memref<128x128xf32, #tpu.memory_space<vmem>>, vector<1x16xf32>,
        %get3A_624 = vector.shape_cast %get3A_623 : vector<1x16xf32> to vector<16xf32>
        %mul3A_625 = arith.constant 11.3137083 : f32
        %mul3A_626 = vector.broadcast %mul3A_625 : f32 to vector<16xf32>
        %mul3A_627 = arith.mulf %get3A_624, %mul3A_626 : vector<16xf32>
        %swap3A_628 = arith.index_cast %add3A_620 : i32 to index
        %swap3A_629 = arith.constant 48 : index
        %swap3A_630 = tpu.vector_load %arg7[%swap3A_628, %swap3A_629] {strides = array<i32>} : memref<128x128xf32, #tpu.memory_space<vmem>>, vector<1x16xf32>,
        %swap3A_631 = vector.shape_cast %swap3A_630 : vector<1x16xf32> to vector<16xf32>
        %swap3A_632 = vector.shape_cast %mul3A_627 : vector<16xf32> to vector<1x16xf32>
        tpu.vector_store %arg7[%swap3A_628, %swap3A_629], %swap3A_632 {strides = array<i32>} : memref<128x128xf32, #tpu.memory_space<vmem>>, vector<1x16xf32>,
        %add3A_633 = arith.constant 2 : i32
        %add3A_634 = arith.addi %mul3A_354, %add3A_633 : i32
        %get3A_635 = arith.index_cast %add3A_634 : i32 to index
        %get3A_636 = arith.constant 64 : index
        %get3A_637 = tpu.vector_load %arg7[%get3A_635, %get3A_636] {strides = array<i32>} : memref<128x128xf32, #tpu.memory_space<vmem>>, vector<1x16xf32>,
        %get3A_638 = vector.shape_cast %get3A_637 : vector<1x16xf32> to vector<16xf32>
        %mul3A_639 = arith.constant 11.3137083 : f32
        %mul3A_640 = vector.broadcast %mul3A_639 : f32 to vector<16xf32>
        %mul3A_641 = arith.mulf %get3A_638, %mul3A_640 : vector<16xf32>
        %swap3A_642 = arith.index_cast %add3A_634 : i32 to index
        %swap3A_643 = arith.constant 64 : index
        %swap3A_644 = tpu.vector_load %arg7[%swap3A_642, %swap3A_643] {strides = array<i32>} : memref<128x128xf32, #tpu.memory_space<vmem>>, vector<1x16xf32>,
        %swap3A_645 = vector.shape_cast %swap3A_644 : vector<1x16xf32> to vector<16xf32>
        %swap3A_646 = vector.shape_cast %mul3A_641 : vector<16xf32> to vector<1x16xf32>
        tpu.vector_store %arg7[%swap3A_642, %swap3A_643], %swap3A_646 {strides = array<i32>} : memref<128x128xf32, #tpu.memory_space<vmem>>, vector<1x16xf32>,
        %add3A_647 = arith.constant 2 : i32
        %add3A_648 = arith.addi %mul3A_354, %add3A_647 : i32
        %get3A_649 = arith.index_cast %add3A_648 : i32 to index
        %get3A_650 = arith.constant 80 : index
        %get3A_651 = tpu.vector_load %arg7[%get3A_649, %get3A_650] {strides = array<i32>} : memref<128x128xf32, #tpu.memory_space<vmem>>, vector<1x16xf32>,
        %get3A_652 = vector.shape_cast %get3A_651 : vector<1x16xf32> to vector<16xf32>
        %mul3A_653 = arith.constant 11.3137083 : f32
        %mul3A_654 = vector.broadcast %mul3A_653 : f32 to vector<16xf32>
        %mul3A_655 = arith.mulf %get3A_652, %mul3A_654 : vector<16xf32>
        %swap3A_656 = arith.index_cast %add3A_648 : i32 to index
        %swap3A_657 = arith.constant 80 : index
        %swap3A_658 = tpu.vector_load %arg7[%swap3A_656, %swap3A_657] {strides = array<i32>} : memref<128x128xf32, #tpu.memory_space<vmem>>, vector<1x16xf32>,
        %swap3A_659 = vector.shape_cast %swap3A_658 : vector<1x16xf32> to vector<16xf32>
        %swap3A_660 = vector.shape_cast %mul3A_655 : vector<16xf32> to vector<1x16xf32>
        tpu.vector_store %arg7[%swap3A_656, %swap3A_657], %swap3A_660 {strides = array<i32>} : memref<128x128xf32, #tpu.memory_space<vmem>>, vector<1x16xf32>,
        %add3A_661 = arith.constant 2 : i32
        %add3A_662 = arith.addi %mul3A_354, %add3A_661 : i32
        %get3A_663 = arith.index_cast %add3A_662 : i32 to index
        %get3A_664 = arith.constant 96 : index
        %get3A_665 = tpu.vector_load %arg7[%get3A_663, %get3A_664] {strides = array<i32>} : memref<128x128xf32, #tpu.memory_space<vmem>>, vector<1x16xf32>,
        %get3A_666 = vector.shape_cast %get3A_665 : vector<1x16xf32> to vector<16xf32>
        %mul3A_667 = arith.constant 11.3137083 : f32
        %mul3A_668 = vector.broadcast %mul3A_667 : f32 to vector<16xf32>
        %mul3A_669 = arith.mulf %get3A_666, %mul3A_668 : vector<16xf32>
        %swap3A_670 = arith.index_cast %add3A_662 : i32 to index
        %swap3A_671 = arith.constant 96 : index
        %swap3A_672 = tpu.vector_load %arg7[%swap3A_670, %swap3A_671] {strides = array<i32>} : memref<128x128xf32, #tpu.memory_space<vmem>>, vector<1x16xf32>,
        %swap3A_673 = vector.shape_cast %swap3A_672 : vector<1x16xf32> to vector<16xf32>
        %swap3A_674 = vector.shape_cast %mul3A_669 : vector<16xf32> to vector<1x16xf32>
        tpu.vector_store %arg7[%swap3A_670, %swap3A_671], %swap3A_674 {strides = array<i32>} : memref<128x128xf32, #tpu.memory_space<vmem>>, vector<1x16xf32>,
        %add3A_675 = arith.constant 2 : i32
        %add3A_676 = arith.addi %mul3A_354, %add3A_675 : i32
        %get3A_677 = arith.index_cast %add3A_676 : i32 to index
        %get3A_678 = arith.constant 112 : index
        %get3A_679 = tpu.vector_load %arg7[%get3A_677, %get3A_678] {strides = array<i32>} : memref<128x128xf32, #tpu.memory_space<vmem>>, vector<1x16xf32>,
        %get3A_680 = vector.shape_cast %get3A_679 : vector<1x16xf32> to vector<16xf32>
        %mul3A_681 = arith.constant 11.3137083 : f32
        %mul3A_682 = vector.broadcast %mul3A_681 : f32 to vector<16xf32>
        %mul3A_683 = arith.mulf %get3A_680, %mul3A_682 : vector<16xf32>
        %swap3A_684 = arith.index_cast %add3A_676 : i32 to index
        %swap3A_685 = arith.constant 112 : index
        %swap3A_686 = tpu.vector_load %arg7[%swap3A_684, %swap3A_685] {strides = array<i32>} : memref<128x128xf32, #tpu.memory_space<vmem>>, vector<1x16xf32>,
        %swap3A_687 = vector.shape_cast %swap3A_686 : vector<1x16xf32> to vector<16xf32>
        %swap3A_688 = vector.shape_cast %mul3A_683 : vector<16xf32> to vector<1x16xf32>
        tpu.vector_store %arg7[%swap3A_684, %swap3A_685], %swap3A_688 {strides = array<i32>} : memref<128x128xf32, #tpu.memory_space<vmem>>, vector<1x16xf32>,
        %add3A_689 = arith.constant 3 : i32
        %add3A_690 = arith.addi %mul3A_354, %add3A_689 : i32
        %get3A_691 = arith.index_cast %add3A_690 : i32 to index
        %get3A_692 = arith.constant 0 : index
        %get3A_693 = tpu.vector_load %arg7[%get3A_691, %get3A_692] {strides = array<i32>} : memref<128x128xf32, #tpu.memory_space<vmem>>, vector<1x16xf32>,
        %get3A_694 = vector.shape_cast %get3A_693 : vector<1x16xf32> to vector<16xf32>
        %mul3A_695 = arith.constant 11.3137083 : f32
        %mul3A_696 = vector.broadcast %mul3A_695 : f32 to vector<16xf32>
        %mul3A_697 = arith.mulf %get3A_694, %mul3A_696 : vector<16xf32>
        %swap3A_698 = arith.index_cast %add3A_690 : i32 to index
        %swap3A_699 = arith.constant 0 : index
        %swap3A_700 = tpu.vector_load %arg7[%swap3A_698, %swap3A_699] {strides = array<i32>} : memref<128x128xf32, #tpu.memory_space<vmem>>, vector<1x16xf32>,
        %swap3A_701 = vector.shape_cast %swap3A_700 : vector<1x16xf32> to vector<16xf32>
        %swap3A_702 = vector.shape_cast %mul3A_697 : vector<16xf32> to vector<1x16xf32>
        tpu.vector_store %arg7[%swap3A_698, %swap3A_699], %swap3A_702 {strides = array<i32>} : memref<128x128xf32, #tpu.memory_space<vmem>>, vector<1x16xf32>,
        %add3A_703 = arith.constant 3 : i32
        %add3A_704 = arith.addi %mul3A_354, %add3A_703 : i32
        %get3A_705 = arith.index_cast %add3A_704 : i32 to index
        %get3A_706 = arith.constant 16 : index
        %get3A_707 = tpu.vector_load %arg7[%get3A_705, %get3A_706] {strides = array<i32>} : memref<128x128xf32, #tpu.memory_space<vmem>>, vector<1x16xf32>,
        %get3A_708 = vector.shape_cast %get3A_707 : vector<1x16xf32> to vector<16xf32>
        %mul3A_709 = arith.constant 11.3137083 : f32
        %mul3A_710 = vector.broadcast %mul3A_709 : f32 to vector<16xf32>
        %mul3A_711 = arith.mulf %get3A_708, %mul3A_710 : vector<16xf32>
        %swap3A_712 = arith.index_cast %add3A_704 : i32 to index
        %swap3A_713 = arith.constant 16 : index
        %swap3A_714 = tpu.vector_load %arg7[%swap3A_712, %swap3A_713] {strides = array<i32>} : memref<128x128xf32, #tpu.memory_space<vmem>>, vector<1x16xf32>,
        %swap3A_715 = vector.shape_cast %swap3A_714 : vector<1x16xf32> to vector<16xf32>
        %swap3A_716 = vector.shape_cast %mul3A_711 : vector<16xf32> to vector<1x16xf32>
        tpu.vector_store %arg7[%swap3A_712, %swap3A_713], %swap3A_716 {strides = array<i32>} : memref<128x128xf32, #tpu.memory_space<vmem>>, vector<1x16xf32>,
        %add3A_717 = arith.constant 3 : i32
        %add3A_718 = arith.addi %mul3A_354, %add3A_717 : i32
        %get3A_719 = arith.index_cast %add3A_718 : i32 to index
        %get3A_720 = arith.constant 32 : index
        %get3A_721 = tpu.vector_load %arg7[%get3A_719, %get3A_720] {strides = array<i32>} : memref<128x128xf32, #tpu.memory_space<vmem>>, vector<1x16xf32>,
        %get3A_722 = vector.shape_cast %get3A_721 : vector<1x16xf32> to vector<16xf32>
        %mul3A_723 = arith.constant 11.3137083 : f32
        %mul3A_724 = vector.broadcast %mul3A_723 : f32 to vector<16xf32>
        %mul3A_725 = arith.mulf %get3A_722, %mul3A_724 : vector<16xf32>
        %swap3A_726 = arith.index_cast %add3A_718 : i32 to index
        %swap3A_727 = arith.constant 32 : index
        %swap3A_728 = tpu.vector_load %arg7[%swap3A_726, %swap3A_727] {strides = array<i32>} : memref<128x128xf32, #tpu.memory_space<vmem>>, vector<1x16xf32>,
        %swap3A_729 = vector.shape_cast %swap3A_728 : vector<1x16xf32> to vector<16xf32>
        %swap3A_730 = vector.shape_cast %mul3A_725 : vector<16xf32> to vector<1x16xf32>
        tpu.vector_store %arg7[%swap3A_726, %swap3A_727], %swap3A_730 {strides = array<i32>} : memref<128x128xf32, #tpu.memory_space<vmem>>, vector<1x16xf32>,
        %add3A_731 = arith.constant 3 : i32
        %add3A_732 = arith.addi %mul3A_354, %add3A_731 : i32
        %get3A_733 = arith.index_cast %add3A_732 : i32 to index
        %get3A_734 = arith.constant 48 : index
        %get3A_735 = tpu.vector_load %arg7[%get3A_733, %get3A_734] {strides = array<i32>} : memref<128x128xf32, #tpu.memory_space<vmem>>, vector<1x16xf32>,
        %get3A_736 = vector.shape_cast %get3A_735 : vector<1x16xf32> to vector<16xf32>
        %mul3A_737 = arith.constant 11.3137083 : f32
        %mul3A_738 = vector.broadcast %mul3A_737 : f32 to vector<16xf32>
        %mul3A_739 = arith.mulf %get3A_736, %mul3A_738 : vector<16xf32>
        %swap3A_740 = arith.index_cast %add3A_732 : i32 to index
        %swap3A_741 = arith.constant 48 : index
        %swap3A_742 = tpu.vector_load %arg7[%swap3A_740, %swap3A_741] {strides = array<i32>} : memref<128x128xf32, #tpu.memory_space<vmem>>, vector<1x16xf32>,
        %swap3A_743 = vector.shape_cast %swap3A_742 : vector<1x16xf32> to vector<16xf32>
        %swap3A_744 = vector.shape_cast %mul3A_739 : vector<16xf32> to vector<1x16xf32>
        tpu.vector_store %arg7[%swap3A_740, %swap3A_741], %swap3A_744 {strides = array<i32>} : memref<128x128xf32, #tpu.memory_space<vmem>>, vector<1x16xf32>,
        %add3A_745 = arith.constant 3 : i32
        %add3A_746 = arith.addi %mul3A_354, %add3A_745 : i32
        %get3A_747 = arith.index_cast %add3A_746 : i32 to index
        %get3A_748 = arith.constant 64 : index
        %get3A_749 = tpu.vector_load %arg7[%get3A_747, %get3A_748] {strides = array<i32>} : memref<128x128xf32, #tpu.memory_space<vmem>>, vector<1x16xf32>,
        %get3A_750 = vector.shape_cast %get3A_749 : vector<1x16xf32> to vector<16xf32>
        %mul3A_751 = arith.constant 11.3137083 : f32
        %mul3A_752 = vector.broadcast %mul3A_751 : f32 to vector<16xf32>
        %mul3A_753 = arith.mulf %get3A_750, %mul3A_752 : vector<16xf32>
        %swap3A_754 = arith.index_cast %add3A_746 : i32 to index
        %swap3A_755 = arith.constant 64 : index
        %swap3A_756 = tpu.vector_load %arg7[%swap3A_754, %swap3A_755] {strides = array<i32>} : memref<128x128xf32, #tpu.memory_space<vmem>>, vector<1x16xf32>,
        %swap3A_757 = vector.shape_cast %swap3A_756 : vector<1x16xf32> to vector<16xf32>
        %swap3A_758 = vector.shape_cast %mul3A_753 : vector<16xf32> to vector<1x16xf32>
        tpu.vector_store %arg7[%swap3A_754, %swap3A_755], %swap3A_758 {strides = array<i32>} : memref<128x128xf32, #tpu.memory_space<vmem>>, vector<1x16xf32>,
        %add3A_759 = arith.constant 3 : i32
        %add3A_760 = arith.addi %mul3A_354, %add3A_759 : i32
        %get3A_761 = arith.index_cast %add3A_760 : i32 to index
        %get3A_762 = arith.constant 80 : index
        %get3A_763 = tpu.vector_load %arg7[%get3A_761, %get3A_762] {strides = array<i32>} : memref<128x128xf32, #tpu.memory_space<vmem>>, vector<1x16xf32>,
        %get3A_764 = vector.shape_cast %get3A_763 : vector<1x16xf32> to vector<16xf32>
        %mul3A_765 = arith.constant 11.3137083 : f32
        %mul3A_766 = vector.broadcast %mul3A_765 : f32 to vector<16xf32>
        %mul3A_767 = arith.mulf %get3A_764, %mul3A_766 : vector<16xf32>
        %swap3A_768 = arith.index_cast %add3A_760 : i32 to index
        %swap3A_769 = arith.constant 80 : index
        %swap3A_770 = tpu.vector_load %arg7[%swap3A_768, %swap3A_769] {strides = array<i32>} : memref<128x128xf32, #tpu.memory_space<vmem>>, vector<1x16xf32>,
        %swap3A_771 = vector.shape_cast %swap3A_770 : vector<1x16xf32> to vector<16xf32>
        %swap3A_772 = vector.shape_cast %mul3A_767 : vector<16xf32> to vector<1x16xf32>
        tpu.vector_store %arg7[%swap3A_768, %swap3A_769], %swap3A_772 {strides = array<i32>} : memref<128x128xf32, #tpu.memory_space<vmem>>, vector<1x16xf32>,
        %add3A_773 = arith.constant 3 : i32
        %add3A_774 = arith.addi %mul3A_354, %add3A_773 : i32
        %get3A_775 = arith.index_cast %add3A_774 : i32 to index
        %get3A_776 = arith.constant 96 : index
        %get3A_777 = tpu.vector_load %arg7[%get3A_775, %get3A_776] {strides = array<i32>} : memref<128x128xf32, #tpu.memory_space<vmem>>, vector<1x16xf32>,
        %get3A_778 = vector.shape_cast %get3A_777 : vector<1x16xf32> to vector<16xf32>
        %mul3A_779 = arith.constant 11.3137083 : f32
        %mul3A_780 = vector.broadcast %mul3A_779 : f32 to vector<16xf32>
        %mul3A_781 = arith.mulf %get3A_778, %mul3A_780 : vector<16xf32>
        %swap3A_782 = arith.index_cast %add3A_774 : i32 to index
        %swap3A_783 = arith.constant 96 : index
        %swap3A_784 = tpu.vector_load %arg7[%swap3A_782, %swap3A_783] {strides = array<i32>} : memref<128x128xf32, #tpu.memory_space<vmem>>, vector<1x16xf32>,
        %swap3A_785 = vector.shape_cast %swap3A_784 : vector<1x16xf32> to vector<16xf32>
        %swap3A_786 = vector.shape_cast %mul3A_781 : vector<16xf32> to vector<1x16xf32>
        tpu.vector_store %arg7[%swap3A_782, %swap3A_783], %swap3A_786 {strides = array<i32>} : memref<128x128xf32, #tpu.memory_space<vmem>>, vector<1x16xf32>,
        %add3A_787 = arith.constant 3 : i32
        %add3A_788 = arith.addi %mul3A_354, %add3A_787 : i32
        %get3A_789 = arith.index_cast %add3A_788 : i32 to index
        %get3A_790 = arith.constant 112 : index
        %get3A_791 = tpu.vector_load %arg7[%get3A_789, %get3A_790] {strides = array<i32>} : memref<128x128xf32, #tpu.memory_space<vmem>>, vector<1x16xf32>,
        %get3A_792 = vector.shape_cast %get3A_791 : vector<1x16xf32> to vector<16xf32>
        %mul3A_793 = arith.constant 11.3137083 : f32
        %mul3A_794 = vector.broadcast %mul3A_793 : f32 to vector<16xf32>
        %mul3A_795 = arith.mulf %get3A_792, %mul3A_794 : vector<16xf32>
        %swap3A_796 = arith.index_cast %add3A_788 : i32 to index
        %swap3A_797 = arith.constant 112 : index
        %swap3A_798 = tpu.vector_load %arg7[%swap3A_796, %swap3A_797] {strides = array<i32>} : memref<128x128xf32, #tpu.memory_space<vmem>>, vector<1x16xf32>,
        %swap3A_799 = vector.shape_cast %swap3A_798 : vector<1x16xf32> to vector<16xf32>
        %swap3A_800 = vector.shape_cast %mul3A_795 : vector<16xf32> to vector<1x16xf32>
        tpu.vector_store %arg7[%swap3A_796, %swap3A_797], %swap3A_800 {strides = array<i32>} : memref<128x128xf32, #tpu.memory_space<vmem>>, vector<1x16xf32>,
      }
      %scan3A_296 = arith.constant 32 : i32
      %mul3A_297 = arith.constant 4096 : i32
      %mul3A_298 = arith.muli %add3A_263, %mul3A_297 : i32
      %add3A_299 = arith.addi %mul3A_298, %mul3A_2 : i32
      %dma_start3A_300 = arith.constant 1 : i32
      %dma_start3A_301 = arith.constant 0 : i32
      %dma_start3A_302 = tpu.memref_slice %arg4[%add3A_299, %dma_start3A_301] : memref<204800x128xf32, #tpu.memory_space<hbm>> -> memref<128x128xf32, #tpu.memory_space<hbm>>
      %dma_start3A_303 = tpu.memref_slice %arg10[%dma_start3A_300] : memref<3x!tpu.dma_semaphore, #tpu.memory_space<semaphore_mem>> -> memref<1x!tpu.dma_semaphore, #tpu.memory_space<semaphore_mem>>
      %dma_start3A_304 = tpu.memref_squeeze %dma_start3A_303 : memref<1x!tpu.dma_semaphore, #tpu.memory_space<semaphore_mem>> -> memref<!tpu.dma_semaphore, #tpu.memory_space<semaphore_mem>>
      %dma_start3A_305 = arith.constant 0 : i32
      %dma_start3A_306 = tpu.memref_slice %arg4[%add3A_299, %dma_start3A_305] : memref<204800x128xf32, #tpu.memory_space<hbm>> -> memref<128x128xf32, #tpu.memory_space<hbm>>
      tpu.enqueue_dma source(%arg7 : memref<128x128xf32, #tpu.memory_space<vmem>>) target(%dma_start3A_306 : memref<128x128xf32, #tpu.memory_space<hbm>>) target_semaphore(%dma_start3A_304 : memref<!tpu.dma_semaphore, #tpu.memory_space<semaphore_mem>>)
      %add3A_307 = arith.constant 2 : i32
      %add3A_308 = arith.addi %mul3A_216, %add3A_307 : i32
      %dma_wait3A_309 = arith.constant 1 : i32
      %dma_wait3A_310 = arith.constant 0 : i32
      %dma_wait3A_311 = tpu.memref_slice %arg4[%mul3A_2, %dma_wait3A_310] : memref<204800x128xf32, #tpu.memory_space<hbm>> -> memref<128x128xf32, #tpu.memory_space<hbm>>
      %dma_wait3A_312 = tpu.memref_slice %arg10[%dma_wait3A_309] : memref<3x!tpu.dma_semaphore, #tpu.memory_space<semaphore_mem>> -> memref<1x!tpu.dma_semaphore, #tpu.memory_space<semaphore_mem>>
      %dma_wait3A_313 = tpu.memref_squeeze %dma_wait3A_312 : memref<1x!tpu.dma_semaphore, #tpu.memory_space<semaphore_mem>> -> memref<!tpu.dma_semaphore, #tpu.memory_space<semaphore_mem>>
      %dma_wait3A_314 = arith.constant 0 : i32
      %dma_wait3A_315 = tpu.memref_slice %arg4[%mul3A_2, %dma_wait3A_314] : memref<204800x128xf32, #tpu.memory_space<hbm>> -> memref<128x128xf32, #tpu.memory_space<hbm>>
      tpu.wait_dma2 semaphore(%dma_wait3A_313 : memref<!tpu.dma_semaphore, #tpu.memory_space<semaphore_mem>>) src(%arg7 : memref<128x128xf32, #tpu.memory_space<vmem>>) dst(%dma_wait3A_315 : memref<128x128xf32, #tpu.memory_space<hbm>>)
      %add3A_316 = arith.constant 2 : i32
      %add3A_317 = arith.addi %add3A_308, %add3A_316 : i32
      %dma_start3A_318 = arith.constant 1 : i32
      %dma_start3A_319 = arith.constant 0 : i32
      %dma_start3A_320 = tpu.memref_slice %arg5[%add3A_317, %dma_start3A_319] : memref<50x128xi32, #tpu.memory_space<vmem>> -> memref<1x128xi32, #tpu.memory_space<vmem>>
      %dma_start3A_321 = tpu.memref_squeeze %dma_start3A_320 : memref<1x128xi32, #tpu.memory_space<vmem>> -> memref<128xi32, #tpu.memory_space<vmem>>
      %dma_start3A_322 = arith.constant 0 : i32
      %dma_start3A_323 = arith.constant 0 : i32
      %dma_start3A_324 = tpu.memref_slice %arg3[%dma_start3A_322, %dma_start3A_323] : memref<100000x128xf32, #tpu.memory_space<hbm>> -> memref<100000x128xf32, #tpu.memory_space<hbm>>
      %dma_start3A_325 = tpu.memref_slice %arg9[%dma_start3A_318] : memref<3x!tpu.dma_semaphore, #tpu.memory_space<semaphore_mem>> -> memref<1x!tpu.dma_semaphore, #tpu.memory_space<semaphore_mem>>
      %dma_start3A_326 = tpu.memref_squeeze %dma_start3A_325 : memref<1x!tpu.dma_semaphore, #tpu.memory_space<semaphore_mem>> -> memref<!tpu.dma_semaphore, #tpu.memory_space<semaphore_mem>>
      tpu.enqueue_indirect_dma source(%dma_start3A_324 : memref<100000x128xf32, #tpu.memory_space<hbm>>) target(%arg7 : memref<128x128xf32, #tpu.memory_space<vmem>>) offsets(%dma_start3A_321 : memref<128xi32, #tpu.memory_space<vmem>>) semaphore(%dma_start3A_326 : memref<!tpu.dma_semaphore, #tpu.memory_space<semaphore_mem>>)
      %dma_wait3A_327 = arith.constant 0 : i32
      %dma_wait3A_328 = arith.constant 2 : i32
      %dma_wait3A_329 = arith.constant 0 : i32
      %dma_wait3A_330 = tpu.memref_slice %arg5[%dma_wait3A_327, %dma_wait3A_329] : memref<50x128xi32, #tpu.memory_space<vmem>> -> memref<1x128xi32, #tpu.memory_space<vmem>>
      %dma_wait3A_331 = tpu.memref_squeeze %dma_wait3A_330 : memref<1x128xi32, #tpu.memory_space<vmem>> -> memref<128xi32, #tpu.memory_space<vmem>>
      %dma_wait3A_332 = arith.constant 0 : i32
      %dma_wait3A_333 = arith.constant 0 : i32
      %dma_wait3A_334 = tpu.memref_slice %arg3[%dma_wait3A_332, %dma_wait3A_333] : memref<100000x128xf32, #tpu.memory_space<hbm>> -> memref<100000x128xf32, #tpu.memory_space<hbm>>
      %dma_wait3A_335 = tpu.memref_slice %arg9[%dma_wait3A_328] : memref<3x!tpu.dma_semaphore, #tpu.memory_space<semaphore_mem>> -> memref<1x!tpu.dma_semaphore, #tpu.memory_space<semaphore_mem>>
      %dma_wait3A_336 = tpu.memref_squeeze %dma_wait3A_335 : memref<1x!tpu.dma_semaphore, #tpu.memory_space<semaphore_mem>> -> memref<!tpu.dma_semaphore, #tpu.memory_space<semaphore_mem>>
      tpu.wait_indirect_dma semaphore(%dma_wait3A_336 : memref<!tpu.dma_semaphore, #tpu.memory_space<semaphore_mem>>) src(%dma_wait3A_334 : memref<100000x128xf32, #tpu.memory_space<hbm>>) dst(%arg8 : memref<128x128xf32, #tpu.memory_space<vmem>>)
      %scan3A_337 = arith.constant 0 : i32
      %scan3A_338 = arith.constant 32 : i32
      %scan3A_339 = arith.addi %scan3A_337, %scan3A_338 : i32
      %scan3A_340 = arith.constant 1 : i32
      scf.for %scan3A_352 = %scan3A_337 to %scan3A_339 step %scan3A_340  : i32 {
        %mul3A_353 = arith.constant 4 : i32
        %mul3A_354 = arith.muli %scan3A_352, %mul3A_353 : i32
        %add3A_355 = arith.constant 0 : i32
        %add3A_356 = arith.addi %mul3A_354, %add3A_355 : i32
        %get3A = arith.index_cast %add3A_356 : i32 to index
        %get3A_357 = arith.constant 0 : index
        %get3A_358 = tpu.vector_load %arg8[%get3A, %get3A_357] {strides = array<i32>} : memref<128x128xf32, #tpu.memory_space<vmem>>, vector<1x16xf32>,
        %get3A_359 = vector.shape_cast %get3A_358 : vector<1x16xf32> to vector<16xf32>
        %mul3A_360 = arith.constant 11.3137083 : f32
        %mul3A_361 = vector.broadcast %mul3A_360 : f32 to vector<16xf32>
        %mul3A_362 = arith.mulf %get3A_359, %mul3A_361 : vector<16xf32>
        %swap3A = arith.index_cast %add3A_356 : i32 to index
        %swap3A_363 = arith.constant 0 : index
        %swap3A_364 = tpu.vector_load %arg8[%swap3A, %swap3A_363] {strides = array<i32>} : memref<128x128xf32, #tpu.memory_space<vmem>>, vector<1x16xf32>,
        %swap3A_365 = vector.shape_cast %swap3A_364 : vector<1x16xf32> to vector<16xf32>
        %swap3A_366 = vector.shape_cast %mul3A_362 : vector<16xf32> to vector<1x16xf32>
        tpu.vector_store %arg8[%swap3A, %swap3A_363], %swap3A_366 {strides = array<i32>} : memref<128x128xf32, #tpu.memory_space<vmem>>, vector<1x16xf32>,
        %add3A_367 = arith.constant 0 : i32
        %add3A_368 = arith.addi %mul3A_354, %add3A_367 : i32
        %get3A_369 = arith.index_cast %add3A_368 : i32 to index
        %get3A_370 = arith.constant 16 : index
        %get3A_371 = tpu.vector_load %arg8[%get3A_369, %get3A_370] {strides = array<i32>} : memref<128x128xf32, #tpu.memory_space<vmem>>, vector<1x16xf32>,
        %get3A_372 = vector.shape_cast %get3A_371 : vector<1x16xf32> to vector<16xf32>
        %mul3A_373 = arith.constant 11.3137083 : f32
        %mul3A_374 = vector.broadcast %mul3A_373 : f32 to vector<16xf32>
        %mul3A_375 = arith.mulf %get3A_372, %mul3A_374 : vector<16xf32>
        %swap3A_376 = arith.index_cast %add3A_368 : i32 to index
        %swap3A_377 = arith.constant 16 : index
        %swap3A_378 = tpu.vector_load %arg8[%swap3A_376, %swap3A_377] {strides = array<i32>} : memref<128x128xf32, #tpu.memory_space<vmem>>, vector<1x16xf32>,
        %swap3A_379 = vector.shape_cast %swap3A_378 : vector<1x16xf32> to vector<16xf32>
        %swap3A_380 = vector.shape_cast %mul3A_375 : vector<16xf32> to vector<1x16xf32>
        tpu.vector_store %arg8[%swap3A_376, %swap3A_377], %swap3A_380 {strides = array<i32>} : memref<128x128xf32, #tpu.memory_space<vmem>>, vector<1x16xf32>,
        %add3A_381 = arith.constant 0 : i32
        %add3A_382 = arith.addi %mul3A_354, %add3A_381 : i32
        %get3A_383 = arith.index_cast %add3A_382 : i32 to index
        %get3A_384 = arith.constant 32 : index
        %get3A_385 = tpu.vector_load %arg8[%get3A_383, %get3A_384] {strides = array<i32>} : memref<128x128xf32, #tpu.memory_space<vmem>>, vector<1x16xf32>,
        %get3A_386 = vector.shape_cast %get3A_385 : vector<1x16xf32> to vector<16xf32>
        %mul3A_387 = arith.constant 11.3137083 : f32
        %mul3A_388 = vector.broadcast %mul3A_387 : f32 to vector<16xf32>
        %mul3A_389 = arith.mulf %get3A_386, %mul3A_388 : vector<16xf32>
        %swap3A_390 = arith.index_cast %add3A_382 : i32 to index
        %swap3A_391 = arith.constant 32 : index
        %swap3A_392 = tpu.vector_load %arg8[%swap3A_390, %swap3A_391] {strides = array<i32>} : memref<128x128xf32, #tpu.memory_space<vmem>>, vector<1x16xf32>,
        %swap3A_393 = vector.shape_cast %swap3A_392 : vector<1x16xf32> to vector<16xf32>
        %swap3A_394 = vector.shape_cast %mul3A_389 : vector<16xf32> to vector<1x16xf32>
        tpu.vector_store %arg8[%swap3A_390, %swap3A_391], %swap3A_394 {strides = array<i32>} : memref<128x128xf32, #tpu.memory_space<vmem>>, vector<1x16xf32>,
        %add3A_395 = arith.constant 0 : i32
        %add3A_396 = arith.addi %mul3A_354, %add3A_395 : i32
        %get3A_397 = arith.index_cast %add3A_396 : i32 to index
        %get3A_398 = arith.constant 48 : index
        %get3A_399 = tpu.vector_load %arg8[%get3A_397, %get3A_398] {strides = array<i32>} : memref<128x128xf32, #tpu.memory_space<vmem>>, vector<1x16xf32>,
        %get3A_400 = vector.shape_cast %get3A_399 : vector<1x16xf32> to vector<16xf32>
        %mul3A_401 = arith.constant 11.3137083 : f32
        %mul3A_402 = vector.broadcast %mul3A_401 : f32 to vector<16xf32>
        %mul3A_403 = arith.mulf %get3A_400, %mul3A_402 : vector<16xf32>
        %swap3A_404 = arith.index_cast %add3A_396 : i32 to index
        %swap3A_405 = arith.constant 48 : index
        %swap3A_406 = tpu.vector_load %arg8[%swap3A_404, %swap3A_405] {strides = array<i32>} : memref<128x128xf32, #tpu.memory_space<vmem>>, vector<1x16xf32>,
        %swap3A_407 = vector.shape_cast %swap3A_406 : vector<1x16xf32> to vector<16xf32>
        %swap3A_408 = vector.shape_cast %mul3A_403 : vector<16xf32> to vector<1x16xf32>
        tpu.vector_store %arg8[%swap3A_404, %swap3A_405], %swap3A_408 {strides = array<i32>} : memref<128x128xf32, #tpu.memory_space<vmem>>, vector<1x16xf32>,
        %add3A_409 = arith.constant 0 : i32
        %add3A_410 = arith.addi %mul3A_354, %add3A_409 : i32
        %get3A_411 = arith.index_cast %add3A_410 : i32 to index
        %get3A_412 = arith.constant 64 : index
        %get3A_413 = tpu.vector_load %arg8[%get3A_411, %get3A_412] {strides = array<i32>} : memref<128x128xf32, #tpu.memory_space<vmem>>, vector<1x16xf32>,
        %get3A_414 = vector.shape_cast %get3A_413 : vector<1x16xf32> to vector<16xf32>
        %mul3A_415 = arith.constant 11.3137083 : f32
        %mul3A_416 = vector.broadcast %mul3A_415 : f32 to vector<16xf32>
        %mul3A_417 = arith.mulf %get3A_414, %mul3A_416 : vector<16xf32>
        %swap3A_418 = arith.index_cast %add3A_410 : i32 to index
        %swap3A_419 = arith.constant 64 : index
        %swap3A_420 = tpu.vector_load %arg8[%swap3A_418, %swap3A_419] {strides = array<i32>} : memref<128x128xf32, #tpu.memory_space<vmem>>, vector<1x16xf32>,
        %swap3A_421 = vector.shape_cast %swap3A_420 : vector<1x16xf32> to vector<16xf32>
        %swap3A_422 = vector.shape_cast %mul3A_417 : vector<16xf32> to vector<1x16xf32>
        tpu.vector_store %arg8[%swap3A_418, %swap3A_419], %swap3A_422 {strides = array<i32>} : memref<128x128xf32, #tpu.memory_space<vmem>>, vector<1x16xf32>,
        %add3A_423 = arith.constant 0 : i32
        %add3A_424 = arith.addi %mul3A_354, %add3A_423 : i32
        %get3A_425 = arith.index_cast %add3A_424 : i32 to index
        %get3A_426 = arith.constant 80 : index
        %get3A_427 = tpu.vector_load %arg8[%get3A_425, %get3A_426] {strides = array<i32>} : memref<128x128xf32, #tpu.memory_space<vmem>>, vector<1x16xf32>,
        %get3A_428 = vector.shape_cast %get3A_427 : vector<1x16xf32> to vector<16xf32>
        %mul3A_429 = arith.constant 11.3137083 : f32
        %mul3A_430 = vector.broadcast %mul3A_429 : f32 to vector<16xf32>
        %mul3A_431 = arith.mulf %get3A_428, %mul3A_430 : vector<16xf32>
        %swap3A_432 = arith.index_cast %add3A_424 : i32 to index
        %swap3A_433 = arith.constant 80 : index
        %swap3A_434 = tpu.vector_load %arg8[%swap3A_432, %swap3A_433] {strides = array<i32>} : memref<128x128xf32, #tpu.memory_space<vmem>>, vector<1x16xf32>,
        %swap3A_435 = vector.shape_cast %swap3A_434 : vector<1x16xf32> to vector<16xf32>
        %swap3A_436 = vector.shape_cast %mul3A_431 : vector<16xf32> to vector<1x16xf32>
        tpu.vector_store %arg8[%swap3A_432, %swap3A_433], %swap3A_436 {strides = array<i32>} : memref<128x128xf32, #tpu.memory_space<vmem>>, vector<1x16xf32>,
        %add3A_437 = arith.constant 0 : i32
        %add3A_438 = arith.addi %mul3A_354, %add3A_437 : i32
        %get3A_439 = arith.index_cast %add3A_438 : i32 to index
        %get3A_440 = arith.constant 96 : index
        %get3A_441 = tpu.vector_load %arg8[%get3A_439, %get3A_440] {strides = array<i32>} : memref<128x128xf32, #tpu.memory_space<vmem>>, vector<1x16xf32>,
        %get3A_442 = vector.shape_cast %get3A_441 : vector<1x16xf32> to vector<16xf32>
        %mul3A_443 = arith.constant 11.3137083 : f32
        %mul3A_444 = vector.broadcast %mul3A_443 : f32 to vector<16xf32>
        %mul3A_445 = arith.mulf %get3A_442, %mul3A_444 : vector<16xf32>
        %swap3A_446 = arith.index_cast %add3A_438 : i32 to index
        %swap3A_447 = arith.constant 96 : index
        %swap3A_448 = tpu.vector_load %arg8[%swap3A_446, %swap3A_447] {strides = array<i32>} : memref<128x128xf32, #tpu.memory_space<vmem>>, vector<1x16xf32>,
        %swap3A_449 = vector.shape_cast %swap3A_448 : vector<1x16xf32> to vector<16xf32>
        %swap3A_450 = vector.shape_cast %mul3A_445 : vector<16xf32> to vector<1x16xf32>
        tpu.vector_store %arg8[%swap3A_446, %swap3A_447], %swap3A_450 {strides = array<i32>} : memref<128x128xf32, #tpu.memory_space<vmem>>, vector<1x16xf32>,
        %add3A_451 = arith.constant 0 : i32
        %add3A_452 = arith.addi %mul3A_354, %add3A_451 : i32
        %get3A_453 = arith.index_cast %add3A_452 : i32 to index
        %get3A_454 = arith.constant 112 : index
        %get3A_455 = tpu.vector_load %arg8[%get3A_453, %get3A_454] {strides = array<i32>} : memref<128x128xf32, #tpu.memory_space<vmem>>, vector<1x16xf32>,
        %get3A_456 = vector.shape_cast %get3A_455 : vector<1x16xf32> to vector<16xf32>
        %mul3A_457 = arith.constant 11.3137083 : f32
        %mul3A_458 = vector.broadcast %mul3A_457 : f32 to vector<16xf32>
        %mul3A_459 = arith.mulf %get3A_456, %mul3A_458 : vector<16xf32>
        %swap3A_460 = arith.index_cast %add3A_452 : i32 to index
        %swap3A_461 = arith.constant 112 : index
        %swap3A_462 = tpu.vector_load %arg8[%swap3A_460, %swap3A_461] {strides = array<i32>} : memref<128x128xf32, #tpu.memory_space<vmem>>, vector<1x16xf32>,
        %swap3A_463 = vector.shape_cast %swap3A_462 : vector<1x16xf32> to vector<16xf32>
        %swap3A_464 = vector.shape_cast %mul3A_459 : vector<16xf32> to vector<1x16xf32>
        tpu.vector_store %arg8[%swap3A_460, %swap3A_461], %swap3A_464 {strides = array<i32>} : memref<128x128xf32, #tpu.memory_space<vmem>>, vector<1x16xf32>,
        %add3A_465 = arith.constant 1 : i32
        %add3A_466 = arith.addi %mul3A_354, %add3A_465 : i32
        %get3A_467 = arith.index_cast %add3A_466 : i32 to index
        %get3A_468 = arith.constant 0 : index
        %get3A_469 = tpu.vector_load %arg8[%get3A_467, %get3A_468] {strides = array<i32>} : memref<128x128xf32, #tpu.memory_space<vmem>>, vector<1x16xf32>,
        %get3A_470 = vector.shape_cast %get3A_469 : vector<1x16xf32> to vector<16xf32>
        %mul3A_471 = arith.constant 11.3137083 : f32
        %mul3A_472 = vector.broadcast %mul3A_471 : f32 to vector<16xf32>
        %mul3A_473 = arith.mulf %get3A_470, %mul3A_472 : vector<16xf32>
        %swap3A_474 = arith.index_cast %add3A_466 : i32 to index
        %swap3A_475 = arith.constant 0 : index
        %swap3A_476 = tpu.vector_load %arg8[%swap3A_474, %swap3A_475] {strides = array<i32>} : memref<128x128xf32, #tpu.memory_space<vmem>>, vector<1x16xf32>,
        %swap3A_477 = vector.shape_cast %swap3A_476 : vector<1x16xf32> to vector<16xf32>
        %swap3A_478 = vector.shape_cast %mul3A_473 : vector<16xf32> to vector<1x16xf32>
        tpu.vector_store %arg8[%swap3A_474, %swap3A_475], %swap3A_478 {strides = array<i32>} : memref<128x128xf32, #tpu.memory_space<vmem>>, vector<1x16xf32>,
        %add3A_479 = arith.constant 1 : i32
        %add3A_480 = arith.addi %mul3A_354, %add3A_479 : i32
        %get3A_481 = arith.index_cast %add3A_480 : i32 to index
        %get3A_482 = arith.constant 16 : index
        %get3A_483 = tpu.vector_load %arg8[%get3A_481, %get3A_482] {strides = array<i32>} : memref<128x128xf32, #tpu.memory_space<vmem>>, vector<1x16xf32>,
        %get3A_484 = vector.shape_cast %get3A_483 : vector<1x16xf32> to vector<16xf32>
        %mul3A_485 = arith.constant 11.3137083 : f32
        %mul3A_486 = vector.broadcast %mul3A_485 : f32 to vector<16xf32>
        %mul3A_487 = arith.mulf %get3A_484, %mul3A_486 : vector<16xf32>
        %swap3A_488 = arith.index_cast %add3A_480 : i32 to index
        %swap3A_489 = arith.constant 16 : index
        %swap3A_490 = tpu.vector_load %arg8[%swap3A_488, %swap3A_489] {strides = array<i32>} : memref<128x128xf32, #tpu.memory_space<vmem>>, vector<1x16xf32>,
        %swap3A_491 = vector.shape_cast %swap3A_490 : vector<1x16xf32> to vector<16xf32>
        %swap3A_492 = vector.shape_cast %mul3A_487 : vector<16xf32> to vector<1x16xf32>
        tpu.vector_store %arg8[%swap3A_488, %swap3A_489], %swap3A_492 {strides = array<i32>} : memref<128x128xf32, #tpu.memory_space<vmem>>, vector<1x16xf32>,
        %add3A_493 = arith.constant 1 : i32
        %add3A_494 = arith.addi %mul3A_354, %add3A_493 : i32
        %get3A_495 = arith.index_cast %add3A_494 : i32 to index
        %get3A_496 = arith.constant 32 : index
        %get3A_497 = tpu.vector_load %arg8[%get3A_495, %get3A_496] {strides = array<i32>} : memref<128x128xf32, #tpu.memory_space<vmem>>, vector<1x16xf32>,
        %get3A_498 = vector.shape_cast %get3A_497 : vector<1x16xf32> to vector<16xf32>
        %mul3A_499 = arith.constant 11.3137083 : f32
        %mul3A_500 = vector.broadcast %mul3A_499 : f32 to vector<16xf32>
        %mul3A_501 = arith.mulf %get3A_498, %mul3A_500 : vector<16xf32>
        %swap3A_502 = arith.index_cast %add3A_494 : i32 to index
        %swap3A_503 = arith.constant 32 : index
        %swap3A_504 = tpu.vector_load %arg8[%swap3A_502, %swap3A_503] {strides = array<i32>} : memref<128x128xf32, #tpu.memory_space<vmem>>, vector<1x16xf32>,
        %swap3A_505 = vector.shape_cast %swap3A_504 : vector<1x16xf32> to vector<16xf32>
        %swap3A_506 = vector.shape_cast %mul3A_501 : vector<16xf32> to vector<1x16xf32>
        tpu.vector_store %arg8[%swap3A_502, %swap3A_503], %swap3A_506 {strides = array<i32>} : memref<128x128xf32, #tpu.memory_space<vmem>>, vector<1x16xf32>,
        %add3A_507 = arith.constant 1 : i32
        %add3A_508 = arith.addi %mul3A_354, %add3A_507 : i32
        %get3A_509 = arith.index_cast %add3A_508 : i32 to index
        %get3A_510 = arith.constant 48 : index
        %get3A_511 = tpu.vector_load %arg8[%get3A_509, %get3A_510] {strides = array<i32>} : memref<128x128xf32, #tpu.memory_space<vmem>>, vector<1x16xf32>,
        %get3A_512 = vector.shape_cast %get3A_511 : vector<1x16xf32> to vector<16xf32>
        %mul3A_513 = arith.constant 11.3137083 : f32
        %mul3A_514 = vector.broadcast %mul3A_513 : f32 to vector<16xf32>
        %mul3A_515 = arith.mulf %get3A_512, %mul3A_514 : vector<16xf32>
        %swap3A_516 = arith.index_cast %add3A_508 : i32 to index
        %swap3A_517 = arith.constant 48 : index
        %swap3A_518 = tpu.vector_load %arg8[%swap3A_516, %swap3A_517] {strides = array<i32>} : memref<128x128xf32, #tpu.memory_space<vmem>>, vector<1x16xf32>,
        %swap3A_519 = vector.shape_cast %swap3A_518 : vector<1x16xf32> to vector<16xf32>
        %swap3A_520 = vector.shape_cast %mul3A_515 : vector<16xf32> to vector<1x16xf32>
        tpu.vector_store %arg8[%swap3A_516, %swap3A_517], %swap3A_520 {strides = array<i32>} : memref<128x128xf32, #tpu.memory_space<vmem>>, vector<1x16xf32>,
        %add3A_521 = arith.constant 1 : i32
        %add3A_522 = arith.addi %mul3A_354, %add3A_521 : i32
        %get3A_523 = arith.index_cast %add3A_522 : i32 to index
        %get3A_524 = arith.constant 64 : index
        %get3A_525 = tpu.vector_load %arg8[%get3A_523, %get3A_524] {strides = array<i32>} : memref<128x128xf32, #tpu.memory_space<vmem>>, vector<1x16xf32>,
        %get3A_526 = vector.shape_cast %get3A_525 : vector<1x16xf32> to vector<16xf32>
        %mul3A_527 = arith.constant 11.3137083 : f32
        %mul3A_528 = vector.broadcast %mul3A_527 : f32 to vector<16xf32>
        %mul3A_529 = arith.mulf %get3A_526, %mul3A_528 : vector<16xf32>
        %swap3A_530 = arith.index_cast %add3A_522 : i32 to index
        %swap3A_531 = arith.constant 64 : index
        %swap3A_532 = tpu.vector_load %arg8[%swap3A_530, %swap3A_531] {strides = array<i32>} : memref<128x128xf32, #tpu.memory_space<vmem>>, vector<1x16xf32>,
        %swap3A_533 = vector.shape_cast %swap3A_532 : vector<1x16xf32> to vector<16xf32>
        %swap3A_534 = vector.shape_cast %mul3A_529 : vector<16xf32> to vector<1x16xf32>
        tpu.vector_store %arg8[%swap3A_530, %swap3A_531], %swap3A_534 {strides = array<i32>} : memref<128x128xf32, #tpu.memory_space<vmem>>, vector<1x16xf32>,
        %add3A_535 = arith.constant 1 : i32
        %add3A_536 = arith.addi %mul3A_354, %add3A_535 : i32
        %get3A_537 = arith.index_cast %add3A_536 : i32 to index
        %get3A_538 = arith.constant 80 : index
        %get3A_539 = tpu.vector_load %arg8[%get3A_537, %get3A_538] {strides = array<i32>} : memref<128x128xf32, #tpu.memory_space<vmem>>, vector<1x16xf32>,
        %get3A_540 = vector.shape_cast %get3A_539 : vector<1x16xf32> to vector<16xf32>
        %mul3A_541 = arith.constant 11.3137083 : f32
        %mul3A_542 = vector.broadcast %mul3A_541 : f32 to vector<16xf32>
        %mul3A_543 = arith.mulf %get3A_540, %mul3A_542 : vector<16xf32>
        %swap3A_544 = arith.index_cast %add3A_536 : i32 to index
        %swap3A_545 = arith.constant 80 : index
        %swap3A_546 = tpu.vector_load %arg8[%swap3A_544, %swap3A_545] {strides = array<i32>} : memref<128x128xf32, #tpu.memory_space<vmem>>, vector<1x16xf32>,
        %swap3A_547 = vector.shape_cast %swap3A_546 : vector<1x16xf32> to vector<16xf32>
        %swap3A_548 = vector.shape_cast %mul3A_543 : vector<16xf32> to vector<1x16xf32>
        tpu.vector_store %arg8[%swap3A_544, %swap3A_545], %swap3A_548 {strides = array<i32>} : memref<128x128xf32, #tpu.memory_space<vmem>>, vector<1x16xf32>,
        %add3A_549 = arith.constant 1 : i32
        %add3A_550 = arith.addi %mul3A_354, %add3A_549 : i32
        %get3A_551 = arith.index_cast %add3A_550 : i32 to index
        %get3A_552 = arith.constant 96 : index
        %get3A_553 = tpu.vector_load %arg8[%get3A_551, %get3A_552] {strides = array<i32>} : memref<128x128xf32, #tpu.memory_space<vmem>>, vector<1x16xf32>,
        %get3A_554 = vector.shape_cast %get3A_553 : vector<1x16xf32> to vector<16xf32>
        %mul3A_555 = arith.constant 11.3137083 : f32
        %mul3A_556 = vector.broadcast %mul3A_555 : f32 to vector<16xf32>
        %mul3A_557 = arith.mulf %get3A_554, %mul3A_556 : vector<16xf32>
        %swap3A_558 = arith.index_cast %add3A_550 : i32 to index
        %swap3A_559 = arith.constant 96 : index
        %swap3A_560 = tpu.vector_load %arg8[%swap3A_558, %swap3A_559] {strides = array<i32>} : memref<128x128xf32, #tpu.memory_space<vmem>>, vector<1x16xf32>,
        %swap3A_561 = vector.shape_cast %swap3A_560 : vector<1x16xf32> to vector<16xf32>
        %swap3A_562 = vector.shape_cast %mul3A_557 : vector<16xf32> to vector<1x16xf32>
        tpu.vector_store %arg8[%swap3A_558, %swap3A_559], %swap3A_562 {strides = array<i32>} : memref<128x128xf32, #tpu.memory_space<vmem>>, vector<1x16xf32>,
        %add3A_563 = arith.constant 1 : i32
        %add3A_564 = arith.addi %mul3A_354, %add3A_563 : i32
        %get3A_565 = arith.index_cast %add3A_564 : i32 to index
        %get3A_566 = arith.constant 112 : index
        %get3A_567 = tpu.vector_load %arg8[%get3A_565, %get3A_566] {strides = array<i32>} : memref<128x128xf32, #tpu.memory_space<vmem>>, vector<1x16xf32>,
        %get3A_568 = vector.shape_cast %get3A_567 : vector<1x16xf32> to vector<16xf32>
        %mul3A_569 = arith.constant 11.3137083 : f32
        %mul3A_570 = vector.broadcast %mul3A_569 : f32 to vector<16xf32>
        %mul3A_571 = arith.mulf %get3A_568, %mul3A_570 : vector<16xf32>
        %swap3A_572 = arith.index_cast %add3A_564 : i32 to index
        %swap3A_573 = arith.constant 112 : index
        %swap3A_574 = tpu.vector_load %arg8[%swap3A_572, %swap3A_573] {strides = array<i32>} : memref<128x128xf32, #tpu.memory_space<vmem>>, vector<1x16xf32>,
        %swap3A_575 = vector.shape_cast %swap3A_574 : vector<1x16xf32> to vector<16xf32>
        %swap3A_576 = vector.shape_cast %mul3A_571 : vector<16xf32> to vector<1x16xf32>
        tpu.vector_store %arg8[%swap3A_572, %swap3A_573], %swap3A_576 {strides = array<i32>} : memref<128x128xf32, #tpu.memory_space<vmem>>, vector<1x16xf32>,
        %add3A_577 = arith.constant 2 : i32
        %add3A_578 = arith.addi %mul3A_354, %add3A_577 : i32
        %get3A_579 = arith.index_cast %add3A_578 : i32 to index
        %get3A_580 = arith.constant 0 : index
        %get3A_581 = tpu.vector_load %arg8[%get3A_579, %get3A_580] {strides = array<i32>} : memref<128x128xf32, #tpu.memory_space<vmem>>, vector<1x16xf32>,
        %get3A_582 = vector.shape_cast %get3A_581 : vector<1x16xf32> to vector<16xf32>
        %mul3A_583 = arith.constant 11.3137083 : f32
        %mul3A_584 = vector.broadcast %mul3A_583 : f32 to vector<16xf32>
        %mul3A_585 = arith.mulf %get3A_582, %mul3A_584 : vector<16xf32>
        %swap3A_586 = arith.index_cast %add3A_578 : i32 to index
        %swap3A_587 = arith.constant 0 : index
        %swap3A_588 = tpu.vector_load %arg8[%swap3A_586, %swap3A_587] {strides = array<i32>} : memref<128x128xf32, #tpu.memory_space<vmem>>, vector<1x16xf32>,
        %swap3A_589 = vector.shape_cast %swap3A_588 : vector<1x16xf32> to vector<16xf32>
        %swap3A_590 = vector.shape_cast %mul3A_585 : vector<16xf32> to vector<1x16xf32>
        tpu.vector_store %arg8[%swap3A_586, %swap3A_587], %swap3A_590 {strides = array<i32>} : memref<128x128xf32, #tpu.memory_space<vmem>>, vector<1x16xf32>,
        %add3A_591 = arith.constant 2 : i32
        %add3A_592 = arith.addi %mul3A_354, %add3A_591 : i32
        %get3A_593 = arith.index_cast %add3A_592 : i32 to index
        %get3A_594 = arith.constant 16 : index
        %get3A_595 = tpu.vector_load %arg8[%get3A_593, %get3A_594] {strides = array<i32>} : memref<128x128xf32, #tpu.memory_space<vmem>>, vector<1x16xf32>,
        %get3A_596 = vector.shape_cast %get3A_595 : vector<1x16xf32> to vector<16xf32>
        %mul3A_597 = arith.constant 11.3137083 : f32
        %mul3A_598 = vector.broadcast %mul3A_597 : f32 to vector<16xf32>
        %mul3A_599 = arith.mulf %get3A_596, %mul3A_598 : vector<16xf32>
        %swap3A_600 = arith.index_cast %add3A_592 : i32 to index
        %swap3A_601 = arith.constant 16 : index
        %swap3A_602 = tpu.vector_load %arg8[%swap3A_600, %swap3A_601] {strides = array<i32>} : memref<128x128xf32, #tpu.memory_space<vmem>>, vector<1x16xf32>,
        %swap3A_603 = vector.shape_cast %swap3A_602 : vector<1x16xf32> to vector<16xf32>
        %swap3A_604 = vector.shape_cast %mul3A_599 : vector<16xf32> to vector<1x16xf32>
        tpu.vector_store %arg8[%swap3A_600, %swap3A_601], %swap3A_604 {strides = array<i32>} : memref<128x128xf32, #tpu.memory_space<vmem>>, vector<1x16xf32>,
        %add3A_605 = arith.constant 2 : i32
        %add3A_606 = arith.addi %mul3A_354, %add3A_605 : i32
        %get3A_607 = arith.index_cast %add3A_606 : i32 to index
        %get3A_608 = arith.constant 32 : index
        %get3A_609 = tpu.vector_load %arg8[%get3A_607, %get3A_608] {strides = array<i32>} : memref<128x128xf32, #tpu.memory_space<vmem>>, vector<1x16xf32>,
        %get3A_610 = vector.shape_cast %get3A_609 : vector<1x16xf32> to vector<16xf32>
        %mul3A_611 = arith.constant 11.3137083 : f32
        %mul3A_612 = vector.broadcast %mul3A_611 : f32 to vector<16xf32>
        %mul3A_613 = arith.mulf %get3A_610, %mul3A_612 : vector<16xf32>
        %swap3A_614 = arith.index_cast %add3A_606 : i32 to index
        %swap3A_615 = arith.constant 32 : index
        %swap3A_616 = tpu.vector_load %arg8[%swap3A_614, %swap3A_615] {strides = array<i32>} : memref<128x128xf32, #tpu.memory_space<vmem>>, vector<1x16xf32>,
        %swap3A_617 = vector.shape_cast %swap3A_616 : vector<1x16xf32> to vector<16xf32>
        %swap3A_618 = vector.shape_cast %mul3A_613 : vector<16xf32> to vector<1x16xf32>
        tpu.vector_store %arg8[%swap3A_614, %swap3A_615], %swap3A_618 {strides = array<i32>} : memref<128x128xf32, #tpu.memory_space<vmem>>, vector<1x16xf32>,
        %add3A_619 = arith.constant 2 : i32
        %add3A_620 = arith.addi %mul3A_354, %add3A_619 : i32
        %get3A_621 = arith.index_cast %add3A_620 : i32 to index
        %get3A_622 = arith.constant 48 : index
        %get3A_623 = tpu.vector_load %arg8[%get3A_621, %get3A_622] {strides = array<i32>} : memref<128x128xf32, #tpu.memory_space<vmem>>, vector<1x16xf32>,
        %get3A_624 = vector.shape_cast %get3A_623 : vector<1x16xf32> to vector<16xf32>
        %mul3A_625 = arith.constant 11.3137083 : f32
        %mul3A_626 = vector.broadcast %mul3A_625 : f32 to vector<16xf32>
        %mul3A_627 = arith.mulf %get3A_624, %mul3A_626 : vector<16xf32>
        %swap3A_628 = arith.index_cast %add3A_620 : i32 to index
        %swap3A_629 = arith.constant 48 : index
        %swap3A_630 = tpu.vector_load %arg8[%swap3A_628, %swap3A_629] {strides = array<i32>} : memref<128x128xf32, #tpu.memory_space<vmem>>, vector<1x16xf32>,
        %swap3A_631 = vector.shape_cast %swap3A_630 : vector<1x16xf32> to vector<16xf32>
        %swap3A_632 = vector.shape_cast %mul3A_627 : vector<16xf32> to vector<1x16xf32>
        tpu.vector_store %arg8[%swap3A_628, %swap3A_629], %swap3A_632 {strides = array<i32>} : memref<128x128xf32, #tpu.memory_space<vmem>>, vector<1x16xf32>,
        %add3A_633 = arith.constant 2 : i32
        %add3A_634 = arith.addi %mul3A_354, %add3A_633 : i32
        %get3A_635 = arith.index_cast %add3A_634 : i32 to index
        %get3A_636 = arith.constant 64 : index
        %get3A_637 = tpu.vector_load %arg8[%get3A_635, %get3A_636] {strides = array<i32>} : memref<128x128xf32, #tpu.memory_space<vmem>>, vector<1x16xf32>,
        %get3A_638 = vector.shape_cast %get3A_637 : vector<1x16xf32> to vector<16xf32>
        %mul3A_639 = arith.constant 11.3137083 : f32
        %mul3A_640 = vector.broadcast %mul3A_639 : f32 to vector<16xf32>
        %mul3A_641 = arith.mulf %get3A_638, %mul3A_640 : vector<16xf32>
        %swap3A_642 = arith.index_cast %add3A_634 : i32 to index
        %swap3A_643 = arith.constant 64 : index
        %swap3A_644 = tpu.vector_load %arg8[%swap3A_642, %swap3A_643] {strides = array<i32>} : memref<128x128xf32, #tpu.memory_space<vmem>>, vector<1x16xf32>,
        %swap3A_645 = vector.shape_cast %swap3A_644 : vector<1x16xf32> to vector<16xf32>
        %swap3A_646 = vector.shape_cast %mul3A_641 : vector<16xf32> to vector<1x16xf32>
        tpu.vector_store %arg8[%swap3A_642, %swap3A_643], %swap3A_646 {strides = array<i32>} : memref<128x128xf32, #tpu.memory_space<vmem>>, vector<1x16xf32>,
        %add3A_647 = arith.constant 2 : i32
        %add3A_648 = arith.addi %mul3A_354, %add3A_647 : i32
        %get3A_649 = arith.index_cast %add3A_648 : i32 to index
        %get3A_650 = arith.constant 80 : index
        %get3A_651 = tpu.vector_load %arg8[%get3A_649, %get3A_650] {strides = array<i32>} : memref<128x128xf32, #tpu.memory_space<vmem>>, vector<1x16xf32>,
        %get3A_652 = vector.shape_cast %get3A_651 : vector<1x16xf32> to vector<16xf32>
        %mul3A_653 = arith.constant 11.3137083 : f32
        %mul3A_654 = vector.broadcast %mul3A_653 : f32 to vector<16xf32>
        %mul3A_655 = arith.mulf %get3A_652, %mul3A_654 : vector<16xf32>
        %swap3A_656 = arith.index_cast %add3A_648 : i32 to index
        %swap3A_657 = arith.constant 80 : index
        %swap3A_658 = tpu.vector_load %arg8[%swap3A_656, %swap3A_657] {strides = array<i32>} : memref<128x128xf32, #tpu.memory_space<vmem>>, vector<1x16xf32>,
        %swap3A_659 = vector.shape_cast %swap3A_658 : vector<1x16xf32> to vector<16xf32>
        %swap3A_660 = vector.shape_cast %mul3A_655 : vector<16xf32> to vector<1x16xf32>
        tpu.vector_store %arg8[%swap3A_656, %swap3A_657], %swap3A_660 {strides = array<i32>} : memref<128x128xf32, #tpu.memory_space<vmem>>, vector<1x16xf32>,
        %add3A_661 = arith.constant 2 : i32
        %add3A_662 = arith.addi %mul3A_354, %add3A_661 : i32
        %get3A_663 = arith.index_cast %add3A_662 : i32 to index
        %get3A_664 = arith.constant 96 : index
        %get3A_665 = tpu.vector_load %arg8[%get3A_663, %get3A_664] {strides = array<i32>} : memref<128x128xf32, #tpu.memory_space<vmem>>, vector<1x16xf32>,
        %get3A_666 = vector.shape_cast %get3A_665 : vector<1x16xf32> to vector<16xf32>
        %mul3A_667 = arith.constant 11.3137083 : f32
        %mul3A_668 = vector.broadcast %mul3A_667 : f32 to vector<16xf32>
        %mul3A_669 = arith.mulf %get3A_666, %mul3A_668 : vector<16xf32>
        %swap3A_670 = arith.index_cast %add3A_662 : i32 to index
        %swap3A_671 = arith.constant 96 : index
        %swap3A_672 = tpu.vector_load %arg8[%swap3A_670, %swap3A_671] {strides = array<i32>} : memref<128x128xf32, #tpu.memory_space<vmem>>, vector<1x16xf32>,
        %swap3A_673 = vector.shape_cast %swap3A_672 : vector<1x16xf32> to vector<16xf32>
        %swap3A_674 = vector.shape_cast %mul3A_669 : vector<16xf32> to vector<1x16xf32>
        tpu.vector_store %arg8[%swap3A_670, %swap3A_671], %swap3A_674 {strides = array<i32>} : memref<128x128xf32, #tpu.memory_space<vmem>>, vector<1x16xf32>,
        %add3A_675 = arith.constant 2 : i32
        %add3A_676 = arith.addi %mul3A_354, %add3A_675 : i32
        %get3A_677 = arith.index_cast %add3A_676 : i32 to index
        %get3A_678 = arith.constant 112 : index
        %get3A_679 = tpu.vector_load %arg8[%get3A_677, %get3A_678] {strides = array<i32>} : memref<128x128xf32, #tpu.memory_space<vmem>>, vector<1x16xf32>,
        %get3A_680 = vector.shape_cast %get3A_679 : vector<1x16xf32> to vector<16xf32>
        %mul3A_681 = arith.constant 11.3137083 : f32
        %mul3A_682 = vector.broadcast %mul3A_681 : f32 to vector<16xf32>
        %mul3A_683 = arith.mulf %get3A_680, %mul3A_682 : vector<16xf32>
        %swap3A_684 = arith.index_cast %add3A_676 : i32 to index
        %swap3A_685 = arith.constant 112 : index
        %swap3A_686 = tpu.vector_load %arg8[%swap3A_684, %swap3A_685] {strides = array<i32>} : memref<128x128xf32, #tpu.memory_space<vmem>>, vector<1x16xf32>,
        %swap3A_687 = vector.shape_cast %swap3A_686 : vector<1x16xf32> to vector<16xf32>
        %swap3A_688 = vector.shape_cast %mul3A_683 : vector<16xf32> to vector<1x16xf32>
        tpu.vector_store %arg8[%swap3A_684, %swap3A_685], %swap3A_688 {strides = array<i32>} : memref<128x128xf32, #tpu.memory_space<vmem>>, vector<1x16xf32>,
        %add3A_689 = arith.constant 3 : i32
        %add3A_690 = arith.addi %mul3A_354, %add3A_689 : i32
        %get3A_691 = arith.index_cast %add3A_690 : i32 to index
        %get3A_692 = arith.constant 0 : index
        %get3A_693 = tpu.vector_load %arg8[%get3A_691, %get3A_692] {strides = array<i32>} : memref<128x128xf32, #tpu.memory_space<vmem>>, vector<1x16xf32>,
        %get3A_694 = vector.shape_cast %get3A_693 : vector<1x16xf32> to vector<16xf32>
        %mul3A_695 = arith.constant 11.3137083 : f32
        %mul3A_696 = vector.broadcast %mul3A_695 : f32 to vector<16xf32>
        %mul3A_697 = arith.mulf %get3A_694, %mul3A_696 : vector<16xf32>
        %swap3A_698 = arith.index_cast %add3A_690 : i32 to index
        %swap3A_699 = arith.constant 0 : index
        %swap3A_700 = tpu.vector_load %arg8[%swap3A_698, %swap3A_699] {strides = array<i32>} : memref<128x128xf32, #tpu.memory_space<vmem>>, vector<1x16xf32>,
        %swap3A_701 = vector.shape_cast %swap3A_700 : vector<1x16xf32> to vector<16xf32>
        %swap3A_702 = vector.shape_cast %mul3A_697 : vector<16xf32> to vector<1x16xf32>
        tpu.vector_store %arg8[%swap3A_698, %swap3A_699], %swap3A_702 {strides = array<i32>} : memref<128x128xf32, #tpu.memory_space<vmem>>, vector<1x16xf32>,
        %add3A_703 = arith.constant 3 : i32
        %add3A_704 = arith.addi %mul3A_354, %add3A_703 : i32
        %get3A_705 = arith.index_cast %add3A_704 : i32 to index
        %get3A_706 = arith.constant 16 : index
        %get3A_707 = tpu.vector_load %arg8[%get3A_705, %get3A_706] {strides = array<i32>} : memref<128x128xf32, #tpu.memory_space<vmem>>, vector<1x16xf32>,
        %get3A_708 = vector.shape_cast %get3A_707 : vector<1x16xf32> to vector<16xf32>
        %mul3A_709 = arith.constant 11.3137083 : f32
        %mul3A_710 = vector.broadcast %mul3A_709 : f32 to vector<16xf32>
        %mul3A_711 = arith.mulf %get3A_708, %mul3A_710 : vector<16xf32>
        %swap3A_712 = arith.index_cast %add3A_704 : i32 to index
        %swap3A_713 = arith.constant 16 : index
        %swap3A_714 = tpu.vector_load %arg8[%swap3A_712, %swap3A_713] {strides = array<i32>} : memref<128x128xf32, #tpu.memory_space<vmem>>, vector<1x16xf32>,
        %swap3A_715 = vector.shape_cast %swap3A_714 : vector<1x16xf32> to vector<16xf32>
        %swap3A_716 = vector.shape_cast %mul3A_711 : vector<16xf32> to vector<1x16xf32>
        tpu.vector_store %arg8[%swap3A_712, %swap3A_713], %swap3A_716 {strides = array<i32>} : memref<128x128xf32, #tpu.memory_space<vmem>>, vector<1x16xf32>,
        %add3A_717 = arith.constant 3 : i32
        %add3A_718 = arith.addi %mul3A_354, %add3A_717 : i32
        %get3A_719 = arith.index_cast %add3A_718 : i32 to index
        %get3A_720 = arith.constant 32 : index
        %get3A_721 = tpu.vector_load %arg8[%get3A_719, %get3A_720] {strides = array<i32>} : memref<128x128xf32, #tpu.memory_space<vmem>>, vector<1x16xf32>,
        %get3A_722 = vector.shape_cast %get3A_721 : vector<1x16xf32> to vector<16xf32>
        %mul3A_723 = arith.constant 11.3137083 : f32
        %mul3A_724 = vector.broadcast %mul3A_723 : f32 to vector<16xf32>
        %mul3A_725 = arith.mulf %get3A_722, %mul3A_724 : vector<16xf32>
        %swap3A_726 = arith.index_cast %add3A_718 : i32 to index
        %swap3A_727 = arith.constant 32 : index
        %swap3A_728 = tpu.vector_load %arg8[%swap3A_726, %swap3A_727] {strides = array<i32>} : memref<128x128xf32, #tpu.memory_space<vmem>>, vector<1x16xf32>,
        %swap3A_729 = vector.shape_cast %swap3A_728 : vector<1x16xf32> to vector<16xf32>
        %swap3A_730 = vector.shape_cast %mul3A_725 : vector<16xf32> to vector<1x16xf32>
        tpu.vector_store %arg8[%swap3A_726, %swap3A_727], %swap3A_730 {strides = array<i32>} : memref<128x128xf32, #tpu.memory_space<vmem>>, vector<1x16xf32>,
        %add3A_731 = arith.constant 3 : i32
        %add3A_732 = arith.addi %mul3A_354, %add3A_731 : i32
        %get3A_733 = arith.index_cast %add3A_732 : i32 to index
        %get3A_734 = arith.constant 48 : index
        %get3A_735 = tpu.vector_load %arg8[%get3A_733, %get3A_734] {strides = array<i32>} : memref<128x128xf32, #tpu.memory_space<vmem>>, vector<1x16xf32>,
        %get3A_736 = vector.shape_cast %get3A_735 : vector<1x16xf32> to vector<16xf32>
        %mul3A_737 = arith.constant 11.3137083 : f32
        %mul3A_738 = vector.broadcast %mul3A_737 : f32 to vector<16xf32>
        %mul3A_739 = arith.mulf %get3A_736, %mul3A_738 : vector<16xf32>
        %swap3A_740 = arith.index_cast %add3A_732 : i32 to index
        %swap3A_741 = arith.constant 48 : index
        %swap3A_742 = tpu.vector_load %arg8[%swap3A_740, %swap3A_741] {strides = array<i32>} : memref<128x128xf32, #tpu.memory_space<vmem>>, vector<1x16xf32>,
        %swap3A_743 = vector.shape_cast %swap3A_742 : vector<1x16xf32> to vector<16xf32>
        %swap3A_744 = vector.shape_cast %mul3A_739 : vector<16xf32> to vector<1x16xf32>
        tpu.vector_store %arg8[%swap3A_740, %swap3A_741], %swap3A_744 {strides = array<i32>} : memref<128x128xf32, #tpu.memory_space<vmem>>, vector<1x16xf32>,
        %add3A_745 = arith.constant 3 : i32
        %add3A_746 = arith.addi %mul3A_354, %add3A_745 : i32
        %get3A_747 = arith.index_cast %add3A_746 : i32 to index
        %get3A_748 = arith.constant 64 : index
        %get3A_749 = tpu.vector_load %arg8[%get3A_747, %get3A_748] {strides = array<i32>} : memref<128x128xf32, #tpu.memory_space<vmem>>, vector<1x16xf32>,
        %get3A_750 = vector.shape_cast %get3A_749 : vector<1x16xf32> to vector<16xf32>
        %mul3A_751 = arith.constant 11.3137083 : f32
        %mul3A_752 = vector.broadcast %mul3A_751 : f32 to vector<16xf32>
        %mul3A_753 = arith.mulf %get3A_750, %mul3A_752 : vector<16xf32>
        %swap3A_754 = arith.index_cast %add3A_746 : i32 to index
        %swap3A_755 = arith.constant 64 : index
        %swap3A_756 = tpu.vector_load %arg8[%swap3A_754, %swap3A_755] {strides = array<i32>} : memref<128x128xf32, #tpu.memory_space<vmem>>, vector<1x16xf32>,
        %swap3A_757 = vector.shape_cast %swap3A_756 : vector<1x16xf32> to vector<16xf32>
        %swap3A_758 = vector.shape_cast %mul3A_753 : vector<16xf32> to vector<1x16xf32>
        tpu.vector_store %arg8[%swap3A_754, %swap3A_755], %swap3A_758 {strides = array<i32>} : memref<128x128xf32, #tpu.memory_space<vmem>>, vector<1x16xf32>,
        %add3A_759 = arith.constant 3 : i32
        %add3A_760 = arith.addi %mul3A_354, %add3A_759 : i32
        %get3A_761 = arith.index_cast %add3A_760 : i32 to index
        %get3A_762 = arith.constant 80 : index
        %get3A_763 = tpu.vector_load %arg8[%get3A_761, %get3A_762] {strides = array<i32>} : memref<128x128xf32, #tpu.memory_space<vmem>>, vector<1x16xf32>,
        %get3A_764 = vector.shape_cast %get3A_763 : vector<1x16xf32> to vector<16xf32>
        %mul3A_765 = arith.constant 11.3137083 : f32
        %mul3A_766 = vector.broadcast %mul3A_765 : f32 to vector<16xf32>
        %mul3A_767 = arith.mulf %get3A_764, %mul3A_766 : vector<16xf32>
        %swap3A_768 = arith.index_cast %add3A_760 : i32 to index
        %swap3A_769 = arith.constant 80 : index
        %swap3A_770 = tpu.vector_load %arg8[%swap3A_768, %swap3A_769] {strides = array<i32>} : memref<128x128xf32, #tpu.memory_space<vmem>>, vector<1x16xf32>,
        %swap3A_771 = vector.shape_cast %swap3A_770 : vector<1x16xf32> to vector<16xf32>
        %swap3A_772 = vector.shape_cast %mul3A_767 : vector<16xf32> to vector<1x16xf32>
        tpu.vector_store %arg8[%swap3A_768, %swap3A_769], %swap3A_772 {strides = array<i32>} : memref<128x128xf32, #tpu.memory_space<vmem>>, vector<1x16xf32>,
        %add3A_773 = arith.constant 3 : i32
        %add3A_774 = arith.addi %mul3A_354, %add3A_773 : i32
        %get3A_775 = arith.index_cast %add3A_774 : i32 to index
        %get3A_776 = arith.constant 96 : index
        %get3A_777 = tpu.vector_load %arg8[%get3A_775, %get3A_776] {strides = array<i32>} : memref<128x128xf32, #tpu.memory_space<vmem>>, vector<1x16xf32>,
        %get3A_778 = vector.shape_cast %get3A_777 : vector<1x16xf32> to vector<16xf32>
        %mul3A_779 = arith.constant 11.3137083 : f32
        %mul3A_780 = vector.broadcast %mul3A_779 : f32 to vector<16xf32>
        %mul3A_781 = arith.mulf %get3A_778, %mul3A_780 : vector<16xf32>
        %swap3A_782 = arith.index_cast %add3A_774 : i32 to index
        %swap3A_783 = arith.constant 96 : index
        %swap3A_784 = tpu.vector_load %arg8[%swap3A_782, %swap3A_783] {strides = array<i32>} : memref<128x128xf32, #tpu.memory_space<vmem>>, vector<1x16xf32>,
        %swap3A_785 = vector.shape_cast %swap3A_784 : vector<1x16xf32> to vector<16xf32>
        %swap3A_786 = vector.shape_cast %mul3A_781 : vector<16xf32> to vector<1x16xf32>
        tpu.vector_store %arg8[%swap3A_782, %swap3A_783], %swap3A_786 {strides = array<i32>} : memref<128x128xf32, #tpu.memory_space<vmem>>, vector<1x16xf32>,
        %add3A_787 = arith.constant 3 : i32
        %add3A_788 = arith.addi %mul3A_354, %add3A_787 : i32
        %get3A_789 = arith.index_cast %add3A_788 : i32 to index
        %get3A_790 = arith.constant 112 : index
        %get3A_791 = tpu.vector_load %arg8[%get3A_789, %get3A_790] {strides = array<i32>} : memref<128x128xf32, #tpu.memory_space<vmem>>, vector<1x16xf32>,
        %get3A_792 = vector.shape_cast %get3A_791 : vector<1x16xf32> to vector<16xf32>
        %mul3A_793 = arith.constant 11.3137083 : f32
        %mul3A_794 = vector.broadcast %mul3A_793 : f32 to vector<16xf32>
        %mul3A_795 = arith.mulf %get3A_792, %mul3A_794 : vector<16xf32>
        %swap3A_796 = arith.index_cast %add3A_788 : i32 to index
        %swap3A_797 = arith.constant 112 : index
        %swap3A_798 = tpu.vector_load %arg8[%swap3A_796, %swap3A_797] {strides = array<i32>} : memref<128x128xf32, #tpu.memory_space<vmem>>, vector<1x16xf32>,
        %swap3A_799 = vector.shape_cast %swap3A_798 : vector<1x16xf32> to vector<16xf32>
        %swap3A_800 = vector.shape_cast %mul3A_795 : vector<16xf32> to vector<1x16xf32>
        tpu.vector_store %arg8[%swap3A_796, %swap3A_797], %swap3A_800 {strides = array<i32>} : memref<128x128xf32, #tpu.memory_space<vmem>>, vector<1x16xf32>,
      }
      %scan3A_341 = arith.constant 32 : i32
      %mul3A_342 = arith.constant 4096 : i32
      %mul3A_343 = arith.muli %add3A_308, %mul3A_342 : i32
      %add3A_344 = arith.addi %mul3A_343, %mul3A_2 : i32
      %dma_start3A_345 = arith.constant 2 : i32
      %dma_start3A_346 = arith.constant 0 : i32
      %dma_start3A_347 = tpu.memref_slice %arg4[%add3A_344, %dma_start3A_346] : memref<204800x128xf32, #tpu.memory_space<hbm>> -> memref<128x128xf32, #tpu.memory_space<hbm>>
      %dma_start3A_348 = tpu.memref_slice %arg10[%dma_start3A_345] : memref<3x!tpu.dma_semaphore, #tpu.memory_space<semaphore_mem>> -> memref<1x!tpu.dma_semaphore, #tpu.memory_space<semaphore_mem>>
      %dma_start3A_349 = tpu.memref_squeeze %dma_start3A_348 : memref<1x!tpu.dma_semaphore, #tpu.memory_space<semaphore_mem>> -> memref<!tpu.dma_semaphore, #tpu.memory_space<semaphore_mem>>
      %dma_start3A_350 = arith.constant 0 : i32
      %dma_start3A_351 = tpu.memref_slice %arg4[%add3A_344, %dma_start3A_350] : memref<204800x128xf32, #tpu.memory_space<hbm>> -> memref<128x128xf32, #tpu.memory_space<hbm>>
      tpu.enqueue_dma source(%arg8 : memref<128x128xf32, #tpu.memory_space<vmem>>) target(%dma_start3A_351 : memref<128x128xf32, #tpu.memory_space<hbm>>) target_semaphore(%dma_start3A_349 : memref<!tpu.dma_semaphore, #tpu.memory_space<semaphore_mem>>)
    }
    %scan3A_140 = arith.constant 15 : i32
    %dma_wait3A_141 = arith.constant 2 : i32
    %dma_wait3A_142 = arith.constant 0 : i32
    %dma_wait3A_143 = tpu.memref_slice %arg4[%mul3A_2, %dma_wait3A_142] : memref<204800x128xf32, #tpu.memory_space<hbm>> -> memref<128x128xf32, #tpu.memory_space<hbm>>
    %dma_wait3A_144 = tpu.memref_slice %arg10[%dma_wait3A_141] : memref<3x!tpu.dma_semaphore, #tpu.memory_space<semaphore_mem>> -> memref<1x!tpu.dma_semaphore, #tpu.memory_space<semaphore_mem>>
    %dma_wait3A_145 = tpu.memref_squeeze %dma_wait3A_144 : memref<1x!tpu.dma_semaphore, #tpu.memory_space<semaphore_mem>> -> memref<!tpu.dma_semaphore, #tpu.memory_space<semaphore_mem>>
    %dma_wait3A_146 = arith.constant 0 : i32
    %dma_wait3A_147 = tpu.memref_slice %arg4[%mul3A_2, %dma_wait3A_146] : memref<204800x128xf32, #tpu.memory_space<hbm>> -> memref<128x128xf32, #tpu.memory_space<hbm>>
    tpu.wait_dma2 semaphore(%dma_wait3A_145 : memref<!tpu.dma_semaphore, #tpu.memory_space<semaphore_mem>>) src(%arg8 : memref<128x128xf32, #tpu.memory_space<vmem>>) dst(%dma_wait3A_147 : memref<128x128xf32, #tpu.memory_space<hbm>>)
    %dma_wait3A_148 = arith.constant 0 : i32
    %dma_wait3A_149 = arith.constant 0 : i32
    %dma_wait3A_150 = arith.constant 0 : i32
    %dma_wait3A_151 = tpu.memref_slice %arg5[%dma_wait3A_148, %dma_wait3A_150] : memref<50x128xi32, #tpu.memory_space<vmem>> -> memref<1x128xi32, #tpu.memory_space<vmem>>
    %dma_wait3A_152 = tpu.memref_squeeze %dma_wait3A_151 : memref<1x128xi32, #tpu.memory_space<vmem>> -> memref<128xi32, #tpu.memory_space<vmem>>
    %dma_wait3A_153 = arith.constant 0 : i32
    %dma_wait3A_154 = arith.constant 0 : i32
    %dma_wait3A_155 = tpu.memref_slice %arg3[%dma_wait3A_153, %dma_wait3A_154] : memref<100000x128xf32, #tpu.memory_space<hbm>> -> memref<100000x128xf32, #tpu.memory_space<hbm>>
    %dma_wait3A_156 = tpu.memref_slice %arg9[%dma_wait3A_149] : memref<3x!tpu.dma_semaphore, #tpu.memory_space<semaphore_mem>> -> memref<1x!tpu.dma_semaphore, #tpu.memory_space<semaphore_mem>>
    %dma_wait3A_157 = tpu.memref_squeeze %dma_wait3A_156 : memref<1x!tpu.dma_semaphore, #tpu.memory_space<semaphore_mem>> -> memref<!tpu.dma_semaphore, #tpu.memory_space<semaphore_mem>>
    tpu.wait_indirect_dma semaphore(%dma_wait3A_157 : memref<!tpu.dma_semaphore, #tpu.memory_space<semaphore_mem>>) src(%dma_wait3A_155 : memref<100000x128xf32, #tpu.memory_space<hbm>>) dst(%arg6 : memref<128x128xf32, #tpu.memory_space<vmem>>)
    %scan3A_158 = arith.constant 0 : i32
    %scan3A_159 = arith.constant 32 : i32
    %scan3A_160 = arith.addi %scan3A_158, %scan3A_159 : i32
    %scan3A_161 = arith.constant 1 : i32
    scf.for %scan3A_210 = %scan3A_158 to %scan3A_160 step %scan3A_161  : i32 {
      %mul3A_211 = arith.constant 4 : i32
      %mul3A_212 = arith.muli %scan3A_210, %mul3A_211 : i32
      %add3A_213 = arith.constant 0 : i32
      %add3A_214 = arith.addi %mul3A_212, %add3A_213 : i32
      %get3A = arith.index_cast %add3A_214 : i32 to index
      %get3A_215 = arith.constant 0 : index
      %get3A_216 = tpu.vector_load %arg6[%get3A, %get3A_215] {strides = array<i32>} : memref<128x128xf32, #tpu.memory_space<vmem>>, vector<1x16xf32>,
      %get3A_217 = vector.shape_cast %get3A_216 : vector<1x16xf32> to vector<16xf32>
      %mul3A_218 = arith.constant 11.3137083 : f32
      %mul3A_219 = vector.broadcast %mul3A_218 : f32 to vector<16xf32>
      %mul3A_220 = arith.mulf %get3A_217, %mul3A_219 : vector<16xf32>
      %swap3A = arith.index_cast %add3A_214 : i32 to index
      %swap3A_221 = arith.constant 0 : index
      %swap3A_222 = tpu.vector_load %arg6[%swap3A, %swap3A_221] {strides = array<i32>} : memref<128x128xf32, #tpu.memory_space<vmem>>, vector<1x16xf32>,
      %swap3A_223 = vector.shape_cast %swap3A_222 : vector<1x16xf32> to vector<16xf32>
      %swap3A_224 = vector.shape_cast %mul3A_220 : vector<16xf32> to vector<1x16xf32>
      tpu.vector_store %arg6[%swap3A, %swap3A_221], %swap3A_224 {strides = array<i32>} : memref<128x128xf32, #tpu.memory_space<vmem>>, vector<1x16xf32>,
      %add3A_225 = arith.constant 0 : i32
      %add3A_226 = arith.addi %mul3A_212, %add3A_225 : i32
      %get3A_227 = arith.index_cast %add3A_226 : i32 to index
      %get3A_228 = arith.constant 16 : index
      %get3A_229 = tpu.vector_load %arg6[%get3A_227, %get3A_228] {strides = array<i32>} : memref<128x128xf32, #tpu.memory_space<vmem>>, vector<1x16xf32>,
      %get3A_230 = vector.shape_cast %get3A_229 : vector<1x16xf32> to vector<16xf32>
      %mul3A_231 = arith.constant 11.3137083 : f32
      %mul3A_232 = vector.broadcast %mul3A_231 : f32 to vector<16xf32>
      %mul3A_233 = arith.mulf %get3A_230, %mul3A_232 : vector<16xf32>
      %swap3A_234 = arith.index_cast %add3A_226 : i32 to index
      %swap3A_235 = arith.constant 16 : index
      %swap3A_236 = tpu.vector_load %arg6[%swap3A_234, %swap3A_235] {strides = array<i32>} : memref<128x128xf32, #tpu.memory_space<vmem>>, vector<1x16xf32>,
      %swap3A_237 = vector.shape_cast %swap3A_236 : vector<1x16xf32> to vector<16xf32>
      %swap3A_238 = vector.shape_cast %mul3A_233 : vector<16xf32> to vector<1x16xf32>
      tpu.vector_store %arg6[%swap3A_234, %swap3A_235], %swap3A_238 {strides = array<i32>} : memref<128x128xf32, #tpu.memory_space<vmem>>, vector<1x16xf32>,
      %add3A_239 = arith.constant 0 : i32
      %add3A_240 = arith.addi %mul3A_212, %add3A_239 : i32
      %get3A_241 = arith.index_cast %add3A_240 : i32 to index
      %get3A_242 = arith.constant 32 : index
      %get3A_243 = tpu.vector_load %arg6[%get3A_241, %get3A_242] {strides = array<i32>} : memref<128x128xf32, #tpu.memory_space<vmem>>, vector<1x16xf32>,
      %get3A_244 = vector.shape_cast %get3A_243 : vector<1x16xf32> to vector<16xf32>
      %mul3A_245 = arith.constant 11.3137083 : f32
      %mul3A_246 = vector.broadcast %mul3A_245 : f32 to vector<16xf32>
      %mul3A_247 = arith.mulf %get3A_244, %mul3A_246 : vector<16xf32>
      %swap3A_248 = arith.index_cast %add3A_240 : i32 to index
      %swap3A_249 = arith.constant 32 : index
      %swap3A_250 = tpu.vector_load %arg6[%swap3A_248, %swap3A_249] {strides = array<i32>} : memref<128x128xf32, #tpu.memory_space<vmem>>, vector<1x16xf32>,
      %swap3A_251 = vector.shape_cast %swap3A_250 : vector<1x16xf32> to vector<16xf32>
      %swap3A_252 = vector.shape_cast %mul3A_247 : vector<16xf32> to vector<1x16xf32>
      tpu.vector_store %arg6[%swap3A_248, %swap3A_249], %swap3A_252 {strides = array<i32>} : memref<128x128xf32, #tpu.memory_space<vmem>>, vector<1x16xf32>,
      %add3A_253 = arith.constant 0 : i32
      %add3A_254 = arith.addi %mul3A_212, %add3A_253 : i32
      %get3A_255 = arith.index_cast %add3A_254 : i32 to index
      %get3A_256 = arith.constant 48 : index
      %get3A_257 = tpu.vector_load %arg6[%get3A_255, %get3A_256] {strides = array<i32>} : memref<128x128xf32, #tpu.memory_space<vmem>>, vector<1x16xf32>,
      %get3A_258 = vector.shape_cast %get3A_257 : vector<1x16xf32> to vector<16xf32>
      %mul3A_259 = arith.constant 11.3137083 : f32
      %mul3A_260 = vector.broadcast %mul3A_259 : f32 to vector<16xf32>
      %mul3A_261 = arith.mulf %get3A_258, %mul3A_260 : vector<16xf32>
      %swap3A_262 = arith.index_cast %add3A_254 : i32 to index
      %swap3A_263 = arith.constant 48 : index
      %swap3A_264 = tpu.vector_load %arg6[%swap3A_262, %swap3A_263] {strides = array<i32>} : memref<128x128xf32, #tpu.memory_space<vmem>>, vector<1x16xf32>,
      %swap3A_265 = vector.shape_cast %swap3A_264 : vector<1x16xf32> to vector<16xf32>
      %swap3A_266 = vector.shape_cast %mul3A_261 : vector<16xf32> to vector<1x16xf32>
      tpu.vector_store %arg6[%swap3A_262, %swap3A_263], %swap3A_266 {strides = array<i32>} : memref<128x128xf32, #tpu.memory_space<vmem>>, vector<1x16xf32>,
      %add3A_267 = arith.constant 0 : i32
      %add3A_268 = arith.addi %mul3A_212, %add3A_267 : i32
      %get3A_269 = arith.index_cast %add3A_268 : i32 to index
      %get3A_270 = arith.constant 64 : index
      %get3A_271 = tpu.vector_load %arg6[%get3A_269, %get3A_270] {strides = array<i32>} : memref<128x128xf32, #tpu.memory_space<vmem>>, vector<1x16xf32>,
      %get3A_272 = vector.shape_cast %get3A_271 : vector<1x16xf32> to vector<16xf32>
      %mul3A_273 = arith.constant 11.3137083 : f32
      %mul3A_274 = vector.broadcast %mul3A_273 : f32 to vector<16xf32>
      %mul3A_275 = arith.mulf %get3A_272, %mul3A_274 : vector<16xf32>
      %swap3A_276 = arith.index_cast %add3A_268 : i32 to index
      %swap3A_277 = arith.constant 64 : index
      %swap3A_278 = tpu.vector_load %arg6[%swap3A_276, %swap3A_277] {strides = array<i32>} : memref<128x128xf32, #tpu.memory_space<vmem>>, vector<1x16xf32>,
      %swap3A_279 = vector.shape_cast %swap3A_278 : vector<1x16xf32> to vector<16xf32>
      %swap3A_280 = vector.shape_cast %mul3A_275 : vector<16xf32> to vector<1x16xf32>
      tpu.vector_store %arg6[%swap3A_276, %swap3A_277], %swap3A_280 {strides = array<i32>} : memref<128x128xf32, #tpu.memory_space<vmem>>, vector<1x16xf32>,
      %add3A_281 = arith.constant 0 : i32
      %add3A_282 = arith.addi %mul3A_212, %add3A_281 : i32
      %get3A_283 = arith.index_cast %add3A_282 : i32 to index
      %get3A_284 = arith.constant 80 : index
      %get3A_285 = tpu.vector_load %arg6[%get3A_283, %get3A_284] {strides = array<i32>} : memref<128x128xf32, #tpu.memory_space<vmem>>, vector<1x16xf32>,
      %get3A_286 = vector.shape_cast %get3A_285 : vector<1x16xf32> to vector<16xf32>
      %mul3A_287 = arith.constant 11.3137083 : f32
      %mul3A_288 = vector.broadcast %mul3A_287 : f32 to vector<16xf32>
      %mul3A_289 = arith.mulf %get3A_286, %mul3A_288 : vector<16xf32>
      %swap3A_290 = arith.index_cast %add3A_282 : i32 to index
      %swap3A_291 = arith.constant 80 : index
      %swap3A_292 = tpu.vector_load %arg6[%swap3A_290, %swap3A_291] {strides = array<i32>} : memref<128x128xf32, #tpu.memory_space<vmem>>, vector<1x16xf32>,
      %swap3A_293 = vector.shape_cast %swap3A_292 : vector<1x16xf32> to vector<16xf32>
      %swap3A_294 = vector.shape_cast %mul3A_289 : vector<16xf32> to vector<1x16xf32>
      tpu.vector_store %arg6[%swap3A_290, %swap3A_291], %swap3A_294 {strides = array<i32>} : memref<128x128xf32, #tpu.memory_space<vmem>>, vector<1x16xf32>,
      %add3A_295 = arith.constant 0 : i32
      %add3A_296 = arith.addi %mul3A_212, %add3A_295 : i32
      %get3A_297 = arith.index_cast %add3A_296 : i32 to index
      %get3A_298 = arith.constant 96 : index
      %get3A_299 = tpu.vector_load %arg6[%get3A_297, %get3A_298] {strides = array<i32>} : memref<128x128xf32, #tpu.memory_space<vmem>>, vector<1x16xf32>,
      %get3A_300 = vector.shape_cast %get3A_299 : vector<1x16xf32> to vector<16xf32>
      %mul3A_301 = arith.constant 11.3137083 : f32
      %mul3A_302 = vector.broadcast %mul3A_301 : f32 to vector<16xf32>
      %mul3A_303 = arith.mulf %get3A_300, %mul3A_302 : vector<16xf32>
      %swap3A_304 = arith.index_cast %add3A_296 : i32 to index
      %swap3A_305 = arith.constant 96 : index
      %swap3A_306 = tpu.vector_load %arg6[%swap3A_304, %swap3A_305] {strides = array<i32>} : memref<128x128xf32, #tpu.memory_space<vmem>>, vector<1x16xf32>,
      %swap3A_307 = vector.shape_cast %swap3A_306 : vector<1x16xf32> to vector<16xf32>
      %swap3A_308 = vector.shape_cast %mul3A_303 : vector<16xf32> to vector<1x16xf32>
      tpu.vector_store %arg6[%swap3A_304, %swap3A_305], %swap3A_308 {strides = array<i32>} : memref<128x128xf32, #tpu.memory_space<vmem>>, vector<1x16xf32>,
      %add3A_309 = arith.constant 0 : i32
      %add3A_310 = arith.addi %mul3A_212, %add3A_309 : i32
      %get3A_311 = arith.index_cast %add3A_310 : i32 to index
      %get3A_312 = arith.constant 112 : index
      %get3A_313 = tpu.vector_load %arg6[%get3A_311, %get3A_312] {strides = array<i32>} : memref<128x128xf32, #tpu.memory_space<vmem>>, vector<1x16xf32>,
      %get3A_314 = vector.shape_cast %get3A_313 : vector<1x16xf32> to vector<16xf32>
      %mul3A_315 = arith.constant 11.3137083 : f32
      %mul3A_316 = vector.broadcast %mul3A_315 : f32 to vector<16xf32>
      %mul3A_317 = arith.mulf %get3A_314, %mul3A_316 : vector<16xf32>
      %swap3A_318 = arith.index_cast %add3A_310 : i32 to index
      %swap3A_319 = arith.constant 112 : index
      %swap3A_320 = tpu.vector_load %arg6[%swap3A_318, %swap3A_319] {strides = array<i32>} : memref<128x128xf32, #tpu.memory_space<vmem>>, vector<1x16xf32>,
      %swap3A_321 = vector.shape_cast %swap3A_320 : vector<1x16xf32> to vector<16xf32>
      %swap3A_322 = vector.shape_cast %mul3A_317 : vector<16xf32> to vector<1x16xf32>
      tpu.vector_store %arg6[%swap3A_318, %swap3A_319], %swap3A_322 {strides = array<i32>} : memref<128x128xf32, #tpu.memory_space<vmem>>, vector<1x16xf32>,
      %add3A_323 = arith.constant 1 : i32
      %add3A_324 = arith.addi %mul3A_212, %add3A_323 : i32
      %get3A_325 = arith.index_cast %add3A_324 : i32 to index
      %get3A_326 = arith.constant 0 : index
      %get3A_327 = tpu.vector_load %arg6[%get3A_325, %get3A_326] {strides = array<i32>} : memref<128x128xf32, #tpu.memory_space<vmem>>, vector<1x16xf32>,
      %get3A_328 = vector.shape_cast %get3A_327 : vector<1x16xf32> to vector<16xf32>
      %mul3A_329 = arith.constant 11.3137083 : f32
      %mul3A_330 = vector.broadcast %mul3A_329 : f32 to vector<16xf32>
      %mul3A_331 = arith.mulf %get3A_328, %mul3A_330 : vector<16xf32>
      %swap3A_332 = arith.index_cast %add3A_324 : i32 to index
      %swap3A_333 = arith.constant 0 : index
      %swap3A_334 = tpu.vector_load %arg6[%swap3A_332, %swap3A_333] {strides = array<i32>} : memref<128x128xf32, #tpu.memory_space<vmem>>, vector<1x16xf32>,
      %swap3A_335 = vector.shape_cast %swap3A_334 : vector<1x16xf32> to vector<16xf32>
      %swap3A_336 = vector.shape_cast %mul3A_331 : vector<16xf32> to vector<1x16xf32>
      tpu.vector_store %arg6[%swap3A_332, %swap3A_333], %swap3A_336 {strides = array<i32>} : memref<128x128xf32, #tpu.memory_space<vmem>>, vector<1x16xf32>,
      %add3A_337 = arith.constant 1 : i32
      %add3A_338 = arith.addi %mul3A_212, %add3A_337 : i32
      %get3A_339 = arith.index_cast %add3A_338 : i32 to index
      %get3A_340 = arith.constant 16 : index
      %get3A_341 = tpu.vector_load %arg6[%get3A_339, %get3A_340] {strides = array<i32>} : memref<128x128xf32, #tpu.memory_space<vmem>>, vector<1x16xf32>,
      %get3A_342 = vector.shape_cast %get3A_341 : vector<1x16xf32> to vector<16xf32>
      %mul3A_343 = arith.constant 11.3137083 : f32
      %mul3A_344 = vector.broadcast %mul3A_343 : f32 to vector<16xf32>
      %mul3A_345 = arith.mulf %get3A_342, %mul3A_344 : vector<16xf32>
      %swap3A_346 = arith.index_cast %add3A_338 : i32 to index
      %swap3A_347 = arith.constant 16 : index
      %swap3A_348 = tpu.vector_load %arg6[%swap3A_346, %swap3A_347] {strides = array<i32>} : memref<128x128xf32, #tpu.memory_space<vmem>>, vector<1x16xf32>,
      %swap3A_349 = vector.shape_cast %swap3A_348 : vector<1x16xf32> to vector<16xf32>
      %swap3A_350 = vector.shape_cast %mul3A_345 : vector<16xf32> to vector<1x16xf32>
      tpu.vector_store %arg6[%swap3A_346, %swap3A_347], %swap3A_350 {strides = array<i32>} : memref<128x128xf32, #tpu.memory_space<vmem>>, vector<1x16xf32>,
      %add3A_351 = arith.constant 1 : i32
      %add3A_352 = arith.addi %mul3A_212, %add3A_351 : i32
      %get3A_353 = arith.index_cast %add3A_352 : i32 to index
      %get3A_354 = arith.constant 32 : index
      %get3A_355 = tpu.vector_load %arg6[%get3A_353, %get3A_354] {strides = array<i32>} : memref<128x128xf32, #tpu.memory_space<vmem>>, vector<1x16xf32>,
      %get3A_356 = vector.shape_cast %get3A_355 : vector<1x16xf32> to vector<16xf32>
      %mul3A_357 = arith.constant 11.3137083 : f32
      %mul3A_358 = vector.broadcast %mul3A_357 : f32 to vector<16xf32>
      %mul3A_359 = arith.mulf %get3A_356, %mul3A_358 : vector<16xf32>
      %swap3A_360 = arith.index_cast %add3A_352 : i32 to index
      %swap3A_361 = arith.constant 32 : index
      %swap3A_362 = tpu.vector_load %arg6[%swap3A_360, %swap3A_361] {strides = array<i32>} : memref<128x128xf32, #tpu.memory_space<vmem>>, vector<1x16xf32>,
      %swap3A_363 = vector.shape_cast %swap3A_362 : vector<1x16xf32> to vector<16xf32>
      %swap3A_364 = vector.shape_cast %mul3A_359 : vector<16xf32> to vector<1x16xf32>
      tpu.vector_store %arg6[%swap3A_360, %swap3A_361], %swap3A_364 {strides = array<i32>} : memref<128x128xf32, #tpu.memory_space<vmem>>, vector<1x16xf32>,
      %add3A_365 = arith.constant 1 : i32
      %add3A_366 = arith.addi %mul3A_212, %add3A_365 : i32
      %get3A_367 = arith.index_cast %add3A_366 : i32 to index
      %get3A_368 = arith.constant 48 : index
      %get3A_369 = tpu.vector_load %arg6[%get3A_367, %get3A_368] {strides = array<i32>} : memref<128x128xf32, #tpu.memory_space<vmem>>, vector<1x16xf32>,
      %get3A_370 = vector.shape_cast %get3A_369 : vector<1x16xf32> to vector<16xf32>
      %mul3A_371 = arith.constant 11.3137083 : f32
      %mul3A_372 = vector.broadcast %mul3A_371 : f32 to vector<16xf32>
      %mul3A_373 = arith.mulf %get3A_370, %mul3A_372 : vector<16xf32>
      %swap3A_374 = arith.index_cast %add3A_366 : i32 to index
      %swap3A_375 = arith.constant 48 : index
      %swap3A_376 = tpu.vector_load %arg6[%swap3A_374, %swap3A_375] {strides = array<i32>} : memref<128x128xf32, #tpu.memory_space<vmem>>, vector<1x16xf32>,
      %swap3A_377 = vector.shape_cast %swap3A_376 : vector<1x16xf32> to vector<16xf32>
      %swap3A_378 = vector.shape_cast %mul3A_373 : vector<16xf32> to vector<1x16xf32>
      tpu.vector_store %arg6[%swap3A_374, %swap3A_375], %swap3A_378 {strides = array<i32>} : memref<128x128xf32, #tpu.memory_space<vmem>>, vector<1x16xf32>,
      %add3A_379 = arith.constant 1 : i32
      %add3A_380 = arith.addi %mul3A_212, %add3A_379 : i32
      %get3A_381 = arith.index_cast %add3A_380 : i32 to index
      %get3A_382 = arith.constant 64 : index
      %get3A_383 = tpu.vector_load %arg6[%get3A_381, %get3A_382] {strides = array<i32>} : memref<128x128xf32, #tpu.memory_space<vmem>>, vector<1x16xf32>,
      %get3A_384 = vector.shape_cast %get3A_383 : vector<1x16xf32> to vector<16xf32>
      %mul3A_385 = arith.constant 11.3137083 : f32
      %mul3A_386 = vector.broadcast %mul3A_385 : f32 to vector<16xf32>
      %mul3A_387 = arith.mulf %get3A_384, %mul3A_386 : vector<16xf32>
      %swap3A_388 = arith.index_cast %add3A_380 : i32 to index
      %swap3A_389 = arith.constant 64 : index
      %swap3A_390 = tpu.vector_load %arg6[%swap3A_388, %swap3A_389] {strides = array<i32>} : memref<128x128xf32, #tpu.memory_space<vmem>>, vector<1x16xf32>,
      %swap3A_391 = vector.shape_cast %swap3A_390 : vector<1x16xf32> to vector<16xf32>
      %swap3A_392 = vector.shape_cast %mul3A_387 : vector<16xf32> to vector<1x16xf32>
      tpu.vector_store %arg6[%swap3A_388, %swap3A_389], %swap3A_392 {strides = array<i32>} : memref<128x128xf32, #tpu.memory_space<vmem>>, vector<1x16xf32>,
      %add3A_393 = arith.constant 1 : i32
      %add3A_394 = arith.addi %mul3A_212, %add3A_393 : i32
      %get3A_395 = arith.index_cast %add3A_394 : i32 to index
      %get3A_396 = arith.constant 80 : index
      %get3A_397 = tpu.vector_load %arg6[%get3A_395, %get3A_396] {strides = array<i32>} : memref<128x128xf32, #tpu.memory_space<vmem>>, vector<1x16xf32>,
      %get3A_398 = vector.shape_cast %get3A_397 : vector<1x16xf32> to vector<16xf32>
      %mul3A_399 = arith.constant 11.3137083 : f32
      %mul3A_400 = vector.broadcast %mul3A_399 : f32 to vector<16xf32>
      %mul3A_401 = arith.mulf %get3A_398, %mul3A_400 : vector<16xf32>
      %swap3A_402 = arith.index_cast %add3A_394 : i32 to index
      %swap3A_403 = arith.constant 80 : index
      %swap3A_404 = tpu.vector_load %arg6[%swap3A_402, %swap3A_403] {strides = array<i32>} : memref<128x128xf32, #tpu.memory_space<vmem>>, vector<1x16xf32>,
      %swap3A_405 = vector.shape_cast %swap3A_404 : vector<1x16xf32> to vector<16xf32>
      %swap3A_406 = vector.shape_cast %mul3A_401 : vector<16xf32> to vector<1x16xf32>
      tpu.vector_store %arg6[%swap3A_402, %swap3A_403], %swap3A_406 {strides = array<i32>} : memref<128x128xf32, #tpu.memory_space<vmem>>, vector<1x16xf32>,
      %add3A_407 = arith.constant 1 : i32
      %add3A_408 = arith.addi %mul3A_212, %add3A_407 : i32
      %get3A_409 = arith.index_cast %add3A_408 : i32 to index
      %get3A_410 = arith.constant 96 : index
      %get3A_411 = tpu.vector_load %arg6[%get3A_409, %get3A_410] {strides = array<i32>} : memref<128x128xf32, #tpu.memory_space<vmem>>, vector<1x16xf32>,
      %get3A_412 = vector.shape_cast %get3A_411 : vector<1x16xf32> to vector<16xf32>
      %mul3A_413 = arith.constant 11.3137083 : f32
      %mul3A_414 = vector.broadcast %mul3A_413 : f32 to vector<16xf32>
      %mul3A_415 = arith.mulf %get3A_412, %mul3A_414 : vector<16xf32>
      %swap3A_416 = arith.index_cast %add3A_408 : i32 to index
      %swap3A_417 = arith.constant 96 : index
      %swap3A_418 = tpu.vector_load %arg6[%swap3A_416, %swap3A_417] {strides = array<i32>} : memref<128x128xf32, #tpu.memory_space<vmem>>, vector<1x16xf32>,
      %swap3A_419 = vector.shape_cast %swap3A_418 : vector<1x16xf32> to vector<16xf32>
      %swap3A_420 = vector.shape_cast %mul3A_415 : vector<16xf32> to vector<1x16xf32>
      tpu.vector_store %arg6[%swap3A_416, %swap3A_417], %swap3A_420 {strides = array<i32>} : memref<128x128xf32, #tpu.memory_space<vmem>>, vector<1x16xf32>,
      %add3A_421 = arith.constant 1 : i32
      %add3A_422 = arith.addi %mul3A_212, %add3A_421 : i32
      %get3A_423 = arith.index_cast %add3A_422 : i32 to index
      %get3A_424 = arith.constant 112 : index
      %get3A_425 = tpu.vector_load %arg6[%get3A_423, %get3A_424] {strides = array<i32>} : memref<128x128xf32, #tpu.memory_space<vmem>>, vector<1x16xf32>,
      %get3A_426 = vector.shape_cast %get3A_425 : vector<1x16xf32> to vector<16xf32>
      %mul3A_427 = arith.constant 11.3137083 : f32
      %mul3A_428 = vector.broadcast %mul3A_427 : f32 to vector<16xf32>
      %mul3A_429 = arith.mulf %get3A_426, %mul3A_428 : vector<16xf32>
      %swap3A_430 = arith.index_cast %add3A_422 : i32 to index
      %swap3A_431 = arith.constant 112 : index
      %swap3A_432 = tpu.vector_load %arg6[%swap3A_430, %swap3A_431] {strides = array<i32>} : memref<128x128xf32, #tpu.memory_space<vmem>>, vector<1x16xf32>,
      %swap3A_433 = vector.shape_cast %swap3A_432 : vector<1x16xf32> to vector<16xf32>
      %swap3A_434 = vector.shape_cast %mul3A_429 : vector<16xf32> to vector<1x16xf32>
      tpu.vector_store %arg6[%swap3A_430, %swap3A_431], %swap3A_434 {strides = array<i32>} : memref<128x128xf32, #tpu.memory_space<vmem>>, vector<1x16xf32>,
      %add3A_435 = arith.constant 2 : i32
      %add3A_436 = arith.addi %mul3A_212, %add3A_435 : i32
      %get3A_437 = arith.index_cast %add3A_436 : i32 to index
      %get3A_438 = arith.constant 0 : index
      %get3A_439 = tpu.vector_load %arg6[%get3A_437, %get3A_438] {strides = array<i32>} : memref<128x128xf32, #tpu.memory_space<vmem>>, vector<1x16xf32>,
      %get3A_440 = vector.shape_cast %get3A_439 : vector<1x16xf32> to vector<16xf32>
      %mul3A_441 = arith.constant 11.3137083 : f32
      %mul3A_442 = vector.broadcast %mul3A_441 : f32 to vector<16xf32>
      %mul3A_443 = arith.mulf %get3A_440, %mul3A_442 : vector<16xf32>
      %swap3A_444 = arith.index_cast %add3A_436 : i32 to index
      %swap3A_445 = arith.constant 0 : index
      %swap3A_446 = tpu.vector_load %arg6[%swap3A_444, %swap3A_445] {strides = array<i32>} : memref<128x128xf32, #tpu.memory_space<vmem>>, vector<1x16xf32>,
      %swap3A_447 = vector.shape_cast %swap3A_446 : vector<1x16xf32> to vector<16xf32>
      %swap3A_448 = vector.shape_cast %mul3A_443 : vector<16xf32> to vector<1x16xf32>
      tpu.vector_store %arg6[%swap3A_444, %swap3A_445], %swap3A_448 {strides = array<i32>} : memref<128x128xf32, #tpu.memory_space<vmem>>, vector<1x16xf32>,
      %add3A_449 = arith.constant 2 : i32
      %add3A_450 = arith.addi %mul3A_212, %add3A_449 : i32
      %get3A_451 = arith.index_cast %add3A_450 : i32 to index
      %get3A_452 = arith.constant 16 : index
      %get3A_453 = tpu.vector_load %arg6[%get3A_451, %get3A_452] {strides = array<i32>} : memref<128x128xf32, #tpu.memory_space<vmem>>, vector<1x16xf32>,
      %get3A_454 = vector.shape_cast %get3A_453 : vector<1x16xf32> to vector<16xf32>
      %mul3A_455 = arith.constant 11.3137083 : f32
      %mul3A_456 = vector.broadcast %mul3A_455 : f32 to vector<16xf32>
      %mul3A_457 = arith.mulf %get3A_454, %mul3A_456 : vector<16xf32>
      %swap3A_458 = arith.index_cast %add3A_450 : i32 to index
      %swap3A_459 = arith.constant 16 : index
      %swap3A_460 = tpu.vector_load %arg6[%swap3A_458, %swap3A_459] {strides = array<i32>} : memref<128x128xf32, #tpu.memory_space<vmem>>, vector<1x16xf32>,
      %swap3A_461 = vector.shape_cast %swap3A_460 : vector<1x16xf32> to vector<16xf32>
      %swap3A_462 = vector.shape_cast %mul3A_457 : vector<16xf32> to vector<1x16xf32>
      tpu.vector_store %arg6[%swap3A_458, %swap3A_459], %swap3A_462 {strides = array<i32>} : memref<128x128xf32, #tpu.memory_space<vmem>>, vector<1x16xf32>,
      %add3A_463 = arith.constant 2 : i32
      %add3A_464 = arith.addi %mul3A_212, %add3A_463 : i32
      %get3A_465 = arith.index_cast %add3A_464 : i32 to index
      %get3A_466 = arith.constant 32 : index
      %get3A_467 = tpu.vector_load %arg6[%get3A_465, %get3A_466] {strides = array<i32>} : memref<128x128xf32, #tpu.memory_space<vmem>>, vector<1x16xf32>,
      %get3A_468 = vector.shape_cast %get3A_467 : vector<1x16xf32> to vector<16xf32>
      %mul3A_469 = arith.constant 11.3137083 : f32
      %mul3A_470 = vector.broadcast %mul3A_469 : f32 to vector<16xf32>
      %mul3A_471 = arith.mulf %get3A_468, %mul3A_470 : vector<16xf32>
      %swap3A_472 = arith.index_cast %add3A_464 : i32 to index
      %swap3A_473 = arith.constant 32 : index
      %swap3A_474 = tpu.vector_load %arg6[%swap3A_472, %swap3A_473] {strides = array<i32>} : memref<128x128xf32, #tpu.memory_space<vmem>>, vector<1x16xf32>,
      %swap3A_475 = vector.shape_cast %swap3A_474 : vector<1x16xf32> to vector<16xf32>
      %swap3A_476 = vector.shape_cast %mul3A_471 : vector<16xf32> to vector<1x16xf32>
      tpu.vector_store %arg6[%swap3A_472, %swap3A_473], %swap3A_476 {strides = array<i32>} : memref<128x128xf32, #tpu.memory_space<vmem>>, vector<1x16xf32>,
      %add3A_477 = arith.constant 2 : i32
      %add3A_478 = arith.addi %mul3A_212, %add3A_477 : i32
      %get3A_479 = arith.index_cast %add3A_478 : i32 to index
      %get3A_480 = arith.constant 48 : index
      %get3A_481 = tpu.vector_load %arg6[%get3A_479, %get3A_480] {strides = array<i32>} : memref<128x128xf32, #tpu.memory_space<vmem>>, vector<1x16xf32>,
      %get3A_482 = vector.shape_cast %get3A_481 : vector<1x16xf32> to vector<16xf32>
      %mul3A_483 = arith.constant 11.3137083 : f32
      %mul3A_484 = vector.broadcast %mul3A_483 : f32 to vector<16xf32>
      %mul3A_485 = arith.mulf %get3A_482, %mul3A_484 : vector<16xf32>
      %swap3A_486 = arith.index_cast %add3A_478 : i32 to index
      %swap3A_487 = arith.constant 48 : index
      %swap3A_488 = tpu.vector_load %arg6[%swap3A_486, %swap3A_487] {strides = array<i32>} : memref<128x128xf32, #tpu.memory_space<vmem>>, vector<1x16xf32>,
      %swap3A_489 = vector.shape_cast %swap3A_488 : vector<1x16xf32> to vector<16xf32>
      %swap3A_490 = vector.shape_cast %mul3A_485 : vector<16xf32> to vector<1x16xf32>
      tpu.vector_store %arg6[%swap3A_486, %swap3A_487], %swap3A_490 {strides = array<i32>} : memref<128x128xf32, #tpu.memory_space<vmem>>, vector<1x16xf32>,
      %add3A_491 = arith.constant 2 : i32
      %add3A_492 = arith.addi %mul3A_212, %add3A_491 : i32
      %get3A_493 = arith.index_cast %add3A_492 : i32 to index
      %get3A_494 = arith.constant 64 : index
      %get3A_495 = tpu.vector_load %arg6[%get3A_493, %get3A_494] {strides = array<i32>} : memref<128x128xf32, #tpu.memory_space<vmem>>, vector<1x16xf32>,
      %get3A_496 = vector.shape_cast %get3A_495 : vector<1x16xf32> to vector<16xf32>
      %mul3A_497 = arith.constant 11.3137083 : f32
      %mul3A_498 = vector.broadcast %mul3A_497 : f32 to vector<16xf32>
      %mul3A_499 = arith.mulf %get3A_496, %mul3A_498 : vector<16xf32>
      %swap3A_500 = arith.index_cast %add3A_492 : i32 to index
      %swap3A_501 = arith.constant 64 : index
      %swap3A_502 = tpu.vector_load %arg6[%swap3A_500, %swap3A_501] {strides = array<i32>} : memref<128x128xf32, #tpu.memory_space<vmem>>, vector<1x16xf32>,
      %swap3A_503 = vector.shape_cast %swap3A_502 : vector<1x16xf32> to vector<16xf32>
      %swap3A_504 = vector.shape_cast %mul3A_499 : vector<16xf32> to vector<1x16xf32>
      tpu.vector_store %arg6[%swap3A_500, %swap3A_501], %swap3A_504 {strides = array<i32>} : memref<128x128xf32, #tpu.memory_space<vmem>>, vector<1x16xf32>,
      %add3A_505 = arith.constant 2 : i32
      %add3A_506 = arith.addi %mul3A_212, %add3A_505 : i32
      %get3A_507 = arith.index_cast %add3A_506 : i32 to index
      %get3A_508 = arith.constant 80 : index
      %get3A_509 = tpu.vector_load %arg6[%get3A_507, %get3A_508] {strides = array<i32>} : memref<128x128xf32, #tpu.memory_space<vmem>>, vector<1x16xf32>,
      %get3A_510 = vector.shape_cast %get3A_509 : vector<1x16xf32> to vector<16xf32>
      %mul3A_511 = arith.constant 11.3137083 : f32
      %mul3A_512 = vector.broadcast %mul3A_511 : f32 to vector<16xf32>
      %mul3A_513 = arith.mulf %get3A_510, %mul3A_512 : vector<16xf32>
      %swap3A_514 = arith.index_cast %add3A_506 : i32 to index
      %swap3A_515 = arith.constant 80 : index
      %swap3A_516 = tpu.vector_load %arg6[%swap3A_514, %swap3A_515] {strides = array<i32>} : memref<128x128xf32, #tpu.memory_space<vmem>>, vector<1x16xf32>,
      %swap3A_517 = vector.shape_cast %swap3A_516 : vector<1x16xf32> to vector<16xf32>
      %swap3A_518 = vector.shape_cast %mul3A_513 : vector<16xf32> to vector<1x16xf32>
      tpu.vector_store %arg6[%swap3A_514, %swap3A_515], %swap3A_518 {strides = array<i32>} : memref<128x128xf32, #tpu.memory_space<vmem>>, vector<1x16xf32>,
      %add3A_519 = arith.constant 2 : i32
      %add3A_520 = arith.addi %mul3A_212, %add3A_519 : i32
      %get3A_521 = arith.index_cast %add3A_520 : i32 to index
      %get3A_522 = arith.constant 96 : index
      %get3A_523 = tpu.vector_load %arg6[%get3A_521, %get3A_522] {strides = array<i32>} : memref<128x128xf32, #tpu.memory_space<vmem>>, vector<1x16xf32>,
      %get3A_524 = vector.shape_cast %get3A_523 : vector<1x16xf32> to vector<16xf32>
      %mul3A_525 = arith.constant 11.3137083 : f32
      %mul3A_526 = vector.broadcast %mul3A_525 : f32 to vector<16xf32>
      %mul3A_527 = arith.mulf %get3A_524, %mul3A_526 : vector<16xf32>
      %swap3A_528 = arith.index_cast %add3A_520 : i32 to index
      %swap3A_529 = arith.constant 96 : index
      %swap3A_530 = tpu.vector_load %arg6[%swap3A_528, %swap3A_529] {strides = array<i32>} : memref<128x128xf32, #tpu.memory_space<vmem>>, vector<1x16xf32>,
      %swap3A_531 = vector.shape_cast %swap3A_530 : vector<1x16xf32> to vector<16xf32>
      %swap3A_532 = vector.shape_cast %mul3A_527 : vector<16xf32> to vector<1x16xf32>
      tpu.vector_store %arg6[%swap3A_528, %swap3A_529], %swap3A_532 {strides = array<i32>} : memref<128x128xf32, #tpu.memory_space<vmem>>, vector<1x16xf32>,
      %add3A_533 = arith.constant 2 : i32
      %add3A_534 = arith.addi %mul3A_212, %add3A_533 : i32
      %get3A_535 = arith.index_cast %add3A_534 : i32 to index
      %get3A_536 = arith.constant 112 : index
      %get3A_537 = tpu.vector_load %arg6[%get3A_535, %get3A_536] {strides = array<i32>} : memref<128x128xf32, #tpu.memory_space<vmem>>, vector<1x16xf32>,
      %get3A_538 = vector.shape_cast %get3A_537 : vector<1x16xf32> to vector<16xf32>
      %mul3A_539 = arith.constant 11.3137083 : f32
      %mul3A_540 = vector.broadcast %mul3A_539 : f32 to vector<16xf32>
      %mul3A_541 = arith.mulf %get3A_538, %mul3A_540 : vector<16xf32>
      %swap3A_542 = arith.index_cast %add3A_534 : i32 to index
      %swap3A_543 = arith.constant 112 : index
      %swap3A_544 = tpu.vector_load %arg6[%swap3A_542, %swap3A_543] {strides = array<i32>} : memref<128x128xf32, #tpu.memory_space<vmem>>, vector<1x16xf32>,
      %swap3A_545 = vector.shape_cast %swap3A_544 : vector<1x16xf32> to vector<16xf32>
      %swap3A_546 = vector.shape_cast %mul3A_541 : vector<16xf32> to vector<1x16xf32>
      tpu.vector_store %arg6[%swap3A_542, %swap3A_543], %swap3A_546 {strides = array<i32>} : memref<128x128xf32, #tpu.memory_space<vmem>>, vector<1x16xf32>,
      %add3A_547 = arith.constant 3 : i32
      %add3A_548 = arith.addi %mul3A_212, %add3A_547 : i32
      %get3A_549 = arith.index_cast %add3A_548 : i32 to index
      %get3A_550 = arith.constant 0 : index
      %get3A_551 = tpu.vector_load %arg6[%get3A_549, %get3A_550] {strides = array<i32>} : memref<128x128xf32, #tpu.memory_space<vmem>>, vector<1x16xf32>,
      %get3A_552 = vector.shape_cast %get3A_551 : vector<1x16xf32> to vector<16xf32>
      %mul3A_553 = arith.constant 11.3137083 : f32
      %mul3A_554 = vector.broadcast %mul3A_553 : f32 to vector<16xf32>
      %mul3A_555 = arith.mulf %get3A_552, %mul3A_554 : vector<16xf32>
      %swap3A_556 = arith.index_cast %add3A_548 : i32 to index
      %swap3A_557 = arith.constant 0 : index
      %swap3A_558 = tpu.vector_load %arg6[%swap3A_556, %swap3A_557] {strides = array<i32>} : memref<128x128xf32, #tpu.memory_space<vmem>>, vector<1x16xf32>,
      %swap3A_559 = vector.shape_cast %swap3A_558 : vector<1x16xf32> to vector<16xf32>
      %swap3A_560 = vector.shape_cast %mul3A_555 : vector<16xf32> to vector<1x16xf32>
      tpu.vector_store %arg6[%swap3A_556, %swap3A_557], %swap3A_560 {strides = array<i32>} : memref<128x128xf32, #tpu.memory_space<vmem>>, vector<1x16xf32>,
      %add3A_561 = arith.constant 3 : i32
      %add3A_562 = arith.addi %mul3A_212, %add3A_561 : i32
      %get3A_563 = arith.index_cast %add3A_562 : i32 to index
      %get3A_564 = arith.constant 16 : index
      %get3A_565 = tpu.vector_load %arg6[%get3A_563, %get3A_564] {strides = array<i32>} : memref<128x128xf32, #tpu.memory_space<vmem>>, vector<1x16xf32>,
      %get3A_566 = vector.shape_cast %get3A_565 : vector<1x16xf32> to vector<16xf32>
      %mul3A_567 = arith.constant 11.3137083 : f32
      %mul3A_568 = vector.broadcast %mul3A_567 : f32 to vector<16xf32>
      %mul3A_569 = arith.mulf %get3A_566, %mul3A_568 : vector<16xf32>
      %swap3A_570 = arith.index_cast %add3A_562 : i32 to index
      %swap3A_571 = arith.constant 16 : index
      %swap3A_572 = tpu.vector_load %arg6[%swap3A_570, %swap3A_571] {strides = array<i32>} : memref<128x128xf32, #tpu.memory_space<vmem>>, vector<1x16xf32>,
      %swap3A_573 = vector.shape_cast %swap3A_572 : vector<1x16xf32> to vector<16xf32>
      %swap3A_574 = vector.shape_cast %mul3A_569 : vector<16xf32> to vector<1x16xf32>
      tpu.vector_store %arg6[%swap3A_570, %swap3A_571], %swap3A_574 {strides = array<i32>} : memref<128x128xf32, #tpu.memory_space<vmem>>, vector<1x16xf32>,
      %add3A_575 = arith.constant 3 : i32
      %add3A_576 = arith.addi %mul3A_212, %add3A_575 : i32
      %get3A_577 = arith.index_cast %add3A_576 : i32 to index
      %get3A_578 = arith.constant 32 : index
      %get3A_579 = tpu.vector_load %arg6[%get3A_577, %get3A_578] {strides = array<i32>} : memref<128x128xf32, #tpu.memory_space<vmem>>, vector<1x16xf32>,
      %get3A_580 = vector.shape_cast %get3A_579 : vector<1x16xf32> to vector<16xf32>
      %mul3A_581 = arith.constant 11.3137083 : f32
      %mul3A_582 = vector.broadcast %mul3A_581 : f32 to vector<16xf32>
      %mul3A_583 = arith.mulf %get3A_580, %mul3A_582 : vector<16xf32>
      %swap3A_584 = arith.index_cast %add3A_576 : i32 to index
      %swap3A_585 = arith.constant 32 : index
      %swap3A_586 = tpu.vector_load %arg6[%swap3A_584, %swap3A_585] {strides = array<i32>} : memref<128x128xf32, #tpu.memory_space<vmem>>, vector<1x16xf32>,
      %swap3A_587 = vector.shape_cast %swap3A_586 : vector<1x16xf32> to vector<16xf32>
      %swap3A_588 = vector.shape_cast %mul3A_583 : vector<16xf32> to vector<1x16xf32>
      tpu.vector_store %arg6[%swap3A_584, %swap3A_585], %swap3A_588 {strides = array<i32>} : memref<128x128xf32, #tpu.memory_space<vmem>>, vector<1x16xf32>,
      %add3A_589 = arith.constant 3 : i32
      %add3A_590 = arith.addi %mul3A_212, %add3A_589 : i32
      %get3A_591 = arith.index_cast %add3A_590 : i32 to index
      %get3A_592 = arith.constant 48 : index
      %get3A_593 = tpu.vector_load %arg6[%get3A_591, %get3A_592] {strides = array<i32>} : memref<128x128xf32, #tpu.memory_space<vmem>>, vector<1x16xf32>,
      %get3A_594 = vector.shape_cast %get3A_593 : vector<1x16xf32> to vector<16xf32>
      %mul3A_595 = arith.constant 11.3137083 : f32
      %mul3A_596 = vector.broadcast %mul3A_595 : f32 to vector<16xf32>
      %mul3A_597 = arith.mulf %get3A_594, %mul3A_596 : vector<16xf32>
      %swap3A_598 = arith.index_cast %add3A_590 : i32 to index
      %swap3A_599 = arith.constant 48 : index
      %swap3A_600 = tpu.vector_load %arg6[%swap3A_598, %swap3A_599] {strides = array<i32>} : memref<128x128xf32, #tpu.memory_space<vmem>>, vector<1x16xf32>,
      %swap3A_601 = vector.shape_cast %swap3A_600 : vector<1x16xf32> to vector<16xf32>
      %swap3A_602 = vector.shape_cast %mul3A_597 : vector<16xf32> to vector<1x16xf32>
      tpu.vector_store %arg6[%swap3A_598, %swap3A_599], %swap3A_602 {strides = array<i32>} : memref<128x128xf32, #tpu.memory_space<vmem>>, vector<1x16xf32>,
      %add3A_603 = arith.constant 3 : i32
      %add3A_604 = arith.addi %mul3A_212, %add3A_603 : i32
      %get3A_605 = arith.index_cast %add3A_604 : i32 to index
      %get3A_606 = arith.constant 64 : index
      %get3A_607 = tpu.vector_load %arg6[%get3A_605, %get3A_606] {strides = array<i32>} : memref<128x128xf32, #tpu.memory_space<vmem>>, vector<1x16xf32>,
      %get3A_608 = vector.shape_cast %get3A_607 : vector<1x16xf32> to vector<16xf32>
      %mul3A_609 = arith.constant 11.3137083 : f32
      %mul3A_610 = vector.broadcast %mul3A_609 : f32 to vector<16xf32>
      %mul3A_611 = arith.mulf %get3A_608, %mul3A_610 : vector<16xf32>
      %swap3A_612 = arith.index_cast %add3A_604 : i32 to index
      %swap3A_613 = arith.constant 64 : index
      %swap3A_614 = tpu.vector_load %arg6[%swap3A_612, %swap3A_613] {strides = array<i32>} : memref<128x128xf32, #tpu.memory_space<vmem>>, vector<1x16xf32>,
      %swap3A_615 = vector.shape_cast %swap3A_614 : vector<1x16xf32> to vector<16xf32>
      %swap3A_616 = vector.shape_cast %mul3A_611 : vector<16xf32> to vector<1x16xf32>
      tpu.vector_store %arg6[%swap3A_612, %swap3A_613], %swap3A_616 {strides = array<i32>} : memref<128x128xf32, #tpu.memory_space<vmem>>, vector<1x16xf32>,
      %add3A_617 = arith.constant 3 : i32
      %add3A_618 = arith.addi %mul3A_212, %add3A_617 : i32
      %get3A_619 = arith.index_cast %add3A_618 : i32 to index
      %get3A_620 = arith.constant 80 : index
      %get3A_621 = tpu.vector_load %arg6[%get3A_619, %get3A_620] {strides = array<i32>} : memref<128x128xf32, #tpu.memory_space<vmem>>, vector<1x16xf32>,
      %get3A_622 = vector.shape_cast %get3A_621 : vector<1x16xf32> to vector<16xf32>
      %mul3A_623 = arith.constant 11.3137083 : f32
      %mul3A_624 = vector.broadcast %mul3A_623 : f32 to vector<16xf32>
      %mul3A_625 = arith.mulf %get3A_622, %mul3A_624 : vector<16xf32>
      %swap3A_626 = arith.index_cast %add3A_618 : i32 to index
      %swap3A_627 = arith.constant 80 : index
      %swap3A_628 = tpu.vector_load %arg6[%swap3A_626, %swap3A_627] {strides = array<i32>} : memref<128x128xf32, #tpu.memory_space<vmem>>, vector<1x16xf32>,
      %swap3A_629 = vector.shape_cast %swap3A_628 : vector<1x16xf32> to vector<16xf32>
      %swap3A_630 = vector.shape_cast %mul3A_625 : vector<16xf32> to vector<1x16xf32>
      tpu.vector_store %arg6[%swap3A_626, %swap3A_627], %swap3A_630 {strides = array<i32>} : memref<128x128xf32, #tpu.memory_space<vmem>>, vector<1x16xf32>,
      %add3A_631 = arith.constant 3 : i32
      %add3A_632 = arith.addi %mul3A_212, %add3A_631 : i32
      %get3A_633 = arith.index_cast %add3A_632 : i32 to index
      %get3A_634 = arith.constant 96 : index
      %get3A_635 = tpu.vector_load %arg6[%get3A_633, %get3A_634] {strides = array<i32>} : memref<128x128xf32, #tpu.memory_space<vmem>>, vector<1x16xf32>,
      %get3A_636 = vector.shape_cast %get3A_635 : vector<1x16xf32> to vector<16xf32>
      %mul3A_637 = arith.constant 11.3137083 : f32
      %mul3A_638 = vector.broadcast %mul3A_637 : f32 to vector<16xf32>
      %mul3A_639 = arith.mulf %get3A_636, %mul3A_638 : vector<16xf32>
      %swap3A_640 = arith.index_cast %add3A_632 : i32 to index
      %swap3A_641 = arith.constant 96 : index
      %swap3A_642 = tpu.vector_load %arg6[%swap3A_640, %swap3A_641] {strides = array<i32>} : memref<128x128xf32, #tpu.memory_space<vmem>>, vector<1x16xf32>,
      %swap3A_643 = vector.shape_cast %swap3A_642 : vector<1x16xf32> to vector<16xf32>
      %swap3A_644 = vector.shape_cast %mul3A_639 : vector<16xf32> to vector<1x16xf32>
      tpu.vector_store %arg6[%swap3A_640, %swap3A_641], %swap3A_644 {strides = array<i32>} : memref<128x128xf32, #tpu.memory_space<vmem>>, vector<1x16xf32>,
      %add3A_645 = arith.constant 3 : i32
      %add3A_646 = arith.addi %mul3A_212, %add3A_645 : i32
      %get3A_647 = arith.index_cast %add3A_646 : i32 to index
      %get3A_648 = arith.constant 112 : index
      %get3A_649 = tpu.vector_load %arg6[%get3A_647, %get3A_648] {strides = array<i32>} : memref<128x128xf32, #tpu.memory_space<vmem>>, vector<1x16xf32>,
      %get3A_650 = vector.shape_cast %get3A_649 : vector<1x16xf32> to vector<16xf32>
      %mul3A_651 = arith.constant 11.3137083 : f32
      %mul3A_652 = vector.broadcast %mul3A_651 : f32 to vector<16xf32>
      %mul3A_653 = arith.mulf %get3A_650, %mul3A_652 : vector<16xf32>
      %swap3A_654 = arith.index_cast %add3A_646 : i32 to index
      %swap3A_655 = arith.constant 112 : index
      %swap3A_656 = tpu.vector_load %arg6[%swap3A_654, %swap3A_655] {strides = array<i32>} : memref<128x128xf32, #tpu.memory_space<vmem>>, vector<1x16xf32>,
      %swap3A_657 = vector.shape_cast %swap3A_656 : vector<1x16xf32> to vector<16xf32>
      %swap3A_658 = vector.shape_cast %mul3A_653 : vector<16xf32> to vector<1x16xf32>
      tpu.vector_store %arg6[%swap3A_654, %swap3A_655], %swap3A_658 {strides = array<i32>} : memref<128x128xf32, #tpu.memory_space<vmem>>, vector<1x16xf32>,
    }
    %scan3A_162 = arith.constant 32 : i32
    %add3A_163 = arith.constant 196608 : i32
    %add3A_164 = arith.addi %add3A_163, %mul3A_2 : i32
    %dma_start3A_165 = arith.constant 0 : i32
    %dma_start3A_166 = arith.constant 0 : i32
    %dma_start3A_167 = tpu.memref_slice %arg4[%add3A_164, %dma_start3A_166] : memref<204800x128xf32, #tpu.memory_space<hbm>> -> memref<128x128xf32, #tpu.memory_space<hbm>>
    %dma_start3A_168 = tpu.memref_slice %arg10[%dma_start3A_165] : memref<3x!tpu.dma_semaphore, #tpu.memory_space<semaphore_mem>> -> memref<1x!tpu.dma_semaphore, #tpu.memory_space<semaphore_mem>>
    %dma_start3A_169 = tpu.memref_squeeze %dma_start3A_168 : memref<1x!tpu.dma_semaphore, #tpu.memory_space<semaphore_mem>> -> memref<!tpu.dma_semaphore, #tpu.memory_space<semaphore_mem>>
    %dma_start3A_170 = arith.constant 0 : i32
    %dma_start3A_171 = tpu.memref_slice %arg4[%add3A_164, %dma_start3A_170] : memref<204800x128xf32, #tpu.memory_space<hbm>> -> memref<128x128xf32, #tpu.memory_space<hbm>>
    tpu.enqueue_dma source(%arg6 : memref<128x128xf32, #tpu.memory_space<vmem>>) target(%dma_start3A_171 : memref<128x128xf32, #tpu.memory_space<hbm>>) target_semaphore(%dma_start3A_169 : memref<!tpu.dma_semaphore, #tpu.memory_space<semaphore_mem>>)
    %dma_wait3A_172 = arith.constant 0 : i32
    %dma_wait3A_173 = arith.constant 0 : i32
    %dma_wait3A_174 = tpu.memref_slice %arg4[%mul3A_2, %dma_wait3A_173] : memref<204800x128xf32, #tpu.memory_space<hbm>> -> memref<128x128xf32, #tpu.memory_space<hbm>>
    %dma_wait3A_175 = tpu.memref_slice %arg10[%dma_wait3A_172] : memref<3x!tpu.dma_semaphore, #tpu.memory_space<semaphore_mem>> -> memref<1x!tpu.dma_semaphore, #tpu.memory_space<semaphore_mem>>
    %dma_wait3A_176 = tpu.memref_squeeze %dma_wait3A_175 : memref<1x!tpu.dma_semaphore, #tpu.memory_space<semaphore_mem>> -> memref<!tpu.dma_semaphore, #tpu.memory_space<semaphore_mem>>
    %dma_wait3A_177 = arith.constant 0 : i32
    %dma_wait3A_178 = tpu.memref_slice %arg4[%mul3A_2, %dma_wait3A_177] : memref<204800x128xf32, #tpu.memory_space<hbm>> -> memref<128x128xf32, #tpu.memory_space<hbm>>
    tpu.wait_dma2 semaphore(%dma_wait3A_176 : memref<!tpu.dma_semaphore, #tpu.memory_space<semaphore_mem>>) src(%arg6 : memref<128x128xf32, #tpu.memory_space<vmem>>) dst(%dma_wait3A_178 : memref<128x128xf32, #tpu.memory_space<hbm>>)
    %dma_wait3A_179 = arith.constant 0 : i32
    %dma_wait3A_180 = arith.constant 1 : i32
    %dma_wait3A_181 = arith.constant 0 : i32
    %dma_wait3A_182 = tpu.memref_slice %arg5[%dma_wait3A_179, %dma_wait3A_181] : memref<50x128xi32, #tpu.memory_space<vmem>> -> memref<1x128xi32, #tpu.memory_space<vmem>>
    %dma_wait3A_183 = tpu.memref_squeeze %dma_wait3A_182 : memref<1x128xi32, #tpu.memory_space<vmem>> -> memref<128xi32, #tpu.memory_space<vmem>>
    %dma_wait3A_184 = arith.constant 0 : i32
    %dma_wait3A_185 = arith.constant 0 : i32
    %dma_wait3A_186 = tpu.memref_slice %arg3[%dma_wait3A_184, %dma_wait3A_185] : memref<100000x128xf32, #tpu.memory_space<hbm>> -> memref<100000x128xf32, #tpu.memory_space<hbm>>
    %dma_wait3A_187 = tpu.memref_slice %arg9[%dma_wait3A_180] : memref<3x!tpu.dma_semaphore, #tpu.memory_space<semaphore_mem>> -> memref<1x!tpu.dma_semaphore, #tpu.memory_space<semaphore_mem>>
    %dma_wait3A_188 = tpu.memref_squeeze %dma_wait3A_187 : memref<1x!tpu.dma_semaphore, #tpu.memory_space<semaphore_mem>> -> memref<!tpu.dma_semaphore, #tpu.memory_space<semaphore_mem>>
    tpu.wait_indirect_dma semaphore(%dma_wait3A_188 : memref<!tpu.dma_semaphore, #tpu.memory_space<semaphore_mem>>) src(%dma_wait3A_186 : memref<100000x128xf32, #tpu.memory_space<hbm>>) dst(%arg7 : memref<128x128xf32, #tpu.memory_space<vmem>>)
    %scan3A_189 = arith.constant 0 : i32
    %scan3A_190 = arith.constant 32 : i32
    %scan3A_191 = arith.addi %scan3A_189, %scan3A_190 : i32
    %scan3A_192 = arith.constant 1 : i32
    scf.for %scan3A_210 = %scan3A_189 to %scan3A_191 step %scan3A_192  : i32 {
      %mul3A_211 = arith.constant 4 : i32
      %mul3A_212 = arith.muli %scan3A_210, %mul3A_211 : i32
      %add3A_213 = arith.constant 0 : i32
      %add3A_214 = arith.addi %mul3A_212, %add3A_213 : i32
      %get3A = arith.index_cast %add3A_214 : i32 to index
      %get3A_215 = arith.constant 0 : index
      %get3A_216 = tpu.vector_load %arg7[%get3A, %get3A_215] {strides = array<i32>} : memref<128x128xf32, #tpu.memory_space<vmem>>, vector<1x16xf32>,
      %get3A_217 = vector.shape_cast %get3A_216 : vector<1x16xf32> to vector<16xf32>
      %mul3A_218 = arith.constant 11.3137083 : f32
      %mul3A_219 = vector.broadcast %mul3A_218 : f32 to vector<16xf32>
      %mul3A_220 = arith.mulf %get3A_217, %mul3A_219 : vector<16xf32>
      %swap3A = arith.index_cast %add3A_214 : i32 to index
      %swap3A_221 = arith.constant 0 : index
      %swap3A_222 = tpu.vector_load %arg7[%swap3A, %swap3A_221] {strides = array<i32>} : memref<128x128xf32, #tpu.memory_space<vmem>>, vector<1x16xf32>,
      %swap3A_223 = vector.shape_cast %swap3A_222 : vector<1x16xf32> to vector<16xf32>
      %swap3A_224 = vector.shape_cast %mul3A_220 : vector<16xf32> to vector<1x16xf32>
      tpu.vector_store %arg7[%swap3A, %swap3A_221], %swap3A_224 {strides = array<i32>} : memref<128x128xf32, #tpu.memory_space<vmem>>, vector<1x16xf32>,
      %add3A_225 = arith.constant 0 : i32
      %add3A_226 = arith.addi %mul3A_212, %add3A_225 : i32
      %get3A_227 = arith.index_cast %add3A_226 : i32 to index
      %get3A_228 = arith.constant 16 : index
      %get3A_229 = tpu.vector_load %arg7[%get3A_227, %get3A_228] {strides = array<i32>} : memref<128x128xf32, #tpu.memory_space<vmem>>, vector<1x16xf32>,
      %get3A_230 = vector.shape_cast %get3A_229 : vector<1x16xf32> to vector<16xf32>
      %mul3A_231 = arith.constant 11.3137083 : f32
      %mul3A_232 = vector.broadcast %mul3A_231 : f32 to vector<16xf32>
      %mul3A_233 = arith.mulf %get3A_230, %mul3A_232 : vector<16xf32>
      %swap3A_234 = arith.index_cast %add3A_226 : i32 to index
      %swap3A_235 = arith.constant 16 : index
      %swap3A_236 = tpu.vector_load %arg7[%swap3A_234, %swap3A_235] {strides = array<i32>} : memref<128x128xf32, #tpu.memory_space<vmem>>, vector<1x16xf32>,
      %swap3A_237 = vector.shape_cast %swap3A_236 : vector<1x16xf32> to vector<16xf32>
      %swap3A_238 = vector.shape_cast %mul3A_233 : vector<16xf32> to vector<1x16xf32>
      tpu.vector_store %arg7[%swap3A_234, %swap3A_235], %swap3A_238 {strides = array<i32>} : memref<128x128xf32, #tpu.memory_space<vmem>>, vector<1x16xf32>,
      %add3A_239 = arith.constant 0 : i32
      %add3A_240 = arith.addi %mul3A_212, %add3A_239 : i32
      %get3A_241 = arith.index_cast %add3A_240 : i32 to index
      %get3A_242 = arith.constant 32 : index
      %get3A_243 = tpu.vector_load %arg7[%get3A_241, %get3A_242] {strides = array<i32>} : memref<128x128xf32, #tpu.memory_space<vmem>>, vector<1x16xf32>,
      %get3A_244 = vector.shape_cast %get3A_243 : vector<1x16xf32> to vector<16xf32>
      %mul3A_245 = arith.constant 11.3137083 : f32
      %mul3A_246 = vector.broadcast %mul3A_245 : f32 to vector<16xf32>
      %mul3A_247 = arith.mulf %get3A_244, %mul3A_246 : vector<16xf32>
      %swap3A_248 = arith.index_cast %add3A_240 : i32 to index
      %swap3A_249 = arith.constant 32 : index
      %swap3A_250 = tpu.vector_load %arg7[%swap3A_248, %swap3A_249] {strides = array<i32>} : memref<128x128xf32, #tpu.memory_space<vmem>>, vector<1x16xf32>,
      %swap3A_251 = vector.shape_cast %swap3A_250 : vector<1x16xf32> to vector<16xf32>
      %swap3A_252 = vector.shape_cast %mul3A_247 : vector<16xf32> to vector<1x16xf32>
      tpu.vector_store %arg7[%swap3A_248, %swap3A_249], %swap3A_252 {strides = array<i32>} : memref<128x128xf32, #tpu.memory_space<vmem>>, vector<1x16xf32>,
      %add3A_253 = arith.constant 0 : i32
      %add3A_254 = arith.addi %mul3A_212, %add3A_253 : i32
      %get3A_255 = arith.index_cast %add3A_254 : i32 to index
      %get3A_256 = arith.constant 48 : index
      %get3A_257 = tpu.vector_load %arg7[%get3A_255, %get3A_256] {strides = array<i32>} : memref<128x128xf32, #tpu.memory_space<vmem>>, vector<1x16xf32>,
      %get3A_258 = vector.shape_cast %get3A_257 : vector<1x16xf32> to vector<16xf32>
      %mul3A_259 = arith.constant 11.3137083 : f32
      %mul3A_260 = vector.broadcast %mul3A_259 : f32 to vector<16xf32>
      %mul3A_261 = arith.mulf %get3A_258, %mul3A_260 : vector<16xf32>
      %swap3A_262 = arith.index_cast %add3A_254 : i32 to index
      %swap3A_263 = arith.constant 48 : index
      %swap3A_264 = tpu.vector_load %arg7[%swap3A_262, %swap3A_263] {strides = array<i32>} : memref<128x128xf32, #tpu.memory_space<vmem>>, vector<1x16xf32>,
      %swap3A_265 = vector.shape_cast %swap3A_264 : vector<1x16xf32> to vector<16xf32>
      %swap3A_266 = vector.shape_cast %mul3A_261 : vector<16xf32> to vector<1x16xf32>
      tpu.vector_store %arg7[%swap3A_262, %swap3A_263], %swap3A_266 {strides = array<i32>} : memref<128x128xf32, #tpu.memory_space<vmem>>, vector<1x16xf32>,
      %add3A_267 = arith.constant 0 : i32
      %add3A_268 = arith.addi %mul3A_212, %add3A_267 : i32
      %get3A_269 = arith.index_cast %add3A_268 : i32 to index
      %get3A_270 = arith.constant 64 : index
      %get3A_271 = tpu.vector_load %arg7[%get3A_269, %get3A_270] {strides = array<i32>} : memref<128x128xf32, #tpu.memory_space<vmem>>, vector<1x16xf32>,
      %get3A_272 = vector.shape_cast %get3A_271 : vector<1x16xf32> to vector<16xf32>
      %mul3A_273 = arith.constant 11.3137083 : f32
      %mul3A_274 = vector.broadcast %mul3A_273 : f32 to vector<16xf32>
      %mul3A_275 = arith.mulf %get3A_272, %mul3A_274 : vector<16xf32>
      %swap3A_276 = arith.index_cast %add3A_268 : i32 to index
      %swap3A_277 = arith.constant 64 : index
      %swap3A_278 = tpu.vector_load %arg7[%swap3A_276, %swap3A_277] {strides = array<i32>} : memref<128x128xf32, #tpu.memory_space<vmem>>, vector<1x16xf32>,
      %swap3A_279 = vector.shape_cast %swap3A_278 : vector<1x16xf32> to vector<16xf32>
      %swap3A_280 = vector.shape_cast %mul3A_275 : vector<16xf32> to vector<1x16xf32>
      tpu.vector_store %arg7[%swap3A_276, %swap3A_277], %swap3A_280 {strides = array<i32>} : memref<128x128xf32, #tpu.memory_space<vmem>>, vector<1x16xf32>,
      %add3A_281 = arith.constant 0 : i32
      %add3A_282 = arith.addi %mul3A_212, %add3A_281 : i32
      %get3A_283 = arith.index_cast %add3A_282 : i32 to index
      %get3A_284 = arith.constant 80 : index
      %get3A_285 = tpu.vector_load %arg7[%get3A_283, %get3A_284] {strides = array<i32>} : memref<128x128xf32, #tpu.memory_space<vmem>>, vector<1x16xf32>,
      %get3A_286 = vector.shape_cast %get3A_285 : vector<1x16xf32> to vector<16xf32>
      %mul3A_287 = arith.constant 11.3137083 : f32
      %mul3A_288 = vector.broadcast %mul3A_287 : f32 to vector<16xf32>
      %mul3A_289 = arith.mulf %get3A_286, %mul3A_288 : vector<16xf32>
      %swap3A_290 = arith.index_cast %add3A_282 : i32 to index
      %swap3A_291 = arith.constant 80 : index
      %swap3A_292 = tpu.vector_load %arg7[%swap3A_290, %swap3A_291] {strides = array<i32>} : memref<128x128xf32, #tpu.memory_space<vmem>>, vector<1x16xf32>,
      %swap3A_293 = vector.shape_cast %swap3A_292 : vector<1x16xf32> to vector<16xf32>
      %swap3A_294 = vector.shape_cast %mul3A_289 : vector<16xf32> to vector<1x16xf32>
      tpu.vector_store %arg7[%swap3A_290, %swap3A_291], %swap3A_294 {strides = array<i32>} : memref<128x128xf32, #tpu.memory_space<vmem>>, vector<1x16xf32>,
      %add3A_295 = arith.constant 0 : i32
      %add3A_296 = arith.addi %mul3A_212, %add3A_295 : i32
      %get3A_297 = arith.index_cast %add3A_296 : i32 to index
      %get3A_298 = arith.constant 96 : index
      %get3A_299 = tpu.vector_load %arg7[%get3A_297, %get3A_298] {strides = array<i32>} : memref<128x128xf32, #tpu.memory_space<vmem>>, vector<1x16xf32>,
      %get3A_300 = vector.shape_cast %get3A_299 : vector<1x16xf32> to vector<16xf32>
      %mul3A_301 = arith.constant 11.3137083 : f32
      %mul3A_302 = vector.broadcast %mul3A_301 : f32 to vector<16xf32>
      %mul3A_303 = arith.mulf %get3A_300, %mul3A_302 : vector<16xf32>
      %swap3A_304 = arith.index_cast %add3A_296 : i32 to index
      %swap3A_305 = arith.constant 96 : index
      %swap3A_306 = tpu.vector_load %arg7[%swap3A_304, %swap3A_305] {strides = array<i32>} : memref<128x128xf32, #tpu.memory_space<vmem>>, vector<1x16xf32>,
      %swap3A_307 = vector.shape_cast %swap3A_306 : vector<1x16xf32> to vector<16xf32>
      %swap3A_308 = vector.shape_cast %mul3A_303 : vector<16xf32> to vector<1x16xf32>
      tpu.vector_store %arg7[%swap3A_304, %swap3A_305], %swap3A_308 {strides = array<i32>} : memref<128x128xf32, #tpu.memory_space<vmem>>, vector<1x16xf32>,
      %add3A_309 = arith.constant 0 : i32
      %add3A_310 = arith.addi %mul3A_212, %add3A_309 : i32
      %get3A_311 = arith.index_cast %add3A_310 : i32 to index
      %get3A_312 = arith.constant 112 : index
      %get3A_313 = tpu.vector_load %arg7[%get3A_311, %get3A_312] {strides = array<i32>} : memref<128x128xf32, #tpu.memory_space<vmem>>, vector<1x16xf32>,
      %get3A_314 = vector.shape_cast %get3A_313 : vector<1x16xf32> to vector<16xf32>
      %mul3A_315 = arith.constant 11.3137083 : f32
      %mul3A_316 = vector.broadcast %mul3A_315 : f32 to vector<16xf32>
      %mul3A_317 = arith.mulf %get3A_314, %mul3A_316 : vector<16xf32>
      %swap3A_318 = arith.index_cast %add3A_310 : i32 to index
      %swap3A_319 = arith.constant 112 : index
      %swap3A_320 = tpu.vector_load %arg7[%swap3A_318, %swap3A_319] {strides = array<i32>} : memref<128x128xf32, #tpu.memory_space<vmem>>, vector<1x16xf32>,
      %swap3A_321 = vector.shape_cast %swap3A_320 : vector<1x16xf32> to vector<16xf32>
      %swap3A_322 = vector.shape_cast %mul3A_317 : vector<16xf32> to vector<1x16xf32>
      tpu.vector_store %arg7[%swap3A_318, %swap3A_319], %swap3A_322 {strides = array<i32>} : memref<128x128xf32, #tpu.memory_space<vmem>>, vector<1x16xf32>,
      %add3A_323 = arith.constant 1 : i32
      %add3A_324 = arith.addi %mul3A_212, %add3A_323 : i32
      %get3A_325 = arith.index_cast %add3A_324 : i32 to index
      %get3A_326 = arith.constant 0 : index
      %get3A_327 = tpu.vector_load %arg7[%get3A_325, %get3A_326] {strides = array<i32>} : memref<128x128xf32, #tpu.memory_space<vmem>>, vector<1x16xf32>,
      %get3A_328 = vector.shape_cast %get3A_327 : vector<1x16xf32> to vector<16xf32>
      %mul3A_329 = arith.constant 11.3137083 : f32
      %mul3A_330 = vector.broadcast %mul3A_329 : f32 to vector<16xf32>
      %mul3A_331 = arith.mulf %get3A_328, %mul3A_330 : vector<16xf32>
      %swap3A_332 = arith.index_cast %add3A_324 : i32 to index
      %swap3A_333 = arith.constant 0 : index
      %swap3A_334 = tpu.vector_load %arg7[%swap3A_332, %swap3A_333] {strides = array<i32>} : memref<128x128xf32, #tpu.memory_space<vmem>>, vector<1x16xf32>,
      %swap3A_335 = vector.shape_cast %swap3A_334 : vector<1x16xf32> to vector<16xf32>
      %swap3A_336 = vector.shape_cast %mul3A_331 : vector<16xf32> to vector<1x16xf32>
      tpu.vector_store %arg7[%swap3A_332, %swap3A_333], %swap3A_336 {strides = array<i32>} : memref<128x128xf32, #tpu.memory_space<vmem>>, vector<1x16xf32>,
      %add3A_337 = arith.constant 1 : i32
      %add3A_338 = arith.addi %mul3A_212, %add3A_337 : i32
      %get3A_339 = arith.index_cast %add3A_338 : i32 to index
      %get3A_340 = arith.constant 16 : index
      %get3A_341 = tpu.vector_load %arg7[%get3A_339, %get3A_340] {strides = array<i32>} : memref<128x128xf32, #tpu.memory_space<vmem>>, vector<1x16xf32>,
      %get3A_342 = vector.shape_cast %get3A_341 : vector<1x16xf32> to vector<16xf32>
      %mul3A_343 = arith.constant 11.3137083 : f32
      %mul3A_344 = vector.broadcast %mul3A_343 : f32 to vector<16xf32>
      %mul3A_345 = arith.mulf %get3A_342, %mul3A_344 : vector<16xf32>
      %swap3A_346 = arith.index_cast %add3A_338 : i32 to index
      %swap3A_347 = arith.constant 16 : index
      %swap3A_348 = tpu.vector_load %arg7[%swap3A_346, %swap3A_347] {strides = array<i32>} : memref<128x128xf32, #tpu.memory_space<vmem>>, vector<1x16xf32>,
      %swap3A_349 = vector.shape_cast %swap3A_348 : vector<1x16xf32> to vector<16xf32>
      %swap3A_350 = vector.shape_cast %mul3A_345 : vector<16xf32> to vector<1x16xf32>
      tpu.vector_store %arg7[%swap3A_346, %swap3A_347], %swap3A_350 {strides = array<i32>} : memref<128x128xf32, #tpu.memory_space<vmem>>, vector<1x16xf32>,
      %add3A_351 = arith.constant 1 : i32
      %add3A_352 = arith.addi %mul3A_212, %add3A_351 : i32
      %get3A_353 = arith.index_cast %add3A_352 : i32 to index
      %get3A_354 = arith.constant 32 : index
      %get3A_355 = tpu.vector_load %arg7[%get3A_353, %get3A_354] {strides = array<i32>} : memref<128x128xf32, #tpu.memory_space<vmem>>, vector<1x16xf32>,
      %get3A_356 = vector.shape_cast %get3A_355 : vector<1x16xf32> to vector<16xf32>
      %mul3A_357 = arith.constant 11.3137083 : f32
      %mul3A_358 = vector.broadcast %mul3A_357 : f32 to vector<16xf32>
      %mul3A_359 = arith.mulf %get3A_356, %mul3A_358 : vector<16xf32>
      %swap3A_360 = arith.index_cast %add3A_352 : i32 to index
      %swap3A_361 = arith.constant 32 : index
      %swap3A_362 = tpu.vector_load %arg7[%swap3A_360, %swap3A_361] {strides = array<i32>} : memref<128x128xf32, #tpu.memory_space<vmem>>, vector<1x16xf32>,
      %swap3A_363 = vector.shape_cast %swap3A_362 : vector<1x16xf32> to vector<16xf32>
      %swap3A_364 = vector.shape_cast %mul3A_359 : vector<16xf32> to vector<1x16xf32>
      tpu.vector_store %arg7[%swap3A_360, %swap3A_361], %swap3A_364 {strides = array<i32>} : memref<128x128xf32, #tpu.memory_space<vmem>>, vector<1x16xf32>,
      %add3A_365 = arith.constant 1 : i32
      %add3A_366 = arith.addi %mul3A_212, %add3A_365 : i32
      %get3A_367 = arith.index_cast %add3A_366 : i32 to index
      %get3A_368 = arith.constant 48 : index
      %get3A_369 = tpu.vector_load %arg7[%get3A_367, %get3A_368] {strides = array<i32>} : memref<128x128xf32, #tpu.memory_space<vmem>>, vector<1x16xf32>,
      %get3A_370 = vector.shape_cast %get3A_369 : vector<1x16xf32> to vector<16xf32>
      %mul3A_371 = arith.constant 11.3137083 : f32
      %mul3A_372 = vector.broadcast %mul3A_371 : f32 to vector<16xf32>
      %mul3A_373 = arith.mulf %get3A_370, %mul3A_372 : vector<16xf32>
      %swap3A_374 = arith.index_cast %add3A_366 : i32 to index
      %swap3A_375 = arith.constant 48 : index
      %swap3A_376 = tpu.vector_load %arg7[%swap3A_374, %swap3A_375] {strides = array<i32>} : memref<128x128xf32, #tpu.memory_space<vmem>>, vector<1x16xf32>,
      %swap3A_377 = vector.shape_cast %swap3A_376 : vector<1x16xf32> to vector<16xf32>
      %swap3A_378 = vector.shape_cast %mul3A_373 : vector<16xf32> to vector<1x16xf32>
      tpu.vector_store %arg7[%swap3A_374, %swap3A_375], %swap3A_378 {strides = array<i32>} : memref<128x128xf32, #tpu.memory_space<vmem>>, vector<1x16xf32>,
      %add3A_379 = arith.constant 1 : i32
      %add3A_380 = arith.addi %mul3A_212, %add3A_379 : i32
      %get3A_381 = arith.index_cast %add3A_380 : i32 to index
      %get3A_382 = arith.constant 64 : index
      %get3A_383 = tpu.vector_load %arg7[%get3A_381, %get3A_382] {strides = array<i32>} : memref<128x128xf32, #tpu.memory_space<vmem>>, vector<1x16xf32>,
      %get3A_384 = vector.shape_cast %get3A_383 : vector<1x16xf32> to vector<16xf32>
      %mul3A_385 = arith.constant 11.3137083 : f32
      %mul3A_386 = vector.broadcast %mul3A_385 : f32 to vector<16xf32>
      %mul3A_387 = arith.mulf %get3A_384, %mul3A_386 : vector<16xf32>
      %swap3A_388 = arith.index_cast %add3A_380 : i32 to index
      %swap3A_389 = arith.constant 64 : index
      %swap3A_390 = tpu.vector_load %arg7[%swap3A_388, %swap3A_389] {strides = array<i32>} : memref<128x128xf32, #tpu.memory_space<vmem>>, vector<1x16xf32>,
      %swap3A_391 = vector.shape_cast %swap3A_390 : vector<1x16xf32> to vector<16xf32>
      %swap3A_392 = vector.shape_cast %mul3A_387 : vector<16xf32> to vector<1x16xf32>
      tpu.vector_store %arg7[%swap3A_388, %swap3A_389], %swap3A_392 {strides = array<i32>} : memref<128x128xf32, #tpu.memory_space<vmem>>, vector<1x16xf32>,
      %add3A_393 = arith.constant 1 : i32
      %add3A_394 = arith.addi %mul3A_212, %add3A_393 : i32
      %get3A_395 = arith.index_cast %add3A_394 : i32 to index
      %get3A_396 = arith.constant 80 : index
      %get3A_397 = tpu.vector_load %arg7[%get3A_395, %get3A_396] {strides = array<i32>} : memref<128x128xf32, #tpu.memory_space<vmem>>, vector<1x16xf32>,
      %get3A_398 = vector.shape_cast %get3A_397 : vector<1x16xf32> to vector<16xf32>
      %mul3A_399 = arith.constant 11.3137083 : f32
      %mul3A_400 = vector.broadcast %mul3A_399 : f32 to vector<16xf32>
      %mul3A_401 = arith.mulf %get3A_398, %mul3A_400 : vector<16xf32>
      %swap3A_402 = arith.index_cast %add3A_394 : i32 to index
      %swap3A_403 = arith.constant 80 : index
      %swap3A_404 = tpu.vector_load %arg7[%swap3A_402, %swap3A_403] {strides = array<i32>} : memref<128x128xf32, #tpu.memory_space<vmem>>, vector<1x16xf32>,
      %swap3A_405 = vector.shape_cast %swap3A_404 : vector<1x16xf32> to vector<16xf32>
      %swap3A_406 = vector.shape_cast %mul3A_401 : vector<16xf32> to vector<1x16xf32>
      tpu.vector_store %arg7[%swap3A_402, %swap3A_403], %swap3A_406 {strides = array<i32>} : memref<128x128xf32, #tpu.memory_space<vmem>>, vector<1x16xf32>,
      %add3A_407 = arith.constant 1 : i32
      %add3A_408 = arith.addi %mul3A_212, %add3A_407 : i32
      %get3A_409 = arith.index_cast %add3A_408 : i32 to index
      %get3A_410 = arith.constant 96 : index
      %get3A_411 = tpu.vector_load %arg7[%get3A_409, %get3A_410] {strides = array<i32>} : memref<128x128xf32, #tpu.memory_space<vmem>>, vector<1x16xf32>,
      %get3A_412 = vector.shape_cast %get3A_411 : vector<1x16xf32> to vector<16xf32>
      %mul3A_413 = arith.constant 11.3137083 : f32
      %mul3A_414 = vector.broadcast %mul3A_413 : f32 to vector<16xf32>
      %mul3A_415 = arith.mulf %get3A_412, %mul3A_414 : vector<16xf32>
      %swap3A_416 = arith.index_cast %add3A_408 : i32 to index
      %swap3A_417 = arith.constant 96 : index
      %swap3A_418 = tpu.vector_load %arg7[%swap3A_416, %swap3A_417] {strides = array<i32>} : memref<128x128xf32, #tpu.memory_space<vmem>>, vector<1x16xf32>,
      %swap3A_419 = vector.shape_cast %swap3A_418 : vector<1x16xf32> to vector<16xf32>
      %swap3A_420 = vector.shape_cast %mul3A_415 : vector<16xf32> to vector<1x16xf32>
      tpu.vector_store %arg7[%swap3A_416, %swap3A_417], %swap3A_420 {strides = array<i32>} : memref<128x128xf32, #tpu.memory_space<vmem>>, vector<1x16xf32>,
      %add3A_421 = arith.constant 1 : i32
      %add3A_422 = arith.addi %mul3A_212, %add3A_421 : i32
      %get3A_423 = arith.index_cast %add3A_422 : i32 to index
      %get3A_424 = arith.constant 112 : index
      %get3A_425 = tpu.vector_load %arg7[%get3A_423, %get3A_424] {strides = array<i32>} : memref<128x128xf32, #tpu.memory_space<vmem>>, vector<1x16xf32>,
      %get3A_426 = vector.shape_cast %get3A_425 : vector<1x16xf32> to vector<16xf32>
      %mul3A_427 = arith.constant 11.3137083 : f32
      %mul3A_428 = vector.broadcast %mul3A_427 : f32 to vector<16xf32>
      %mul3A_429 = arith.mulf %get3A_426, %mul3A_428 : vector<16xf32>
      %swap3A_430 = arith.index_cast %add3A_422 : i32 to index
      %swap3A_431 = arith.constant 112 : index
      %swap3A_432 = tpu.vector_load %arg7[%swap3A_430, %swap3A_431] {strides = array<i32>} : memref<128x128xf32, #tpu.memory_space<vmem>>, vector<1x16xf32>,
      %swap3A_433 = vector.shape_cast %swap3A_432 : vector<1x16xf32> to vector<16xf32>
      %swap3A_434 = vector.shape_cast %mul3A_429 : vector<16xf32> to vector<1x16xf32>
      tpu.vector_store %arg7[%swap3A_430, %swap3A_431], %swap3A_434 {strides = array<i32>} : memref<128x128xf32, #tpu.memory_space<vmem>>, vector<1x16xf32>,
      %add3A_435 = arith.constant 2 : i32
      %add3A_436 = arith.addi %mul3A_212, %add3A_435 : i32
      %get3A_437 = arith.index_cast %add3A_436 : i32 to index
      %get3A_438 = arith.constant 0 : index
      %get3A_439 = tpu.vector_load %arg7[%get3A_437, %get3A_438] {strides = array<i32>} : memref<128x128xf32, #tpu.memory_space<vmem>>, vector<1x16xf32>,
      %get3A_440 = vector.shape_cast %get3A_439 : vector<1x16xf32> to vector<16xf32>
      %mul3A_441 = arith.constant 11.3137083 : f32
      %mul3A_442 = vector.broadcast %mul3A_441 : f32 to vector<16xf32>
      %mul3A_443 = arith.mulf %get3A_440, %mul3A_442 : vector<16xf32>
      %swap3A_444 = arith.index_cast %add3A_436 : i32 to index
      %swap3A_445 = arith.constant 0 : index
      %swap3A_446 = tpu.vector_load %arg7[%swap3A_444, %swap3A_445] {strides = array<i32>} : memref<128x128xf32, #tpu.memory_space<vmem>>, vector<1x16xf32>,
      %swap3A_447 = vector.shape_cast %swap3A_446 : vector<1x16xf32> to vector<16xf32>
      %swap3A_448 = vector.shape_cast %mul3A_443 : vector<16xf32> to vector<1x16xf32>
      tpu.vector_store %arg7[%swap3A_444, %swap3A_445], %swap3A_448 {strides = array<i32>} : memref<128x128xf32, #tpu.memory_space<vmem>>, vector<1x16xf32>,
      %add3A_449 = arith.constant 2 : i32
      %add3A_450 = arith.addi %mul3A_212, %add3A_449 : i32
      %get3A_451 = arith.index_cast %add3A_450 : i32 to index
      %get3A_452 = arith.constant 16 : index
      %get3A_453 = tpu.vector_load %arg7[%get3A_451, %get3A_452] {strides = array<i32>} : memref<128x128xf32, #tpu.memory_space<vmem>>, vector<1x16xf32>,
      %get3A_454 = vector.shape_cast %get3A_453 : vector<1x16xf32> to vector<16xf32>
      %mul3A_455 = arith.constant 11.3137083 : f32
      %mul3A_456 = vector.broadcast %mul3A_455 : f32 to vector<16xf32>
      %mul3A_457 = arith.mulf %get3A_454, %mul3A_456 : vector<16xf32>
      %swap3A_458 = arith.index_cast %add3A_450 : i32 to index
      %swap3A_459 = arith.constant 16 : index
      %swap3A_460 = tpu.vector_load %arg7[%swap3A_458, %swap3A_459] {strides = array<i32>} : memref<128x128xf32, #tpu.memory_space<vmem>>, vector<1x16xf32>,
      %swap3A_461 = vector.shape_cast %swap3A_460 : vector<1x16xf32> to vector<16xf32>
      %swap3A_462 = vector.shape_cast %mul3A_457 : vector<16xf32> to vector<1x16xf32>
      tpu.vector_store %arg7[%swap3A_458, %swap3A_459], %swap3A_462 {strides = array<i32>} : memref<128x128xf32, #tpu.memory_space<vmem>>, vector<1x16xf32>,
      %add3A_463 = arith.constant 2 : i32
      %add3A_464 = arith.addi %mul3A_212, %add3A_463 : i32
      %get3A_465 = arith.index_cast %add3A_464 : i32 to index
      %get3A_466 = arith.constant 32 : index
      %get3A_467 = tpu.vector_load %arg7[%get3A_465, %get3A_466] {strides = array<i32>} : memref<128x128xf32, #tpu.memory_space<vmem>>, vector<1x16xf32>,
      %get3A_468 = vector.shape_cast %get3A_467 : vector<1x16xf32> to vector<16xf32>
      %mul3A_469 = arith.constant 11.3137083 : f32
      %mul3A_470 = vector.broadcast %mul3A_469 : f32 to vector<16xf32>
      %mul3A_471 = arith.mulf %get3A_468, %mul3A_470 : vector<16xf32>
      %swap3A_472 = arith.index_cast %add3A_464 : i32 to index
      %swap3A_473 = arith.constant 32 : index
      %swap3A_474 = tpu.vector_load %arg7[%swap3A_472, %swap3A_473] {strides = array<i32>} : memref<128x128xf32, #tpu.memory_space<vmem>>, vector<1x16xf32>,
      %swap3A_475 = vector.shape_cast %swap3A_474 : vector<1x16xf32> to vector<16xf32>
      %swap3A_476 = vector.shape_cast %mul3A_471 : vector<16xf32> to vector<1x16xf32>
      tpu.vector_store %arg7[%swap3A_472, %swap3A_473], %swap3A_476 {strides = array<i32>} : memref<128x128xf32, #tpu.memory_space<vmem>>, vector<1x16xf32>,
      %add3A_477 = arith.constant 2 : i32
      %add3A_478 = arith.addi %mul3A_212, %add3A_477 : i32
      %get3A_479 = arith.index_cast %add3A_478 : i32 to index
      %get3A_480 = arith.constant 48 : index
      %get3A_481 = tpu.vector_load %arg7[%get3A_479, %get3A_480] {strides = array<i32>} : memref<128x128xf32, #tpu.memory_space<vmem>>, vector<1x16xf32>,
      %get3A_482 = vector.shape_cast %get3A_481 : vector<1x16xf32> to vector<16xf32>
      %mul3A_483 = arith.constant 11.3137083 : f32
      %mul3A_484 = vector.broadcast %mul3A_483 : f32 to vector<16xf32>
      %mul3A_485 = arith.mulf %get3A_482, %mul3A_484 : vector<16xf32>
      %swap3A_486 = arith.index_cast %add3A_478 : i32 to index
      %swap3A_487 = arith.constant 48 : index
      %swap3A_488 = tpu.vector_load %arg7[%swap3A_486, %swap3A_487] {strides = array<i32>} : memref<128x128xf32, #tpu.memory_space<vmem>>, vector<1x16xf32>,
      %swap3A_489 = vector.shape_cast %swap3A_488 : vector<1x16xf32> to vector<16xf32>
      %swap3A_490 = vector.shape_cast %mul3A_485 : vector<16xf32> to vector<1x16xf32>
      tpu.vector_store %arg7[%swap3A_486, %swap3A_487], %swap3A_490 {strides = array<i32>} : memref<128x128xf32, #tpu.memory_space<vmem>>, vector<1x16xf32>,
      %add3A_491 = arith.constant 2 : i32
      %add3A_492 = arith.addi %mul3A_212, %add3A_491 : i32
      %get3A_493 = arith.index_cast %add3A_492 : i32 to index
      %get3A_494 = arith.constant 64 : index
      %get3A_495 = tpu.vector_load %arg7[%get3A_493, %get3A_494] {strides = array<i32>} : memref<128x128xf32, #tpu.memory_space<vmem>>, vector<1x16xf32>,
      %get3A_496 = vector.shape_cast %get3A_495 : vector<1x16xf32> to vector<16xf32>
      %mul3A_497 = arith.constant 11.3137083 : f32
      %mul3A_498 = vector.broadcast %mul3A_497 : f32 to vector<16xf32>
      %mul3A_499 = arith.mulf %get3A_496, %mul3A_498 : vector<16xf32>
      %swap3A_500 = arith.index_cast %add3A_492 : i32 to index
      %swap3A_501 = arith.constant 64 : index
      %swap3A_502 = tpu.vector_load %arg7[%swap3A_500, %swap3A_501] {strides = array<i32>} : memref<128x128xf32, #tpu.memory_space<vmem>>, vector<1x16xf32>,
      %swap3A_503 = vector.shape_cast %swap3A_502 : vector<1x16xf32> to vector<16xf32>
      %swap3A_504 = vector.shape_cast %mul3A_499 : vector<16xf32> to vector<1x16xf32>
      tpu.vector_store %arg7[%swap3A_500, %swap3A_501], %swap3A_504 {strides = array<i32>} : memref<128x128xf32, #tpu.memory_space<vmem>>, vector<1x16xf32>,
      %add3A_505 = arith.constant 2 : i32
      %add3A_506 = arith.addi %mul3A_212, %add3A_505 : i32
      %get3A_507 = arith.index_cast %add3A_506 : i32 to index
      %get3A_508 = arith.constant 80 : index
      %get3A_509 = tpu.vector_load %arg7[%get3A_507, %get3A_508] {strides = array<i32>} : memref<128x128xf32, #tpu.memory_space<vmem>>, vector<1x16xf32>,
      %get3A_510 = vector.shape_cast %get3A_509 : vector<1x16xf32> to vector<16xf32>
      %mul3A_511 = arith.constant 11.3137083 : f32
      %mul3A_512 = vector.broadcast %mul3A_511 : f32 to vector<16xf32>
      %mul3A_513 = arith.mulf %get3A_510, %mul3A_512 : vector<16xf32>
      %swap3A_514 = arith.index_cast %add3A_506 : i32 to index
      %swap3A_515 = arith.constant 80 : index
      %swap3A_516 = tpu.vector_load %arg7[%swap3A_514, %swap3A_515] {strides = array<i32>} : memref<128x128xf32, #tpu.memory_space<vmem>>, vector<1x16xf32>,
      %swap3A_517 = vector.shape_cast %swap3A_516 : vector<1x16xf32> to vector<16xf32>
      %swap3A_518 = vector.shape_cast %mul3A_513 : vector<16xf32> to vector<1x16xf32>
      tpu.vector_store %arg7[%swap3A_514, %swap3A_515], %swap3A_518 {strides = array<i32>} : memref<128x128xf32, #tpu.memory_space<vmem>>, vector<1x16xf32>,
      %add3A_519 = arith.constant 2 : i32
      %add3A_520 = arith.addi %mul3A_212, %add3A_519 : i32
      %get3A_521 = arith.index_cast %add3A_520 : i32 to index
      %get3A_522 = arith.constant 96 : index
      %get3A_523 = tpu.vector_load %arg7[%get3A_521, %get3A_522] {strides = array<i32>} : memref<128x128xf32, #tpu.memory_space<vmem>>, vector<1x16xf32>,
      %get3A_524 = vector.shape_cast %get3A_523 : vector<1x16xf32> to vector<16xf32>
      %mul3A_525 = arith.constant 11.3137083 : f32
      %mul3A_526 = vector.broadcast %mul3A_525 : f32 to vector<16xf32>
      %mul3A_527 = arith.mulf %get3A_524, %mul3A_526 : vector<16xf32>
      %swap3A_528 = arith.index_cast %add3A_520 : i32 to index
      %swap3A_529 = arith.constant 96 : index
      %swap3A_530 = tpu.vector_load %arg7[%swap3A_528, %swap3A_529] {strides = array<i32>} : memref<128x128xf32, #tpu.memory_space<vmem>>, vector<1x16xf32>,
      %swap3A_531 = vector.shape_cast %swap3A_530 : vector<1x16xf32> to vector<16xf32>
      %swap3A_532 = vector.shape_cast %mul3A_527 : vector<16xf32> to vector<1x16xf32>
      tpu.vector_store %arg7[%swap3A_528, %swap3A_529], %swap3A_532 {strides = array<i32>} : memref<128x128xf32, #tpu.memory_space<vmem>>, vector<1x16xf32>,
      %add3A_533 = arith.constant 2 : i32
      %add3A_534 = arith.addi %mul3A_212, %add3A_533 : i32
      %get3A_535 = arith.index_cast %add3A_534 : i32 to index
      %get3A_536 = arith.constant 112 : index
      %get3A_537 = tpu.vector_load %arg7[%get3A_535, %get3A_536] {strides = array<i32>} : memref<128x128xf32, #tpu.memory_space<vmem>>, vector<1x16xf32>,
      %get3A_538 = vector.shape_cast %get3A_537 : vector<1x16xf32> to vector<16xf32>
      %mul3A_539 = arith.constant 11.3137083 : f32
      %mul3A_540 = vector.broadcast %mul3A_539 : f32 to vector<16xf32>
      %mul3A_541 = arith.mulf %get3A_538, %mul3A_540 : vector<16xf32>
      %swap3A_542 = arith.index_cast %add3A_534 : i32 to index
      %swap3A_543 = arith.constant 112 : index
      %swap3A_544 = tpu.vector_load %arg7[%swap3A_542, %swap3A_543] {strides = array<i32>} : memref<128x128xf32, #tpu.memory_space<vmem>>, vector<1x16xf32>,
      %swap3A_545 = vector.shape_cast %swap3A_544 : vector<1x16xf32> to vector<16xf32>
      %swap3A_546 = vector.shape_cast %mul3A_541 : vector<16xf32> to vector<1x16xf32>
      tpu.vector_store %arg7[%swap3A_542, %swap3A_543], %swap3A_546 {strides = array<i32>} : memref<128x128xf32, #tpu.memory_space<vmem>>, vector<1x16xf32>,
      %add3A_547 = arith.constant 3 : i32
      %add3A_548 = arith.addi %mul3A_212, %add3A_547 : i32
      %get3A_549 = arith.index_cast %add3A_548 : i32 to index
      %get3A_550 = arith.constant 0 : index
      %get3A_551 = tpu.vector_load %arg7[%get3A_549, %get3A_550] {strides = array<i32>} : memref<128x128xf32, #tpu.memory_space<vmem>>, vector<1x16xf32>,
      %get3A_552 = vector.shape_cast %get3A_551 : vector<1x16xf32> to vector<16xf32>
      %mul3A_553 = arith.constant 11.3137083 : f32
      %mul3A_554 = vector.broadcast %mul3A_553 : f32 to vector<16xf32>
      %mul3A_555 = arith.mulf %get3A_552, %mul3A_554 : vector<16xf32>
      %swap3A_556 = arith.index_cast %add3A_548 : i32 to index
      %swap3A_557 = arith.constant 0 : index
      %swap3A_558 = tpu.vector_load %arg7[%swap3A_556, %swap3A_557] {strides = array<i32>} : memref<128x128xf32, #tpu.memory_space<vmem>>, vector<1x16xf32>,
      %swap3A_559 = vector.shape_cast %swap3A_558 : vector<1x16xf32> to vector<16xf32>
      %swap3A_560 = vector.shape_cast %mul3A_555 : vector<16xf32> to vector<1x16xf32>
      tpu.vector_store %arg7[%swap3A_556, %swap3A_557], %swap3A_560 {strides = array<i32>} : memref<128x128xf32, #tpu.memory_space<vmem>>, vector<1x16xf32>,
      %add3A_561 = arith.constant 3 : i32
      %add3A_562 = arith.addi %mul3A_212, %add3A_561 : i32
      %get3A_563 = arith.index_cast %add3A_562 : i32 to index
      %get3A_564 = arith.constant 16 : index
      %get3A_565 = tpu.vector_load %arg7[%get3A_563, %get3A_564] {strides = array<i32>} : memref<128x128xf32, #tpu.memory_space<vmem>>, vector<1x16xf32>,
      %get3A_566 = vector.shape_cast %get3A_565 : vector<1x16xf32> to vector<16xf32>
      %mul3A_567 = arith.constant 11.3137083 : f32
      %mul3A_568 = vector.broadcast %mul3A_567 : f32 to vector<16xf32>
      %mul3A_569 = arith.mulf %get3A_566, %mul3A_568 : vector<16xf32>
      %swap3A_570 = arith.index_cast %add3A_562 : i32 to index
      %swap3A_571 = arith.constant 16 : index
      %swap3A_572 = tpu.vector_load %arg7[%swap3A_570, %swap3A_571] {strides = array<i32>} : memref<128x128xf32, #tpu.memory_space<vmem>>, vector<1x16xf32>,
      %swap3A_573 = vector.shape_cast %swap3A_572 : vector<1x16xf32> to vector<16xf32>
      %swap3A_574 = vector.shape_cast %mul3A_569 : vector<16xf32> to vector<1x16xf32>
      tpu.vector_store %arg7[%swap3A_570, %swap3A_571], %swap3A_574 {strides = array<i32>} : memref<128x128xf32, #tpu.memory_space<vmem>>, vector<1x16xf32>,
      %add3A_575 = arith.constant 3 : i32
      %add3A_576 = arith.addi %mul3A_212, %add3A_575 : i32
      %get3A_577 = arith.index_cast %add3A_576 : i32 to index
      %get3A_578 = arith.constant 32 : index
      %get3A_579 = tpu.vector_load %arg7[%get3A_577, %get3A_578] {strides = array<i32>} : memref<128x128xf32, #tpu.memory_space<vmem>>, vector<1x16xf32>,
      %get3A_580 = vector.shape_cast %get3A_579 : vector<1x16xf32> to vector<16xf32>
      %mul3A_581 = arith.constant 11.3137083 : f32
      %mul3A_582 = vector.broadcast %mul3A_581 : f32 to vector<16xf32>
      %mul3A_583 = arith.mulf %get3A_580, %mul3A_582 : vector<16xf32>
      %swap3A_584 = arith.index_cast %add3A_576 : i32 to index
      %swap3A_585 = arith.constant 32 : index
      %swap3A_586 = tpu.vector_load %arg7[%swap3A_584, %swap3A_585] {strides = array<i32>} : memref<128x128xf32, #tpu.memory_space<vmem>>, vector<1x16xf32>,
      %swap3A_587 = vector.shape_cast %swap3A_586 : vector<1x16xf32> to vector<16xf32>
      %swap3A_588 = vector.shape_cast %mul3A_583 : vector<16xf32> to vector<1x16xf32>
      tpu.vector_store %arg7[%swap3A_584, %swap3A_585], %swap3A_588 {strides = array<i32>} : memref<128x128xf32, #tpu.memory_space<vmem>>, vector<1x16xf32>,
      %add3A_589 = arith.constant 3 : i32
      %add3A_590 = arith.addi %mul3A_212, %add3A_589 : i32
      %get3A_591 = arith.index_cast %add3A_590 : i32 to index
      %get3A_592 = arith.constant 48 : index
      %get3A_593 = tpu.vector_load %arg7[%get3A_591, %get3A_592] {strides = array<i32>} : memref<128x128xf32, #tpu.memory_space<vmem>>, vector<1x16xf32>,
      %get3A_594 = vector.shape_cast %get3A_593 : vector<1x16xf32> to vector<16xf32>
      %mul3A_595 = arith.constant 11.3137083 : f32
      %mul3A_596 = vector.broadcast %mul3A_595 : f32 to vector<16xf32>
      %mul3A_597 = arith.mulf %get3A_594, %mul3A_596 : vector<16xf32>
      %swap3A_598 = arith.index_cast %add3A_590 : i32 to index
      %swap3A_599 = arith.constant 48 : index
      %swap3A_600 = tpu.vector_load %arg7[%swap3A_598, %swap3A_599] {strides = array<i32>} : memref<128x128xf32, #tpu.memory_space<vmem>>, vector<1x16xf32>,
      %swap3A_601 = vector.shape_cast %swap3A_600 : vector<1x16xf32> to vector<16xf32>
      %swap3A_602 = vector.shape_cast %mul3A_597 : vector<16xf32> to vector<1x16xf32>
      tpu.vector_store %arg7[%swap3A_598, %swap3A_599], %swap3A_602 {strides = array<i32>} : memref<128x128xf32, #tpu.memory_space<vmem>>, vector<1x16xf32>,
      %add3A_603 = arith.constant 3 : i32
      %add3A_604 = arith.addi %mul3A_212, %add3A_603 : i32
      %get3A_605 = arith.index_cast %add3A_604 : i32 to index
      %get3A_606 = arith.constant 64 : index
      %get3A_607 = tpu.vector_load %arg7[%get3A_605, %get3A_606] {strides = array<i32>} : memref<128x128xf32, #tpu.memory_space<vmem>>, vector<1x16xf32>,
      %get3A_608 = vector.shape_cast %get3A_607 : vector<1x16xf32> to vector<16xf32>
      %mul3A_609 = arith.constant 11.3137083 : f32
      %mul3A_610 = vector.broadcast %mul3A_609 : f32 to vector<16xf32>
      %mul3A_611 = arith.mulf %get3A_608, %mul3A_610 : vector<16xf32>
      %swap3A_612 = arith.index_cast %add3A_604 : i32 to index
      %swap3A_613 = arith.constant 64 : index
      %swap3A_614 = tpu.vector_load %arg7[%swap3A_612, %swap3A_613] {strides = array<i32>} : memref<128x128xf32, #tpu.memory_space<vmem>>, vector<1x16xf32>,
      %swap3A_615 = vector.shape_cast %swap3A_614 : vector<1x16xf32> to vector<16xf32>
      %swap3A_616 = vector.shape_cast %mul3A_611 : vector<16xf32> to vector<1x16xf32>
      tpu.vector_store %arg7[%swap3A_612, %swap3A_613], %swap3A_616 {strides = array<i32>} : memref<128x128xf32, #tpu.memory_space<vmem>>, vector<1x16xf32>,
      %add3A_617 = arith.constant 3 : i32
      %add3A_618 = arith.addi %mul3A_212, %add3A_617 : i32
      %get3A_619 = arith.index_cast %add3A_618 : i32 to index
      %get3A_620 = arith.constant 80 : index
      %get3A_621 = tpu.vector_load %arg7[%get3A_619, %get3A_620] {strides = array<i32>} : memref<128x128xf32, #tpu.memory_space<vmem>>, vector<1x16xf32>,
      %get3A_622 = vector.shape_cast %get3A_621 : vector<1x16xf32> to vector<16xf32>
      %mul3A_623 = arith.constant 11.3137083 : f32
      %mul3A_624 = vector.broadcast %mul3A_623 : f32 to vector<16xf32>
      %mul3A_625 = arith.mulf %get3A_622, %mul3A_624 : vector<16xf32>
      %swap3A_626 = arith.index_cast %add3A_618 : i32 to index
      %swap3A_627 = arith.constant 80 : index
      %swap3A_628 = tpu.vector_load %arg7[%swap3A_626, %swap3A_627] {strides = array<i32>} : memref<128x128xf32, #tpu.memory_space<vmem>>, vector<1x16xf32>,
      %swap3A_629 = vector.shape_cast %swap3A_628 : vector<1x16xf32> to vector<16xf32>
      %swap3A_630 = vector.shape_cast %mul3A_625 : vector<16xf32> to vector<1x16xf32>
      tpu.vector_store %arg7[%swap3A_626, %swap3A_627], %swap3A_630 {strides = array<i32>} : memref<128x128xf32, #tpu.memory_space<vmem>>, vector<1x16xf32>,
      %add3A_631 = arith.constant 3 : i32
      %add3A_632 = arith.addi %mul3A_212, %add3A_631 : i32
      %get3A_633 = arith.index_cast %add3A_632 : i32 to index
      %get3A_634 = arith.constant 96 : index
      %get3A_635 = tpu.vector_load %arg7[%get3A_633, %get3A_634] {strides = array<i32>} : memref<128x128xf32, #tpu.memory_space<vmem>>, vector<1x16xf32>,
      %get3A_636 = vector.shape_cast %get3A_635 : vector<1x16xf32> to vector<16xf32>
      %mul3A_637 = arith.constant 11.3137083 : f32
      %mul3A_638 = vector.broadcast %mul3A_637 : f32 to vector<16xf32>
      %mul3A_639 = arith.mulf %get3A_636, %mul3A_638 : vector<16xf32>
      %swap3A_640 = arith.index_cast %add3A_632 : i32 to index
      %swap3A_641 = arith.constant 96 : index
      %swap3A_642 = tpu.vector_load %arg7[%swap3A_640, %swap3A_641] {strides = array<i32>} : memref<128x128xf32, #tpu.memory_space<vmem>>, vector<1x16xf32>,
      %swap3A_643 = vector.shape_cast %swap3A_642 : vector<1x16xf32> to vector<16xf32>
      %swap3A_644 = vector.shape_cast %mul3A_639 : vector<16xf32> to vector<1x16xf32>
      tpu.vector_store %arg7[%swap3A_640, %swap3A_641], %swap3A_644 {strides = array<i32>} : memref<128x128xf32, #tpu.memory_space<vmem>>, vector<1x16xf32>,
      %add3A_645 = arith.constant 3 : i32
      %add3A_646 = arith.addi %mul3A_212, %add3A_645 : i32
      %get3A_647 = arith.index_cast %add3A_646 : i32 to index
      %get3A_648 = arith.constant 112 : index
      %get3A_649 = tpu.vector_load %arg7[%get3A_647, %get3A_648] {strides = array<i32>} : memref<128x128xf32, #tpu.memory_space<vmem>>, vector<1x16xf32>,
      %get3A_650 = vector.shape_cast %get3A_649 : vector<1x16xf32> to vector<16xf32>
      %mul3A_651 = arith.constant 11.3137083 : f32
      %mul3A_652 = vector.broadcast %mul3A_651 : f32 to vector<16xf32>
      %mul3A_653 = arith.mulf %get3A_650, %mul3A_652 : vector<16xf32>
      %swap3A_654 = arith.index_cast %add3A_646 : i32 to index
      %swap3A_655 = arith.constant 112 : index
      %swap3A_656 = tpu.vector_load %arg7[%swap3A_654, %swap3A_655] {strides = array<i32>} : memref<128x128xf32, #tpu.memory_space<vmem>>, vector<1x16xf32>,
      %swap3A_657 = vector.shape_cast %swap3A_656 : vector<1x16xf32> to vector<16xf32>
      %swap3A_658 = vector.shape_cast %mul3A_653 : vector<16xf32> to vector<1x16xf32>
      tpu.vector_store %arg7[%swap3A_654, %swap3A_655], %swap3A_658 {strides = array<i32>} : memref<128x128xf32, #tpu.memory_space<vmem>>, vector<1x16xf32>,
    }
    %scan3A_193 = arith.constant 32 : i32
    %add3A_194 = arith.constant 200704 : i32
    %add3A_195 = arith.addi %add3A_194, %mul3A_2 : i32
    %dma_start3A_196 = arith.constant 1 : i32
    %dma_start3A_197 = arith.constant 0 : i32
    %dma_start3A_198 = tpu.memref_slice %arg4[%add3A_195, %dma_start3A_197] : memref<204800x128xf32, #tpu.memory_space<hbm>> -> memref<128x128xf32, #tpu.memory_space<hbm>>
    %dma_start3A_199 = tpu.memref_slice %arg10[%dma_start3A_196] : memref<3x!tpu.dma_semaphore, #tpu.memory_space<semaphore_mem>> -> memref<1x!tpu.dma_semaphore, #tpu.memory_space<semaphore_mem>>
    %dma_start3A_200 = tpu.memref_squeeze %dma_start3A_199 : memref<1x!tpu.dma_semaphore, #tpu.memory_space<semaphore_mem>> -> memref<!tpu.dma_semaphore, #tpu.memory_space<semaphore_mem>>
    %dma_start3A_201 = arith.constant 0 : i32
    %dma_start3A_202 = tpu.memref_slice %arg4[%add3A_195, %dma_start3A_201] : memref<204800x128xf32, #tpu.memory_space<hbm>> -> memref<128x128xf32, #tpu.memory_space<hbm>>
    tpu.enqueue_dma source(%arg7 : memref<128x128xf32, #tpu.memory_space<vmem>>) target(%dma_start3A_202 : memref<128x128xf32, #tpu.memory_space<hbm>>) target_semaphore(%dma_start3A_200 : memref<!tpu.dma_semaphore, #tpu.memory_space<semaphore_mem>>)
    %dma_wait3A_203 = arith.constant 1 : i32
    %dma_wait3A_204 = arith.constant 0 : i32
    %dma_wait3A_205 = tpu.memref_slice %arg4[%mul3A_2, %dma_wait3A_204] : memref<204800x128xf32, #tpu.memory_space<hbm>> -> memref<128x128xf32, #tpu.memory_space<hbm>>
    %dma_wait3A_206 = tpu.memref_slice %arg10[%dma_wait3A_203] : memref<3x!tpu.dma_semaphore, #tpu.memory_space<semaphore_mem>> -> memref<1x!tpu.dma_semaphore, #tpu.memory_space<semaphore_mem>>
    %dma_wait3A_207 = tpu.memref_squeeze %dma_wait3A_206 : memref<1x!tpu.dma_semaphore, #tpu.memory_space<semaphore_mem>> -> memref<!tpu.dma_semaphore, #tpu.memory_space<semaphore_mem>>
    %dma_wait3A_208 = arith.constant 0 : i32
    %dma_wait3A_209 = tpu.memref_slice %arg4[%mul3A_2, %dma_wait3A_208] : memref<204800x128xf32, #tpu.memory_space<hbm>> -> memref<128x128xf32, #tpu.memory_space<hbm>>
    tpu.wait_dma2 semaphore(%dma_wait3A_207 : memref<!tpu.dma_semaphore, #tpu.memory_space<semaphore_mem>>) src(%arg7 : memref<128x128xf32, #tpu.memory_space<vmem>>) dst(%dma_wait3A_209 : memref<128x128xf32, #tpu.memory_space<hbm>>)
    return
  }
}

</mosaic_0001>

<sc_bundles>
// kernel: kernel.3.cloned.1.call-start
scs
__scs_entry_jumppad:
0x0: {  	(pc) =	sbr.rel $0x88, $3  }
0x1: {  	(tag) =	ssettag $0x0;
	lr =	simm.s32 $0x1  }
0x2: {  	[smem:$0x3F9F] =	sst lr;
	_ =	strace $0xD0000000  }
0x3: {  	_ = 	snop  }
0x4: {  	_ = 	snop  }
0x5: {  	_ = 	snop  }
0x6: {  	_ = 	snop  }
0x7: {  	_ = 	snop  }
__scs_overlays_trampoline_lowered:
0x8: {  	[smem:$0x3FAE] =	sst s0  }
0x9: {  	[smem:$0x3FAF] =	sst s1  }
0xa: {  	[smem:$0x3FB0] =	sst s2  }
0xb: {  	[smem:$0x3FB1] =	sst s3  }
0xc: {  	[smem:$0x3FB2] =	sst s4  }
0xd: {  	[smem:$0x3FB3] =	sst s5  }
0xe: {  	[smem:$0x3FB4] =	sst s6  }
0xf: {  	[smem:$0x3FB5] =	sst s7  }
0x10: {  	[smem:$0x3FB6] =	sst s8  }
0x11: {  	[smem:$0x3FB7] =	sst s9;
	s0 =	simm.s32 @!p0 $0x0  }
0x12: {  	s1 =	sld [smem:$0x3F9D];
	s0 =	simm.s32 @p0 $0x1  }
0x13: {  	[smem:$0x3FB8] =	sst s0;
	s0 =	simm.s32 @!p1 $0x0  }
0x14: {  	s2 =	sld [smem:$0x3F9C];
	s0 =	simm.s32 @p1 $0x1  }
0x15: {  	[smem:$0x3FB9] =	sst s0;
	s0 =	simm.s32 @!p2 $0x0  }
0x16: {  	s3 =	sld [smem:$0x3FDB];
	s0 =	simm.s32 @p2 $0x1  }
0x17: {  	s4 =	simm.s32 $0x1BF5;
	[smem:$0x3FBB] =	sst s0  }
0x18: {  	s0 =	sld [smem:$0x3F9E];
	_ =	swait.ge [sflag:s4], $0x0  }
0x19: {  	s7 =	sld [smem:$0x3F9F]  }
0x1a: {  	s8 =	sadd.s32 $0xFFFFE003, lr  }
0x1b: {  	s9 =	sadd.s32 $0xFFFFFEF7, lr;
	s5 =	simm.s32 $0xFFFFFFFF;
	p2 =	slt.u32 s8, $0xFFFFF086  }
0x1c: {  	p1 =	slt.u32 s9, $0xF7A;
	s5 =	simm.s32 @!p2 $0x0  }
0x1d: {  	s5 =	simm.s32 @p1 $0x1;
	p0 =	seq.s32 s7, s2  }
0x1e: {  	s7 =	smul.u32 @!p0 $0xF7A, s2;
	p2 =	seq.s32 @!p0 s5, $0x0  }
0x1f: {  	s9 =	smul.u32 $0xF7A, s1;
	s8 =	simm.s32 @!p0 $0x1BF5;
	p2 =	por !p2, p0  }
0x20: {  	[sflag:s8] =	ssyncset.s32 @!p0 $0xFFFFF086;
	s6 =	sadd.s32 @!p0 s3, s7;
	s7 =	simm.s32 @!p0 $0x108  }
0x21: {  	s3 =	sadd.s32 s3, s9;
	s6 =	sadd.s32 @!p0 $0x88, s6;
	s7 =	simm.s32 @p2 $0x1082  }
0x22: {  	[simem:s7], [sflag:s8] =	dma.local @!p0 [hbm:s6], $0xF7A  }
0x23: {  	s9 =	sor.u32 $0xD0000000, s2;
	s6 =	simm.s32 $0x108;
	_ =	swait.ge @!p0 [sflag:s8], $0x0  }
0x24: {  	s3 =	sadd.s32 $0x88, s3;
	s6 =	simm.s32 @!p1 $0x1082;
	[sflag:s4] =	ssyncset.s32 $0xFFFFF086  }
0x25: {  	[simem:s6], [sflag:s4] =	dma.local [hbm:s3], $0xF7A  }
0x26: {  	[smem:$0x3F9F] =	sst s1;
	(tag) =	ssettag s2;
	_ =	strace s9  }
0x27: {  	s1 =	sld [smem:$0x3FAF]  }
0x28: {  	s2 =	sld [smem:$0x3FB0]  }
0x29: {  	s4 =	sld [smem:$0x3FB2]  }
0x2a: {  	p0 =	seq.s32 s5, $0x0;
	s5 =	sld [smem:$0x3FB3]  }
0x2b: {  	s6 =	sld [smem:$0x3FB4]  }
0x2c: {  	s7 =	sld [smem:$0x3FB5]  }
0x2d: {  	s3 =	simm.s32 $0x108;
	s8 =	sld [smem:$0x3FB6]  }
0x2e: {  	s3 =	simm.s32 @!p0 $0x1082;
	s9 =	sld [smem:$0x3FB7]  }
0x2f: {  	lr =	sadd.s32 s0, s3;
	s0 =	sld [smem:$0x3FAE]  }
0x30: {  	s3 =	sld [smem:$0x3FB1]  }
0x31: {  	[smem:$0x3FBA] =	sst s10  }
0x32: {  	s10 =	sld [smem:$0x3FB8];
	_ =	sdelay $0x3  }
0x33: {  	p0 =	seq.s32 s10, $0x1;
	s10 =	sld [smem:$0x3FBA];
	_ =	sdelay $0x3  }
0x34: {  	[smem:$0x3FBA] =	sst s10  }
0x35: {  	s10 =	sld [smem:$0x3FB9];
	_ =	sdelay $0x3  }
0x36: {  	p1 =	seq.s32 s10, $0x1;
	s10 =	sld [smem:$0x3FBA];
	_ =	sdelay $0x3  }
0x37: {  	[smem:$0x3FBA] =	sst s10  }
0x38: {  	s10 =	sld [smem:$0x3FBB]  }
0x39: {  	_ = 	snop;
	(pc) =	sbr.ind lr, $3  }
0x3a: {  	_ = 	snop  }
0x3b: {  	_ = 	snop  }
0x3c: {  	p2 =	seq.s32 s10, $0x1;
	s10 =	sld [smem:$0x3FBA]  }
0x3d: {  	_ =	shalt  }
0x3e: {  	_ =	shalt  }
0x3f: {  	_ =	shalt  }
0x40: {  	_ =	shalt  }
0x41: {  	_ =	shalt  }
0x42: {  	_ =	shalt  }
0x43: {  	_ =	shalt  }
0x44: {  	_ =	shalt  }
0x45: {  	_ =	shalt  }
0x46: {  	_ =	shalt  }
0x47: {  	_ =	shalt  }
0x48: {  	_ =	shalt  }
0x49: {  	_ =	shalt  }
0x4a: {  	_ =	shalt  }
0x4b: {  	_ =	shalt  }
0x4c: {  	_ =	shalt  }
0x4d: {  	_ =	shalt  }
0x4e: {  	_ =	shalt  }
0x4f: {  	_ =	shalt  }
0x50: {  	_ =	shalt  }
0x51: {  	_ =	shalt  }
0x52: {  	_ =	shalt  }
0x53: {  	_ =	shalt  }
0x54: {  	_ =	shalt  }
0x55: {  	_ =	shalt  }
0x56: {  	_ =	shalt  }
0x57: {  	_ =	shalt  }
0x58: {  	_ =	shalt  }
0x59: {  	_ =	shalt  }
0x5a: {  	_ =	shalt  }
0x5b: {  	_ =	shalt  }
0x5c: {  	_ =	shalt  }
0x5d: {  	_ =	shalt  }
0x5e: {  	_ =	shalt  }
0x5f: {  	_ =	shalt  }
0x60: {  	_ =	shalt  }
0x61: {  	_ =	shalt  }
0x62: {  	_ =	shalt  }
0x63: {  	_ =	shalt  }
0x64: {  	_ =	shalt  }
0x65: {  	_ =	shalt  }
0x66: {  	_ =	shalt  }
0x67: {  	_ =	shalt  }
0x68: {  	_ =	shalt  }
0x69: {  	_ =	shalt  }
0x6a: {  	_ =	shalt  }
0x6b: {  	_ =	shalt  }
0x6c: {  	_ =	shalt  }
0x6d: {  	_ =	shalt  }
0x6e: {  	_ =	shalt  }
0x6f: {  	_ =	shalt  }
0x70: {  	_ =	shalt  }
0x71: {  	_ =	shalt  }
0x72: {  	_ =	shalt  }
0x73: {  	_ =	shalt  }
0x74: {  	_ =	shalt  }
0x75: {  	_ =	shalt  }
0x76: {  	_ =	shalt  }
0x77: {  	_ =	shalt  }
0x78: {  	_ =	shalt  }
0x79: {  	_ =	shalt  }
0x7a: {  	_ =	shalt  }
0x7b: {  	_ =	shalt  }
0x7c: {  	_ =	shalt  }
0x7d: {  	_ =	shalt  }
0x7e: {  	_ =	shalt  }
0x7f: {  	_ =	shalt  }
0x80: {  	_ =	shalt  }
0x81: {  	_ =	shalt  }
0x82: {  	_ =	shalt  }
0x83: {  	_ =	shalt  }
0x84: {  	_ =	shalt  }
0x85: {  	_ =	shalt  }
0x86: {  	_ =	shalt  }
0x87: {  	_ =	shalt  }
.Lfunc_end0:
.L_simem_size_0:
called_computation_lowered:
.L_overlay_start_0:
0x88: {  	s2 =	sld [smem:$0x3FD9]  }
0x89: {  	s3 =	sld [smem:$0x3FFE];
	_ =	sdelay $0x1  }
0x8a: {  	s1 =	srdreg.scid  }
0x8b: {  	s0 =	sand.u32 $0x1, s1  }
0x8c: {  	s18 =	sshll.u32 s0, $0xA;
	s2 =	sadd.s32 s3, s2  }
0x8d: {  	s2 =	sadd.s32 s2, s18  }
0x8e: {  	[smem:$0x3FC6] =	sst s2  }
0x8f: {  	_ = 	snop  }
0x90: {  	s2 =	sld [smem:$0x3FC9]  }
0x91: {  	s19 =	sld [smem:$0x3FC8]  }
0x92: {  	s4 =	sld [smem:$0x3FD0];
	(tm) =	ssettm $0x1  }
0x93: {  	s5 =	sld [smem:$0x3FFB];
	_ =	sdelay $0x3  }
0x94: {  	_ =	strace s5  }
0x95: {  	s5 =	sld [smem:$0x3FFC];
	_ =	sdelay $0x3  }
0x96: {  	_ =	strace s5  }
0x97: {  	s5 =	sld [smem:$0x3FFD];
	_ =	sdelay $0x3  }
0x98: {  	_ =	strace s5  }
0x99: {  	_ =	strace $0x8FFFFFFF  }
0x9a: {  	s20 =	sld [smem:$0x3FDB];
	_ =	sdelay $0x1  }
0x9b: {  	s6 =	simm.s32 $_scs_section_size  }
0x9c: {  	s7 =	simm.s32 $_size__tile_overlayer_lowered;
	s8 =	simm.s32 $_tile_overlayer_lowered  }
0x9d: {  	s23 =	simm.s32 $0x1BFF;
	s22 =	sshll.u32 s8, $0x1;
	s5 =	sadd.s32 s6, s20  }
0x9e: {  	s9 =	simm.s32 $0x0;
	s21 =	sshll.u32 s7, $0x1;
	s7 =	sadd.s32 s22, s5  }
0x9f: {  	[timem:s9], [sflag:s23] =	dma.local [hbm:s7], s21  }
0xa0: {  	_ =	swait.ge [sflag:s23], s21  }
0xa1: {  	s6 =	ssub.s32 $0x0, s21;
	[sflag:s23] =	ssyncset.done $0x0  }
0xa2: {  	[sflag:s23] =	ssyncadd.s32 s6;
	_ =	sdelay $0x1  }
0xa3: {  	s24 =	simm.s32 $0x1B8B  }
0xa4: {  	_ =	swait.ge [sflag:s24], $0x1  }
0xa5: {  	[sflag:s24] =	ssyncset.done $0x0  }
0xa6: {  	s25 =	simm.s32 $0x1B8E;
	[sflag:s24] =	ssyncadd.s32 $0xFFFFFFFF  }
0xa7: {  	s26 =	simm.s32 $execute0_lowered;
	[smem:$0x3FD2] =	sst s25  }
0xa8: {  	s6 =	sshll.u32 s26, $0x1;
	_ =	strace $0x80000046;
	[dreg:$0x1] =	wrdreg $0xFFFFFFFF  }
0xa9: {  	s28 =	simm.s32 $_size_execute0_lowered;
	s5 =	sadd.s32 s5, s6;
	[dreg:$0x0] =	wrdreg $0x0  }
0xaa: {  	s6 =	sshll.u32 s28, $0x1;
	[dreg:$0x2] =	wrdreg s5  }
0xab: {  	[dreg:$0x3] =	wrdreg s6  }
0xac: {  	[dreg:$0x4] =	wrdreg $0xC0  }
0xad: {  	_ =	task [dreg:s9], $0x5FFFF  }
0xae: {  	[dreg:$0x1] =	wrdreg $0xFFFFFFFF  }
0xaf: {  	[dreg:$0x0] =	wrdreg $0x60  }
0xb0: {  	[dreg:$0x2] =	wrdreg s2  }
0xb1: {  	[dreg:$0x3] =	wrdreg s19  }
0xb2: {  	[dreg:$0x4] =	wrdreg s4  }
0xb3: {  	[dreg:$0x5] =	wrdreg $0x9  }
0xb4: {  	_ =	task.clear_ibuf [dreg:s9], $0x6FFFF;
	_ =	strace $0x90000046  }
0xb5: {  	s29 =	simm.s32 $0x9;
	_ =	strace $0x80000048  }
0xb6: {  	_ =	swait.ge [sflag:s29], $0x1  }
0xb7: {  	[sflag:s29] =	ssyncadd.s32 $0xFFFFFFFF  }
0xb8: {  	_ =	strace $0x90000048  }
0xb9: {  	_ =	sfence  }
0xba: {  	s30 =	sld [smem:$0x0];
	_ =	sdelay $0x2  }
0xbb: {  	s31 =	sshll.u32 s1, $0xD;
	s1 =	sshrl.u32 s1, $0x2  }
0xbc: {  	s3 =	sand.u32 $0x4000, s31;
	s1 =	sadd.s32 s1, s30  }
0xbd: {  	s0 =	sor.u32 s3, s0;
	s1 =	sshll.u32 s1, $0x11  }
0xbe: {  	s0 =	sor.u32 s1, s0  }
0xbf: {  	s0 =	sadd.s32 $0x8F2B, s0  }
0xc0: {  	[sflag:s0] =	ssyncadd.remote.s32 $0x1  }
0xc1: {  	_ =	sfence.sel $0xFFFF  }
0xc2: {  	[dreg:$0x0] =	wrdreg $0xFFFFFFFF;
	(pc) =	sbr.abs _section_cstart, $3  }
0xc3: {  	[dreg:$0x1] =	wrdreg $0xFFFFFFFF  }
0xc4: {  	_ =	task.clear_ibuf [dreg:s9], $0x2FFFF;
	_ =	strace $0x9FFFFFFF  }
0xc5: {  	(tm) =	ssettm $0x7FFFFFFF  }
tec
execute0_lowered:
.L_overlay_start_1:
0x0: {  	(tag) =	ssettag $0x1  }
0x1: {  	s0 =	rddreg [dreg:$0x0]  }
0x2: {  	s1 =	rddreg [dreg:$0x1]  }
0x3: {  	s3 =	rddreg [dreg:$0x2];
	s2 =	srdreg.scid;
	s4 =	simm.s32 $0x0  }
0x4: {  	s5 =	stileid.u32;
	s18 =	simm.s32 $0x7;
	s19 =	simm.s32 $0x80  }
0x5: {  	s20 =	simm.s32 $0x1C00;
	s21 =	simm.s32 $0x5C00;
	s23 =	simm.s32 $0x9C00  }
0x6: {  	s24 =	simm.s32 $0x1;
	s25 =	simm.s32 $0x4;
	s28 =	simm.s32 $0x2  }
0x7: {  	s29 =	simm.s32 $0x5;
	s31 =	simm.s32 $0x3;
	s2 =	sand.u32 $0x1, s2  }
0x8: {  	[smem:$0x7FF] =	sst s4;
	s5 =	sshll.u32 s5, $0x8;
	s6 =	sshll.u32 s2, $0x7  }
0x9: {  	_ =	strace $0x80000047;
	s2 =	ssub.s32 $0x2, s2;
	s5 =	sor.u32 s6, s5  }
0xa: {  	s7 =	sshrl.u32 s2, $0x1;
	s6 =	sadd.s32 s0, s5;
	s26 =	sshll.u32 s5, $0x4  }
0xb: {  	s2 =	ssub.s32 s2, s7;
	s11 =	sor.u32 $0x1000, s5;
	s0 =	simm.s32 $0x6  }
0xc: {  	s30 =	sadd.s32 $0x6000, s6;
	s8 =	sadd.s32 s3, s26;
	s14 =	smax.u32 s2, $0x1  }
0xd: {  	s2 =	simm.s32 $0x0;
	[dreg:$0x4] =	wrdreg s30;
	s9 =	sadd.s32 $0x10000, s8  }
0xe: {  	s10 =	sadd.s32 $0x20000, s8;
	s12 =	sadd.s32 $0x300000, s8;
	s13 =	sadd.s32 $0x310000, s8  }
.LBB2_1:
0xf: {  	s7 =	simm.s32 $0x400;
	s15 =	simm.s32 $0x8000  }
0x10: {  	[tilespmem:s4], [sflag:$0x7] =	stream.strided.gather [hbm4b:s6+s7], $0x1800, s15, s7, $0x38;
	[tilespmem:$0xDC00] =	vst v63  }
0x11: {  	s22 =	rddreg [dreg:$0x4];
	s26 =	simm.s32 $0x1800  }
0x12: {  	[tilespmem:s26], [sflag:$0x7] =	stream.linear.gather [hbm4b:s22+s4], $0x100, $0x38;
	[tilespmem:$0xDC00] =	vst v63  }
0x13: {  	_ =	swait.ge [sflag:s18], $0x1900  }
0x14: {  	[sflag:s18] =	ssyncset.done $0x0  }
0x15: {  	[sflag:s18] =	ssyncadd.s32 $0xFFFFE700  }
0x16: {  	[tilespmem:s20], [sflag:$0x1] =	stream.indirect.gather [hbm4b:s1+s19], $0x80, s4, s19, $0xb8;
	[tilespmem:$0xDC00] =	vst v63  }
0x17: {  	_ = 	snop  }
0x18: {  	[tilespmem:s21], [sflag:$0x2] =	stream.indirect.gather [hbm4b:s1+s19], $0x80, s19, s19, $0xb8;
	[tilespmem:$0xDC00] =	vst v63  }
0x19: {  	s30 =	simm.s32 $0x100  }
0x1a: {  	[tilespmem:s23], [sflag:$0x3] =	stream.indirect.gather [hbm4b:s1+s19], $0x80, s30, s19, $0xb8;
	[tilespmem:$0xDC00] =	vst v63  }
0x1b: {  	_ =	swait.ge [sflag:s24], $0x4000  }
0x1c: {  	[sflag:s24] =	ssyncset.done $0x0  }
0x1d: {  	s15 =	simm.s32 $0x0;
	[sflag:s24] =	ssyncadd.s32 $0xFFFFC000  }
0x1e: {  	v0 =	vld [tilespmem:s15+$0x1C00]  }
0x1f: {  	v1 =	vld [tilespmem:s15+$0x1C10]  }
0x20: {  	v2 =	vld [tilespmem:s15+$0x1C20]  }
0x21: {  	v3 =	vld [tilespmem:s15+$0x1C30]  }
0x22: {  	v4 =	vld [tilespmem:s15+$0x1C40]  }
0x23: {  	v5 =	vld [tilespmem:s15+$0x1C50];
	v0 =	vmul.f32 $1.131370830e+01, v0  }
0x24: {  	v6 =	vld [tilespmem:s15+$0x1C60];
	v1 =	vmul.f32 $1.131370830e+01, v1  }
0x25: {  	v2 =	vmul.f32 $1.131370830e+01, v2;
	[tilespmem:s15+$0x1C00] =	vst v0;
	v0 =	vld [tilespmem:s15+$0x1C70]  }
0x26: {  	v3 =	vmul.f32 $1.131370830e+01, v3;
	[tilespmem:s15+$0x1C10] =	vst v1;
	v1 =	vld [tilespmem:s15+$0x1C80]  }
0x27: {  	v4 =	vmul.f32 $1.131370830e+01, v4;
	[tilespmem:s15+$0x1C20] =	vst v2;
	v2 =	vld [tilespmem:s15+$0x1C90]  }
0x28: {  	v5 =	vmul.f32 $1.131370830e+01, v5;
	[tilespmem:s15+$0x1C30] =	vst v3;
	v3 =	vld [tilespmem:s15+$0x1CA0]  }
0x29: {  	v6 =	vmul.f32 $1.131370830e+01, v6;
	[tilespmem:s15+$0x1C40] =	vst v4;
	v4 =	vld [tilespmem:s15+$0x1CB0]  }
0x2a: {  	[tilespmem:s15+$0x1C50] =	vst v5;
	v5 =	vld [tilespmem:s15+$0x1CC0];
	v0 =	vmul.f32 $1.131370830e+01, v0  }
0x2b: {  	[tilespmem:s15+$0x1C60] =	vst v6;
	v6 =	vld [tilespmem:s15+$0x1CD0];
	v1 =	vmul.f32 $1.131370830e+01, v1  }
0x2c: {  	v2 =	vmul.f32 $1.131370830e+01, v2;
	[tilespmem:s15+$0x1C70] =	vst v0;
	v0 =	vld [tilespmem:s15+$0x1CE0]  }
0x2d: {  	v3 =	vmul.f32 $1.131370830e+01, v3;
	[tilespmem:s15+$0x1C80] =	vst v1;
	v1 =	vld [tilespmem:s15+$0x1CF0]  }
0x2e: {  	v4 =	vmul.f32 $1.131370830e+01, v4;
	[tilespmem:s15+$0x1C90] =	vst v2;
	v2 =	vld [tilespmem:s15+$0x1D00]  }
0x2f: {  	v5 =	vmul.f32 $1.131370830e+01, v5;
	[tilespmem:s15+$0x1CA0] =	vst v3;
	v3 =	vld [tilespmem:s15+$0x1D10]  }
0x30: {  	v6 =	vmul.f32 $1.131370830e+01, v6;
	[tilespmem:s15+$0x1CB0] =	vst v4;
	v4 =	vld [tilespmem:s15+$0x1D20]  }
0x31: {  	[tilespmem:s15+$0x1CC0] =	vst v5;
	v5 =	vld [tilespmem:s15+$0x1D30];
	v0 =	vmul.f32 $1.131370830e+01, v0  }
0x32: {  	[tilespmem:s15+$0x1CD0] =	vst v6;
	v6 =	vld [tilespmem:s15+$0x1D40]  }
0x33: {  	v1 =	vmul.f32 $1.131370830e+01, v1;
	[tilespmem:s15+$0x1CE0] =	vst v0;
	v0 =	vld [tilespmem:s15+$0x1D50]  }
0x34: {  	v2 =	vmul.f32 $1.131370830e+01, v2  }
0x35: {  	[tilespmem:s15+$0x1CF0] =	vst v1;
	v1 =	vmul.f32 $1.131370830e+01, v3;
	v3 =	vld [tilespmem:s15+$0x1D70]  }
0x36: {  	v7 =	vld [tilespmem:s15+$0x1D60];
	[tilespmem:s15+$0x1D00] =	vst v2;
	v2 =	vmul.f32 $1.131370830e+01, v4  }
0x37: {  	v4 =	vld [tilespmem:s15+$0x1D80];
	[tilespmem:s15+$0x1D10] =	vst v1;
	v1 =	vmul.f32 $1.131370830e+01, v5  }
0x38: {  	[tilespmem:s15+$0x1D20] =	vst v2;
	v5 =	vld [tilespmem:s15+$0x1D90];
	v2 =	vmul.f32 $1.131370830e+01, v6;
	v6 =	vmul.f32 $1.131370830e+01, v0  }
0x39: {  	[tilespmem:s15+$0x1D30] =	vst v1;
	v1 =	vld [tilespmem:s15+$0x1DA0]  }
0x3a: {  	v0 =	vld [tilespmem:s15+$0x1DB0];
	[tilespmem:s15+$0x1D50] =	vst v6;
	v6 =	vmul.f32 $1.131370830e+01, v3  }
0x3b: {  	v7 =	vmul.f32 $1.131370830e+01, v7;
	[tilespmem:s15+$0x1D40] =	vst v2;
	v2 =	vld [tilespmem:s15+$0x1DC0]  }
0x3c: {  	v3 =	vld [tilespmem:s15+$0x1DD0];
	[tilespmem:s15+$0x1D70] =	vst v6;
	v6 =	vmul.f32 $1.131370830e+01, v4  }
0x3d: {  	s16 =	simm.s32 $0x800;
	[tilespmem:s15+$0x1D60] =	vst v7;
	v5 =	vmul.f32 $1.131370830e+01, v5;
	v4 =	vld [tilespmem:s15+$0x1DE0]  }
.LBB2_2:
0x3e: {  	s17 =	sshra.s32 s16, $0x2;
	p0 =	sne.s32 s16, $0xF800;
	[tilespmem:s15+$0x1D80] =	vst v6;
	v1 =	vmul.f32 $1.131370830e+01, v1;
	v6 =	vld [tilespmem:s15+$0x1DF0]  }
0x3f: {  	v7 =	vld [tilespmem:s17+$0x1C00];
	[tilespmem:s15+$0x1D90] =	vst v5;
	v0 =	vmul.f32 $1.131370830e+01, v0  }
0x40: {  	v5 =	vld [tilespmem:s17+$0x1C10];
	[tilespmem:s15+$0x1DA0] =	vst v1;
	v1 =	vmul.f32 $1.131370830e+01, v2  }
0x41: {  	v2 =	vld [tilespmem:s17+$0x1C20];
	[tilespmem:s15+$0x1DB0] =	vst v0;
	v0 =	vmul.f32 $1.131370830e+01, v3  }
0x42: {  	v3 =	vld [tilespmem:s17+$0x1C30];
	[tilespmem:s15+$0x1DC0] =	vst v1;
	v1 =	vmul.f32 $1.131370830e+01, v4  }
0x43: {  	v4 =	vld [tilespmem:s17+$0x1C40];
	[tilespmem:s15+$0x1DD0] =	vst v0;
	v0 =	vmul.f32 $1.131370830e+01, v6  }
0x44: {  	v6 =	vmul.f32 $1.131370830e+01, v7;
	v7 =	vld [tilespmem:s17+$0x1C50];
	[tilespmem:s15+$0x1DE0] =	vst v1  }
0x45: {  	v1 =	vmul.f32 $1.131370830e+01, v5;
	v5 =	vld [tilespmem:s17+$0x1C60];
	[tilespmem:s15+$0x1DF0] =	vst v0;
	s15 =	smov.u32 s17  }
0x46: {  	[tilespmem:s15+$0x1C00] =	vst v6;
	v0 =	vmul.f32 $1.131370830e+01, v2;
	v2 =	vld [tilespmem:s15+$0x1C70]  }
0x47: {  	[tilespmem:s15+$0x1C10] =	vst v1;
	v1 =	vmul.f32 $1.131370830e+01, v3;
	v3 =	vld [tilespmem:s15+$0x1C80]  }
0x48: {  	[tilespmem:s15+$0x1C20] =	vst v0;
	v0 =	vmul.f32 $1.131370830e+01, v4;
	v4 =	vld [tilespmem:s15+$0x1C90]  }
0x49: {  	[tilespmem:s15+$0x1C30] =	vst v1;
	v1 =	vmul.f32 $1.131370830e+01, v7;
	v6 =	vld [tilespmem:s15+$0x1CA0]  }
0x4a: {  	[tilespmem:s15+$0x1C40] =	vst v0;
	v0 =	vmul.f32 $1.131370830e+01, v5;
	v5 =	vld [tilespmem:s15+$0x1CB0]  }
0x4b: {  	[tilespmem:s15+$0x1C50] =	vst v1;
	v1 =	vmul.f32 $1.131370830e+01, v2;
	v2 =	vld [tilespmem:s15+$0x1CC0]  }
0x4c: {  	[tilespmem:s15+$0x1C60] =	vst v0;
	v0 =	vmul.f32 $1.131370830e+01, v3;
	v3 =	vld [tilespmem:s15+$0x1CD0]  }
0x4d: {  	[tilespmem:s15+$0x1C70] =	vst v1;
	v1 =	vmul.f32 $1.131370830e+01, v4;
	v4 =	vld [tilespmem:s15+$0x1CE0]  }
0x4e: {  	[tilespmem:s15+$0x1C80] =	vst v0;
	v0 =	vmul.f32 $1.131370830e+01, v6;
	v6 =	vld [tilespmem:s15+$0x1CF0]  }
0x4f: {  	[tilespmem:s15+$0x1C90] =	vst v1;
	v1 =	vmul.f32 $1.131370830e+01, v5;
	v5 =	vld [tilespmem:s15+$0x1D00]  }
0x50: {  	[tilespmem:s15+$0x1CA0] =	vst v0;
	v0 =	vmul.f32 $1.131370830e+01, v2;
	v2 =	vld [tilespmem:s15+$0x1D10]  }
0x51: {  	[tilespmem:s15+$0x1CB0] =	vst v1;
	v1 =	vmul.f32 $1.131370830e+01, v3;
	v3 =	vld [tilespmem:s15+$0x1D20]  }
0x52: {  	[tilespmem:s15+$0x1CC0] =	vst v0;
	v0 =	vmul.f32 $1.131370830e+01, v4;
	v4 =	vld [tilespmem:s15+$0x1D30]  }
0x53: {  	[tilespmem:s15+$0x1CD0] =	vst v1;
	v1 =	vmul.f32 $1.131370830e+01, v6;
	v6 =	vld [tilespmem:s15+$0x1D40]  }
0x54: {  	[tilespmem:s15+$0x1CE0] =	vst v0;
	v0 =	vmul.f32 $1.131370830e+01, v5;
	v5 =	vld [tilespmem:s15+$0x1D50]  }
0x55: {  	[tilespmem:s15+$0x1CF0] =	vst v1;
	v1 =	vmul.f32 $1.131370830e+01, v2;
	v2 =	vld [tilespmem:s15+$0x1D60]  }
0x56: {  	[tilespmem:s15+$0x1D00] =	vst v0;
	v0 =	vmul.f32 $1.131370830e+01, v3;
	v3 =	vld [tilespmem:s15+$0x1D70]  }
0x57: {  	[tilespmem:s15+$0x1D10] =	vst v1;
	v1 =	vmul.f32 $1.131370830e+01, v4;
	v4 =	vld [tilespmem:s15+$0x1D80]  }
0x58: {  	[tilespmem:s15+$0x1D20] =	vst v0;
	v0 =	vmul.f32 $1.131370830e+01, v6;
	v7 =	vld [tilespmem:s15+$0x1D90]  }
.Ltmp0:
0x59: {  	[tilespmem:s15+$0x1D30] =	vst v1;
	v5 =	vmul.f32 $1.131370830e+01, v5;
	v1 =	vld [tilespmem:s15+$0x1DA0];
	(pc) =	sbr.rel @p0 .LBB2_2-.Ltmp0, $4  }
0x5a: {  	[tilespmem:s15+$0x1D40] =	vst v0;
	v6 =	vmul.f32 $1.131370830e+01, v2;
	v0 =	vld [tilespmem:s15+$0x1DB0]  }
0x5b: {  	[tilespmem:s15+$0x1D50] =	vst v5;
	v5 =	vmul.f32 $1.131370830e+01, v3;
	v2 =	vld [tilespmem:s15+$0x1DC0]  }
0x5c: {  	[tilespmem:s15+$0x1D60] =	vst v6;
	v6 =	vmul.f32 $1.131370830e+01, v4;
	v3 =	vld [tilespmem:s15+$0x1DD0]  }
0x5d: {  	s16 =	sadd.s32 $0x800, s16;
	[tilespmem:s15+$0x1D70] =	vst v5;
	v5 =	vmul.f32 $1.131370830e+01, v7;
	v4 =	vld [tilespmem:s15+$0x1DE0]  }
0x5e: {  	[tilespmem:s15+$0x1D80] =	vst v6;
	v1 =	vmul.f32 $1.131370830e+01, v1;
	v6 =	vld [tilespmem:s15+$0x1DF0]  }
0x5f: {  	[tilespmem:s15+$0x1D90] =	vst v5;
	v0 =	vmul.f32 $1.131370830e+01, v0  }
0x60: {  	[tilespmem:s15+$0x1DA0] =	vst v1;
	v1 =	vmul.f32 $1.131370830e+01, v2  }
0x61: {  	[tilespmem:s15+$0x1DB0] =	vst v0;
	v0 =	vmul.f32 $1.131370830e+01, v3  }
0x62: {  	[tilespmem:s15+$0x1DC0] =	vst v1;
	v1 =	vmul.f32 $1.131370830e+01, v4  }
0x63: {  	[tilespmem:s15+$0x1DD0] =	vst v0;
	v0 =	vmul.f32 $1.131370830e+01, v6  }
0x64: {  	[tilespmem:s15+$0x1DE0] =	vst v1  }
0x65: {  	s30 =	simm.s32 $0x0;
	[tilespmem:s15+$0x1DF0] =	vst v0  }
0x66: {  	[hbm4b:s8+s30] =	stream.linear.scatter [tilespmem:s20], [sflag:$0x4], $0x4000, $0x38;
	[tilespmem:$0xDC00] =	vst v63  }
0x67: {  	_ =	swait.ge [sflag:s25], $0x4000  }
0x68: {  	[sflag:s25] =	ssyncset.done $0x0  }
0x69: {  	s7 =	simm.s32 $0x180;
	[sflag:s25] =	ssyncadd.s32 $0xFFFFC000  }
0x6a: {  	[tilespmem:s20], [sflag:$0x1] =	stream.indirect.gather [hbm4b:s1+s19], $0x80, s7, s19, $0xb8;
	[tilespmem:$0xDC00] =	vst v63  }
0x6b: {  	_ =	swait.ge [sflag:s28], $0x4000  }
0x6c: {  	[sflag:s28] =	ssyncset.done $0x0  }
0x6d: {  	s15 =	simm.s32 $0x0;
	[sflag:s28] =	ssyncadd.s32 $0xFFFFC000  }
0x6e: {  	v0 =	vld [tilespmem:s15+$0x5C00]  }
0x6f: {  	v1 =	vld [tilespmem:s15+$0x5C10]  }
0x70: {  	v2 =	vld [tilespmem:s15+$0x5C20]  }
0x71: {  	v3 =	vld [tilespmem:s15+$0x5C30]  }
0x72: {  	v4 =	vld [tilespmem:s15+$0x5C40]  }
0x73: {  	v5 =	vld [tilespmem:s15+$0x5C50];
	v0 =	vmul.f32 $1.131370830e+01, v0  }
0x74: {  	v6 =	vld [tilespmem:s15+$0x5C60];
	v1 =	vmul.f32 $1.131370830e+01, v1  }
0x75: {  	v2 =	vmul.f32 $1.131370830e+01, v2;
	[tilespmem:s15+$0x5C00] =	vst v0;
	v0 =	vld [tilespmem:s15+$0x5C70]  }
0x76: {  	v3 =	vmul.f32 $1.131370830e+01, v3;
	[tilespmem:s15+$0x5C10] =	vst v1;
	v1 =	vld [tilespmem:s15+$0x5C80]  }
0x77: {  	v4 =	vmul.f32 $1.131370830e+01, v4;
	[tilespmem:s15+$0x5C20] =	vst v2;
	v2 =	vld [tilespmem:s15+$0x5C90]  }
0x78: {  	v5 =	vmul.f32 $1.131370830e+01, v5;
	[tilespmem:s15+$0x5C30] =	vst v3;
	v3 =	vld [tilespmem:s15+$0x5CA0]  }
0x79: {  	v6 =	vmul.f32 $1.131370830e+01, v6;
	[tilespmem:s15+$0x5C40] =	vst v4;
	v4 =	vld [tilespmem:s15+$0x5CB0]  }
0x7a: {  	[tilespmem:s15+$0x5C50] =	vst v5;
	v5 =	vld [tilespmem:s15+$0x5CC0];
	v0 =	vmul.f32 $1.131370830e+01, v0  }
0x7b: {  	[tilespmem:s15+$0x5C60] =	vst v6;
	v6 =	vld [tilespmem:s15+$0x5CD0];
	v1 =	vmul.f32 $1.131370830e+01, v1  }
0x7c: {  	v2 =	vmul.f32 $1.131370830e+01, v2;
	[tilespmem:s15+$0x5C70] =	vst v0;
	v0 =	vld [tilespmem:s15+$0x5CE0]  }
0x7d: {  	v3 =	vmul.f32 $1.131370830e+01, v3;
	[tilespmem:s15+$0x5C80] =	vst v1;
	v1 =	vld [tilespmem:s15+$0x5CF0]  }
0x7e: {  	v4 =	vmul.f32 $1.131370830e+01, v4;
	[tilespmem:s15+$0x5C90] =	vst v2;
	v2 =	vld [tilespmem:s15+$0x5D00]  }
0x7f: {  	v5 =	vmul.f32 $1.131370830e+01, v5;
	[tilespmem:s15+$0x5CA0] =	vst v3;
	v3 =	vld [tilespmem:s15+$0x5D10]  }
0x80: {  	v6 =	vmul.f32 $1.131370830e+01, v6;
	[tilespmem:s15+$0x5CB0] =	vst v4;
	v4 =	vld [tilespmem:s15+$0x5D20]  }
0x81: {  	[tilespmem:s15+$0x5CC0] =	vst v5;
	v5 =	vld [tilespmem:s15+$0x5D30];
	v0 =	vmul.f32 $1.131370830e+01, v0  }
0x82: {  	[tilespmem:s15+$0x5CD0] =	vst v6;
	v6 =	vld [tilespmem:s15+$0x5D40]  }
0x83: {  	v1 =	vmul.f32 $1.131370830e+01, v1;
	[tilespmem:s15+$0x5CE0] =	vst v0;
	v0 =	vld [tilespmem:s15+$0x5D50]  }
0x84: {  	v2 =	vmul.f32 $1.131370830e+01, v2  }
0x85: {  	[tilespmem:s15+$0x5CF0] =	vst v1;
	v1 =	vmul.f32 $1.131370830e+01, v3;
	v3 =	vld [tilespmem:s15+$0x5D70]  }
0x86: {  	v7 =	vld [tilespmem:s15+$0x5D60];
	[tilespmem:s15+$0x5D00] =	vst v2;
	v2 =	vmul.f32 $1.131370830e+01, v4  }
0x87: {  	v4 =	vld [tilespmem:s15+$0x5D80];
	[tilespmem:s15+$0x5D10] =	vst v1;
	v1 =	vmul.f32 $1.131370830e+01, v5  }
0x88: {  	[tilespmem:s15+$0x5D20] =	vst v2;
	v5 =	vld [tilespmem:s15+$0x5D90];
	v2 =	vmul.f32 $1.131370830e+01, v6;
	v6 =	vmul.f32 $1.131370830e+01, v0  }
0x89: {  	[tilespmem:s15+$0x5D30] =	vst v1;
	v1 =	vld [tilespmem:s15+$0x5DA0]  }
0x8a: {  	v0 =	vld [tilespmem:s15+$0x5DB0];
	[tilespmem:s15+$0x5D50] =	vst v6;
	v6 =	vmul.f32 $1.131370830e+01, v3  }
0x8b: {  	v7 =	vmul.f32 $1.131370830e+01, v7;
	[tilespmem:s15+$0x5D40] =	vst v2;
	v2 =	vld [tilespmem:s15+$0x5DC0]  }
0x8c: {  	v3 =	vld [tilespmem:s15+$0x5DD0];
	[tilespmem:s15+$0x5D70] =	vst v6;
	v6 =	vmul.f32 $1.131370830e+01, v4  }
0x8d: {  	s16 =	simm.s32 $0x800;
	[tilespmem:s15+$0x5D60] =	vst v7;
	v5 =	vmul.f32 $1.131370830e+01, v5;
	v4 =	vld [tilespmem:s15+$0x5DE0]  }
.LBB2_4:
0x8e: {  	s17 =	sshra.s32 s16, $0x2;
	p0 =	sne.s32 s16, $0xF800;
	[tilespmem:s15+$0x5D80] =	vst v6;
	v1 =	vmul.f32 $1.131370830e+01, v1;
	v6 =	vld [tilespmem:s15+$0x5DF0]  }
0x8f: {  	v7 =	vld [tilespmem:s17+$0x5C00];
	[tilespmem:s15+$0x5D90] =	vst v5;
	v0 =	vmul.f32 $1.131370830e+01, v0  }
0x90: {  	v5 =	vld [tilespmem:s17+$0x5C10];
	[tilespmem:s15+$0x5DA0] =	vst v1;
	v1 =	vmul.f32 $1.131370830e+01, v2  }
0x91: {  	v2 =	vld [tilespmem:s17+$0x5C20];
	[tilespmem:s15+$0x5DB0] =	vst v0;
	v0 =	vmul.f32 $1.131370830e+01, v3  }
0x92: {  	v3 =	vld [tilespmem:s17+$0x5C30];
	[tilespmem:s15+$0x5DC0] =	vst v1;
	v1 =	vmul.f32 $1.131370830e+01, v4  }
0x93: {  	v4 =	vld [tilespmem:s17+$0x5C40];
	[tilespmem:s15+$0x5DD0] =	vst v0;
	v0 =	vmul.f32 $1.131370830e+01, v6  }
0x94: {  	v6 =	vmul.f32 $1.131370830e+01, v7;
	v7 =	vld [tilespmem:s17+$0x5C50];
	[tilespmem:s15+$0x5DE0] =	vst v1  }
0x95: {  	v1 =	vmul.f32 $1.131370830e+01, v5;
	v5 =	vld [tilespmem:s17+$0x5C60];
	[tilespmem:s15+$0x5DF0] =	vst v0;
	s15 =	smov.u32 s17  }
0x96: {  	[tilespmem:s15+$0x5C00] =	vst v6;
	v0 =	vmul.f32 $1.131370830e+01, v2;
	v2 =	vld [tilespmem:s15+$0x5C70]  }
0x97: {  	[tilespmem:s15+$0x5C10] =	vst v1;
	v1 =	vmul.f32 $1.131370830e+01, v3;
	v3 =	vld [tilespmem:s15+$0x5C80]  }
0x98: {  	[tilespmem:s15+$0x5C20] =	vst v0;
	v0 =	vmul.f32 $1.131370830e+01, v4;
	v4 =	vld [tilespmem:s15+$0x5C90]  }
0x99: {  	[tilespmem:s15+$0x5C30] =	vst v1;
	v1 =	vmul.f32 $1.131370830e+01, v7;
	v6 =	vld [tilespmem:s15+$0x5CA0]  }
0x9a: {  	[tilespmem:s15+$0x5C40] =	vst v0;
	v0 =	vmul.f32 $1.131370830e+01, v5;
	v5 =	vld [tilespmem:s15+$0x5CB0]  }
0x9b: {  	[tilespmem:s15+$0x5C50] =	vst v1;
	v1 =	vmul.f32 $1.131370830e+01, v2;
	v2 =	vld [tilespmem:s15+$0x5CC0]  }
0x9c: {  	[tilespmem:s15+$0x5C60] =	vst v0;
	v0 =	vmul.f32 $1.131370830e+01, v3;
	v3 =	vld [tilespmem:s15+$0x5CD0]  }
0x9d: {  	[tilespmem:s15+$0x5C70] =	vst v1;
	v1 =	vmul.f32 $1.131370830e+01, v4;
	v4 =	vld [tilespmem:s15+$0x5CE0]  }
0x9e: {  	[tilespmem:s15+$0x5C80] =	vst v0;
	v0 =	vmul.f32 $1.131370830e+01, v6;
	v6 =	vld [tilespmem:s15+$0x5CF0]  }
0x9f: {  	[tilespmem:s15+$0x5C90] =	vst v1;
	v1 =	vmul.f32 $1.131370830e+01, v5;
	v5 =	vld [tilespmem:s15+$0x5D00]  }
0xa0: {  	[tilespmem:s15+$0x5CA0] =	vst v0;
	v0 =	vmul.f32 $1.131370830e+01, v2;
	v2 =	vld [tilespmem:s15+$0x5D10]  }
0xa1: {  	[tilespmem:s15+$0x5CB0] =	vst v1;
	v1 =	vmul.f32 $1.131370830e+01, v3;
	v3 =	vld [tilespmem:s15+$0x5D20]  }
0xa2: {  	[tilespmem:s15+$0x5CC0] =	vst v0;
	v0 =	vmul.f32 $1.131370830e+01, v4;
	v4 =	vld [tilespmem:s15+$0x5D30]  }
0xa3: {  	[tilespmem:s15+$0x5CD0] =	vst v1;
	v1 =	vmul.f32 $1.131370830e+01, v6;
	v6 =	vld [tilespmem:s15+$0x5D40]  }
0xa4: {  	[tilespmem:s15+$0x5CE0] =	vst v0;
	v0 =	vmul.f32 $1.131370830e+01, v5;
	v5 =	vld [tilespmem:s15+$0x5D50]  }
0xa5: {  	[tilespmem:s15+$0x5CF0] =	vst v1;
	v1 =	vmul.f32 $1.131370830e+01, v2;
	v2 =	vld [tilespmem:s15+$0x5D60]  }
0xa6: {  	[tilespmem:s15+$0x5D00] =	vst v0;
	v0 =	vmul.f32 $1.131370830e+01, v3;
	v3 =	vld [tilespmem:s15+$0x5D70]  }
0xa7: {  	[tilespmem:s15+$0x5D10] =	vst v1;
	v1 =	vmul.f32 $1.131370830e+01, v4;
	v4 =	vld [tilespmem:s15+$0x5D80]  }
0xa8: {  	[tilespmem:s15+$0x5D20] =	vst v0;
	v0 =	vmul.f32 $1.131370830e+01, v6;
	v7 =	vld [tilespmem:s15+$0x5D90]  }
.Ltmp1:
0xa9: {  	[tilespmem:s15+$0x5D30] =	vst v1;
	v5 =	vmul.f32 $1.131370830e+01, v5;
	v1 =	vld [tilespmem:s15+$0x5DA0];
	(pc) =	sbr.rel @p0 .LBB2_4-.Ltmp1, $4  }
0xaa: {  	[tilespmem:s15+$0x5D40] =	vst v0;
	v6 =	vmul.f32 $1.131370830e+01, v2;
	v0 =	vld [tilespmem:s15+$0x5DB0]  }
0xab: {  	[tilespmem:s15+$0x5D50] =	vst v5;
	v5 =	vmul.f32 $1.131370830e+01, v3;
	v2 =	vld [tilespmem:s15+$0x5DC0]  }
0xac: {  	[tilespmem:s15+$0x5D60] =	vst v6;
	v6 =	vmul.f32 $1.131370830e+01, v4;
	v3 =	vld [tilespmem:s15+$0x5DD0]  }
0xad: {  	s16 =	sadd.s32 $0x800, s16;
	[tilespmem:s15+$0x5D70] =	vst v5;
	v5 =	vmul.f32 $1.131370830e+01, v7;
	v4 =	vld [tilespmem:s15+$0x5DE0]  }
0xae: {  	[tilespmem:s15+$0x5D80] =	vst v6;
	v1 =	vmul.f32 $1.131370830e+01, v1;
	v6 =	vld [tilespmem:s15+$0x5DF0]  }
0xaf: {  	[tilespmem:s15+$0x5D90] =	vst v5;
	v0 =	vmul.f32 $1.131370830e+01, v0  }
0xb0: {  	[tilespmem:s15+$0x5DA0] =	vst v1;
	v1 =	vmul.f32 $1.131370830e+01, v2  }
0xb1: {  	[tilespmem:s15+$0x5DB0] =	vst v0;
	v0 =	vmul.f32 $1.131370830e+01, v3  }
0xb2: {  	[tilespmem:s15+$0x5DC0] =	vst v1;
	v1 =	vmul.f32 $1.131370830e+01, v4  }
0xb3: {  	[tilespmem:s15+$0x5DD0] =	vst v0;
	v0 =	vmul.f32 $1.131370830e+01, v6  }
0xb4: {  	[tilespmem:s15+$0x5DE0] =	vst v1  }
0xb5: {  	s30 =	simm.s32 $0x0;
	[tilespmem:s15+$0x5DF0] =	vst v0  }
0xb6: {  	[hbm4b:s9+s30] =	stream.linear.scatter [tilespmem:s21], [sflag:$0x5], $0x4000, $0x38;
	[tilespmem:$0xDC00] =	vst v63  }
0xb7: {  	_ =	swait.ge [sflag:s29], $0x4000  }
0xb8: {  	[sflag:s29] =	ssyncset.done $0x0  }
0xb9: {  	s7 =	simm.s32 $0x200;
	[sflag:s29] =	ssyncadd.s32 $0xFFFFC000  }
0xba: {  	[tilespmem:s21], [sflag:$0x2] =	stream.indirect.gather [hbm4b:s1+s19], $0x80, s7, s19, $0xb8;
	[tilespmem:$0xDC00] =	vst v63  }
0xbb: {  	_ =	swait.ge [sflag:s31], $0x4000  }
0xbc: {  	[sflag:s31] =	ssyncset.done $0x0  }
0xbd: {  	s15 =	simm.s32 $0x0;
	[sflag:s31] =	ssyncadd.s32 $0xFFFFC000  }
0xbe: {  	v0 =	vld [tilespmem:s15+$0x9C00]  }
0xbf: {  	v1 =	vld [tilespmem:s15+$0x9C10]  }
0xc0: {  	v2 =	vld [tilespmem:s15+$0x9C20]  }
0xc1: {  	v3 =	vld [tilespmem:s15+$0x9C30]  }
0xc2: {  	v4 =	vld [tilespmem:s15+$0x9C40]  }
0xc3: {  	v5 =	vld [tilespmem:s15+$0x9C50];
	v0 =	vmul.f32 $1.131370830e+01, v0  }
0xc4: {  	v6 =	vld [tilespmem:s15+$0x9C60];
	v1 =	vmul.f32 $1.131370830e+01, v1  }
0xc5: {  	v2 =	vmul.f32 $1.131370830e+01, v2;
	[tilespmem:s15+$0x9C00] =	vst v0;
	v0 =	vld [tilespmem:s15+$0x9C70]  }
0xc6: {  	v3 =	vmul.f32 $1.131370830e+01, v3;
	[tilespmem:s15+$0x9C10] =	vst v1;
	v1 =	vld [tilespmem:s15+$0x9C80]  }
0xc7: {  	v4 =	vmul.f32 $1.131370830e+01, v4;
	[tilespmem:s15+$0x9C20] =	vst v2;
	v2 =	vld [tilespmem:s15+$0x9C90]  }
0xc8: {  	v5 =	vmul.f32 $1.131370830e+01, v5;
	[tilespmem:s15+$0x9C30] =	vst v3;
	v3 =	vld [tilespmem:s15+$0x9CA0]  }
0xc9: {  	v6 =	vmul.f32 $1.131370830e+01, v6;
	[tilespmem:s15+$0x9C40] =	vst v4;
	v4 =	vld [tilespmem:s15+$0x9CB0]  }
0xca: {  	[tilespmem:s15+$0x9C50] =	vst v5;
	v5 =	vld [tilespmem:s15+$0x9CC0];
	v0 =	vmul.f32 $1.131370830e+01, v0  }
0xcb: {  	[tilespmem:s15+$0x9C60] =	vst v6;
	v6 =	vld [tilespmem:s15+$0x9CD0];
	v1 =	vmul.f32 $1.131370830e+01, v1  }
0xcc: {  	v2 =	vmul.f32 $1.131370830e+01, v2;
	[tilespmem:s15+$0x9C70] =	vst v0;
	v0 =	vld [tilespmem:s15+$0x9CE0]  }
0xcd: {  	v3 =	vmul.f32 $1.131370830e+01, v3;
	[tilespmem:s15+$0x9C80] =	vst v1;
	v1 =	vld [tilespmem:s15+$0x9CF0]  }
0xce: {  	v4 =	vmul.f32 $1.131370830e+01, v4;
	[tilespmem:s15+$0x9C90] =	vst v2;
	v2 =	vld [tilespmem:s15+$0x9D00]  }
0xcf: {  	v5 =	vmul.f32 $1.131370830e+01, v5;
	[tilespmem:s15+$0x9CA0] =	vst v3;
	v3 =	vld [tilespmem:s15+$0x9D10]  }
0xd0: {  	v6 =	vmul.f32 $1.131370830e+01, v6;
	[tilespmem:s15+$0x9CB0] =	vst v4;
	v4 =	vld [tilespmem:s15+$0x9D20]  }
0xd1: {  	[tilespmem:s15+$0x9CC0] =	vst v5;
	v5 =	vld [tilespmem:s15+$0x9D30];
	v0 =	vmul.f32 $1.131370830e+01, v0  }
0xd2: {  	[tilespmem:s15+$0x9CD0] =	vst v6;
	v6 =	vld [tilespmem:s15+$0x9D40]  }
0xd3: {  	v1 =	vmul.f32 $1.131370830e+01, v1;
	[tilespmem:s15+$0x9CE0] =	vst v0;
	v0 =	vld [tilespmem:s15+$0x9D50]  }
0xd4: {  	v2 =	vmul.f32 $1.131370830e+01, v2  }
0xd5: {  	[tilespmem:s15+$0x9CF0] =	vst v1;
	v1 =	vmul.f32 $1.131370830e+01, v3;
	v3 =	vld [tilespmem:s15+$0x9D70]  }
0xd6: {  	v7 =	vld [tilespmem:s15+$0x9D60];
	[tilespmem:s15+$0x9D00] =	vst v2;
	v2 =	vmul.f32 $1.131370830e+01, v4  }
0xd7: {  	v4 =	vld [tilespmem:s15+$0x9D80];
	[tilespmem:s15+$0x9D10] =	vst v1;
	v1 =	vmul.f32 $1.131370830e+01, v5  }
0xd8: {  	[tilespmem:s15+$0x9D20] =	vst v2;
	v5 =	vld [tilespmem:s15+$0x9D90];
	v2 =	vmul.f32 $1.131370830e+01, v6;
	v6 =	vmul.f32 $1.131370830e+01, v0  }
0xd9: {  	[tilespmem:s15+$0x9D30] =	vst v1;
	v1 =	vld [tilespmem:s15+$0x9DA0]  }
0xda: {  	v0 =	vld [tilespmem:s15+$0x9DB0];
	[tilespmem:s15+$0x9D50] =	vst v6;
	v6 =	vmul.f32 $1.131370830e+01, v3  }
0xdb: {  	v7 =	vmul.f32 $1.131370830e+01, v7;
	[tilespmem:s15+$0x9D40] =	vst v2;
	v2 =	vld [tilespmem:s15+$0x9DC0]  }
0xdc: {  	v3 =	vld [tilespmem:s15+$0x9DD0];
	[tilespmem:s15+$0x9D70] =	vst v6;
	v6 =	vmul.f32 $1.131370830e+01, v4  }
0xdd: {  	s16 =	simm.s32 $0x800;
	[tilespmem:s15+$0x9D60] =	vst v7;
	v5 =	vmul.f32 $1.131370830e+01, v5;
	v4 =	vld [tilespmem:s15+$0x9DE0]  }
.LBB2_6:
0xde: {  	s17 =	sshra.s32 s16, $0x2;
	p0 =	sne.s32 s16, $0xF800;
	[tilespmem:s15+$0x9D80] =	vst v6;
	v1 =	vmul.f32 $1.131370830e+01, v1;
	v6 =	vld [tilespmem:s15+$0x9DF0]  }
0xdf: {  	v7 =	vld [tilespmem:s17+$0x9C00];
	[tilespmem:s15+$0x9D90] =	vst v5;
	v0 =	vmul.f32 $1.131370830e+01, v0  }
0xe0: {  	v5 =	vld [tilespmem:s17+$0x9C10];
	[tilespmem:s15+$0x9DA0] =	vst v1;
	v1 =	vmul.f32 $1.131370830e+01, v2  }
0xe1: {  	v2 =	vld [tilespmem:s17+$0x9C20];
	[tilespmem:s15+$0x9DB0] =	vst v0;
	v0 =	vmul.f32 $1.131370830e+01, v3  }
0xe2: {  	v3 =	vld [tilespmem:s17+$0x9C30];
	[tilespmem:s15+$0x9DC0] =	vst v1;
	v1 =	vmul.f32 $1.131370830e+01, v4  }
0xe3: {  	v4 =	vld [tilespmem:s17+$0x9C40];
	[tilespmem:s15+$0x9DD0] =	vst v0;
	v0 =	vmul.f32 $1.131370830e+01, v6  }
0xe4: {  	v6 =	vmul.f32 $1.131370830e+01, v7;
	v7 =	vld [tilespmem:s17+$0x9C50];
	[tilespmem:s15+$0x9DE0] =	vst v1  }
0xe5: {  	v1 =	vmul.f32 $1.131370830e+01, v5;
	v5 =	vld [tilespmem:s17+$0x9C60];
	[tilespmem:s15+$0x9DF0] =	vst v0;
	s15 =	smov.u32 s17  }
0xe6: {  	[tilespmem:s15+$0x9C00] =	vst v6;
	v0 =	vmul.f32 $1.131370830e+01, v2;
	v2 =	vld [tilespmem:s15+$0x9C70]  }
0xe7: {  	[tilespmem:s15+$0x9C10] =	vst v1;
	v1 =	vmul.f32 $1.131370830e+01, v3;
	v3 =	vld [tilespmem:s15+$0x9C80]  }
0xe8: {  	[tilespmem:s15+$0x9C20] =	vst v0;
	v0 =	vmul.f32 $1.131370830e+01, v4;
	v4 =	vld [tilespmem:s15+$0x9C90]  }
0xe9: {  	[tilespmem:s15+$0x9C30] =	vst v1;
	v1 =	vmul.f32 $1.131370830e+01, v7;
	v6 =	vld [tilespmem:s15+$0x9CA0]  }
0xea: {  	[tilespmem:s15+$0x9C40] =	vst v0;
	v0 =	vmul.f32 $1.131370830e+01, v5;
	v5 =	vld [tilespmem:s15+$0x9CB0]  }
0xeb: {  	[tilespmem:s15+$0x9C50] =	vst v1;
	v1 =	vmul.f32 $1.131370830e+01, v2;
	v2 =	vld [tilespmem:s15+$0x9CC0]  }
0xec: {  	[tilespmem:s15+$0x9C60] =	vst v0;
	v0 =	vmul.f32 $1.131370830e+01, v3;
	v3 =	vld [tilespmem:s15+$0x9CD0]  }
0xed: {  	[tilespmem:s15+$0x9C70] =	vst v1;
	v1 =	vmul.f32 $1.131370830e+01, v4;
	v4 =	vld [tilespmem:s15+$0x9CE0]  }
0xee: {  	[tilespmem:s15+$0x9C80] =	vst v0;
	v0 =	vmul.f32 $1.131370830e+01, v6;
	v6 =	vld [tilespmem:s15+$0x9CF0]  }
0xef: {  	[tilespmem:s15+$0x9C90] =	vst v1;
	v1 =	vmul.f32 $1.131370830e+01, v5;
	v5 =	vld [tilespmem:s15+$0x9D00]  }
0xf0: {  	[tilespmem:s15+$0x9CA0] =	vst v0;
	v0 =	vmul.f32 $1.131370830e+01, v2;
	v2 =	vld [tilespmem:s15+$0x9D10]  }
0xf1: {  	[tilespmem:s15+$0x9CB0] =	vst v1;
	v1 =	vmul.f32 $1.131370830e+01, v3;
	v3 =	vld [tilespmem:s15+$0x9D20]  }
0xf2: {  	[tilespmem:s15+$0x9CC0] =	vst v0;
	v0 =	vmul.f32 $1.131370830e+01, v4;
	v4 =	vld [tilespmem:s15+$0x9D30]  }
0xf3: {  	[tilespmem:s15+$0x9CD0] =	vst v1;
	v1 =	vmul.f32 $1.131370830e+01, v6;
	v6 =	vld [tilespmem:s15+$0x9D40]  }
0xf4: {  	[tilespmem:s15+$0x9CE0] =	vst v0;
	v0 =	vmul.f32 $1.131370830e+01, v5;
	v5 =	vld [tilespmem:s15+$0x9D50]  }
0xf5: {  	[tilespmem:s15+$0x9CF0] =	vst v1;
	v1 =	vmul.f32 $1.131370830e+01, v2;
	v2 =	vld [tilespmem:s15+$0x9D60]  }
0xf6: {  	[tilespmem:s15+$0x9D00] =	vst v0;
	v0 =	vmul.f32 $1.131370830e+01, v3;
	v3 =	vld [tilespmem:s15+$0x9D70]  }
0xf7: {  	[tilespmem:s15+$0x9D10] =	vst v1;
	v1 =	vmul.f32 $1.131370830e+01, v4;
	v4 =	vld [tilespmem:s15+$0x9D80]  }
0xf8: {  	[tilespmem:s15+$0x9D20] =	vst v0;
	v0 =	vmul.f32 $1.131370830e+01, v6;
	v7 =	vld [tilespmem:s15+$0x9D90]  }
.Ltmp2:
0xf9: {  	[tilespmem:s15+$0x9D30] =	vst v1;
	v5 =	vmul.f32 $1.131370830e+01, v5;
	v1 =	vld [tilespmem:s15+$0x9DA0];
	(pc) =	sbr.rel @p0 .LBB2_6-.Ltmp2, $4  }
0xfa: {  	[tilespmem:s15+$0x9D40] =	vst v0;
	v6 =	vmul.f32 $1.131370830e+01, v2;
	v0 =	vld [tilespmem:s15+$0x9DB0]  }
0xfb: {  	[tilespmem:s15+$0x9D50] =	vst v5;
	v5 =	vmul.f32 $1.131370830e+01, v3;
	v2 =	vld [tilespmem:s15+$0x9DC0]  }
0xfc: {  	[tilespmem:s15+$0x9D60] =	vst v6;
	v6 =	vmul.f32 $1.131370830e+01, v4;
	v3 =	vld [tilespmem:s15+$0x9DD0]  }
0xfd: {  	s16 =	sadd.s32 $0x800, s16;
	[tilespmem:s15+$0x9D70] =	vst v5;
	v5 =	vmul.f32 $1.131370830e+01, v7;
	v4 =	vld [tilespmem:s15+$0x9DE0]  }
0xfe: {  	[tilespmem:s15+$0x9D80] =	vst v6;
	v1 =	vmul.f32 $1.131370830e+01, v1;
	v59 =	vld [tilespmem:s15+$0x9DF0]  }
0xff: {  	[tilespmem:s15+$0x9D90] =	vst v5;
	v0 =	vmul.f32 $1.131370830e+01, v0  }
0x100: {  	[tilespmem:s15+$0x9DA0] =	vst v1;
	v60 =	vmul.f32 $1.131370830e+01, v2  }
0x101: {  	[tilespmem:s15+$0x9DB0] =	vst v0;
	v61 =	vmul.f32 $1.131370830e+01, v3  }
0x102: {  	[tilespmem:s15+$0x9DC0] =	vst v60;
	v62 =	vmul.f32 $1.131370830e+01, v4  }
0x103: {  	[tilespmem:s15+$0x9DD0] =	vst v61;
	v63 =	vmul.f32 $1.131370830e+01, v59  }
0x104: {  	[tilespmem:s15+$0x9DE0] =	vst v62  }
0x105: {  	s16 =	simm.s32 $0x0;
	[tilespmem:s15+$0x9DF0] =	vst v63  }
0x106: {  	[hbm4b:s10+s16] =	stream.linear.scatter [tilespmem:s23], [sflag:$0x6], $0x4000, $0x38;
	[tilespmem:$0xDC00] =	vst v63  }
.LBB2_8:
0x107: {  	s15 =	smul.u32 $0x3, s16;
	_ =	sdelay $0x1  }
0x108: {  	_ =	swait.ge [sflag:s0], $0x4000;
	s15 =	sadd.s32 $0x5, s15  }
0x109: {  	[sflag:s0] =	ssyncset.done $0x0;
	s17 =	sshll.u32 s15, $0x7  }
0x10a: {  	[sflag:s0] =	ssyncadd.s32 $0xFFFFC000;
	s17 =	sand.u32 $0x3FFFFF80, s17  }
0x10b: {  	[tilespmem:s23], [sflag:$0x3] =	stream.indirect.gather [hbm4b:s1+s19], $0x80, s17, s19, $0xb8;
	[tilespmem:$0xDC00] =	vst v63  }
0x10c: {  	_ =	swait.ge [sflag:s24], $0x4000  }
0x10d: {  	[sflag:s24] =	ssyncset.done $0x0  }
0x10e: {  	s22 =	simm.s32 $0x0;
	[sflag:s24] =	ssyncadd.s32 $0xFFFFC000  }
0x10f: {  	v0 =	vld [tilespmem:s22+$0x1C00]  }
0x110: {  	v1 =	vld [tilespmem:s22+$0x1C10]  }
0x111: {  	v2 =	vld [tilespmem:s22+$0x1C20]  }
0x112: {  	v3 =	vld [tilespmem:s22+$0x1C30]  }
0x113: {  	v4 =	vld [tilespmem:s22+$0x1C40]  }
0x114: {  	v5 =	vld [tilespmem:s22+$0x1C50];
	v0 =	vmul.f32 $1.131370830e+01, v0  }
0x115: {  	v6 =	vld [tilespmem:s22+$0x1C60];
	v1 =	vmul.f32 $1.131370830e+01, v1  }
0x116: {  	v2 =	vmul.f32 $1.131370830e+01, v2;
	[tilespmem:s22+$0x1C00] =	vst v0;
	v0 =	vld [tilespmem:s22+$0x1C70]  }
0x117: {  	v3 =	vmul.f32 $1.131370830e+01, v3;
	[tilespmem:s22+$0x1C10] =	vst v1;
	v1 =	vld [tilespmem:s22+$0x1C80]  }
0x118: {  	v4 =	vmul.f32 $1.131370830e+01, v4;
	[tilespmem:s22+$0x1C20] =	vst v2;
	v2 =	vld [tilespmem:s22+$0x1C90]  }
0x119: {  	v5 =	vmul.f32 $1.131370830e+01, v5;
	[tilespmem:s22+$0x1C30] =	vst v3;
	v3 =	vld [tilespmem:s22+$0x1CA0]  }
0x11a: {  	v6 =	vmul.f32 $1.131370830e+01, v6;
	[tilespmem:s22+$0x1C40] =	vst v4;
	v4 =	vld [tilespmem:s22+$0x1CB0]  }
0x11b: {  	[tilespmem:s22+$0x1C50] =	vst v5;
	v5 =	vld [tilespmem:s22+$0x1CC0];
	v0 =	vmul.f32 $1.131370830e+01, v0  }
0x11c: {  	[tilespmem:s22+$0x1C60] =	vst v6;
	v6 =	vld [tilespmem:s22+$0x1CD0];
	v1 =	vmul.f32 $1.131370830e+01, v1  }
0x11d: {  	v2 =	vmul.f32 $1.131370830e+01, v2;
	[tilespmem:s22+$0x1C70] =	vst v0;
	v0 =	vld [tilespmem:s22+$0x1CE0]  }
0x11e: {  	v3 =	vmul.f32 $1.131370830e+01, v3;
	[tilespmem:s22+$0x1C80] =	vst v1;
	v1 =	vld [tilespmem:s22+$0x1CF0]  }
0x11f: {  	v4 =	vmul.f32 $1.131370830e+01, v4;
	[tilespmem:s22+$0x1C90] =	vst v2;
	v2 =	vld [tilespmem:s22+$0x1D00]  }
0x120: {  	v5 =	vmul.f32 $1.131370830e+01, v5;
	[tilespmem:s22+$0x1CA0] =	vst v3;
	v3 =	vld [tilespmem:s22+$0x1D10]  }
0x121: {  	v6 =	vmul.f32 $1.131370830e+01, v6;
	[tilespmem:s22+$0x1CB0] =	vst v4;
	v4 =	vld [tilespmem:s22+$0x1D20]  }
0x122: {  	[tilespmem:s22+$0x1CC0] =	vst v5;
	v5 =	vld [tilespmem:s22+$0x1D30];
	v0 =	vmul.f32 $1.131370830e+01, v0  }
0x123: {  	[tilespmem:s22+$0x1CD0] =	vst v6;
	v6 =	vld [tilespmem:s22+$0x1D40]  }
0x124: {  	v1 =	vmul.f32 $1.131370830e+01, v1;
	[tilespmem:s22+$0x1CE0] =	vst v0;
	v0 =	vld [tilespmem:s22+$0x1D50]  }
0x125: {  	v2 =	vmul.f32 $1.131370830e+01, v2  }
0x126: {  	[tilespmem:s22+$0x1CF0] =	vst v1;
	v1 =	vmul.f32 $1.131370830e+01, v3;
	v3 =	vld [tilespmem:s22+$0x1D70]  }
0x127: {  	v7 =	vld [tilespmem:s22+$0x1D60];
	[tilespmem:s22+$0x1D00] =	vst v2;
	v2 =	vmul.f32 $1.131370830e+01, v4  }
0x128: {  	v4 =	vld [tilespmem:s22+$0x1D80];
	[tilespmem:s22+$0x1D10] =	vst v1;
	v1 =	vmul.f32 $1.131370830e+01, v5  }
0x129: {  	[tilespmem:s22+$0x1D20] =	vst v2;
	v5 =	vld [tilespmem:s22+$0x1D90];
	v2 =	vmul.f32 $1.131370830e+01, v6;
	v6 =	vmul.f32 $1.131370830e+01, v0  }
0x12a: {  	[tilespmem:s22+$0x1D30] =	vst v1;
	v1 =	vld [tilespmem:s22+$0x1DA0]  }
0x12b: {  	v0 =	vld [tilespmem:s22+$0x1DB0];
	[tilespmem:s22+$0x1D50] =	vst v6;
	v6 =	vmul.f32 $1.131370830e+01, v3  }
0x12c: {  	v7 =	vmul.f32 $1.131370830e+01, v7;
	[tilespmem:s22+$0x1D40] =	vst v2;
	v2 =	vld [tilespmem:s22+$0x1DC0]  }
0x12d: {  	v3 =	vld [tilespmem:s22+$0x1DD0];
	[tilespmem:s22+$0x1D70] =	vst v6;
	v6 =	vmul.f32 $1.131370830e+01, v4  }
0x12e: {  	s16 =	sadd.s32 $0x1, s16;
	s17 =	simm.s32 $0x800;
	[tilespmem:s22+$0x1D60] =	vst v7;
	v5 =	vmul.f32 $1.131370830e+01, v5;
	v4 =	vld [tilespmem:s22+$0x1DE0]  }
.LBB2_9:
0x12f: {  	s26 =	sshra.s32 s17, $0x2;
	p0 =	sne.s32 s17, $0xF800;
	[tilespmem:s22+$0x1D80] =	vst v6;
	v1 =	vmul.f32 $1.131370830e+01, v1;
	v6 =	vld [tilespmem:s22+$0x1DF0]  }
0x130: {  	v7 =	vld [tilespmem:s26+$0x1C00];
	[tilespmem:s22+$0x1D90] =	vst v5;
	v0 =	vmul.f32 $1.131370830e+01, v0  }
0x131: {  	v5 =	vld [tilespmem:s26+$0x1C10];
	[tilespmem:s22+$0x1DA0] =	vst v1;
	v1 =	vmul.f32 $1.131370830e+01, v2  }
0x132: {  	v2 =	vld [tilespmem:s26+$0x1C20];
	[tilespmem:s22+$0x1DB0] =	vst v0;
	v0 =	vmul.f32 $1.131370830e+01, v3  }
0x133: {  	v3 =	vld [tilespmem:s26+$0x1C30];
	[tilespmem:s22+$0x1DC0] =	vst v1;
	v1 =	vmul.f32 $1.131370830e+01, v4  }
0x134: {  	v4 =	vld [tilespmem:s26+$0x1C40];
	[tilespmem:s22+$0x1DD0] =	vst v0;
	v0 =	vmul.f32 $1.131370830e+01, v6  }
0x135: {  	v6 =	vmul.f32 $1.131370830e+01, v7;
	v7 =	vld [tilespmem:s26+$0x1C50];
	[tilespmem:s22+$0x1DE0] =	vst v1  }
0x136: {  	v1 =	vmul.f32 $1.131370830e+01, v5;
	v5 =	vld [tilespmem:s26+$0x1C60];
	[tilespmem:s22+$0x1DF0] =	vst v0;
	s22 =	smov.u32 s26  }
0x137: {  	[tilespmem:s22+$0x1C00] =	vst v6;
	v0 =	vmul.f32 $1.131370830e+01, v2;
	v2 =	vld [tilespmem:s22+$0x1C70]  }
0x138: {  	[tilespmem:s22+$0x1C10] =	vst v1;
	v1 =	vmul.f32 $1.131370830e+01, v3;
	v3 =	vld [tilespmem:s22+$0x1C80]  }
0x139: {  	[tilespmem:s22+$0x1C20] =	vst v0;
	v0 =	vmul.f32 $1.131370830e+01, v4;
	v4 =	vld [tilespmem:s22+$0x1C90]  }
0x13a: {  	[tilespmem:s22+$0x1C30] =	vst v1;
	v1 =	vmul.f32 $1.131370830e+01, v7;
	v6 =	vld [tilespmem:s22+$0x1CA0]  }
0x13b: {  	[tilespmem:s22+$0x1C40] =	vst v0;
	v0 =	vmul.f32 $1.131370830e+01, v5;
	v5 =	vld [tilespmem:s22+$0x1CB0]  }
0x13c: {  	[tilespmem:s22+$0x1C50] =	vst v1;
	v1 =	vmul.f32 $1.131370830e+01, v2;
	v2 =	vld [tilespmem:s22+$0x1CC0]  }
0x13d: {  	[tilespmem:s22+$0x1C60] =	vst v0;
	v0 =	vmul.f32 $1.131370830e+01, v3;
	v3 =	vld [tilespmem:s22+$0x1CD0]  }
0x13e: {  	[tilespmem:s22+$0x1C70] =	vst v1;
	v1 =	vmul.f32 $1.131370830e+01, v4;
	v4 =	vld [tilespmem:s22+$0x1CE0]  }
0x13f: {  	[tilespmem:s22+$0x1C80] =	vst v0;
	v0 =	vmul.f32 $1.131370830e+01, v6;
	v6 =	vld [tilespmem:s22+$0x1CF0]  }
0x140: {  	[tilespmem:s22+$0x1C90] =	vst v1;
	v1 =	vmul.f32 $1.131370830e+01, v5;
	v5 =	vld [tilespmem:s22+$0x1D00]  }
0x141: {  	[tilespmem:s22+$0x1CA0] =	vst v0;
	v0 =	vmul.f32 $1.131370830e+01, v2;
	v2 =	vld [tilespmem:s22+$0x1D10]  }
0x142: {  	[tilespmem:s22+$0x1CB0] =	vst v1;
	v1 =	vmul.f32 $1.131370830e+01, v3;
	v3 =	vld [tilespmem:s22+$0x1D20]  }
0x143: {  	[tilespmem:s22+$0x1CC0] =	vst v0;
	v0 =	vmul.f32 $1.131370830e+01, v4;
	v4 =	vld [tilespmem:s22+$0x1D30]  }
0x144: {  	[tilespmem:s22+$0x1CD0] =	vst v1;
	v1 =	vmul.f32 $1.131370830e+01, v6;
	v6 =	vld [tilespmem:s22+$0x1D40]  }
0x145: {  	[tilespmem:s22+$0x1CE0] =	vst v0;
	v0 =	vmul.f32 $1.131370830e+01, v5;
	v5 =	vld [tilespmem:s22+$0x1D50]  }
0x146: {  	[tilespmem:s22+$0x1CF0] =	vst v1;
	v1 =	vmul.f32 $1.131370830e+01, v2;
	v2 =	vld [tilespmem:s22+$0x1D60]  }
0x147: {  	[tilespmem:s22+$0x1D00] =	vst v0;
	v0 =	vmul.f32 $1.131370830e+01, v3;
	v3 =	vld [tilespmem:s22+$0x1D70]  }
0x148: {  	[tilespmem:s22+$0x1D10] =	vst v1;
	v1 =	vmul.f32 $1.131370830e+01, v4;
	v4 =	vld [tilespmem:s22+$0x1D80]  }
0x149: {  	[tilespmem:s22+$0x1D20] =	vst v0;
	v0 =	vmul.f32 $1.131370830e+01, v6;
	v7 =	vld [tilespmem:s22+$0x1D90]  }
.Ltmp3:
0x14a: {  	[tilespmem:s22+$0x1D30] =	vst v1;
	v5 =	vmul.f32 $1.131370830e+01, v5;
	v1 =	vld [tilespmem:s22+$0x1DA0];
	(pc) =	sbr.rel @p0 .LBB2_9-.Ltmp3, $4  }
0x14b: {  	[tilespmem:s22+$0x1D40] =	vst v0;
	v6 =	vmul.f32 $1.131370830e+01, v2;
	v0 =	vld [tilespmem:s22+$0x1DB0]  }
0x14c: {  	[tilespmem:s22+$0x1D50] =	vst v5;
	v5 =	vmul.f32 $1.131370830e+01, v3;
	v2 =	vld [tilespmem:s22+$0x1DC0]  }
0x14d: {  	[tilespmem:s22+$0x1D60] =	vst v6;
	v6 =	vmul.f32 $1.131370830e+01, v4;
	v3 =	vld [tilespmem:s22+$0x1DD0]  }
0x14e: {  	s17 =	sadd.s32 $0x800, s17;
	[tilespmem:s22+$0x1D70] =	vst v5;
	v5 =	vmul.f32 $1.131370830e+01, v7;
	v4 =	vld [tilespmem:s22+$0x1DE0]  }
0x14f: {  	[tilespmem:s22+$0x1D80] =	vst v6;
	v1 =	vmul.f32 $1.131370830e+01, v1;
	v6 =	vld [tilespmem:s22+$0x1DF0]  }
0x150: {  	[tilespmem:s22+$0x1D90] =	vst v5;
	v0 =	vmul.f32 $1.131370830e+01, v0  }
0x151: {  	[tilespmem:s22+$0x1DA0] =	vst v1;
	v1 =	vmul.f32 $1.131370830e+01, v2  }
0x152: {  	s17 =	smul.u32 $0x3000, s16;
	[tilespmem:s22+$0x1DB0] =	vst v0;
	v0 =	vmul.f32 $1.131370830e+01, v3  }
0x153: {  	[tilespmem:s22+$0x1DC0] =	vst v1;
	v1 =	vmul.f32 $1.131370830e+01, v4  }
0x154: {  	s26 =	sor.u32 s5, s17;
	[tilespmem:s22+$0x1DD0] =	vst v0;
	v0 =	vmul.f32 $1.131370830e+01, v6  }
0x155: {  	s26 =	sshll.u32 s26, $0x4;
	[tilespmem:s22+$0x1DE0] =	vst v1  }
0x156: {  	s7 =	simm.s32 $0x0;
	s26 =	sadd.s32 s3, s26;
	[tilespmem:s22+$0x1DF0] =	vst v0  }
0x157: {  	[hbm4b:s26+s7] =	stream.linear.scatter [tilespmem:s20], [sflag:$0x4], $0x4000, $0x38;
	[tilespmem:$0xDC00] =	vst v63  }
0x158: {  	s26 =	smul.u32 $0x600, s16  }
0x159: {  	_ =	swait.ge [sflag:s25], $0x4000  }
0x15a: {  	[sflag:s25] =	ssyncset.done $0x0;
	s22 =	sshra.s32 s26, $0x2  }
0x15b: {  	[sflag:s25] =	ssyncadd.s32 $0xFFFFC000;
	s7 =	sadd.s32 $0x180, s22  }
0x15c: {  	[tilespmem:s20], [sflag:$0x1] =	stream.indirect.gather [hbm4b:s1+s19], $0x80, s7, s19, $0xb8;
	[tilespmem:$0xDC00] =	vst v63  }
0x15d: {  	_ =	swait.ge [sflag:s28], $0x4000  }
0x15e: {  	[sflag:s28] =	ssyncset.done $0x0  }
0x15f: {  	s26 =	simm.s32 $0x0;
	[sflag:s28] =	ssyncadd.s32 $0xFFFFC000  }
0x160: {  	v0 =	vld [tilespmem:s26+$0x5C00]  }
0x161: {  	v1 =	vld [tilespmem:s26+$0x5C10]  }
0x162: {  	v2 =	vld [tilespmem:s26+$0x5C20]  }
0x163: {  	v3 =	vld [tilespmem:s26+$0x5C30]  }
0x164: {  	v4 =	vld [tilespmem:s26+$0x5C40]  }
0x165: {  	v5 =	vld [tilespmem:s26+$0x5C50];
	v0 =	vmul.f32 $1.131370830e+01, v0  }
0x166: {  	v6 =	vld [tilespmem:s26+$0x5C60];
	v1 =	vmul.f32 $1.131370830e+01, v1  }
0x167: {  	v2 =	vmul.f32 $1.131370830e+01, v2;
	[tilespmem:s26+$0x5C00] =	vst v0;
	v0 =	vld [tilespmem:s26+$0x5C70]  }
0x168: {  	v3 =	vmul.f32 $1.131370830e+01, v3;
	[tilespmem:s26+$0x5C10] =	vst v1;
	v1 =	vld [tilespmem:s26+$0x5C80]  }
0x169: {  	v4 =	vmul.f32 $1.131370830e+01, v4;
	[tilespmem:s26+$0x5C20] =	vst v2;
	v2 =	vld [tilespmem:s26+$0x5C90]  }
0x16a: {  	v5 =	vmul.f32 $1.131370830e+01, v5;
	[tilespmem:s26+$0x5C30] =	vst v3;
	v3 =	vld [tilespmem:s26+$0x5CA0]  }
0x16b: {  	v6 =	vmul.f32 $1.131370830e+01, v6;
	[tilespmem:s26+$0x5C40] =	vst v4;
	v4 =	vld [tilespmem:s26+$0x5CB0]  }
0x16c: {  	[tilespmem:s26+$0x5C50] =	vst v5;
	v5 =	vld [tilespmem:s26+$0x5CC0];
	v0 =	vmul.f32 $1.131370830e+01, v0  }
0x16d: {  	[tilespmem:s26+$0x5C60] =	vst v6;
	v6 =	vld [tilespmem:s26+$0x5CD0];
	v1 =	vmul.f32 $1.131370830e+01, v1  }
0x16e: {  	v2 =	vmul.f32 $1.131370830e+01, v2;
	[tilespmem:s26+$0x5C70] =	vst v0;
	v0 =	vld [tilespmem:s26+$0x5CE0]  }
0x16f: {  	v3 =	vmul.f32 $1.131370830e+01, v3;
	[tilespmem:s26+$0x5C80] =	vst v1;
	v1 =	vld [tilespmem:s26+$0x5CF0]  }
0x170: {  	v4 =	vmul.f32 $1.131370830e+01, v4;
	[tilespmem:s26+$0x5C90] =	vst v2;
	v2 =	vld [tilespmem:s26+$0x5D00]  }
0x171: {  	v5 =	vmul.f32 $1.131370830e+01, v5;
	[tilespmem:s26+$0x5CA0] =	vst v3;
	v3 =	vld [tilespmem:s26+$0x5D10]  }
0x172: {  	v6 =	vmul.f32 $1.131370830e+01, v6;
	[tilespmem:s26+$0x5CB0] =	vst v4;
	v4 =	vld [tilespmem:s26+$0x5D20]  }
0x173: {  	[tilespmem:s26+$0x5CC0] =	vst v5;
	v5 =	vld [tilespmem:s26+$0x5D30];
	v0 =	vmul.f32 $1.131370830e+01, v0  }
0x174: {  	[tilespmem:s26+$0x5CD0] =	vst v6;
	v6 =	vld [tilespmem:s26+$0x5D40]  }
0x175: {  	v1 =	vmul.f32 $1.131370830e+01, v1;
	[tilespmem:s26+$0x5CE0] =	vst v0;
	v0 =	vld [tilespmem:s26+$0x5D50]  }
0x176: {  	v2 =	vmul.f32 $1.131370830e+01, v2  }
0x177: {  	[tilespmem:s26+$0x5CF0] =	vst v1;
	v1 =	vmul.f32 $1.131370830e+01, v3;
	v3 =	vld [tilespmem:s26+$0x5D70]  }
0x178: {  	v7 =	vld [tilespmem:s26+$0x5D60];
	[tilespmem:s26+$0x5D00] =	vst v2;
	v2 =	vmul.f32 $1.131370830e+01, v4  }
0x179: {  	v4 =	vld [tilespmem:s26+$0x5D80];
	[tilespmem:s26+$0x5D10] =	vst v1;
	v1 =	vmul.f32 $1.131370830e+01, v5  }
0x17a: {  	[tilespmem:s26+$0x5D20] =	vst v2;
	v5 =	vld [tilespmem:s26+$0x5D90];
	v2 =	vmul.f32 $1.131370830e+01, v6;
	v6 =	vmul.f32 $1.131370830e+01, v0  }
0x17b: {  	[tilespmem:s26+$0x5D30] =	vst v1;
	v1 =	vld [tilespmem:s26+$0x5DA0]  }
0x17c: {  	v0 =	vld [tilespmem:s26+$0x5DB0];
	[tilespmem:s26+$0x5D50] =	vst v6;
	v6 =	vmul.f32 $1.131370830e+01, v3  }
0x17d: {  	v7 =	vmul.f32 $1.131370830e+01, v7;
	[tilespmem:s26+$0x5D40] =	vst v2;
	v2 =	vld [tilespmem:s26+$0x5DC0]  }
0x17e: {  	v3 =	vld [tilespmem:s26+$0x5DD0];
	[tilespmem:s26+$0x5D70] =	vst v6;
	v6 =	vmul.f32 $1.131370830e+01, v4  }
0x17f: {  	s30 =	simm.s32 $0x800;
	[tilespmem:s26+$0x5D60] =	vst v7;
	v5 =	vmul.f32 $1.131370830e+01, v5;
	v4 =	vld [tilespmem:s26+$0x5DE0]  }
.LBB2_11:
0x180: {  	s7 =	sshra.s32 s30, $0x2;
	p0 =	sne.s32 s30, $0xF800;
	[tilespmem:s26+$0x5D80] =	vst v6;
	v1 =	vmul.f32 $1.131370830e+01, v1;
	v6 =	vld [tilespmem:s26+$0x5DF0]  }
0x181: {  	v7 =	vld [tilespmem:s7+$0x5C00];
	[tilespmem:s26+$0x5D90] =	vst v5;
	v0 =	vmul.f32 $1.131370830e+01, v0  }
0x182: {  	v5 =	vld [tilespmem:s7+$0x5C10];
	[tilespmem:s26+$0x5DA0] =	vst v1;
	v1 =	vmul.f32 $1.131370830e+01, v2  }
0x183: {  	v2 =	vld [tilespmem:s7+$0x5C20];
	[tilespmem:s26+$0x5DB0] =	vst v0;
	v0 =	vmul.f32 $1.131370830e+01, v3  }
0x184: {  	v3 =	vld [tilespmem:s7+$0x5C30];
	[tilespmem:s26+$0x5DC0] =	vst v1;
	v1 =	vmul.f32 $1.131370830e+01, v4  }
0x185: {  	v4 =	vld [tilespmem:s7+$0x5C40];
	[tilespmem:s26+$0x5DD0] =	vst v0;
	v0 =	vmul.f32 $1.131370830e+01, v6  }
0x186: {  	v6 =	vmul.f32 $1.131370830e+01, v7;
	v7 =	vld [tilespmem:s7+$0x5C50];
	[tilespmem:s26+$0x5DE0] =	vst v1  }
0x187: {  	v1 =	vmul.f32 $1.131370830e+01, v5;
	v5 =	vld [tilespmem:s7+$0x5C60];
	[tilespmem:s26+$0x5DF0] =	vst v0;
	s26 =	smov.u32 s7  }
0x188: {  	[tilespmem:s26+$0x5C00] =	vst v6;
	v0 =	vmul.f32 $1.131370830e+01, v2;
	v2 =	vld [tilespmem:s26+$0x5C70]  }
0x189: {  	[tilespmem:s26+$0x5C10] =	vst v1;
	v1 =	vmul.f32 $1.131370830e+01, v3;
	v3 =	vld [tilespmem:s26+$0x5C80]  }
0x18a: {  	[tilespmem:s26+$0x5C20] =	vst v0;
	v0 =	vmul.f32 $1.131370830e+01, v4;
	v4 =	vld [tilespmem:s26+$0x5C90]  }
0x18b: {  	[tilespmem:s26+$0x5C30] =	vst v1;
	v1 =	vmul.f32 $1.131370830e+01, v7;
	v6 =	vld [tilespmem:s26+$0x5CA0]  }
0x18c: {  	[tilespmem:s26+$0x5C40] =	vst v0;
	v0 =	vmul.f32 $1.131370830e+01, v5;
	v5 =	vld [tilespmem:s26+$0x5CB0]  }
0x18d: {  	[tilespmem:s26+$0x5C50] =	vst v1;
	v1 =	vmul.f32 $1.131370830e+01, v2;
	v2 =	vld [tilespmem:s26+$0x5CC0]  }
0x18e: {  	[tilespmem:s26+$0x5C60] =	vst v0;
	v0 =	vmul.f32 $1.131370830e+01, v3;
	v3 =	vld [tilespmem:s26+$0x5CD0]  }
0x18f: {  	[tilespmem:s26+$0x5C70] =	vst v1;
	v1 =	vmul.f32 $1.131370830e+01, v4;
	v4 =	vld [tilespmem:s26+$0x5CE0]  }
0x190: {  	[tilespmem:s26+$0x5C80] =	vst v0;
	v0 =	vmul.f32 $1.131370830e+01, v6;
	v6 =	vld [tilespmem:s26+$0x5CF0]  }
0x191: {  	[tilespmem:s26+$0x5C90] =	vst v1;
	v1 =	vmul.f32 $1.131370830e+01, v5;
	v5 =	vld [tilespmem:s26+$0x5D00]  }
0x192: {  	[tilespmem:s26+$0x5CA0] =	vst v0;
	v0 =	vmul.f32 $1.131370830e+01, v2;
	v2 =	vld [tilespmem:s26+$0x5D10]  }
0x193: {  	[tilespmem:s26+$0x5CB0] =	vst v1;
	v1 =	vmul.f32 $1.131370830e+01, v3;
	v3 =	vld [tilespmem:s26+$0x5D20]  }
0x194: {  	[tilespmem:s26+$0x5CC0] =	vst v0;
	v0 =	vmul.f32 $1.131370830e+01, v4;
	v4 =	vld [tilespmem:s26+$0x5D30]  }
0x195: {  	[tilespmem:s26+$0x5CD0] =	vst v1;
	v1 =	vmul.f32 $1.131370830e+01, v6;
	v6 =	vld [tilespmem:s26+$0x5D40]  }
0x196: {  	[tilespmem:s26+$0x5CE0] =	vst v0;
	v0 =	vmul.f32 $1.131370830e+01, v5;
	v5 =	vld [tilespmem:s26+$0x5D50]  }
0x197: {  	[tilespmem:s26+$0x5CF0] =	vst v1;
	v1 =	vmul.f32 $1.131370830e+01, v2;
	v2 =	vld [tilespmem:s26+$0x5D60]  }
0x198: {  	[tilespmem:s26+$0x5D00] =	vst v0;
	v0 =	vmul.f32 $1.131370830e+01, v3;
	v3 =	vld [tilespmem:s26+$0x5D70]  }
0x199: {  	[tilespmem:s26+$0x5D10] =	vst v1;
	v1 =	vmul.f32 $1.131370830e+01, v4;
	v4 =	vld [tilespmem:s26+$0x5D80]  }
0x19a: {  	[tilespmem:s26+$0x5D20] =	vst v0;
	v0 =	vmul.f32 $1.131370830e+01, v6;
	v7 =	vld [tilespmem:s26+$0x5D90]  }
.Ltmp4:
0x19b: {  	[tilespmem:s26+$0x5D30] =	vst v1;
	v5 =	vmul.f32 $1.131370830e+01, v5;
	v1 =	vld [tilespmem:s26+$0x5DA0];
	(pc) =	sbr.rel @p0 .LBB2_11-.Ltmp4, $4  }
0x19c: {  	[tilespmem:s26+$0x5D40] =	vst v0;
	v6 =	vmul.f32 $1.131370830e+01, v2;
	v0 =	vld [tilespmem:s26+$0x5DB0]  }
0x19d: {  	[tilespmem:s26+$0x5D50] =	vst v5;
	v5 =	vmul.f32 $1.131370830e+01, v3;
	v2 =	vld [tilespmem:s26+$0x5DC0]  }
0x19e: {  	[tilespmem:s26+$0x5D60] =	vst v6;
	v6 =	vmul.f32 $1.131370830e+01, v4;
	v3 =	vld [tilespmem:s26+$0x5DD0]  }
0x19f: {  	s30 =	sadd.s32 $0x800, s30;
	[tilespmem:s26+$0x5D70] =	vst v5;
	v5 =	vmul.f32 $1.131370830e+01, v7;
	v4 =	vld [tilespmem:s26+$0x5DE0]  }
0x1a0: {  	[tilespmem:s26+$0x5D80] =	vst v6;
	v1 =	vmul.f32 $1.131370830e+01, v1;
	v6 =	vld [tilespmem:s26+$0x5DF0]  }
0x1a1: {  	[tilespmem:s26+$0x5D90] =	vst v5;
	v0 =	vmul.f32 $1.131370830e+01, v0  }
0x1a2: {  	[tilespmem:s26+$0x5DA0] =	vst v1;
	v1 =	vmul.f32 $1.131370830e+01, v2  }
0x1a3: {  	[tilespmem:s26+$0x5DB0] =	vst v0;
	v0 =	vmul.f32 $1.131370830e+01, v3  }
0x1a4: {  	[tilespmem:s26+$0x5DC0] =	vst v1;
	v1 =	vmul.f32 $1.131370830e+01, v4  }
0x1a5: {  	s7 =	sadd.s32 s11, s17;
	[tilespmem:s26+$0x5DD0] =	vst v0;
	v0 =	vmul.f32 $1.131370830e+01, v6  }
0x1a6: {  	s7 =	sshll.u32 s7, $0x4;
	[tilespmem:s26+$0x5DE0] =	vst v1  }
0x1a7: {  	s7 =	sadd.s32 s3, s7;
	[tilespmem:s26+$0x5DF0] =	vst v0;
	s26 =	simm.s32 $0x0  }
0x1a8: {  	[hbm4b:s7+s26] =	stream.linear.scatter [tilespmem:s21], [sflag:$0x5], $0x4000, $0x38;
	[tilespmem:$0xDC00] =	vst v63  }
0x1a9: {  	_ =	swait.ge [sflag:s29], $0x4000  }
0x1aa: {  	[sflag:s29] =	ssyncset.done $0x0  }
0x1ab: {  	s30 =	sadd.s32 $0x200, s22;
	[sflag:s29] =	ssyncadd.s32 $0xFFFFC000  }
0x1ac: {  	[tilespmem:s21], [sflag:$0x2] =	stream.indirect.gather [hbm4b:s1+s19], $0x80, s30, s19, $0xb8;
	[tilespmem:$0xDC00] =	vst v63  }
0x1ad: {  	_ =	swait.ge [sflag:s31], $0x4000  }
0x1ae: {  	[sflag:s31] =	ssyncset.done $0x0  }
0x1af: {  	s17 =	simm.s32 $0x0;
	[sflag:s31] =	ssyncadd.s32 $0xFFFFC000  }
0x1b0: {  	v0 =	vld [tilespmem:s17+$0x9C00]  }
0x1b1: {  	v1 =	vld [tilespmem:s17+$0x9C10]  }
0x1b2: {  	v2 =	vld [tilespmem:s17+$0x9C20]  }
0x1b3: {  	v3 =	vld [tilespmem:s17+$0x9C30]  }
0x1b4: {  	v4 =	vld [tilespmem:s17+$0x9C40]  }
0x1b5: {  	v5 =	vld [tilespmem:s17+$0x9C50];
	v0 =	vmul.f32 $1.131370830e+01, v0  }
0x1b6: {  	v6 =	vld [tilespmem:s17+$0x9C60];
	v1 =	vmul.f32 $1.131370830e+01, v1  }
0x1b7: {  	v2 =	vmul.f32 $1.131370830e+01, v2;
	[tilespmem:s17+$0x9C00] =	vst v0;
	v0 =	vld [tilespmem:s17+$0x9C70]  }
0x1b8: {  	v3 =	vmul.f32 $1.131370830e+01, v3;
	[tilespmem:s17+$0x9C10] =	vst v1;
	v1 =	vld [tilespmem:s17+$0x9C80]  }
0x1b9: {  	v4 =	vmul.f32 $1.131370830e+01, v4;
	[tilespmem:s17+$0x9C20] =	vst v2;
	v2 =	vld [tilespmem:s17+$0x9C90]  }
0x1ba: {  	v5 =	vmul.f32 $1.131370830e+01, v5;
	[tilespmem:s17+$0x9C30] =	vst v3;
	v3 =	vld [tilespmem:s17+$0x9CA0]  }
0x1bb: {  	v6 =	vmul.f32 $1.131370830e+01, v6;
	[tilespmem:s17+$0x9C40] =	vst v4;
	v4 =	vld [tilespmem:s17+$0x9CB0]  }
0x1bc: {  	[tilespmem:s17+$0x9C50] =	vst v5;
	v5 =	vld [tilespmem:s17+$0x9CC0];
	v0 =	vmul.f32 $1.131370830e+01, v0  }
0x1bd: {  	[tilespmem:s17+$0x9C60] =	vst v6;
	v6 =	vld [tilespmem:s17+$0x9CD0];
	v1 =	vmul.f32 $1.131370830e+01, v1  }
0x1be: {  	v2 =	vmul.f32 $1.131370830e+01, v2;
	[tilespmem:s17+$0x9C70] =	vst v0;
	v0 =	vld [tilespmem:s17+$0x9CE0]  }
0x1bf: {  	v3 =	vmul.f32 $1.131370830e+01, v3;
	[tilespmem:s17+$0x9C80] =	vst v1;
	v1 =	vld [tilespmem:s17+$0x9CF0]  }
0x1c0: {  	v4 =	vmul.f32 $1.131370830e+01, v4;
	[tilespmem:s17+$0x9C90] =	vst v2;
	v2 =	vld [tilespmem:s17+$0x9D00]  }
0x1c1: {  	v5 =	vmul.f32 $1.131370830e+01, v5;
	[tilespmem:s17+$0x9CA0] =	vst v3;
	v3 =	vld [tilespmem:s17+$0x9D10]  }
0x1c2: {  	v6 =	vmul.f32 $1.131370830e+01, v6;
	[tilespmem:s17+$0x9CB0] =	vst v4;
	v4 =	vld [tilespmem:s17+$0x9D20]  }
0x1c3: {  	[tilespmem:s17+$0x9CC0] =	vst v5;
	v5 =	vld [tilespmem:s17+$0x9D30];
	v0 =	vmul.f32 $1.131370830e+01, v0  }
0x1c4: {  	[tilespmem:s17+$0x9CD0] =	vst v6;
	v6 =	vld [tilespmem:s17+$0x9D40]  }
0x1c5: {  	v1 =	vmul.f32 $1.131370830e+01, v1;
	[tilespmem:s17+$0x9CE0] =	vst v0;
	v0 =	vld [tilespmem:s17+$0x9D50]  }
0x1c6: {  	v2 =	vmul.f32 $1.131370830e+01, v2  }
0x1c7: {  	[tilespmem:s17+$0x9CF0] =	vst v1;
	v1 =	vmul.f32 $1.131370830e+01, v3;
	v3 =	vld [tilespmem:s17+$0x9D70]  }
0x1c8: {  	v7 =	vld [tilespmem:s17+$0x9D60];
	[tilespmem:s17+$0x9D00] =	vst v2;
	v2 =	vmul.f32 $1.131370830e+01, v4  }
0x1c9: {  	v4 =	vld [tilespmem:s17+$0x9D80];
	[tilespmem:s17+$0x9D10] =	vst v1;
	v1 =	vmul.f32 $1.131370830e+01, v5  }
0x1ca: {  	[tilespmem:s17+$0x9D20] =	vst v2;
	v5 =	vld [tilespmem:s17+$0x9D90];
	v2 =	vmul.f32 $1.131370830e+01, v6;
	v6 =	vmul.f32 $1.131370830e+01, v0  }
0x1cb: {  	[tilespmem:s17+$0x9D30] =	vst v1;
	v1 =	vld [tilespmem:s17+$0x9DA0]  }
0x1cc: {  	v0 =	vld [tilespmem:s17+$0x9DB0];
	[tilespmem:s17+$0x9D50] =	vst v6;
	v6 =	vmul.f32 $1.131370830e+01, v3  }
0x1cd: {  	v7 =	vmul.f32 $1.131370830e+01, v7;
	[tilespmem:s17+$0x9D40] =	vst v2;
	v2 =	vld [tilespmem:s17+$0x9DC0]  }
0x1ce: {  	v3 =	vld [tilespmem:s17+$0x9DD0];
	[tilespmem:s17+$0x9D70] =	vst v6;
	v6 =	vmul.f32 $1.131370830e+01, v4  }
0x1cf: {  	s22 =	simm.s32 $0x800;
	[tilespmem:s17+$0x9D60] =	vst v7;
	v5 =	vmul.f32 $1.131370830e+01, v5;
	v4 =	vld [tilespmem:s17+$0x9DE0]  }
.LBB2_13:
0x1d0: {  	s7 =	sshra.s32 s22, $0x2;
	p0 =	sne.s32 s22, $0xF800;
	[tilespmem:s17+$0x9D80] =	vst v6;
	v1 =	vmul.f32 $1.131370830e+01, v1;
	v6 =	vld [tilespmem:s17+$0x9DF0]  }
0x1d1: {  	v7 =	vld [tilespmem:s7+$0x9C00];
	[tilespmem:s17+$0x9D90] =	vst v5;
	v0 =	vmul.f32 $1.131370830e+01, v0  }
0x1d2: {  	v5 =	vld [tilespmem:s7+$0x9C10];
	[tilespmem:s17+$0x9DA0] =	vst v1;
	v1 =	vmul.f32 $1.131370830e+01, v2  }
0x1d3: {  	v2 =	vld [tilespmem:s7+$0x9C20];
	[tilespmem:s17+$0x9DB0] =	vst v0;
	v0 =	vmul.f32 $1.131370830e+01, v3  }
0x1d4: {  	v3 =	vld [tilespmem:s7+$0x9C30];
	[tilespmem:s17+$0x9DC0] =	vst v1;
	v1 =	vmul.f32 $1.131370830e+01, v4  }
0x1d5: {  	v4 =	vld [tilespmem:s7+$0x9C40];
	[tilespmem:s17+$0x9DD0] =	vst v0;
	v0 =	vmul.f32 $1.131370830e+01, v6  }
0x1d6: {  	v6 =	vmul.f32 $1.131370830e+01, v7;
	v7 =	vld [tilespmem:s7+$0x9C50];
	[tilespmem:s17+$0x9DE0] =	vst v1  }
0x1d7: {  	v1 =	vmul.f32 $1.131370830e+01, v5;
	v5 =	vld [tilespmem:s7+$0x9C60];
	[tilespmem:s17+$0x9DF0] =	vst v0;
	s17 =	smov.u32 s7  }
0x1d8: {  	[tilespmem:s17+$0x9C00] =	vst v6;
	v0 =	vmul.f32 $1.131370830e+01, v2;
	v2 =	vld [tilespmem:s17+$0x9C70]  }
0x1d9: {  	[tilespmem:s17+$0x9C10] =	vst v1;
	v1 =	vmul.f32 $1.131370830e+01, v3;
	v3 =	vld [tilespmem:s17+$0x9C80]  }
0x1da: {  	[tilespmem:s17+$0x9C20] =	vst v0;
	v0 =	vmul.f32 $1.131370830e+01, v4;
	v4 =	vld [tilespmem:s17+$0x9C90]  }
0x1db: {  	[tilespmem:s17+$0x9C30] =	vst v1;
	v1 =	vmul.f32 $1.131370830e+01, v7;
	v6 =	vld [tilespmem:s17+$0x9CA0]  }
0x1dc: {  	[tilespmem:s17+$0x9C40] =	vst v0;
	v0 =	vmul.f32 $1.131370830e+01, v5;
	v5 =	vld [tilespmem:s17+$0x9CB0]  }
0x1dd: {  	[tilespmem:s17+$0x9C50] =	vst v1;
	v1 =	vmul.f32 $1.131370830e+01, v2;
	v2 =	vld [tilespmem:s17+$0x9CC0]  }
0x1de: {  	[tilespmem:s17+$0x9C60] =	vst v0;
	v0 =	vmul.f32 $1.131370830e+01, v3;
	v3 =	vld [tilespmem:s17+$0x9CD0]  }
0x1df: {  	[tilespmem:s17+$0x9C70] =	vst v1;
	v1 =	vmul.f32 $1.131370830e+01, v4;
	v4 =	vld [tilespmem:s17+$0x9CE0]  }
0x1e0: {  	[tilespmem:s17+$0x9C80] =	vst v0;
	v0 =	vmul.f32 $1.131370830e+01, v6;
	v6 =	vld [tilespmem:s17+$0x9CF0]  }
0x1e1: {  	[tilespmem:s17+$0x9C90] =	vst v1;
	v1 =	vmul.f32 $1.131370830e+01, v5;
	v5 =	vld [tilespmem:s17+$0x9D00]  }
0x1e2: {  	[tilespmem:s17+$0x9CA0] =	vst v0;
	v0 =	vmul.f32 $1.131370830e+01, v2;
	v2 =	vld [tilespmem:s17+$0x9D10]  }
0x1e3: {  	[tilespmem:s17+$0x9CB0] =	vst v1;
	v1 =	vmul.f32 $1.131370830e+01, v3;
	v3 =	vld [tilespmem:s17+$0x9D20]  }
0x1e4: {  	[tilespmem:s17+$0x9CC0] =	vst v0;
	v0 =	vmul.f32 $1.131370830e+01, v4;
	v4 =	vld [tilespmem:s17+$0x9D30]  }
0x1e5: {  	[tilespmem:s17+$0x9CD0] =	vst v1;
	v1 =	vmul.f32 $1.131370830e+01, v6;
	v6 =	vld [tilespmem:s17+$0x9D40]  }
0x1e6: {  	[tilespmem:s17+$0x9CE0] =	vst v0;
	v0 =	vmul.f32 $1.131370830e+01, v5;
	v5 =	vld [tilespmem:s17+$0x9D50]  }
0x1e7: {  	[tilespmem:s17+$0x9CF0] =	vst v1;
	v1 =	vmul.f32 $1.131370830e+01, v2;
	v2 =	vld [tilespmem:s17+$0x9D60]  }
0x1e8: {  	[tilespmem:s17+$0x9D00] =	vst v0;
	v0 =	vmul.f32 $1.131370830e+01, v3;
	v3 =	vld [tilespmem:s17+$0x9D70]  }
0x1e9: {  	[tilespmem:s17+$0x9D10] =	vst v1;
	v1 =	vmul.f32 $1.131370830e+01, v4;
	v4 =	vld [tilespmem:s17+$0x9D80]  }
0x1ea: {  	[tilespmem:s17+$0x9D20] =	vst v0;
	v0 =	vmul.f32 $1.131370830e+01, v6;
	v7 =	vld [tilespmem:s17+$0x9D90]  }
.Ltmp5:
0x1eb: {  	[tilespmem:s17+$0x9D30] =	vst v1;
	v5 =	vmul.f32 $1.131370830e+01, v5;
	v1 =	vld [tilespmem:s17+$0x9DA0];
	(pc) =	sbr.rel @p0 .LBB2_13-.Ltmp5, $4  }
0x1ec: {  	[tilespmem:s17+$0x9D40] =	vst v0;
	v6 =	vmul.f32 $1.131370830e+01, v2;
	v0 =	vld [tilespmem:s17+$0x9DB0]  }
0x1ed: {  	[tilespmem:s17+$0x9D50] =	vst v5;
	v5 =	vmul.f32 $1.131370830e+01, v3;
	v2 =	vld [tilespmem:s17+$0x9DC0]  }
0x1ee: {  	[tilespmem:s17+$0x9D60] =	vst v6;
	v6 =	vmul.f32 $1.131370830e+01, v4;
	v3 =	vld [tilespmem:s17+$0x9DD0]  }
0x1ef: {  	s22 =	sadd.s32 $0x800, s22;
	[tilespmem:s17+$0x9D70] =	vst v5;
	v5 =	vmul.f32 $1.131370830e+01, v7;
	v4 =	vld [tilespmem:s17+$0x9DE0]  }
0x1f0: {  	[tilespmem:s17+$0x9D80] =	vst v6;
	v1 =	vmul.f32 $1.131370830e+01, v1;
	v59 =	vld [tilespmem:s17+$0x9DF0]  }
0x1f1: {  	[tilespmem:s17+$0x9D90] =	vst v5;
	v0 =	vmul.f32 $1.131370830e+01, v0  }
0x1f2: {  	[tilespmem:s17+$0x9DA0] =	vst v1;
	v60 =	vmul.f32 $1.131370830e+01, v2  }
0x1f3: {  	p0 =	sne.s32 s16, $0xF;
	[tilespmem:s17+$0x9DB0] =	vst v0;
	v61 =	vmul.f32 $1.131370830e+01, v3  }
.Ltmp6:
0x1f4: {  	[tilespmem:s17+$0x9DC0] =	vst v60;
	v62 =	vmul.f32 $1.131370830e+01, v4;
	(pc) =	sbr.rel @p0 .LBB2_8-.Ltmp6, $4  }
0x1f5: {  	[tilespmem:s17+$0x9DD0] =	vst v61;
	v63 =	vmul.f32 $1.131370830e+01, v59  }
0x1f6: {  	s7 =	sshll.u32 s15, $0x10;
	[tilespmem:s17+$0x9DE0] =	vst v62  }
0x1f7: {  	s7 =	sadd.s32 s7, s8;
	[tilespmem:s17+$0x9DF0] =	vst v63  }
0x1f8: {  	[hbm4b:s7+s4] =	stream.linear.scatter [tilespmem:s23], [sflag:$0x6], $0x4000, $0x38;
	[tilespmem:$0xDC00] =	vst v63  }
0x1f9: {  	_ =	swait.ge [sflag:s0], $0x4000  }
0x1fa: {  	[sflag:s0] =	ssyncset.done $0x0  }
0x1fb: {  	[sflag:s0] =	ssyncadd.s32 $0xFFFFC000  }
0x1fc: {  	_ =	swait.ge [sflag:s24], $0x4000  }
0x1fd: {  	[sflag:s24] =	ssyncset.done $0x0  }
0x1fe: {  	s15 =	simm.s32 $0x0;
	[sflag:s24] =	ssyncadd.s32 $0xFFFFC000  }
0x1ff: {  	v0 =	vld [tilespmem:s15+$0x1C00]  }
0x200: {  	v1 =	vld [tilespmem:s15+$0x1C10]  }
0x201: {  	v2 =	vld [tilespmem:s15+$0x1C20]  }
0x202: {  	v3 =	vld [tilespmem:s15+$0x1C30]  }
0x203: {  	v4 =	vld [tilespmem:s15+$0x1C40]  }
0x204: {  	v5 =	vld [tilespmem:s15+$0x1C50];
	v0 =	vmul.f32 $1.131370830e+01, v0  }
0x205: {  	v6 =	vld [tilespmem:s15+$0x1C60];
	v1 =	vmul.f32 $1.131370830e+01, v1  }
0x206: {  	v2 =	vmul.f32 $1.131370830e+01, v2;
	[tilespmem:s15+$0x1C00] =	vst v0;
	v0 =	vld [tilespmem:s15+$0x1C70]  }
0x207: {  	v3 =	vmul.f32 $1.131370830e+01, v3;
	[tilespmem:s15+$0x1C10] =	vst v1;
	v1 =	vld [tilespmem:s15+$0x1C80]  }
0x208: {  	v4 =	vmul.f32 $1.131370830e+01, v4;
	[tilespmem:s15+$0x1C20] =	vst v2;
	v2 =	vld [tilespmem:s15+$0x1C90]  }
0x209: {  	v5 =	vmul.f32 $1.131370830e+01, v5;
	[tilespmem:s15+$0x1C30] =	vst v3;
	v3 =	vld [tilespmem:s15+$0x1CA0]  }
0x20a: {  	v6 =	vmul.f32 $1.131370830e+01, v6;
	[tilespmem:s15+$0x1C40] =	vst v4;
	v4 =	vld [tilespmem:s15+$0x1CB0]  }
0x20b: {  	[tilespmem:s15+$0x1C50] =	vst v5;
	v5 =	vld [tilespmem:s15+$0x1CC0];
	v0 =	vmul.f32 $1.131370830e+01, v0  }
0x20c: {  	[tilespmem:s15+$0x1C60] =	vst v6;
	v6 =	vld [tilespmem:s15+$0x1CD0];
	v1 =	vmul.f32 $1.131370830e+01, v1  }
0x20d: {  	v2 =	vmul.f32 $1.131370830e+01, v2;
	[tilespmem:s15+$0x1C70] =	vst v0;
	v0 =	vld [tilespmem:s15+$0x1CE0]  }
0x20e: {  	v3 =	vmul.f32 $1.131370830e+01, v3;
	[tilespmem:s15+$0x1C80] =	vst v1;
	v1 =	vld [tilespmem:s15+$0x1CF0]  }
0x20f: {  	v4 =	vmul.f32 $1.131370830e+01, v4;
	[tilespmem:s15+$0x1C90] =	vst v2;
	v2 =	vld [tilespmem:s15+$0x1D00]  }
0x210: {  	v5 =	vmul.f32 $1.131370830e+01, v5;
	[tilespmem:s15+$0x1CA0] =	vst v3;
	v3 =	vld [tilespmem:s15+$0x1D10]  }
0x211: {  	v6 =	vmul.f32 $1.131370830e+01, v6;
	[tilespmem:s15+$0x1CB0] =	vst v4;
	v4 =	vld [tilespmem:s15+$0x1D20]  }
0x212: {  	[tilespmem:s15+$0x1CC0] =	vst v5;
	v5 =	vld [tilespmem:s15+$0x1D30];
	v0 =	vmul.f32 $1.131370830e+01, v0  }
0x213: {  	[tilespmem:s15+$0x1CD0] =	vst v6;
	v6 =	vld [tilespmem:s15+$0x1D40]  }
0x214: {  	v1 =	vmul.f32 $1.131370830e+01, v1;
	[tilespmem:s15+$0x1CE0] =	vst v0;
	v0 =	vld [tilespmem:s15+$0x1D50]  }
0x215: {  	v2 =	vmul.f32 $1.131370830e+01, v2  }
0x216: {  	[tilespmem:s15+$0x1CF0] =	vst v1;
	v1 =	vmul.f32 $1.131370830e+01, v3;
	v3 =	vld [tilespmem:s15+$0x1D70]  }
0x217: {  	v7 =	vld [tilespmem:s15+$0x1D60];
	[tilespmem:s15+$0x1D00] =	vst v2;
	v2 =	vmul.f32 $1.131370830e+01, v4  }
0x218: {  	v4 =	vld [tilespmem:s15+$0x1D80];
	[tilespmem:s15+$0x1D10] =	vst v1;
	v1 =	vmul.f32 $1.131370830e+01, v5  }
0x219: {  	[tilespmem:s15+$0x1D20] =	vst v2;
	v5 =	vld [tilespmem:s15+$0x1D90];
	v2 =	vmul.f32 $1.131370830e+01, v6;
	v6 =	vmul.f32 $1.131370830e+01, v0  }
0x21a: {  	[tilespmem:s15+$0x1D30] =	vst v1;
	v1 =	vld [tilespmem:s15+$0x1DA0]  }
0x21b: {  	v0 =	vld [tilespmem:s15+$0x1DB0];
	[tilespmem:s15+$0x1D50] =	vst v6;
	v6 =	vmul.f32 $1.131370830e+01, v3  }
0x21c: {  	v7 =	vmul.f32 $1.131370830e+01, v7;
	[tilespmem:s15+$0x1D40] =	vst v2;
	v2 =	vld [tilespmem:s15+$0x1DC0]  }
0x21d: {  	v3 =	vld [tilespmem:s15+$0x1DD0];
	[tilespmem:s15+$0x1D70] =	vst v6;
	v6 =	vmul.f32 $1.131370830e+01, v4  }
0x21e: {  	s16 =	simm.s32 $0x800;
	[tilespmem:s15+$0x1D60] =	vst v7;
	v5 =	vmul.f32 $1.131370830e+01, v5;
	v4 =	vld [tilespmem:s15+$0x1DE0]  }
.LBB2_16:
0x21f: {  	s7 =	sshra.s32 s16, $0x2;
	p0 =	sne.s32 s16, $0xF800;
	[tilespmem:s15+$0x1D80] =	vst v6;
	v1 =	vmul.f32 $1.131370830e+01, v1;
	v6 =	vld [tilespmem:s15+$0x1DF0]  }
0x220: {  	v7 =	vld [tilespmem:s7+$0x1C00];
	[tilespmem:s15+$0x1D90] =	vst v5;
	v0 =	vmul.f32 $1.131370830e+01, v0  }
0x221: {  	v5 =	vld [tilespmem:s7+$0x1C10];
	[tilespmem:s15+$0x1DA0] =	vst v1;
	v1 =	vmul.f32 $1.131370830e+01, v2  }
0x222: {  	v2 =	vld [tilespmem:s7+$0x1C20];
	[tilespmem:s15+$0x1DB0] =	vst v0;
	v0 =	vmul.f32 $1.131370830e+01, v3  }
0x223: {  	v3 =	vld [tilespmem:s7+$0x1C30];
	[tilespmem:s15+$0x1DC0] =	vst v1;
	v1 =	vmul.f32 $1.131370830e+01, v4  }
0x224: {  	v4 =	vld [tilespmem:s7+$0x1C40];
	[tilespmem:s15+$0x1DD0] =	vst v0;
	v0 =	vmul.f32 $1.131370830e+01, v6  }
0x225: {  	v6 =	vmul.f32 $1.131370830e+01, v7;
	v7 =	vld [tilespmem:s7+$0x1C50];
	[tilespmem:s15+$0x1DE0] =	vst v1  }
0x226: {  	v1 =	vmul.f32 $1.131370830e+01, v5;
	v5 =	vld [tilespmem:s7+$0x1C60];
	[tilespmem:s15+$0x1DF0] =	vst v0;
	s15 =	smov.u32 s7  }
0x227: {  	[tilespmem:s15+$0x1C00] =	vst v6;
	v0 =	vmul.f32 $1.131370830e+01, v2;
	v2 =	vld [tilespmem:s15+$0x1C70]  }
0x228: {  	[tilespmem:s15+$0x1C10] =	vst v1;
	v1 =	vmul.f32 $1.131370830e+01, v3;
	v3 =	vld [tilespmem:s15+$0x1C80]  }
0x229: {  	[tilespmem:s15+$0x1C20] =	vst v0;
	v0 =	vmul.f32 $1.131370830e+01, v4;
	v4 =	vld [tilespmem:s15+$0x1C90]  }
0x22a: {  	[tilespmem:s15+$0x1C30] =	vst v1;
	v1 =	vmul.f32 $1.131370830e+01, v7;
	v6 =	vld [tilespmem:s15+$0x1CA0]  }
0x22b: {  	[tilespmem:s15+$0x1C40] =	vst v0;
	v0 =	vmul.f32 $1.131370830e+01, v5;
	v5 =	vld [tilespmem:s15+$0x1CB0]  }
0x22c: {  	[tilespmem:s15+$0x1C50] =	vst v1;
	v1 =	vmul.f32 $1.131370830e+01, v2;
	v2 =	vld [tilespmem:s15+$0x1CC0]  }
0x22d: {  	[tilespmem:s15+$0x1C60] =	vst v0;
	v0 =	vmul.f32 $1.131370830e+01, v3;
	v3 =	vld [tilespmem:s15+$0x1CD0]  }
0x22e: {  	[tilespmem:s15+$0x1C70] =	vst v1;
	v1 =	vmul.f32 $1.131370830e+01, v4;
	v4 =	vld [tilespmem:s15+$0x1CE0]  }
0x22f: {  	[tilespmem:s15+$0x1C80] =	vst v0;
	v0 =	vmul.f32 $1.131370830e+01, v6;
	v6 =	vld [tilespmem:s15+$0x1CF0]  }
0x230: {  	[tilespmem:s15+$0x1C90] =	vst v1;
	v1 =	vmul.f32 $1.131370830e+01, v5;
	v5 =	vld [tilespmem:s15+$0x1D00]  }
0x231: {  	[tilespmem:s15+$0x1CA0] =	vst v0;
	v0 =	vmul.f32 $1.131370830e+01, v2;
	v2 =	vld [tilespmem:s15+$0x1D10]  }
0x232: {  	[tilespmem:s15+$0x1CB0] =	vst v1;
	v1 =	vmul.f32 $1.131370830e+01, v3;
	v3 =	vld [tilespmem:s15+$0x1D20]  }
0x233: {  	[tilespmem:s15+$0x1CC0] =	vst v0;
	v0 =	vmul.f32 $1.131370830e+01, v4;
	v4 =	vld [tilespmem:s15+$0x1D30]  }
0x234: {  	[tilespmem:s15+$0x1CD0] =	vst v1;
	v1 =	vmul.f32 $1.131370830e+01, v6;
	v6 =	vld [tilespmem:s15+$0x1D40]  }
0x235: {  	[tilespmem:s15+$0x1CE0] =	vst v0;
	v0 =	vmul.f32 $1.131370830e+01, v5;
	v5 =	vld [tilespmem:s15+$0x1D50]  }
0x236: {  	[tilespmem:s15+$0x1CF0] =	vst v1;
	v1 =	vmul.f32 $1.131370830e+01, v2;
	v2 =	vld [tilespmem:s15+$0x1D60]  }
0x237: {  	[tilespmem:s15+$0x1D00] =	vst v0;
	v0 =	vmul.f32 $1.131370830e+01, v3;
	v3 =	vld [tilespmem:s15+$0x1D70]  }
0x238: {  	[tilespmem:s15+$0x1D10] =	vst v1;
	v1 =	vmul.f32 $1.131370830e+01, v4;
	v4 =	vld [tilespmem:s15+$0x1D80]  }
0x239: {  	[tilespmem:s15+$0x1D20] =	vst v0;
	v0 =	vmul.f32 $1.131370830e+01, v6;
	v7 =	vld [tilespmem:s15+$0x1D90]  }
.Ltmp7:
0x23a: {  	[tilespmem:s15+$0x1D30] =	vst v1;
	v5 =	vmul.f32 $1.131370830e+01, v5;
	v1 =	vld [tilespmem:s15+$0x1DA0];
	(pc) =	sbr.rel @p0 .LBB2_16-.Ltmp7, $4  }
0x23b: {  	[tilespmem:s15+$0x1D40] =	vst v0;
	v6 =	vmul.f32 $1.131370830e+01, v2;
	v0 =	vld [tilespmem:s15+$0x1DB0]  }
0x23c: {  	[tilespmem:s15+$0x1D50] =	vst v5;
	v5 =	vmul.f32 $1.131370830e+01, v3;
	v2 =	vld [tilespmem:s15+$0x1DC0]  }
0x23d: {  	[tilespmem:s15+$0x1D60] =	vst v6;
	v6 =	vmul.f32 $1.131370830e+01, v4;
	v3 =	vld [tilespmem:s15+$0x1DD0]  }
0x23e: {  	s16 =	sadd.s32 $0x800, s16;
	[tilespmem:s15+$0x1D70] =	vst v5;
	v5 =	vmul.f32 $1.131370830e+01, v7;
	v4 =	vld [tilespmem:s15+$0x1DE0]  }
0x23f: {  	[tilespmem:s15+$0x1D80] =	vst v6;
	v1 =	vmul.f32 $1.131370830e+01, v1;
	v6 =	vld [tilespmem:s15+$0x1DF0]  }
0x240: {  	[tilespmem:s15+$0x1D90] =	vst v5;
	v0 =	vmul.f32 $1.131370830e+01, v0  }
0x241: {  	[tilespmem:s15+$0x1DA0] =	vst v1;
	v1 =	vmul.f32 $1.131370830e+01, v2  }
0x242: {  	[tilespmem:s15+$0x1DB0] =	vst v0;
	v0 =	vmul.f32 $1.131370830e+01, v3  }
0x243: {  	[tilespmem:s15+$0x1DC0] =	vst v1;
	v1 =	vmul.f32 $1.131370830e+01, v4  }
0x244: {  	[tilespmem:s15+$0x1DD0] =	vst v0;
	v0 =	vmul.f32 $1.131370830e+01, v6  }
0x245: {  	[tilespmem:s15+$0x1DE0] =	vst v1  }
0x246: {  	s7 =	simm.s32 $0x0;
	[tilespmem:s15+$0x1DF0] =	vst v0  }
0x247: {  	[hbm4b:s12+s7] =	stream.linear.scatter [tilespmem:s20], [sflag:$0x4], $0x4000, $0x38;
	[tilespmem:$0xDC00] =	vst v63  }
0x248: {  	_ =	swait.ge [sflag:s25], $0x4000  }
0x249: {  	[sflag:s25] =	ssyncset.done $0x0  }
0x24a: {  	[sflag:s25] =	ssyncadd.s32 $0xFFFFC000  }
0x24b: {  	_ =	swait.ge [sflag:s28], $0x4000  }
0x24c: {  	[sflag:s28] =	ssyncset.done $0x0  }
0x24d: {  	s15 =	simm.s32 $0x0;
	[sflag:s28] =	ssyncadd.s32 $0xFFFFC000  }
0x24e: {  	v0 =	vld [tilespmem:s15+$0x5C00]  }
0x24f: {  	v1 =	vld [tilespmem:s15+$0x5C10]  }
0x250: {  	v2 =	vld [tilespmem:s15+$0x5C20]  }
0x251: {  	v3 =	vld [tilespmem:s15+$0x5C30]  }
0x252: {  	v4 =	vld [tilespmem:s15+$0x5C40]  }
0x253: {  	v5 =	vld [tilespmem:s15+$0x5C50];
	v0 =	vmul.f32 $1.131370830e+01, v0  }
0x254: {  	v6 =	vld [tilespmem:s15+$0x5C60];
	v1 =	vmul.f32 $1.131370830e+01, v1  }
0x255: {  	v2 =	vmul.f32 $1.131370830e+01, v2;
	[tilespmem:s15+$0x5C00] =	vst v0;
	v0 =	vld [tilespmem:s15+$0x5C70]  }
0x256: {  	v3 =	vmul.f32 $1.131370830e+01, v3;
	[tilespmem:s15+$0x5C10] =	vst v1;
	v1 =	vld [tilespmem:s15+$0x5C80]  }
0x257: {  	v4 =	vmul.f32 $1.131370830e+01, v4;
	[tilespmem:s15+$0x5C20] =	vst v2;
	v2 =	vld [tilespmem:s15+$0x5C90]  }
0x258: {  	v5 =	vmul.f32 $1.131370830e+01, v5;
	[tilespmem:s15+$0x5C30] =	vst v3;
	v3 =	vld [tilespmem:s15+$0x5CA0]  }
0x259: {  	v6 =	vmul.f32 $1.131370830e+01, v6;
	[tilespmem:s15+$0x5C40] =	vst v4;
	v4 =	vld [tilespmem:s15+$0x5CB0]  }
0x25a: {  	[tilespmem:s15+$0x5C50] =	vst v5;
	v5 =	vld [tilespmem:s15+$0x5CC0];
	v0 =	vmul.f32 $1.131370830e+01, v0  }
0x25b: {  	[tilespmem:s15+$0x5C60] =	vst v6;
	v6 =	vld [tilespmem:s15+$0x5CD0];
	v1 =	vmul.f32 $1.131370830e+01, v1  }
0x25c: {  	v2 =	vmul.f32 $1.131370830e+01, v2;
	[tilespmem:s15+$0x5C70] =	vst v0;
	v0 =	vld [tilespmem:s15+$0x5CE0]  }
0x25d: {  	v3 =	vmul.f32 $1.131370830e+01, v3;
	[tilespmem:s15+$0x5C80] =	vst v1;
	v1 =	vld [tilespmem:s15+$0x5CF0]  }
0x25e: {  	v4 =	vmul.f32 $1.131370830e+01, v4;
	[tilespmem:s15+$0x5C90] =	vst v2;
	v2 =	vld [tilespmem:s15+$0x5D00]  }
0x25f: {  	v5 =	vmul.f32 $1.131370830e+01, v5;
	[tilespmem:s15+$0x5CA0] =	vst v3;
	v3 =	vld [tilespmem:s15+$0x5D10]  }
0x260: {  	v6 =	vmul.f32 $1.131370830e+01, v6;
	[tilespmem:s15+$0x5CB0] =	vst v4;
	v4 =	vld [tilespmem:s15+$0x5D20]  }
0x261: {  	[tilespmem:s15+$0x5CC0] =	vst v5;
	v5 =	vld [tilespmem:s15+$0x5D30];
	v0 =	vmul.f32 $1.131370830e+01, v0  }
0x262: {  	[tilespmem:s15+$0x5CD0] =	vst v6;
	v6 =	vld [tilespmem:s15+$0x5D40]  }
0x263: {  	v1 =	vmul.f32 $1.131370830e+01, v1;
	[tilespmem:s15+$0x5CE0] =	vst v0;
	v0 =	vld [tilespmem:s15+$0x5D50]  }
0x264: {  	v2 =	vmul.f32 $1.131370830e+01, v2  }
0x265: {  	[tilespmem:s15+$0x5CF0] =	vst v1;
	v1 =	vmul.f32 $1.131370830e+01, v3;
	v3 =	vld [tilespmem:s15+$0x5D70]  }
0x266: {  	v7 =	vld [tilespmem:s15+$0x5D60];
	[tilespmem:s15+$0x5D00] =	vst v2;
	v2 =	vmul.f32 $1.131370830e+01, v4  }
0x267: {  	v4 =	vld [tilespmem:s15+$0x5D80];
	[tilespmem:s15+$0x5D10] =	vst v1;
	v1 =	vmul.f32 $1.131370830e+01, v5  }
0x268: {  	[tilespmem:s15+$0x5D20] =	vst v2;
	v5 =	vld [tilespmem:s15+$0x5D90];
	v2 =	vmul.f32 $1.131370830e+01, v6;
	v6 =	vmul.f32 $1.131370830e+01, v0  }
0x269: {  	[tilespmem:s15+$0x5D30] =	vst v1;
	v1 =	vld [tilespmem:s15+$0x5DA0]  }
0x26a: {  	v0 =	vld [tilespmem:s15+$0x5DB0];
	[tilespmem:s15+$0x5D50] =	vst v6;
	v6 =	vmul.f32 $1.131370830e+01, v3  }
0x26b: {  	v7 =	vmul.f32 $1.131370830e+01, v7;
	[tilespmem:s15+$0x5D40] =	vst v2;
	v2 =	vld [tilespmem:s15+$0x5DC0]  }
0x26c: {  	v3 =	vld [tilespmem:s15+$0x5DD0];
	[tilespmem:s15+$0x5D70] =	vst v6;
	v6 =	vmul.f32 $1.131370830e+01, v4  }
0x26d: {  	s16 =	simm.s32 $0x800;
	[tilespmem:s15+$0x5D60] =	vst v7;
	v5 =	vmul.f32 $1.131370830e+01, v5;
	v4 =	vld [tilespmem:s15+$0x5DE0]  }
.LBB2_18:
0x26e: {  	s7 =	sshra.s32 s16, $0x2;
	p0 =	sne.s32 s16, $0xF800;
	[tilespmem:s15+$0x5D80] =	vst v6;
	v1 =	vmul.f32 $1.131370830e+01, v1;
	v6 =	vld [tilespmem:s15+$0x5DF0]  }
0x26f: {  	v7 =	vld [tilespmem:s7+$0x5C00];
	[tilespmem:s15+$0x5D90] =	vst v5;
	v0 =	vmul.f32 $1.131370830e+01, v0  }
0x270: {  	v5 =	vld [tilespmem:s7+$0x5C10];
	[tilespmem:s15+$0x5DA0] =	vst v1;
	v1 =	vmul.f32 $1.131370830e+01, v2  }
0x271: {  	v2 =	vld [tilespmem:s7+$0x5C20];
	[tilespmem:s15+$0x5DB0] =	vst v0;
	v0 =	vmul.f32 $1.131370830e+01, v3  }
0x272: {  	v3 =	vld [tilespmem:s7+$0x5C30];
	[tilespmem:s15+$0x5DC0] =	vst v1;
	v1 =	vmul.f32 $1.131370830e+01, v4  }
0x273: {  	v4 =	vld [tilespmem:s7+$0x5C40];
	[tilespmem:s15+$0x5DD0] =	vst v0;
	v0 =	vmul.f32 $1.131370830e+01, v6  }
0x274: {  	v6 =	vmul.f32 $1.131370830e+01, v7;
	v7 =	vld [tilespmem:s7+$0x5C50];
	[tilespmem:s15+$0x5DE0] =	vst v1  }
0x275: {  	v1 =	vmul.f32 $1.131370830e+01, v5;
	v5 =	vld [tilespmem:s7+$0x5C60];
	[tilespmem:s15+$0x5DF0] =	vst v0;
	s15 =	smov.u32 s7  }
0x276: {  	[tilespmem:s15+$0x5C00] =	vst v6;
	v0 =	vmul.f32 $1.131370830e+01, v2;
	v2 =	vld [tilespmem:s15+$0x5C70]  }
0x277: {  	[tilespmem:s15+$0x5C10] =	vst v1;
	v1 =	vmul.f32 $1.131370830e+01, v3;
	v3 =	vld [tilespmem:s15+$0x5C80]  }
0x278: {  	[tilespmem:s15+$0x5C20] =	vst v0;
	v0 =	vmul.f32 $1.131370830e+01, v4;
	v4 =	vld [tilespmem:s15+$0x5C90]  }
0x279: {  	[tilespmem:s15+$0x5C30] =	vst v1;
	v1 =	vmul.f32 $1.131370830e+01, v7;
	v6 =	vld [tilespmem:s15+$0x5CA0]  }
0x27a: {  	[tilespmem:s15+$0x5C40] =	vst v0;
	v0 =	vmul.f32 $1.131370830e+01, v5;
	v5 =	vld [tilespmem:s15+$0x5CB0]  }
0x27b: {  	[tilespmem:s15+$0x5C50] =	vst v1;
	v1 =	vmul.f32 $1.131370830e+01, v2;
	v2 =	vld [tilespmem:s15+$0x5CC0]  }
0x27c: {  	[tilespmem:s15+$0x5C60] =	vst v0;
	v0 =	vmul.f32 $1.131370830e+01, v3;
	v3 =	vld [tilespmem:s15+$0x5CD0]  }
0x27d: {  	[tilespmem:s15+$0x5C70] =	vst v1;
	v1 =	vmul.f32 $1.131370830e+01, v4;
	v4 =	vld [tilespmem:s15+$0x5CE0]  }
0x27e: {  	[tilespmem:s15+$0x5C80] =	vst v0;
	v0 =	vmul.f32 $1.131370830e+01, v6;
	v6 =	vld [tilespmem:s15+$0x5CF0]  }
0x27f: {  	[tilespmem:s15+$0x5C90] =	vst v1;
	v1 =	vmul.f32 $1.131370830e+01, v5;
	v5 =	vld [tilespmem:s15+$0x5D00]  }
0x280: {  	[tilespmem:s15+$0x5CA0] =	vst v0;
	v0 =	vmul.f32 $1.131370830e+01, v2;
	v2 =	vld [tilespmem:s15+$0x5D10]  }
0x281: {  	[tilespmem:s15+$0x5CB0] =	vst v1;
	v1 =	vmul.f32 $1.131370830e+01, v3;
	v3 =	vld [tilespmem:s15+$0x5D20]  }
0x282: {  	[tilespmem:s15+$0x5CC0] =	vst v0;
	v0 =	vmul.f32 $1.131370830e+01, v4;
	v4 =	vld [tilespmem:s15+$0x5D30]  }
0x283: {  	[tilespmem:s15+$0x5CD0] =	vst v1;
	v1 =	vmul.f32 $1.131370830e+01, v6;
	v6 =	vld [tilespmem:s15+$0x5D40]  }
0x284: {  	[tilespmem:s15+$0x5CE0] =	vst v0;
	v0 =	vmul.f32 $1.131370830e+01, v5;
	v5 =	vld [tilespmem:s15+$0x5D50]  }
0x285: {  	[tilespmem:s15+$0x5CF0] =	vst v1;
	v1 =	vmul.f32 $1.131370830e+01, v2;
	v2 =	vld [tilespmem:s15+$0x5D60]  }
0x286: {  	[tilespmem:s15+$0x5D00] =	vst v0;
	v0 =	vmul.f32 $1.131370830e+01, v3;
	v3 =	vld [tilespmem:s15+$0x5D70]  }
0x287: {  	[tilespmem:s15+$0x5D10] =	vst v1;
	v1 =	vmul.f32 $1.131370830e+01, v4;
	v4 =	vld [tilespmem:s15+$0x5D80]  }
0x288: {  	[tilespmem:s15+$0x5D20] =	vst v0;
	v0 =	vmul.f32 $1.131370830e+01, v6;
	v7 =	vld [tilespmem:s15+$0x5D90]  }
.Ltmp8:
0x289: {  	[tilespmem:s15+$0x5D30] =	vst v1;
	v5 =	vmul.f32 $1.131370830e+01, v5;
	v1 =	vld [tilespmem:s15+$0x5DA0];
	(pc) =	sbr.rel @p0 .LBB2_18-.Ltmp8, $4  }
0x28a: {  	[tilespmem:s15+$0x5D40] =	vst v0;
	v6 =	vmul.f32 $1.131370830e+01, v2;
	v0 =	vld [tilespmem:s15+$0x5DB0]  }
0x28b: {  	[tilespmem:s15+$0x5D50] =	vst v5;
	v5 =	vmul.f32 $1.131370830e+01, v3;
	v2 =	vld [tilespmem:s15+$0x5DC0]  }
0x28c: {  	[tilespmem:s15+$0x5D60] =	vst v6;
	v6 =	vmul.f32 $1.131370830e+01, v4;
	v3 =	vld [tilespmem:s15+$0x5DD0]  }
0x28d: {  	s16 =	sadd.s32 $0x800, s16;
	[tilespmem:s15+$0x5D70] =	vst v5;
	v5 =	vmul.f32 $1.131370830e+01, v7;
	v4 =	vld [tilespmem:s15+$0x5DE0]  }
0x28e: {  	[tilespmem:s15+$0x5D80] =	vst v6;
	v1 =	vmul.f32 $1.131370830e+01, v1;
	v59 =	vld [tilespmem:s15+$0x5DF0]  }
0x28f: {  	[tilespmem:s15+$0x5D90] =	vst v5;
	v0 =	vmul.f32 $1.131370830e+01, v0  }
0x290: {  	[tilespmem:s15+$0x5DA0] =	vst v1;
	v60 =	vmul.f32 $1.131370830e+01, v2  }
0x291: {  	[tilespmem:s15+$0x5DB0] =	vst v0;
	v61 =	vmul.f32 $1.131370830e+01, v3  }
0x292: {  	[tilespmem:s15+$0x5DC0] =	vst v60;
	v62 =	vmul.f32 $1.131370830e+01, v4  }
0x293: {  	s2 =	sadd.s32 $0x1, s2;
	[tilespmem:s15+$0x5DD0] =	vst v61;
	v63 =	vmul.f32 $1.131370830e+01, v59  }
0x294: {  	p0 =	sne.s32 s2, s14;
	[tilespmem:s15+$0x5DE0] =	vst v62  }
.Ltmp9:
0x295: {  	[tilespmem:s15+$0x5DF0] =	vst v63;
	(pc) =	sbr.rel @p0 .LBB2_1-.Ltmp9, $4  }
0x296: {  	[hbm4b:s13+s4] =	stream.linear.scatter [tilespmem:s21], [sflag:$0x5], $0x4000, $0x38;
	[tilespmem:$0xDC00] =	vst v63  }
0x297: {  	_ =	swait.ge [sflag:s29], $0x4000  }
0x298: {  	[sflag:s29] =	ssyncset.done $0x0  }
0x299: {  	[sflag:s29] =	ssyncadd.s32 $0xFFFFC000  }
0x29a: {  	_ =	sfence.sel $0x180000  }
0x29b: {  	[bflag:$0x0] =	sbarrier.arrive $0xFFFF  }
0x29c: {  	_ =	strace $0x90000047  }
0x29d: {  	s0 =	stileid.u32;
	[bflag:$0x2] =	sbarrier.arrive $0xFFFF  }
0x29e: {  	p0 =	sne.s32 s0, $0x0;
	s0 =	rddreg [dreg:$0x3]  }
0x29f: {  	s0 =	sadd.s32 @!p0 $0x100000, s0  }
0x2a0: {  	[sflag:s0] =	ssyncadd.tile.s32 @!p0 $0x1;
	_ =	shalt  }
.Lfunc_end2:
_tile_overlayer_lowered:
.L_overlay_start_2:
0x2a1: {  	(tag) =	ssettag $0x2  }
0x2a2: {  	s0 =	rddreg [dreg:$0x0];
	s2 =	stileid.u32  }
0x2a3: {  	s1 =	rddreg [dreg:$0x1];
	p0 =	sne.s32 s2, $0x0  }
0x2a4: {  	s3 =	rddreg [dreg:$0x2];
	[bflag:$0x3] =	sbarrier.arrive $0xFFFF;
	s2 =	simm.s32 @!p0 $0x1C07  }
0x2a5: {  	[timem:s3], [sflag:s2] =	dma.local @!p0 [hbm:s0], s1  }
0x2a6: {  	s0 =	simm.s32 @!p0 $0x7  }
0x2a7: {  	_ =	swait.ge @!p0 [sflag:s0], s1  }
0x2a8: {  	s1 =	ssub.s32 @!p0 $0x0, s1;
	[sflag:s0] =	ssyncset.done @!p0 $0x0  }
0x2a9: {  	[sflag:s0] =	ssyncadd.s32 @!p0 s1  }
0x2aa: {  	[bflag:$0x3] =	sbarrier.arrive $0xFFFF  }
0x2ab: {  	_ =	shalt  }

</sc_bundles>
